<compile_context>
chip_gen: v7x
topology: tpu7x:2x2x1
jax: 0.10.2.dev20260603
libtpu: 0.0.44.dev20260713+nightly
codegen_flags: <defaults>
</compile_context>

<pallas_src>
import functools

import jax
import jax.numpy as jnp
from jax import lax
from jax.experimental import pallas as pl
from jax.experimental.pallas import tpu as pltpu
from jax.experimental.pallas import tpu_sc as plsc

VOCAB = 100000
HIDDEN = 128
B, S = 1024, 200
N = B * S
NW = 32
SEQ_PER_W = N // (NW * S)
NPAIR = SEQ_PER_W // 2
UNROLL = 4

_GSLICES = ((0, 104), (104, 96), (200, 104), (304, 96))


def _body(ids_hbm, tok_hbm, pos_hbm, out_hbm,
          idx0, idx1, slab, pos_v,
          sem_g, sem_i0, sem_i1, sem_s0, sem_s1):
  nc = 2
  wid = lax.axis_index("s") * nc + lax.axis_index("c")
  base0 = wid * (SEQ_PER_W * S)

  idx_refs = [idx0, idx1]
  sem_i = [sem_i0, sem_i1]
  sem_s = [sem_s0, sem_s1]

  pltpu.sync_copy(pos_hbm.at[pl.ds(0, S)], pos_v)

  def icp(m, p):
    return pltpu.make_async_copy(
        ids_hbm.at[pl.ds(base0 + m * 2 * S, 2 * S)], idx_refs[p], sem_i[p])

  def gcps(p):
    return [
        pltpu.make_async_copy(
            tok_hbm.at[idx_refs[p].at[pl.ds(o, n)]],
            slab.at[pl.ds(p * 2 * S + o, n)], sem_g)
        for o, n in _GSLICES
    ]

  def scp(m, p):
    return pltpu.make_async_copy(
        slab.at[pl.ds(p * 2 * S, 2 * S)],
        out_hbm.at[pl.ds(base0 + m * 2 * S, 2 * S)], sem_s[p])

  def add_pair(p):
    r_base = p * 2 * S

    def per_iter(i, _):
      r0 = i * UNROLL
      for rr in range(UNROLL):
        r = r0 + rr
        for k in range(HIDDEN // 16):
          sl = pl.ds(k * 16, 16)
          v = pos_v[r, sl]
          plsc.addupdate(slab.at[r_base + r, sl], v)
          plsc.addupdate(slab.at[r_base + S + r, sl], v)
      return ()

    lax.fori_loop(0, S // UNROLL, per_iter, (), unroll=False)

  def pstep(m, p, do_swait, do_prev, do_inext=True):
    icp(m, p).wait()
    if do_swait:
      scp(m - 2, p).wait()
    for cp in gcps(p):
      cp.start()
    if do_prev:
      q = 1 - p
      for cp in gcps(q):
        cp.wait()
      if do_inext:
        icp(m + 1, q).start()
      add_pair(q)
      scp(m - 1, q).start()

  icp(0, 0).start()
  icp(1, 1).start()
  pstep(0, 0, False, False)
  pstep(1, 1, False, True)

  def round_body(t, _):
    pstep(2 * t, 0, True, True)
    pstep(2 * t + 1, 1, True, True)
    return ()

  lax.fori_loop(1, NPAIR // 2 - 1, round_body, (), unroll=False)

  pstep(14, 0, True, True)
  pstep(15, 1, True, True, do_inext=False)
  for cp in gcps(1):
    cp.wait()
  add_pair(1)
  scp(15, 1).start()
  scp(14, 0).wait()
  scp(15, 1).wait()


@jax.jit
def kernel(input_ids, token_table, pos_table):
  ids_flat = input_ids.reshape(N)
  mesh = plsc.VectorSubcoreMesh(core_axis_name="c", subcore_axis_name="s")
  run = functools.partial(
      pl.kernel,
      mesh=mesh,
      out_type=jax.ShapeDtypeStruct((N, HIDDEN), jnp.float32),
      scratch_types=[
          pltpu.VMEM((2 * S,), jnp.int32),
          pltpu.VMEM((2 * S,), jnp.int32),
          pltpu.VMEM((4 * S, HIDDEN), jnp.float32),
          pltpu.VMEM((S, HIDDEN), jnp.float32),
      ] + [pltpu.SemaphoreType.DMA] * 5,
  )(_body)
  out = run(ids_flat, token_table, pos_table)
  return out.reshape(B, S, HIDDEN)

# --- scband reference (transcript-rebuilt; emitter-appended) ---
"""Pipeline reference for scband-token-positional-embedding-47708496724662 (READ-ONLY COPY).

The authoritative reference and input builder live on the scoring server;
editing this copy changes nothing except your own understanding.
"""

import jax, jax.numpy as jnp
import numpy as np

VOCAB = 100000
HIDDEN = 128
MAX_SEQ = 2048
B, S = 1024, 200

def setup_inputs(seed: int = 0) -> dict:
    key = jax.random.key(seed)
    k1, k2, k3 = jax.random.split(key, 3)
    input_ids = jax.random.randint(k1, (B, S), 0, VOCAB, dtype=jnp.int64 if jax.config.read('jax_enable_x64') else jnp.int32)
    token_table = jax.random.normal(k2, (VOCAB, HIDDEN), dtype=jnp.float32) * 0.02
    pos_table = jax.random.normal(k3, (MAX_SEQ, HIDDEN), dtype=jnp.float32) * 0.02
    return {"input_ids": input_ids, "token_table": token_table, "pos_table": pos_table}

def reference(input_ids, token_table, pos_table):
    seq_len = input_ids.shape[1]
    positions = jnp.arange(seq_len)[None, :]  # [1, S]
    tok = jnp.take(token_table, input_ids, axis=0)      # [B, S, H] gather
    pos = jnp.take(pos_table, positions, axis=0)        # [1, S, H] gather
    return tok + pos

if __name__ == "__main__":
    import jax
    _d = setup_inputs()
    print(jax.jit(kernel)(*tuple(_d.values())))

</pallas_src>

<mosaic_0001>
#map = affine_map<(d0, d1) -> (0)>
#map1 = affine_map<(d0, d1) -> (0, 0)>
module attributes {stable_mosaic.version = 14 : i64} {
  func.func @_body(%arg0: i32, %arg1: i32, %arg2: memref<204800xi32, #tpu.memory_space<hbm>>, %arg3: memref<100000x128xf32, #tpu.memory_space<hbm>>, %arg4: memref<2048x128xf32, #tpu.memory_space<hbm>>, %arg5: memref<204800x128xf32, #tpu.memory_space<hbm>>, %arg6: memref<400xi32, #tpu.memory_space<vmem>>, %arg7: memref<400xi32, #tpu.memory_space<vmem>>, %arg8: memref<800x128xf32, #tpu.memory_space<vmem>>, %arg9: memref<200x128xf32, #tpu.memory_space<vmem>>, %arg10: memref<!tpu.dma_semaphore, #tpu.memory_space<semaphore_mem>>, %arg11: memref<!tpu.dma_semaphore, #tpu.memory_space<semaphore_mem>>, %arg12: memref<!tpu.dma_semaphore, #tpu.memory_space<semaphore_mem>>, %arg13: memref<!tpu.dma_semaphore, #tpu.memory_space<semaphore_mem>>, %arg14: memref<!tpu.dma_semaphore, #tpu.memory_space<semaphore_mem>>) attributes {dimension_semantics = [#tpu.dimension_semantics<core_parallel>, #tpu.dimension_semantics<subcore_parallel>], iteration_bounds = array<i64: 2, 16>, scalar_prefetch = 0 : i64, scratch_operands = 9 : i64, tpu.core_type = #tpu.core_type<sc_vector_subcore>, window_params = [{transform_indices = #map}, {transform_indices = #map1}, {transform_indices = #map1}, {transform_indices = #map1}]} {
    %mul3A = arith.constant 2 : i32
    %mul3A_0 = arith.muli %arg1, %mul3A : i32
    %add3A = arith.addi %mul3A_0, %arg0 : i32
    %mul3A_1 = arith.constant 6400 : i32
    %mul3A_2 = arith.muli %add3A, %mul3A_1 : i32
    "tpu.region"() ({
      %run_scoped3A = tpu.sem_alloc : memref<!tpu.dma_semaphore, #tpu.memory_space<semaphore_mem>>
      %dma_start3A_409 = arith.constant 0 : i32
      %dma_start3A_410 = arith.constant 0 : i32
      %dma_start3A_411 = tpu.memref_slice %arg4[%dma_start3A_409, %dma_start3A_410] : memref<2048x128xf32, #tpu.memory_space<hbm>> -> memref<200x128xf32, #tpu.memory_space<hbm>>
      %dma_start3A_412 = arith.constant 0 : i32
      %dma_start3A_413 = arith.constant 0 : i32
      %dma_start3A_414 = tpu.memref_slice %arg4[%dma_start3A_412, %dma_start3A_413] : memref<2048x128xf32, #tpu.memory_space<hbm>> -> memref<200x128xf32, #tpu.memory_space<hbm>>
      tpu.enqueue_dma source(%dma_start3A_414 : memref<200x128xf32, #tpu.memory_space<hbm>>) target(%arg9 : memref<200x128xf32, #tpu.memory_space<vmem>>) target_semaphore(%run_scoped3A : memref<!tpu.dma_semaphore, #tpu.memory_space<semaphore_mem>>)
      %dma_wait3A_415 = arith.constant 0 : i32
      %dma_wait3A_416 = arith.constant 0 : i32
      %dma_wait3A_417 = tpu.memref_slice %arg4[%dma_wait3A_415, %dma_wait3A_416] : memref<2048x128xf32, #tpu.memory_space<hbm>> -> memref<200x128xf32, #tpu.memory_space<hbm>>
      %dma_wait3A_418 = arith.constant 0 : i32
      %dma_wait3A_419 = arith.constant 0 : i32
      %dma_wait3A_420 = tpu.memref_slice %arg4[%dma_wait3A_418, %dma_wait3A_419] : memref<2048x128xf32, #tpu.memory_space<hbm>> -> memref<200x128xf32, #tpu.memory_space<hbm>>
      tpu.wait_dma2 semaphore(%run_scoped3A : memref<!tpu.dma_semaphore, #tpu.memory_space<semaphore_mem>>) src(%dma_wait3A_420 : memref<200x128xf32, #tpu.memory_space<hbm>>) dst(%arg9 : memref<200x128xf32, #tpu.memory_space<vmem>>)
      tpu.yield
    }) : () -> ()
    %add3A_3 = arith.constant 0 : i32
    %add3A_4 = arith.addi %mul3A_2, %add3A_3 : i32
    %dma_start3A = tpu.memref_slice %arg2[%add3A_4] : memref<204800xi32, #tpu.memory_space<hbm>> -> memref<400xi32, #tpu.memory_space<hbm>>
    %dma_start3A_5 = tpu.memref_slice %arg2[%add3A_4] : memref<204800xi32, #tpu.memory_space<hbm>> -> memref<400xi32, #tpu.memory_space<hbm>>
    tpu.enqueue_dma source(%dma_start3A_5 : memref<400xi32, #tpu.memory_space<hbm>>) target(%arg6 : memref<400xi32, #tpu.memory_space<vmem>>) target_semaphore(%arg11 : memref<!tpu.dma_semaphore, #tpu.memory_space<semaphore_mem>>)
    %add3A_6 = arith.constant 400 : i32
    %add3A_7 = arith.addi %mul3A_2, %add3A_6 : i32
    %dma_start3A_8 = tpu.memref_slice %arg2[%add3A_7] : memref<204800xi32, #tpu.memory_space<hbm>> -> memref<400xi32, #tpu.memory_space<hbm>>
    %dma_start3A_9 = tpu.memref_slice %arg2[%add3A_7] : memref<204800xi32, #tpu.memory_space<hbm>> -> memref<400xi32, #tpu.memory_space<hbm>>
    tpu.enqueue_dma source(%dma_start3A_9 : memref<400xi32, #tpu.memory_space<hbm>>) target(%arg7 : memref<400xi32, #tpu.memory_space<vmem>>) target_semaphore(%arg12 : memref<!tpu.dma_semaphore, #tpu.memory_space<semaphore_mem>>)
    %add3A_10 = arith.constant 0 : i32
    %add3A_11 = arith.addi %mul3A_2, %add3A_10 : i32
    %dma_wait3A = tpu.memref_slice %arg2[%add3A_11] : memref<204800xi32, #tpu.memory_space<hbm>> -> memref<400xi32, #tpu.memory_space<hbm>>
    %dma_wait3A_12 = tpu.memref_slice %arg2[%add3A_11] : memref<204800xi32, #tpu.memory_space<hbm>> -> memref<400xi32, #tpu.memory_space<hbm>>
    tpu.wait_dma2 semaphore(%arg11 : memref<!tpu.dma_semaphore, #tpu.memory_space<semaphore_mem>>) src(%dma_wait3A_12 : memref<400xi32, #tpu.memory_space<hbm>>) dst(%arg6 : memref<400xi32, #tpu.memory_space<vmem>>)
    %dma_start3A_13 = arith.constant 0 : i32
    %dma_start3A_14 = arith.constant 0 : i32
    %dma_start3A_15 = tpu.memref_slice %arg8[%dma_start3A_13, %dma_start3A_14] : memref<800x128xf32, #tpu.memory_space<vmem>> -> memref<104x128xf32, #tpu.memory_space<vmem>>
    %dma_start3A_16 = arith.constant 0 : i32
    %dma_start3A_17 = tpu.memref_slice %arg6[%dma_start3A_16] : memref<400xi32, #tpu.memory_space<vmem>> -> memref<104xi32, #tpu.memory_space<vmem>>
    %dma_start3A_18 = arith.constant 0 : i32
    %dma_start3A_19 = arith.constant 0 : i32
    %dma_start3A_20 = tpu.memref_slice %arg3[%dma_start3A_18, %dma_start3A_19] : memref<100000x128xf32, #tpu.memory_space<hbm>> -> memref<100000x128xf32, #tpu.memory_space<hbm>>
    tpu.enqueue_indirect_dma source(%dma_start3A_20 : memref<100000x128xf32, #tpu.memory_space<hbm>>) target(%dma_start3A_15 : memref<104x128xf32, #tpu.memory_space<vmem>>) offsets(%dma_start3A_17 : memref<104xi32, #tpu.memory_space<vmem>>) semaphore(%arg10 : memref<!tpu.dma_semaphore, #tpu.memory_space<semaphore_mem>>)
    %dma_start3A_21 = arith.constant 104 : i32
    %dma_start3A_22 = arith.constant 0 : i32
    %dma_start3A_23 = tpu.memref_slice %arg8[%dma_start3A_21, %dma_start3A_22] : memref<800x128xf32, #tpu.memory_space<vmem>> -> memref<96x128xf32, #tpu.memory_space<vmem>>
    %dma_start3A_24 = arith.constant 104 : i32
    %dma_start3A_25 = tpu.memref_slice %arg6[%dma_start3A_24] : memref<400xi32, #tpu.memory_space<vmem>> -> memref<96xi32, #tpu.memory_space<vmem>>
    %dma_start3A_26 = arith.constant 0 : i32
    %dma_start3A_27 = arith.constant 0 : i32
    %dma_start3A_28 = tpu.memref_slice %arg3[%dma_start3A_26, %dma_start3A_27] : memref<100000x128xf32, #tpu.memory_space<hbm>> -> memref<100000x128xf32, #tpu.memory_space<hbm>>
    tpu.enqueue_indirect_dma source(%dma_start3A_28 : memref<100000x128xf32, #tpu.memory_space<hbm>>) target(%dma_start3A_23 : memref<96x128xf32, #tpu.memory_space<vmem>>) offsets(%dma_start3A_25 : memref<96xi32, #tpu.memory_space<vmem>>) semaphore(%arg10 : memref<!tpu.dma_semaphore, #tpu.memory_space<semaphore_mem>>)
    %dma_start3A_29 = arith.constant 200 : i32
    %dma_start3A_30 = arith.constant 0 : i32
    %dma_start3A_31 = tpu.memref_slice %arg8[%dma_start3A_29, %dma_start3A_30] : memref<800x128xf32, #tpu.memory_space<vmem>> -> memref<104x128xf32, #tpu.memory_space<vmem>>
    %dma_start3A_32 = arith.constant 200 : i32
    %dma_start3A_33 = tpu.memref_slice %arg6[%dma_start3A_32] : memref<400xi32, #tpu.memory_space<vmem>> -> memref<104xi32, #tpu.memory_space<vmem>>
    %dma_start3A_34 = arith.constant 0 : i32
    %dma_start3A_35 = arith.constant 0 : i32
    %dma_start3A_36 = tpu.memref_slice %arg3[%dma_start3A_34, %dma_start3A_35] : memref<100000x128xf32, #tpu.memory_space<hbm>> -> memref<100000x128xf32, #tpu.memory_space<hbm>>
    tpu.enqueue_indirect_dma source(%dma_start3A_36 : memref<100000x128xf32, #tpu.memory_space<hbm>>) target(%dma_start3A_31 : memref<104x128xf32, #tpu.memory_space<vmem>>) offsets(%dma_start3A_33 : memref<104xi32, #tpu.memory_space<vmem>>) semaphore(%arg10 : memref<!tpu.dma_semaphore, #tpu.memory_space<semaphore_mem>>)
    %dma_start3A_37 = arith.constant 304 : i32
    %dma_start3A_38 = arith.constant 0 : i32
    %dma_start3A_39 = tpu.memref_slice %arg8[%dma_start3A_37, %dma_start3A_38] : memref<800x128xf32, #tpu.memory_space<vmem>> -> memref<96x128xf32, #tpu.memory_space<vmem>>
    %dma_start3A_40 = arith.constant 304 : i32
    %dma_start3A_41 = tpu.memref_slice %arg6[%dma_start3A_40] : memref<400xi32, #tpu.memory_space<vmem>> -> memref<96xi32, #tpu.memory_space<vmem>>
    %dma_start3A_42 = arith.constant 0 : i32
    %dma_start3A_43 = arith.constant 0 : i32
    %dma_start3A_44 = tpu.memref_slice %arg3[%dma_start3A_42, %dma_start3A_43] : memref<100000x128xf32, #tpu.memory_space<hbm>> -> memref<100000x128xf32, #tpu.memory_space<hbm>>
    tpu.enqueue_indirect_dma source(%dma_start3A_44 : memref<100000x128xf32, #tpu.memory_space<hbm>>) target(%dma_start3A_39 : memref<96x128xf32, #tpu.memory_space<vmem>>) offsets(%dma_start3A_41 : memref<96xi32, #tpu.memory_space<vmem>>) semaphore(%arg10 : memref<!tpu.dma_semaphore, #tpu.memory_space<semaphore_mem>>)
    %add3A_45 = arith.constant 400 : i32
    %add3A_46 = arith.addi %mul3A_2, %add3A_45 : i32
    %dma_wait3A_47 = tpu.memref_slice %arg2[%add3A_46] : memref<204800xi32, #tpu.memory_space<hbm>> -> memref<400xi32, #tpu.memory_space<hbm>>
    %dma_wait3A_48 = tpu.memref_slice %arg2[%add3A_46] : memref<204800xi32, #tpu.memory_space<hbm>> -> memref<400xi32, #tpu.memory_space<hbm>>
    tpu.wait_dma2 semaphore(%arg12 : memref<!tpu.dma_semaphore, #tpu.memory_space<semaphore_mem>>) src(%dma_wait3A_48 : memref<400xi32, #tpu.memory_space<hbm>>) dst(%arg7 : memref<400xi32, #tpu.memory_space<vmem>>)
    %dma_start3A_49 = arith.constant 400 : i32
    %dma_start3A_50 = arith.constant 0 : i32
    %dma_start3A_51 = tpu.memref_slice %arg8[%dma_start3A_49, %dma_start3A_50] : memref<800x128xf32, #tpu.memory_space<vmem>> -> memref<104x128xf32, #tpu.memory_space<vmem>>
    %dma_start3A_52 = arith.constant 0 : i32
    %dma_start3A_53 = tpu.memref_slice %arg7[%dma_start3A_52] : memref<400xi32, #tpu.memory_space<vmem>> -> memref<104xi32, #tpu.memory_space<vmem>>
    %dma_start3A_54 = arith.constant 0 : i32
    %dma_start3A_55 = arith.constant 0 : i32
    %dma_start3A_56 = tpu.memref_slice %arg3[%dma_start3A_54, %dma_start3A_55] : memref<100000x128xf32, #tpu.memory_space<hbm>> -> memref<100000x128xf32, #tpu.memory_space<hbm>>
    tpu.enqueue_indirect_dma source(%dma_start3A_56 : memref<100000x128xf32, #tpu.memory_space<hbm>>) target(%dma_start3A_51 : memref<104x128xf32, #tpu.memory_space<vmem>>) offsets(%dma_start3A_53 : memref<104xi32, #tpu.memory_space<vmem>>) semaphore(%arg10 : memref<!tpu.dma_semaphore, #tpu.memory_space<semaphore_mem>>)
    %dma_start3A_57 = arith.constant 504 : i32
    %dma_start3A_58 = arith.constant 0 : i32
    %dma_start3A_59 = tpu.memref_slice %arg8[%dma_start3A_57, %dma_start3A_58] : memref<800x128xf32, #tpu.memory_space<vmem>> -> memref<96x128xf32, #tpu.memory_space<vmem>>
    %dma_start3A_60 = arith.constant 104 : i32
    %dma_start3A_61 = tpu.memref_slice %arg7[%dma_start3A_60] : memref<400xi32, #tpu.memory_space<vmem>> -> memref<96xi32, #tpu.memory_space<vmem>>
    %dma_start3A_62 = arith.constant 0 : i32
    %dma_start3A_63 = arith.constant 0 : i32
    %dma_start3A_64 = tpu.memref_slice %arg3[%dma_start3A_62, %dma_start3A_63] : memref<100000x128xf32, #tpu.memory_space<hbm>> -> memref<100000x128xf32, #tpu.memory_space<hbm>>
    tpu.enqueue_indirect_dma source(%dma_start3A_64 : memref<100000x128xf32, #tpu.memory_space<hbm>>) target(%dma_start3A_59 : memref<96x128xf32, #tpu.memory_space<vmem>>) offsets(%dma_start3A_61 : memref<96xi32, #tpu.memory_space<vmem>>) semaphore(%arg10 : memref<!tpu.dma_semaphore, #tpu.memory_space<semaphore_mem>>)
    %dma_start3A_65 = arith.constant 600 : i32
    %dma_start3A_66 = arith.constant 0 : i32
    %dma_start3A_67 = tpu.memref_slice %arg8[%dma_start3A_65, %dma_start3A_66] : memref<800x128xf32, #tpu.memory_space<vmem>> -> memref<104x128xf32, #tpu.memory_space<vmem>>
    %dma_start3A_68 = arith.constant 200 : i32
    %dma_start3A_69 = tpu.memref_slice %arg7[%dma_start3A_68] : memref<400xi32, #tpu.memory_space<vmem>> -> memref<104xi32, #tpu.memory_space<vmem>>
    %dma_start3A_70 = arith.constant 0 : i32
    %dma_start3A_71 = arith.constant 0 : i32
    %dma_start3A_72 = tpu.memref_slice %arg3[%dma_start3A_70, %dma_start3A_71] : memref<100000x128xf32, #tpu.memory_space<hbm>> -> memref<100000x128xf32, #tpu.memory_space<hbm>>
    tpu.enqueue_indirect_dma source(%dma_start3A_72 : memref<100000x128xf32, #tpu.memory_space<hbm>>) target(%dma_start3A_67 : memref<104x128xf32, #tpu.memory_space<vmem>>) offsets(%dma_start3A_69 : memref<104xi32, #tpu.memory_space<vmem>>) semaphore(%arg10 : memref<!tpu.dma_semaphore, #tpu.memory_space<semaphore_mem>>)
    %dma_start3A_73 = arith.constant 704 : i32
    %dma_start3A_74 = arith.constant 0 : i32
    %dma_start3A_75 = tpu.memref_slice %arg8[%dma_start3A_73, %dma_start3A_74] : memref<800x128xf32, #tpu.memory_space<vmem>> -> memref<96x128xf32, #tpu.memory_space<vmem>>
    %dma_start3A_76 = arith.constant 304 : i32
    %dma_start3A_77 = tpu.memref_slice %arg7[%dma_start3A_76] : memref<400xi32, #tpu.memory_space<vmem>> -> memref<96xi32, #tpu.memory_space<vmem>>
    %dma_start3A_78 = arith.constant 0 : i32
    %dma_start3A_79 = arith.constant 0 : i32
    %dma_start3A_80 = tpu.memref_slice %arg3[%dma_start3A_78, %dma_start3A_79] : memref<100000x128xf32, #tpu.memory_space<hbm>> -> memref<100000x128xf32, #tpu.memory_space<hbm>>
    tpu.enqueue_indirect_dma source(%dma_start3A_80 : memref<100000x128xf32, #tpu.memory_space<hbm>>) target(%dma_start3A_75 : memref<96x128xf32, #tpu.memory_space<vmem>>) offsets(%dma_start3A_77 : memref<96xi32, #tpu.memory_space<vmem>>) semaphore(%arg10 : memref<!tpu.dma_semaphore, #tpu.memory_space<semaphore_mem>>)
    %dma_wait3A_81 = arith.constant 0 : i32
    %dma_wait3A_82 = arith.constant 0 : i32
    %dma_wait3A_83 = tpu.memref_slice %arg8[%dma_wait3A_81, %dma_wait3A_82] : memref<800x128xf32, #tpu.memory_space<vmem>> -> memref<104x128xf32, #tpu.memory_space<vmem>>
    %dma_wait3A_84 = arith.constant 0 : i32
    %dma_wait3A_85 = tpu.memref_slice %arg6[%dma_wait3A_84] : memref<400xi32, #tpu.memory_space<vmem>> -> memref<104xi32, #tpu.memory_space<vmem>>
    %dma_wait3A_86 = arith.constant 0 : i32
    %dma_wait3A_87 = arith.constant 0 : i32
    %dma_wait3A_88 = tpu.memref_slice %arg3[%dma_wait3A_86, %dma_wait3A_87] : memref<100000x128xf32, #tpu.memory_space<hbm>> -> memref<100000x128xf32, #tpu.memory_space<hbm>>
    tpu.wait_indirect_dma semaphore(%arg10 : memref<!tpu.dma_semaphore, #tpu.memory_space<semaphore_mem>>) src(%dma_wait3A_88 : memref<100000x128xf32, #tpu.memory_space<hbm>>) dst(%dma_wait3A_83 : memref<104x128xf32, #tpu.memory_space<vmem>>)
    %dma_wait3A_89 = arith.constant 104 : i32
    %dma_wait3A_90 = arith.constant 0 : i32
    %dma_wait3A_91 = tpu.memref_slice %arg8[%dma_wait3A_89, %dma_wait3A_90] : memref<800x128xf32, #tpu.memory_space<vmem>> -> memref<96x128xf32, #tpu.memory_space<vmem>>
    %dma_wait3A_92 = arith.constant 104 : i32
    %dma_wait3A_93 = tpu.memref_slice %arg6[%dma_wait3A_92] : memref<400xi32, #tpu.memory_space<vmem>> -> memref<96xi32, #tpu.memory_space<vmem>>
    %dma_wait3A_94 = arith.constant 0 : i32
    %dma_wait3A_95 = arith.constant 0 : i32
    %dma_wait3A_96 = tpu.memref_slice %arg3[%dma_wait3A_94, %dma_wait3A_95] : memref<100000x128xf32, #tpu.memory_space<hbm>> -> memref<100000x128xf32, #tpu.memory_space<hbm>>
    tpu.wait_indirect_dma semaphore(%arg10 : memref<!tpu.dma_semaphore, #tpu.memory_space<semaphore_mem>>) src(%dma_wait3A_96 : memref<100000x128xf32, #tpu.memory_space<hbm>>) dst(%dma_wait3A_91 : memref<96x128xf32, #tpu.memory_space<vmem>>)
    %dma_wait3A_97 = arith.constant 200 : i32
    %dma_wait3A_98 = arith.constant 0 : i32
    %dma_wait3A_99 = tpu.memref_slice %arg8[%dma_wait3A_97, %dma_wait3A_98] : memref<800x128xf32, #tpu.memory_space<vmem>> -> memref<104x128xf32, #tpu.memory_space<vmem>>
    %dma_wait3A_100 = arith.constant 200 : i32
    %dma_wait3A_101 = tpu.memref_slice %arg6[%dma_wait3A_100] : memref<400xi32, #tpu.memory_space<vmem>> -> memref<104xi32, #tpu.memory_space<vmem>>
    %dma_wait3A_102 = arith.constant 0 : i32
    %dma_wait3A_103 = arith.constant 0 : i32
    %dma_wait3A_104 = tpu.memref_slice %arg3[%dma_wait3A_102, %dma_wait3A_103] : memref<100000x128xf32, #tpu.memory_space<hbm>> -> memref<100000x128xf32, #tpu.memory_space<hbm>>
    tpu.wait_indirect_dma semaphore(%arg10 : memref<!tpu.dma_semaphore, #tpu.memory_space<semaphore_mem>>) src(%dma_wait3A_104 : memref<100000x128xf32, #tpu.memory_space<hbm>>) dst(%dma_wait3A_99 : memref<104x128xf32, #tpu.memory_space<vmem>>)
    %dma_wait3A_105 = arith.constant 304 : i32
    %dma_wait3A_106 = arith.constant 0 : i32
    %dma_wait3A_107 = tpu.memref_slice %arg8[%dma_wait3A_105, %dma_wait3A_106] : memref<800x128xf32, #tpu.memory_space<vmem>> -> memref<96x128xf32, #tpu.memory_space<vmem>>
    %dma_wait3A_108 = arith.constant 304 : i32
    %dma_wait3A_109 = tpu.memref_slice %arg6[%dma_wait3A_108] : memref<400xi32, #tpu.memory_space<vmem>> -> memref<96xi32, #tpu.memory_space<vmem>>
    %dma_wait3A_110 = arith.constant 0 : i32
    %dma_wait3A_111 = arith.constant 0 : i32
    %dma_wait3A_112 = tpu.memref_slice %arg3[%dma_wait3A_110, %dma_wait3A_111] : memref<100000x128xf32, #tpu.memory_space<hbm>> -> memref<100000x128xf32, #tpu.memory_space<hbm>>
    tpu.wait_indirect_dma semaphore(%arg10 : memref<!tpu.dma_semaphore, #tpu.memory_space<semaphore_mem>>) src(%dma_wait3A_112 : memref<100000x128xf32, #tpu.memory_space<hbm>>) dst(%dma_wait3A_107 : memref<96x128xf32, #tpu.memory_space<vmem>>)
    %add3A_113 = arith.constant 800 : i32
    %add3A_114 = arith.addi %mul3A_2, %add3A_113 : i32
    %dma_start3A_115 = tpu.memref_slice %arg2[%add3A_114] : memref<204800xi32, #tpu.memory_space<hbm>> -> memref<400xi32, #tpu.memory_space<hbm>>
    %dma_start3A_116 = tpu.memref_slice %arg2[%add3A_114] : memref<204800xi32, #tpu.memory_space<hbm>> -> memref<400xi32, #tpu.memory_space<hbm>>
    tpu.enqueue_dma source(%dma_start3A_116 : memref<400xi32, #tpu.memory_space<hbm>>) target(%arg6 : memref<400xi32, #tpu.memory_space<vmem>>) target_semaphore(%arg11 : memref<!tpu.dma_semaphore, #tpu.memory_space<semaphore_mem>>)
    %scan3A = arith.constant 0 : i32
    %scan3A_117 = arith.constant 50 : i32
    %scan3A_118 = arith.addi %scan3A, %scan3A_117 : i32
    %scan3A_119 = arith.constant 1 : i32
    scf.for %scan3A_409 = %scan3A to %scan3A_118 step %scan3A_119  : i32 {
      %mul3A_410 = arith.constant 4 : i32
      %mul3A_411 = arith.muli %scan3A_409, %mul3A_410 : i32
      %add3A_412 = arith.constant 0 : i32
      %add3A_413 = arith.addi %mul3A_411, %add3A_412 : i32
      %get3A = arith.index_cast %add3A_413 : i32 to index
      %get3A_414 = arith.constant 0 : index
      %get3A_415 = tpu.vector_load %arg9[%get3A, %get3A_414] {strides = array<i32>} : memref<200x128xf32, #tpu.memory_space<vmem>>, vector<1x16xf32>,
      %get3A_416 = vector.shape_cast %get3A_415 : vector<1x16xf32> to vector<16xf32>
      %add3A_417 = arith.constant 0 : i32
      %add3A_418 = arith.addi %add3A_417, %add3A_413 : i32
      %swap3A = arith.index_cast %add3A_418 : i32 to index
      %swap3A_419 = arith.constant 0 : index
      %swap3A_420 = tpu.vector_load %arg8[%swap3A, %swap3A_419] {strides = array<i32>} : memref<800x128xf32, #tpu.memory_space<vmem>>, vector<1x16xf32>,
      %swap3A_421 = vector.shape_cast %swap3A_420 : vector<1x16xf32> to vector<16xf32>
      %swap3A_422 = vector.shape_cast %get3A_416 : vector<16xf32> to vector<1x16xf32>
      tpu.vector_store %arg8[%swap3A, %swap3A_419], %swap3A_422 {add = true, strides = array<i32>} : memref<800x128xf32, #tpu.memory_space<vmem>>, vector<1x16xf32>,
      %add3A_423 = arith.constant 200 : i32
      %add3A_424 = arith.addi %add3A_423, %add3A_413 : i32
      %swap3A_425 = arith.index_cast %add3A_424 : i32 to index
      %swap3A_426 = arith.constant 0 : index
      %swap3A_427 = tpu.vector_load %arg8[%swap3A_425, %swap3A_426] {strides = array<i32>} : memref<800x128xf32, #tpu.memory_space<vmem>>, vector<1x16xf32>,
      %swap3A_428 = vector.shape_cast %swap3A_427 : vector<1x16xf32> to vector<16xf32>
      %swap3A_429 = vector.shape_cast %get3A_416 : vector<16xf32> to vector<1x16xf32>
      tpu.vector_store %arg8[%swap3A_425, %swap3A_426], %swap3A_429 {add = true, strides = array<i32>} : memref<800x128xf32, #tpu.memory_space<vmem>>, vector<1x16xf32>,
      %get3A_430 = arith.index_cast %add3A_413 : i32 to index
      %get3A_431 = arith.constant 16 : index
      %get3A_432 = tpu.vector_load %arg9[%get3A_430, %get3A_431] {strides = array<i32>} : memref<200x128xf32, #tpu.memory_space<vmem>>, vector<1x16xf32>,
      %get3A_433 = vector.shape_cast %get3A_432 : vector<1x16xf32> to vector<16xf32>
      %add3A_434 = arith.constant 0 : i32
      %add3A_435 = arith.addi %add3A_434, %add3A_413 : i32
      %swap3A_436 = arith.index_cast %add3A_435 : i32 to index
      %swap3A_437 = arith.constant 16 : index
      %swap3A_438 = tpu.vector_load %arg8[%swap3A_436, %swap3A_437] {strides = array<i32>} : memref<800x128xf32, #tpu.memory_space<vmem>>, vector<1x16xf32>,
      %swap3A_439 = vector.shape_cast %swap3A_438 : vector<1x16xf32> to vector<16xf32>
      %swap3A_440 = vector.shape_cast %get3A_433 : vector<16xf32> to vector<1x16xf32>
      tpu.vector_store %arg8[%swap3A_436, %swap3A_437], %swap3A_440 {add = true, strides = array<i32>} : memref<800x128xf32, #tpu.memory_space<vmem>>, vector<1x16xf32>,
      %add3A_441 = arith.constant 200 : i32
      %add3A_442 = arith.addi %add3A_441, %add3A_413 : i32
      %swap3A_443 = arith.index_cast %add3A_442 : i32 to index
      %swap3A_444 = arith.constant 16 : index
      %swap3A_445 = tpu.vector_load %arg8[%swap3A_443, %swap3A_444] {strides = array<i32>} : memref<800x128xf32, #tpu.memory_space<vmem>>, vector<1x16xf32>,
      %swap3A_446 = vector.shape_cast %swap3A_445 : vector<1x16xf32> to vector<16xf32>
      %swap3A_447 = vector.shape_cast %get3A_433 : vector<16xf32> to vector<1x16xf32>
      tpu.vector_store %arg8[%swap3A_443, %swap3A_444], %swap3A_447 {add = true, strides = array<i32>} : memref<800x128xf32, #tpu.memory_space<vmem>>, vector<1x16xf32>,
      %get3A_448 = arith.index_cast %add3A_413 : i32 to index
      %get3A_449 = arith.constant 32 : index
      %get3A_450 = tpu.vector_load %arg9[%get3A_448, %get3A_449] {strides = array<i32>} : memref<200x128xf32, #tpu.memory_space<vmem>>, vector<1x16xf32>,
      %get3A_451 = vector.shape_cast %get3A_450 : vector<1x16xf32> to vector<16xf32>
      %add3A_452 = arith.constant 0 : i32
      %add3A_453 = arith.addi %add3A_452, %add3A_413 : i32
      %swap3A_454 = arith.index_cast %add3A_453 : i32 to index
      %swap3A_455 = arith.constant 32 : index
      %swap3A_456 = tpu.vector_load %arg8[%swap3A_454, %swap3A_455] {strides = array<i32>} : memref<800x128xf32, #tpu.memory_space<vmem>>, vector<1x16xf32>,
      %swap3A_457 = vector.shape_cast %swap3A_456 : vector<1x16xf32> to vector<16xf32>
      %swap3A_458 = vector.shape_cast %get3A_451 : vector<16xf32> to vector<1x16xf32>
      tpu.vector_store %arg8[%swap3A_454, %swap3A_455], %swap3A_458 {add = true, strides = array<i32>} : memref<800x128xf32, #tpu.memory_space<vmem>>, vector<1x16xf32>,
      %add3A_459 = arith.constant 200 : i32
      %add3A_460 = arith.addi %add3A_459, %add3A_413 : i32
      %swap3A_461 = arith.index_cast %add3A_460 : i32 to index
      %swap3A_462 = arith.constant 32 : index
      %swap3A_463 = tpu.vector_load %arg8[%swap3A_461, %swap3A_462] {strides = array<i32>} : memref<800x128xf32, #tpu.memory_space<vmem>>, vector<1x16xf32>,
      %swap3A_464 = vector.shape_cast %swap3A_463 : vector<1x16xf32> to vector<16xf32>
      %swap3A_465 = vector.shape_cast %get3A_451 : vector<16xf32> to vector<1x16xf32>
      tpu.vector_store %arg8[%swap3A_461, %swap3A_462], %swap3A_465 {add = true, strides = array<i32>} : memref<800x128xf32, #tpu.memory_space<vmem>>, vector<1x16xf32>,
      %get3A_466 = arith.index_cast %add3A_413 : i32 to index
      %get3A_467 = arith.constant 48 : index
      %get3A_468 = tpu.vector_load %arg9[%get3A_466, %get3A_467] {strides = array<i32>} : memref<200x128xf32, #tpu.memory_space<vmem>>, vector<1x16xf32>,
      %get3A_469 = vector.shape_cast %get3A_468 : vector<1x16xf32> to vector<16xf32>
      %add3A_470 = arith.constant 0 : i32
      %add3A_471 = arith.addi %add3A_470, %add3A_413 : i32
      %swap3A_472 = arith.index_cast %add3A_471 : i32 to index
      %swap3A_473 = arith.constant 48 : index
      %swap3A_474 = tpu.vector_load %arg8[%swap3A_472, %swap3A_473] {strides = array<i32>} : memref<800x128xf32, #tpu.memory_space<vmem>>, vector<1x16xf32>,
      %swap3A_475 = vector.shape_cast %swap3A_474 : vector<1x16xf32> to vector<16xf32>
      %swap3A_476 = vector.shape_cast %get3A_469 : vector<16xf32> to vector<1x16xf32>
      tpu.vector_store %arg8[%swap3A_472, %swap3A_473], %swap3A_476 {add = true, strides = array<i32>} : memref<800x128xf32, #tpu.memory_space<vmem>>, vector<1x16xf32>,
      %add3A_477 = arith.constant 200 : i32
      %add3A_478 = arith.addi %add3A_477, %add3A_413 : i32
      %swap3A_479 = arith.index_cast %add3A_478 : i32 to index
      %swap3A_480 = arith.constant 48 : index
      %swap3A_481 = tpu.vector_load %arg8[%swap3A_479, %swap3A_480] {strides = array<i32>} : memref<800x128xf32, #tpu.memory_space<vmem>>, vector<1x16xf32>,
      %swap3A_482 = vector.shape_cast %swap3A_481 : vector<1x16xf32> to vector<16xf32>
      %swap3A_483 = vector.shape_cast %get3A_469 : vector<16xf32> to vector<1x16xf32>
      tpu.vector_store %arg8[%swap3A_479, %swap3A_480], %swap3A_483 {add = true, strides = array<i32>} : memref<800x128xf32, #tpu.memory_space<vmem>>, vector<1x16xf32>,
      %get3A_484 = arith.index_cast %add3A_413 : i32 to index
      %get3A_485 = arith.constant 64 : index
      %get3A_486 = tpu.vector_load %arg9[%get3A_484, %get3A_485] {strides = array<i32>} : memref<200x128xf32, #tpu.memory_space<vmem>>, vector<1x16xf32>,
      %get3A_487 = vector.shape_cast %get3A_486 : vector<1x16xf32> to vector<16xf32>
      %add3A_488 = arith.constant 0 : i32
      %add3A_489 = arith.addi %add3A_488, %add3A_413 : i32
      %swap3A_490 = arith.index_cast %add3A_489 : i32 to index
      %swap3A_491 = arith.constant 64 : index
      %swap3A_492 = tpu.vector_load %arg8[%swap3A_490, %swap3A_491] {strides = array<i32>} : memref<800x128xf32, #tpu.memory_space<vmem>>, vector<1x16xf32>,
      %swap3A_493 = vector.shape_cast %swap3A_492 : vector<1x16xf32> to vector<16xf32>
      %swap3A_494 = vector.shape_cast %get3A_487 : vector<16xf32> to vector<1x16xf32>
      tpu.vector_store %arg8[%swap3A_490, %swap3A_491], %swap3A_494 {add = true, strides = array<i32>} : memref<800x128xf32, #tpu.memory_space<vmem>>, vector<1x16xf32>,
      %add3A_495 = arith.constant 200 : i32
      %add3A_496 = arith.addi %add3A_495, %add3A_413 : i32
      %swap3A_497 = arith.index_cast %add3A_496 : i32 to index
      %swap3A_498 = arith.constant 64 : index
      %swap3A_499 = tpu.vector_load %arg8[%swap3A_497, %swap3A_498] {strides = array<i32>} : memref<800x128xf32, #tpu.memory_space<vmem>>, vector<1x16xf32>,
      %swap3A_500 = vector.shape_cast %swap3A_499 : vector<1x16xf32> to vector<16xf32>
      %swap3A_501 = vector.shape_cast %get3A_487 : vector<16xf32> to vector<1x16xf32>
      tpu.vector_store %arg8[%swap3A_497, %swap3A_498], %swap3A_501 {add = true, strides = array<i32>} : memref<800x128xf32, #tpu.memory_space<vmem>>, vector<1x16xf32>,
      %get3A_502 = arith.index_cast %add3A_413 : i32 to index
      %get3A_503 = arith.constant 80 : index
      %get3A_504 = tpu.vector_load %arg9[%get3A_502, %get3A_503] {strides = array<i32>} : memref<200x128xf32, #tpu.memory_space<vmem>>, vector<1x16xf32>,
      %get3A_505 = vector.shape_cast %get3A_504 : vector<1x16xf32> to vector<16xf32>
      %add3A_506 = arith.constant 0 : i32
      %add3A_507 = arith.addi %add3A_506, %add3A_413 : i32
      %swap3A_508 = arith.index_cast %add3A_507 : i32 to index
      %swap3A_509 = arith.constant 80 : index
      %swap3A_510 = tpu.vector_load %arg8[%swap3A_508, %swap3A_509] {strides = array<i32>} : memref<800x128xf32, #tpu.memory_space<vmem>>, vector<1x16xf32>,
      %swap3A_511 = vector.shape_cast %swap3A_510 : vector<1x16xf32> to vector<16xf32>
      %swap3A_512 = vector.shape_cast %get3A_505 : vector<16xf32> to vector<1x16xf32>
      tpu.vector_store %arg8[%swap3A_508, %swap3A_509], %swap3A_512 {add = true, strides = array<i32>} : memref<800x128xf32, #tpu.memory_space<vmem>>, vector<1x16xf32>,
      %add3A_513 = arith.constant 200 : i32
      %add3A_514 = arith.addi %add3A_513, %add3A_413 : i32
      %swap3A_515 = arith.index_cast %add3A_514 : i32 to index
      %swap3A_516 = arith.constant 80 : index
      %swap3A_517 = tpu.vector_load %arg8[%swap3A_515, %swap3A_516] {strides = array<i32>} : memref<800x128xf32, #tpu.memory_space<vmem>>, vector<1x16xf32>,
      %swap3A_518 = vector.shape_cast %swap3A_517 : vector<1x16xf32> to vector<16xf32>
      %swap3A_519 = vector.shape_cast %get3A_505 : vector<16xf32> to vector<1x16xf32>
      tpu.vector_store %arg8[%swap3A_515, %swap3A_516], %swap3A_519 {add = true, strides = array<i32>} : memref<800x128xf32, #tpu.memory_space<vmem>>, vector<1x16xf32>,
      %get3A_520 = arith.index_cast %add3A_413 : i32 to index
      %get3A_521 = arith.constant 96 : index
      %get3A_522 = tpu.vector_load %arg9[%get3A_520, %get3A_521] {strides = array<i32>} : memref<200x128xf32, #tpu.memory_space<vmem>>, vector<1x16xf32>,
      %get3A_523 = vector.shape_cast %get3A_522 : vector<1x16xf32> to vector<16xf32>
      %add3A_524 = arith.constant 0 : i32
      %add3A_525 = arith.addi %add3A_524, %add3A_413 : i32
      %swap3A_526 = arith.index_cast %add3A_525 : i32 to index
      %swap3A_527 = arith.constant 96 : index
      %swap3A_528 = tpu.vector_load %arg8[%swap3A_526, %swap3A_527] {strides = array<i32>} : memref<800x128xf32, #tpu.memory_space<vmem>>, vector<1x16xf32>,
      %swap3A_529 = vector.shape_cast %swap3A_528 : vector<1x16xf32> to vector<16xf32>
      %swap3A_530 = vector.shape_cast %get3A_523 : vector<16xf32> to vector<1x16xf32>
      tpu.vector_store %arg8[%swap3A_526, %swap3A_527], %swap3A_530 {add = true, strides = array<i32>} : memref<800x128xf32, #tpu.memory_space<vmem>>, vector<1x16xf32>,
      %add3A_531 = arith.constant 200 : i32
      %add3A_532 = arith.addi %add3A_531, %add3A_413 : i32
      %swap3A_533 = arith.index_cast %add3A_532 : i32 to index
      %swap3A_534 = arith.constant 96 : index
      %swap3A_535 = tpu.vector_load %arg8[%swap3A_533, %swap3A_534] {strides = array<i32>} : memref<800x128xf32, #tpu.memory_space<vmem>>, vector<1x16xf32>,
      %swap3A_536 = vector.shape_cast %swap3A_535 : vector<1x16xf32> to vector<16xf32>
      %swap3A_537 = vector.shape_cast %get3A_523 : vector<16xf32> to vector<1x16xf32>
      tpu.vector_store %arg8[%swap3A_533, %swap3A_534], %swap3A_537 {add = true, strides = array<i32>} : memref<800x128xf32, #tpu.memory_space<vmem>>, vector<1x16xf32>,
      %get3A_538 = arith.index_cast %add3A_413 : i32 to index
      %get3A_539 = arith.constant 112 : index
      %get3A_540 = tpu.vector_load %arg9[%get3A_538, %get3A_539] {strides = array<i32>} : memref<200x128xf32, #tpu.memory_space<vmem>>, vector<1x16xf32>,
      %get3A_541 = vector.shape_cast %get3A_540 : vector<1x16xf32> to vector<16xf32>
      %add3A_542 = arith.constant 0 : i32
      %add3A_543 = arith.addi %add3A_542, %add3A_413 : i32
      %swap3A_544 = arith.index_cast %add3A_543 : i32 to index
      %swap3A_545 = arith.constant 112 : index
      %swap3A_546 = tpu.vector_load %arg8[%swap3A_544, %swap3A_545] {strides = array<i32>} : memref<800x128xf32, #tpu.memory_space<vmem>>, vector<1x16xf32>,
      %swap3A_547 = vector.shape_cast %swap3A_546 : vector<1x16xf32> to vector<16xf32>
      %swap3A_548 = vector.shape_cast %get3A_541 : vector<16xf32> to vector<1x16xf32>
      tpu.vector_store %arg8[%swap3A_544, %swap3A_545], %swap3A_548 {add = true, strides = array<i32>} : memref<800x128xf32, #tpu.memory_space<vmem>>, vector<1x16xf32>,
      %add3A_549 = arith.constant 200 : i32
      %add3A_550 = arith.addi %add3A_549, %add3A_413 : i32
      %swap3A_551 = arith.index_cast %add3A_550 : i32 to index
      %swap3A_552 = arith.constant 112 : index
      %swap3A_553 = tpu.vector_load %arg8[%swap3A_551, %swap3A_552] {strides = array<i32>} : memref<800x128xf32, #tpu.memory_space<vmem>>, vector<1x16xf32>,
      %swap3A_554 = vector.shape_cast %swap3A_553 : vector<1x16xf32> to vector<16xf32>
      %swap3A_555 = vector.shape_cast %get3A_541 : vector<16xf32> to vector<1x16xf32>
      tpu.vector_store %arg8[%swap3A_551, %swap3A_552], %swap3A_555 {add = true, strides = array<i32>} : memref<800x128xf32, #tpu.memory_space<vmem>>, vector<1x16xf32>,
      %add3A_556 = arith.constant 1 : i32
      %add3A_557 = arith.addi %mul3A_411, %add3A_556 : i32
      %get3A_558 = arith.index_cast %add3A_557 : i32 to index
      %get3A_559 = arith.constant 0 : index
      %get3A_560 = tpu.vector_load %arg9[%get3A_558, %get3A_559] {strides = array<i32>} : memref<200x128xf32, #tpu.memory_space<vmem>>, vector<1x16xf32>,
      %get3A_561 = vector.shape_cast %get3A_560 : vector<1x16xf32> to vector<16xf32>
      %add3A_562 = arith.constant 0 : i32
      %add3A_563 = arith.addi %add3A_562, %add3A_557 : i32
      %swap3A_564 = arith.index_cast %add3A_563 : i32 to index
      %swap3A_565 = arith.constant 0 : index
      %swap3A_566 = tpu.vector_load %arg8[%swap3A_564, %swap3A_565] {strides = array<i32>} : memref<800x128xf32, #tpu.memory_space<vmem>>, vector<1x16xf32>,
      %swap3A_567 = vector.shape_cast %swap3A_566 : vector<1x16xf32> to vector<16xf32>
      %swap3A_568 = vector.shape_cast %get3A_561 : vector<16xf32> to vector<1x16xf32>
      tpu.vector_store %arg8[%swap3A_564, %swap3A_565], %swap3A_568 {add = true, strides = array<i32>} : memref<800x128xf32, #tpu.memory_space<vmem>>, vector<1x16xf32>,
      %add3A_569 = arith.constant 200 : i32
      %add3A_570 = arith.addi %add3A_569, %add3A_557 : i32
      %swap3A_571 = arith.index_cast %add3A_570 : i32 to index
      %swap3A_572 = arith.constant 0 : index
      %swap3A_573 = tpu.vector_load %arg8[%swap3A_571, %swap3A_572] {strides = array<i32>} : memref<800x128xf32, #tpu.memory_space<vmem>>, vector<1x16xf32>,
      %swap3A_574 = vector.shape_cast %swap3A_573 : vector<1x16xf32> to vector<16xf32>
      %swap3A_575 = vector.shape_cast %get3A_561 : vector<16xf32> to vector<1x16xf32>
      tpu.vector_store %arg8[%swap3A_571, %swap3A_572], %swap3A_575 {add = true, strides = array<i32>} : memref<800x128xf32, #tpu.memory_space<vmem>>, vector<1x16xf32>,
      %get3A_576 = arith.index_cast %add3A_557 : i32 to index
      %get3A_577 = arith.constant 16 : index
      %get3A_578 = tpu.vector_load %arg9[%get3A_576, %get3A_577] {strides = array<i32>} : memref<200x128xf32, #tpu.memory_space<vmem>>, vector<1x16xf32>,
      %get3A_579 = vector.shape_cast %get3A_578 : vector<1x16xf32> to vector<16xf32>
      %add3A_580 = arith.constant 0 : i32
      %add3A_581 = arith.addi %add3A_580, %add3A_557 : i32
      %swap3A_582 = arith.index_cast %add3A_581 : i32 to index
      %swap3A_583 = arith.constant 16 : index
      %swap3A_584 = tpu.vector_load %arg8[%swap3A_582, %swap3A_583] {strides = array<i32>} : memref<800x128xf32, #tpu.memory_space<vmem>>, vector<1x16xf32>,
      %swap3A_585 = vector.shape_cast %swap3A_584 : vector<1x16xf32> to vector<16xf32>
      %swap3A_586 = vector.shape_cast %get3A_579 : vector<16xf32> to vector<1x16xf32>
      tpu.vector_store %arg8[%swap3A_582, %swap3A_583], %swap3A_586 {add = true, strides = array<i32>} : memref<800x128xf32, #tpu.memory_space<vmem>>, vector<1x16xf32>,
      %add3A_587 = arith.constant 200 : i32
      %add3A_588 = arith.addi %add3A_587, %add3A_557 : i32
      %swap3A_589 = arith.index_cast %add3A_588 : i32 to index
      %swap3A_590 = arith.constant 16 : index
      %swap3A_591 = tpu.vector_load %arg8[%swap3A_589, %swap3A_590] {strides = array<i32>} : memref<800x128xf32, #tpu.memory_space<vmem>>, vector<1x16xf32>,
      %swap3A_592 = vector.shape_cast %swap3A_591 : vector<1x16xf32> to vector<16xf32>
      %swap3A_593 = vector.shape_cast %get3A_579 : vector<16xf32> to vector<1x16xf32>
      tpu.vector_store %arg8[%swap3A_589, %swap3A_590], %swap3A_593 {add = true, strides = array<i32>} : memref<800x128xf32, #tpu.memory_space<vmem>>, vector<1x16xf32>,
      %get3A_594 = arith.index_cast %add3A_557 : i32 to index
      %get3A_595 = arith.constant 32 : index
      %get3A_596 = tpu.vector_load %arg9[%get3A_594, %get3A_595] {strides = array<i32>} : memref<200x128xf32, #tpu.memory_space<vmem>>, vector<1x16xf32>,
      %get3A_597 = vector.shape_cast %get3A_596 : vector<1x16xf32> to vector<16xf32>
      %add3A_598 = arith.constant 0 : i32
      %add3A_599 = arith.addi %add3A_598, %add3A_557 : i32
      %swap3A_600 = arith.index_cast %add3A_599 : i32 to index
      %swap3A_601 = arith.constant 32 : index
      %swap3A_602 = tpu.vector_load %arg8[%swap3A_600, %swap3A_601] {strides = array<i32>} : memref<800x128xf32, #tpu.memory_space<vmem>>, vector<1x16xf32>,
      %swap3A_603 = vector.shape_cast %swap3A_602 : vector<1x16xf32> to vector<16xf32>
      %swap3A_604 = vector.shape_cast %get3A_597 : vector<16xf32> to vector<1x16xf32>
      tpu.vector_store %arg8[%swap3A_600, %swap3A_601], %swap3A_604 {add = true, strides = array<i32>} : memref<800x128xf32, #tpu.memory_space<vmem>>, vector<1x16xf32>,
      %add3A_605 = arith.constant 200 : i32
      %add3A_606 = arith.addi %add3A_605, %add3A_557 : i32
      %swap3A_607 = arith.index_cast %add3A_606 : i32 to index
      %swap3A_608 = arith.constant 32 : index
      %swap3A_609 = tpu.vector_load %arg8[%swap3A_607, %swap3A_608] {strides = array<i32>} : memref<800x128xf32, #tpu.memory_space<vmem>>, vector<1x16xf32>,
      %swap3A_610 = vector.shape_cast %swap3A_609 : vector<1x16xf32> to vector<16xf32>
      %swap3A_611 = vector.shape_cast %get3A_597 : vector<16xf32> to vector<1x16xf32>
      tpu.vector_store %arg8[%swap3A_607, %swap3A_608], %swap3A_611 {add = true, strides = array<i32>} : memref<800x128xf32, #tpu.memory_space<vmem>>, vector<1x16xf32>,
      %get3A_612 = arith.index_cast %add3A_557 : i32 to index
      %get3A_613 = arith.constant 48 : index
      %get3A_614 = tpu.vector_load %arg9[%get3A_612, %get3A_613] {strides = array<i32>} : memref<200x128xf32, #tpu.memory_space<vmem>>, vector<1x16xf32>,
      %get3A_615 = vector.shape_cast %get3A_614 : vector<1x16xf32> to vector<16xf32>
      %add3A_616 = arith.constant 0 : i32
      %add3A_617 = arith.addi %add3A_616, %add3A_557 : i32
      %swap3A_618 = arith.index_cast %add3A_617 : i32 to index
      %swap3A_619 = arith.constant 48 : index
      %swap3A_620 = tpu.vector_load %arg8[%swap3A_618, %swap3A_619] {strides = array<i32>} : memref<800x128xf32, #tpu.memory_space<vmem>>, vector<1x16xf32>,
      %swap3A_621 = vector.shape_cast %swap3A_620 : vector<1x16xf32> to vector<16xf32>
      %swap3A_622 = vector.shape_cast %get3A_615 : vector<16xf32> to vector<1x16xf32>
      tpu.vector_store %arg8[%swap3A_618, %swap3A_619], %swap3A_622 {add = true, strides = array<i32>} : memref<800x128xf32, #tpu.memory_space<vmem>>, vector<1x16xf32>,
      %add3A_623 = arith.constant 200 : i32
      %add3A_624 = arith.addi %add3A_623, %add3A_557 : i32
      %swap3A_625 = arith.index_cast %add3A_624 : i32 to index
      %swap3A_626 = arith.constant 48 : index
      %swap3A_627 = tpu.vector_load %arg8[%swap3A_625, %swap3A_626] {strides = array<i32>} : memref<800x128xf32, #tpu.memory_space<vmem>>, vector<1x16xf32>,
      %swap3A_628 = vector.shape_cast %swap3A_627 : vector<1x16xf32> to vector<16xf32>
      %swap3A_629 = vector.shape_cast %get3A_615 : vector<16xf32> to vector<1x16xf32>
      tpu.vector_store %arg8[%swap3A_625, %swap3A_626], %swap3A_629 {add = true, strides = array<i32>} : memref<800x128xf32, #tpu.memory_space<vmem>>, vector<1x16xf32>,
      %get3A_630 = arith.index_cast %add3A_557 : i32 to index
      %get3A_631 = arith.constant 64 : index
      %get3A_632 = tpu.vector_load %arg9[%get3A_630, %get3A_631] {strides = array<i32>} : memref<200x128xf32, #tpu.memory_space<vmem>>, vector<1x16xf32>,
      %get3A_633 = vector.shape_cast %get3A_632 : vector<1x16xf32> to vector<16xf32>
      %add3A_634 = arith.constant 0 : i32
      %add3A_635 = arith.addi %add3A_634, %add3A_557 : i32
      %swap3A_636 = arith.index_cast %add3A_635 : i32 to index
      %swap3A_637 = arith.constant 64 : index
      %swap3A_638 = tpu.vector_load %arg8[%swap3A_636, %swap3A_637] {strides = array<i32>} : memref<800x128xf32, #tpu.memory_space<vmem>>, vector<1x16xf32>,
      %swap3A_639 = vector.shape_cast %swap3A_638 : vector<1x16xf32> to vector<16xf32>
      %swap3A_640 = vector.shape_cast %get3A_633 : vector<16xf32> to vector<1x16xf32>
      tpu.vector_store %arg8[%swap3A_636, %swap3A_637], %swap3A_640 {add = true, strides = array<i32>} : memref<800x128xf32, #tpu.memory_space<vmem>>, vector<1x16xf32>,
      %add3A_641 = arith.constant 200 : i32
      %add3A_642 = arith.addi %add3A_641, %add3A_557 : i32
      %swap3A_643 = arith.index_cast %add3A_642 : i32 to index
      %swap3A_644 = arith.constant 64 : index
      %swap3A_645 = tpu.vector_load %arg8[%swap3A_643, %swap3A_644] {strides = array<i32>} : memref<800x128xf32, #tpu.memory_space<vmem>>, vector<1x16xf32>,
      %swap3A_646 = vector.shape_cast %swap3A_645 : vector<1x16xf32> to vector<16xf32>
      %swap3A_647 = vector.shape_cast %get3A_633 : vector<16xf32> to vector<1x16xf32>
      tpu.vector_store %arg8[%swap3A_643, %swap3A_644], %swap3A_647 {add = true, strides = array<i32>} : memref<800x128xf32, #tpu.memory_space<vmem>>, vector<1x16xf32>,
      %get3A_648 = arith.index_cast %add3A_557 : i32 to index
      %get3A_649 = arith.constant 80 : index
      %get3A_650 = tpu.vector_load %arg9[%get3A_648, %get3A_649] {strides = array<i32>} : memref<200x128xf32, #tpu.memory_space<vmem>>, vector<1x16xf32>,
      %get3A_651 = vector.shape_cast %get3A_650 : vector<1x16xf32> to vector<16xf32>
      %add3A_652 = arith.constant 0 : i32
      %add3A_653 = arith.addi %add3A_652, %add3A_557 : i32
      %swap3A_654 = arith.index_cast %add3A_653 : i32 to index
      %swap3A_655 = arith.constant 80 : index
      %swap3A_656 = tpu.vector_load %arg8[%swap3A_654, %swap3A_655] {strides = array<i32>} : memref<800x128xf32, #tpu.memory_space<vmem>>, vector<1x16xf32>,
      %swap3A_657 = vector.shape_cast %swap3A_656 : vector<1x16xf32> to vector<16xf32>
      %swap3A_658 = vector.shape_cast %get3A_651 : vector<16xf32> to vector<1x16xf32>
      tpu.vector_store %arg8[%swap3A_654, %swap3A_655], %swap3A_658 {add = true, strides = array<i32>} : memref<800x128xf32, #tpu.memory_space<vmem>>, vector<1x16xf32>,
      %add3A_659 = arith.constant 200 : i32
      %add3A_660 = arith.addi %add3A_659, %add3A_557 : i32
      %swap3A_661 = arith.index_cast %add3A_660 : i32 to index
      %swap3A_662 = arith.constant 80 : index
      %swap3A_663 = tpu.vector_load %arg8[%swap3A_661, %swap3A_662] {strides = array<i32>} : memref<800x128xf32, #tpu.memory_space<vmem>>, vector<1x16xf32>,
      %swap3A_664 = vector.shape_cast %swap3A_663 : vector<1x16xf32> to vector<16xf32>
      %swap3A_665 = vector.shape_cast %get3A_651 : vector<16xf32> to vector<1x16xf32>
      tpu.vector_store %arg8[%swap3A_661, %swap3A_662], %swap3A_665 {add = true, strides = array<i32>} : memref<800x128xf32, #tpu.memory_space<vmem>>, vector<1x16xf32>,
      %get3A_666 = arith.index_cast %add3A_557 : i32 to index
      %get3A_667 = arith.constant 96 : index
      %get3A_668 = tpu.vector_load %arg9[%get3A_666, %get3A_667] {strides = array<i32>} : memref<200x128xf32, #tpu.memory_space<vmem>>, vector<1x16xf32>,
      %get3A_669 = vector.shape_cast %get3A_668 : vector<1x16xf32> to vector<16xf32>
      %add3A_670 = arith.constant 0 : i32
      %add3A_671 = arith.addi %add3A_670, %add3A_557 : i32
      %swap3A_672 = arith.index_cast %add3A_671 : i32 to index
      %swap3A_673 = arith.constant 96 : index
      %swap3A_674 = tpu.vector_load %arg8[%swap3A_672, %swap3A_673] {strides = array<i32>} : memref<800x128xf32, #tpu.memory_space<vmem>>, vector<1x16xf32>,
      %swap3A_675 = vector.shape_cast %swap3A_674 : vector<1x16xf32> to vector<16xf32>
      %swap3A_676 = vector.shape_cast %get3A_669 : vector<16xf32> to vector<1x16xf32>
      tpu.vector_store %arg8[%swap3A_672, %swap3A_673], %swap3A_676 {add = true, strides = array<i32>} : memref<800x128xf32, #tpu.memory_space<vmem>>, vector<1x16xf32>,
      %add3A_677 = arith.constant 200 : i32
      %add3A_678 = arith.addi %add3A_677, %add3A_557 : i32
      %swap3A_679 = arith.index_cast %add3A_678 : i32 to index
      %swap3A_680 = arith.constant 96 : index
      %swap3A_681 = tpu.vector_load %arg8[%swap3A_679, %swap3A_680] {strides = array<i32>} : memref<800x128xf32, #tpu.memory_space<vmem>>, vector<1x16xf32>,
      %swap3A_682 = vector.shape_cast %swap3A_681 : vector<1x16xf32> to vector<16xf32>
      %swap3A_683 = vector.shape_cast %get3A_669 : vector<16xf32> to vector<1x16xf32>
      tpu.vector_store %arg8[%swap3A_679, %swap3A_680], %swap3A_683 {add = true, strides = array<i32>} : memref<800x128xf32, #tpu.memory_space<vmem>>, vector<1x16xf32>,
      %get3A_684 = arith.index_cast %add3A_557 : i32 to index
      %get3A_685 = arith.constant 112 : index
      %get3A_686 = tpu.vector_load %arg9[%get3A_684, %get3A_685] {strides = array<i32>} : memref<200x128xf32, #tpu.memory_space<vmem>>, vector<1x16xf32>,
      %get3A_687 = vector.shape_cast %get3A_686 : vector<1x16xf32> to vector<16xf32>
      %add3A_688 = arith.constant 0 : i32
      %add3A_689 = arith.addi %add3A_688, %add3A_557 : i32
      %swap3A_690 = arith.index_cast %add3A_689 : i32 to index
      %swap3A_691 = arith.constant 112 : index
      %swap3A_692 = tpu.vector_load %arg8[%swap3A_690, %swap3A_691] {strides = array<i32>} : memref<800x128xf32, #tpu.memory_space<vmem>>, vector<1x16xf32>,
      %swap3A_693 = vector.shape_cast %swap3A_692 : vector<1x16xf32> to vector<16xf32>
      %swap3A_694 = vector.shape_cast %get3A_687 : vector<16xf32> to vector<1x16xf32>
      tpu.vector_store %arg8[%swap3A_690, %swap3A_691], %swap3A_694 {add = true, strides = array<i32>} : memref<800x128xf32, #tpu.memory_space<vmem>>, vector<1x16xf32>,
      %add3A_695 = arith.constant 200 : i32
      %add3A_696 = arith.addi %add3A_695, %add3A_557 : i32
      %swap3A_697 = arith.index_cast %add3A_696 : i32 to index
      %swap3A_698 = arith.constant 112 : index
      %swap3A_699 = tpu.vector_load %arg8[%swap3A_697, %swap3A_698] {strides = array<i32>} : memref<800x128xf32, #tpu.memory_space<vmem>>, vector<1x16xf32>,
      %swap3A_700 = vector.shape_cast %swap3A_699 : vector<1x16xf32> to vector<16xf32>
      %swap3A_701 = vector.shape_cast %get3A_687 : vector<16xf32> to vector<1x16xf32>
      tpu.vector_store %arg8[%swap3A_697, %swap3A_698], %swap3A_701 {add = true, strides = array<i32>} : memref<800x128xf32, #tpu.memory_space<vmem>>, vector<1x16xf32>,
      %add3A_702 = arith.constant 2 : i32
      %add3A_703 = arith.addi %mul3A_411, %add3A_702 : i32
      %get3A_704 = arith.index_cast %add3A_703 : i32 to index
      %get3A_705 = arith.constant 0 : index
      %get3A_706 = tpu.vector_load %arg9[%get3A_704, %get3A_705] {strides = array<i32>} : memref<200x128xf32, #tpu.memory_space<vmem>>, vector<1x16xf32>,
      %get3A_707 = vector.shape_cast %get3A_706 : vector<1x16xf32> to vector<16xf32>
      %add3A_708 = arith.constant 0 : i32
      %add3A_709 = arith.addi %add3A_708, %add3A_703 : i32
      %swap3A_710 = arith.index_cast %add3A_709 : i32 to index
      %swap3A_711 = arith.constant 0 : index
      %swap3A_712 = tpu.vector_load %arg8[%swap3A_710, %swap3A_711] {strides = array<i32>} : memref<800x128xf32, #tpu.memory_space<vmem>>, vector<1x16xf32>,
      %swap3A_713 = vector.shape_cast %swap3A_712 : vector<1x16xf32> to vector<16xf32>
      %swap3A_714 = vector.shape_cast %get3A_707 : vector<16xf32> to vector<1x16xf32>
      tpu.vector_store %arg8[%swap3A_710, %swap3A_711], %swap3A_714 {add = true, strides = array<i32>} : memref<800x128xf32, #tpu.memory_space<vmem>>, vector<1x16xf32>,
      %add3A_715 = arith.constant 200 : i32
      %add3A_716 = arith.addi %add3A_715, %add3A_703 : i32
      %swap3A_717 = arith.index_cast %add3A_716 : i32 to index
      %swap3A_718 = arith.constant 0 : index
      %swap3A_719 = tpu.vector_load %arg8[%swap3A_717, %swap3A_718] {strides = array<i32>} : memref<800x128xf32, #tpu.memory_space<vmem>>, vector<1x16xf32>,
      %swap3A_720 = vector.shape_cast %swap3A_719 : vector<1x16xf32> to vector<16xf32>
      %swap3A_721 = vector.shape_cast %get3A_707 : vector<16xf32> to vector<1x16xf32>
      tpu.vector_store %arg8[%swap3A_717, %swap3A_718], %swap3A_721 {add = true, strides = array<i32>} : memref<800x128xf32, #tpu.memory_space<vmem>>, vector<1x16xf32>,
      %get3A_722 = arith.index_cast %add3A_703 : i32 to index
      %get3A_723 = arith.constant 16 : index
      %get3A_724 = tpu.vector_load %arg9[%get3A_722, %get3A_723] {strides = array<i32>} : memref<200x128xf32, #tpu.memory_space<vmem>>, vector<1x16xf32>,
      %get3A_725 = vector.shape_cast %get3A_724 : vector<1x16xf32> to vector<16xf32>
      %add3A_726 = arith.constant 0 : i32
      %add3A_727 = arith.addi %add3A_726, %add3A_703 : i32
      %swap3A_728 = arith.index_cast %add3A_727 : i32 to index
      %swap3A_729 = arith.constant 16 : index
      %swap3A_730 = tpu.vector_load %arg8[%swap3A_728, %swap3A_729] {strides = array<i32>} : memref<800x128xf32, #tpu.memory_space<vmem>>, vector<1x16xf32>,
      %swap3A_731 = vector.shape_cast %swap3A_730 : vector<1x16xf32> to vector<16xf32>
      %swap3A_732 = vector.shape_cast %get3A_725 : vector<16xf32> to vector<1x16xf32>
      tpu.vector_store %arg8[%swap3A_728, %swap3A_729], %swap3A_732 {add = true, strides = array<i32>} : memref<800x128xf32, #tpu.memory_space<vmem>>, vector<1x16xf32>,
      %add3A_733 = arith.constant 200 : i32
      %add3A_734 = arith.addi %add3A_733, %add3A_703 : i32
      %swap3A_735 = arith.index_cast %add3A_734 : i32 to index
      %swap3A_736 = arith.constant 16 : index
      %swap3A_737 = tpu.vector_load %arg8[%swap3A_735, %swap3A_736] {strides = array<i32>} : memref<800x128xf32, #tpu.memory_space<vmem>>, vector<1x16xf32>,
      %swap3A_738 = vector.shape_cast %swap3A_737 : vector<1x16xf32> to vector<16xf32>
      %swap3A_739 = vector.shape_cast %get3A_725 : vector<16xf32> to vector<1x16xf32>
      tpu.vector_store %arg8[%swap3A_735, %swap3A_736], %swap3A_739 {add = true, strides = array<i32>} : memref<800x128xf32, #tpu.memory_space<vmem>>, vector<1x16xf32>,
      %get3A_740 = arith.index_cast %add3A_703 : i32 to index
      %get3A_741 = arith.constant 32 : index
      %get3A_742 = tpu.vector_load %arg9[%get3A_740, %get3A_741] {strides = array<i32>} : memref<200x128xf32, #tpu.memory_space<vmem>>, vector<1x16xf32>,
      %get3A_743 = vector.shape_cast %get3A_742 : vector<1x16xf32> to vector<16xf32>
      %add3A_744 = arith.constant 0 : i32
      %add3A_745 = arith.addi %add3A_744, %add3A_703 : i32
      %swap3A_746 = arith.index_cast %add3A_745 : i32 to index
      %swap3A_747 = arith.constant 32 : index
      %swap3A_748 = tpu.vector_load %arg8[%swap3A_746, %swap3A_747] {strides = array<i32>} : memref<800x128xf32, #tpu.memory_space<vmem>>, vector<1x16xf32>,
      %swap3A_749 = vector.shape_cast %swap3A_748 : vector<1x16xf32> to vector<16xf32>
      %swap3A_750 = vector.shape_cast %get3A_743 : vector<16xf32> to vector<1x16xf32>
      tpu.vector_store %arg8[%swap3A_746, %swap3A_747], %swap3A_750 {add = true, strides = array<i32>} : memref<800x128xf32, #tpu.memory_space<vmem>>, vector<1x16xf32>,
      %add3A_751 = arith.constant 200 : i32
      %add3A_752 = arith.addi %add3A_751, %add3A_703 : i32
      %swap3A_753 = arith.index_cast %add3A_752 : i32 to index
      %swap3A_754 = arith.constant 32 : index
      %swap3A_755 = tpu.vector_load %arg8[%swap3A_753, %swap3A_754] {strides = array<i32>} : memref<800x128xf32, #tpu.memory_space<vmem>>, vector<1x16xf32>,
      %swap3A_756 = vector.shape_cast %swap3A_755 : vector<1x16xf32> to vector<16xf32>
      %swap3A_757 = vector.shape_cast %get3A_743 : vector<16xf32> to vector<1x16xf32>
      tpu.vector_store %arg8[%swap3A_753, %swap3A_754], %swap3A_757 {add = true, strides = array<i32>} : memref<800x128xf32, #tpu.memory_space<vmem>>, vector<1x16xf32>,
      %get3A_758 = arith.index_cast %add3A_703 : i32 to index
      %get3A_759 = arith.constant 48 : index
      %get3A_760 = tpu.vector_load %arg9[%get3A_758, %get3A_759] {strides = array<i32>} : memref<200x128xf32, #tpu.memory_space<vmem>>, vector<1x16xf32>,
      %get3A_761 = vector.shape_cast %get3A_760 : vector<1x16xf32> to vector<16xf32>
      %add3A_762 = arith.constant 0 : i32
      %add3A_763 = arith.addi %add3A_762, %add3A_703 : i32
      %swap3A_764 = arith.index_cast %add3A_763 : i32 to index
      %swap3A_765 = arith.constant 48 : index
      %swap3A_766 = tpu.vector_load %arg8[%swap3A_764, %swap3A_765] {strides = array<i32>} : memref<800x128xf32, #tpu.memory_space<vmem>>, vector<1x16xf32>,
      %swap3A_767 = vector.shape_cast %swap3A_766 : vector<1x16xf32> to vector<16xf32>
      %swap3A_768 = vector.shape_cast %get3A_761 : vector<16xf32> to vector<1x16xf32>
      tpu.vector_store %arg8[%swap3A_764, %swap3A_765], %swap3A_768 {add = true, strides = array<i32>} : memref<800x128xf32, #tpu.memory_space<vmem>>, vector<1x16xf32>,
      %add3A_769 = arith.constant 200 : i32
      %add3A_770 = arith.addi %add3A_769, %add3A_703 : i32
      %swap3A_771 = arith.index_cast %add3A_770 : i32 to index
      %swap3A_772 = arith.constant 48 : index
      %swap3A_773 = tpu.vector_load %arg8[%swap3A_771, %swap3A_772] {strides = array<i32>} : memref<800x128xf32, #tpu.memory_space<vmem>>, vector<1x16xf32>,
      %swap3A_774 = vector.shape_cast %swap3A_773 : vector<1x16xf32> to vector<16xf32>
      %swap3A_775 = vector.shape_cast %get3A_761 : vector<16xf32> to vector<1x16xf32>
      tpu.vector_store %arg8[%swap3A_771, %swap3A_772], %swap3A_775 {add = true, strides = array<i32>} : memref<800x128xf32, #tpu.memory_space<vmem>>, vector<1x16xf32>,
      %get3A_776 = arith.index_cast %add3A_703 : i32 to index
      %get3A_777 = arith.constant 64 : index
      %get3A_778 = tpu.vector_load %arg9[%get3A_776, %get3A_777] {strides = array<i32>} : memref<200x128xf32, #tpu.memory_space<vmem>>, vector<1x16xf32>,
      %get3A_779 = vector.shape_cast %get3A_778 : vector<1x16xf32> to vector<16xf32>
      %add3A_780 = arith.constant 0 : i32
      %add3A_781 = arith.addi %add3A_780, %add3A_703 : i32
      %swap3A_782 = arith.index_cast %add3A_781 : i32 to index
      %swap3A_783 = arith.constant 64 : index
      %swap3A_784 = tpu.vector_load %arg8[%swap3A_782, %swap3A_783] {strides = array<i32>} : memref<800x128xf32, #tpu.memory_space<vmem>>, vector<1x16xf32>,
      %swap3A_785 = vector.shape_cast %swap3A_784 : vector<1x16xf32> to vector<16xf32>
      %swap3A_786 = vector.shape_cast %get3A_779 : vector<16xf32> to vector<1x16xf32>
      tpu.vector_store %arg8[%swap3A_782, %swap3A_783], %swap3A_786 {add = true, strides = array<i32>} : memref<800x128xf32, #tpu.memory_space<vmem>>, vector<1x16xf32>,
      %add3A_787 = arith.constant 200 : i32
      %add3A_788 = arith.addi %add3A_787, %add3A_703 : i32
      %swap3A_789 = arith.index_cast %add3A_788 : i32 to index
      %swap3A_790 = arith.constant 64 : index
      %swap3A_791 = tpu.vector_load %arg8[%swap3A_789, %swap3A_790] {strides = array<i32>} : memref<800x128xf32, #tpu.memory_space<vmem>>, vector<1x16xf32>,
      %swap3A_792 = vector.shape_cast %swap3A_791 : vector<1x16xf32> to vector<16xf32>
      %swap3A_793 = vector.shape_cast %get3A_779 : vector<16xf32> to vector<1x16xf32>
      tpu.vector_store %arg8[%swap3A_789, %swap3A_790], %swap3A_793 {add = true, strides = array<i32>} : memref<800x128xf32, #tpu.memory_space<vmem>>, vector<1x16xf32>,
      %get3A_794 = arith.index_cast %add3A_703 : i32 to index
      %get3A_795 = arith.constant 80 : index
      %get3A_796 = tpu.vector_load %arg9[%get3A_794, %get3A_795] {strides = array<i32>} : memref<200x128xf32, #tpu.memory_space<vmem>>, vector<1x16xf32>,
      %get3A_797 = vector.shape_cast %get3A_796 : vector<1x16xf32> to vector<16xf32>
      %add3A_798 = arith.constant 0 : i32
      %add3A_799 = arith.addi %add3A_798, %add3A_703 : i32
      %swap3A_800 = arith.index_cast %add3A_799 : i32 to index
      %swap3A_801 = arith.constant 80 : index
      %swap3A_802 = tpu.vector_load %arg8[%swap3A_800, %swap3A_801] {strides = array<i32>} : memref<800x128xf32, #tpu.memory_space<vmem>>, vector<1x16xf32>,
      %swap3A_803 = vector.shape_cast %swap3A_802 : vector<1x16xf32> to vector<16xf32>
      %swap3A_804 = vector.shape_cast %get3A_797 : vector<16xf32> to vector<1x16xf32>
      tpu.vector_store %arg8[%swap3A_800, %swap3A_801], %swap3A_804 {add = true, strides = array<i32>} : memref<800x128xf32, #tpu.memory_space<vmem>>, vector<1x16xf32>,
      %add3A_805 = arith.constant 200 : i32
      %add3A_806 = arith.addi %add3A_805, %add3A_703 : i32
      %swap3A_807 = arith.index_cast %add3A_806 : i32 to index
      %swap3A_808 = arith.constant 80 : index
      %swap3A_809 = tpu.vector_load %arg8[%swap3A_807, %swap3A_808] {strides = array<i32>} : memref<800x128xf32, #tpu.memory_space<vmem>>, vector<1x16xf32>,
      %swap3A_810 = vector.shape_cast %swap3A_809 : vector<1x16xf32> to vector<16xf32>
      %swap3A_811 = vector.shape_cast %get3A_797 : vector<16xf32> to vector<1x16xf32>
      tpu.vector_store %arg8[%swap3A_807, %swap3A_808], %swap3A_811 {add = true, strides = array<i32>} : memref<800x128xf32, #tpu.memory_space<vmem>>, vector<1x16xf32>,
      %get3A_812 = arith.index_cast %add3A_703 : i32 to index
      %get3A_813 = arith.constant 96 : index
      %get3A_814 = tpu.vector_load %arg9[%get3A_812, %get3A_813] {strides = array<i32>} : memref<200x128xf32, #tpu.memory_space<vmem>>, vector<1x16xf32>,
      %get3A_815 = vector.shape_cast %get3A_814 : vector<1x16xf32> to vector<16xf32>
      %add3A_816 = arith.constant 0 : i32
      %add3A_817 = arith.addi %add3A_816, %add3A_703 : i32
      %swap3A_818 = arith.index_cast %add3A_817 : i32 to index
      %swap3A_819 = arith.constant 96 : index
      %swap3A_820 = tpu.vector_load %arg8[%swap3A_818, %swap3A_819] {strides = array<i32>} : memref<800x128xf32, #tpu.memory_space<vmem>>, vector<1x16xf32>,
      %swap3A_821 = vector.shape_cast %swap3A_820 : vector<1x16xf32> to vector<16xf32>
      %swap3A_822 = vector.shape_cast %get3A_815 : vector<16xf32> to vector<1x16xf32>
      tpu.vector_store %arg8[%swap3A_818, %swap3A_819], %swap3A_822 {add = true, strides = array<i32>} : memref<800x128xf32, #tpu.memory_space<vmem>>, vector<1x16xf32>,
      %add3A_823 = arith.constant 200 : i32
      %add3A_824 = arith.addi %add3A_823, %add3A_703 : i32
      %swap3A_825 = arith.index_cast %add3A_824 : i32 to index
      %swap3A_826 = arith.constant 96 : index
      %swap3A_827 = tpu.vector_load %arg8[%swap3A_825, %swap3A_826] {strides = array<i32>} : memref<800x128xf32, #tpu.memory_space<vmem>>, vector<1x16xf32>,
      %swap3A_828 = vector.shape_cast %swap3A_827 : vector<1x16xf32> to vector<16xf32>
      %swap3A_829 = vector.shape_cast %get3A_815 : vector<16xf32> to vector<1x16xf32>
      tpu.vector_store %arg8[%swap3A_825, %swap3A_826], %swap3A_829 {add = true, strides = array<i32>} : memref<800x128xf32, #tpu.memory_space<vmem>>, vector<1x16xf32>,
      %get3A_830 = arith.index_cast %add3A_703 : i32 to index
      %get3A_831 = arith.constant 112 : index
      %get3A_832 = tpu.vector_load %arg9[%get3A_830, %get3A_831] {strides = array<i32>} : memref<200x128xf32, #tpu.memory_space<vmem>>, vector<1x16xf32>,
      %get3A_833 = vector.shape_cast %get3A_832 : vector<1x16xf32> to vector<16xf32>
      %add3A_834 = arith.constant 0 : i32
      %add3A_835 = arith.addi %add3A_834, %add3A_703 : i32
      %swap3A_836 = arith.index_cast %add3A_835 : i32 to index
      %swap3A_837 = arith.constant 112 : index
      %swap3A_838 = tpu.vector_load %arg8[%swap3A_836, %swap3A_837] {strides = array<i32>} : memref<800x128xf32, #tpu.memory_space<vmem>>, vector<1x16xf32>,
      %swap3A_839 = vector.shape_cast %swap3A_838 : vector<1x16xf32> to vector<16xf32>
      %swap3A_840 = vector.shape_cast %get3A_833 : vector<16xf32> to vector<1x16xf32>
      tpu.vector_store %arg8[%swap3A_836, %swap3A_837], %swap3A_840 {add = true, strides = array<i32>} : memref<800x128xf32, #tpu.memory_space<vmem>>, vector<1x16xf32>,
      %add3A_841 = arith.constant 200 : i32
      %add3A_842 = arith.addi %add3A_841, %add3A_703 : i32
      %swap3A_843 = arith.index_cast %add3A_842 : i32 to index
      %swap3A_844 = arith.constant 112 : index
      %swap3A_845 = tpu.vector_load %arg8[%swap3A_843, %swap3A_844] {strides = array<i32>} : memref<800x128xf32, #tpu.memory_space<vmem>>, vector<1x16xf32>,
      %swap3A_846 = vector.shape_cast %swap3A_845 : vector<1x16xf32> to vector<16xf32>
      %swap3A_847 = vector.shape_cast %get3A_833 : vector<16xf32> to vector<1x16xf32>
      tpu.vector_store %arg8[%swap3A_843, %swap3A_844], %swap3A_847 {add = true, strides = array<i32>} : memref<800x128xf32, #tpu.memory_space<vmem>>, vector<1x16xf32>,
      %add3A_848 = arith.constant 3 : i32
      %add3A_849 = arith.addi %mul3A_411, %add3A_848 : i32
      %get3A_850 = arith.index_cast %add3A_849 : i32 to index
      %get3A_851 = arith.constant 0 : index
      %get3A_852 = tpu.vector_load %arg9[%get3A_850, %get3A_851] {strides = array<i32>} : memref<200x128xf32, #tpu.memory_space<vmem>>, vector<1x16xf32>,
      %get3A_853 = vector.shape_cast %get3A_852 : vector<1x16xf32> to vector<16xf32>
      %add3A_854 = arith.constant 0 : i32
      %add3A_855 = arith.addi %add3A_854, %add3A_849 : i32
      %swap3A_856 = arith.index_cast %add3A_855 : i32 to index
      %swap3A_857 = arith.constant 0 : index
      %swap3A_858 = tpu.vector_load %arg8[%swap3A_856, %swap3A_857] {strides = array<i32>} : memref<800x128xf32, #tpu.memory_space<vmem>>, vector<1x16xf32>,
      %swap3A_859 = vector.shape_cast %swap3A_858 : vector<1x16xf32> to vector<16xf32>
      %swap3A_860 = vector.shape_cast %get3A_853 : vector<16xf32> to vector<1x16xf32>
      tpu.vector_store %arg8[%swap3A_856, %swap3A_857], %swap3A_860 {add = true, strides = array<i32>} : memref<800x128xf32, #tpu.memory_space<vmem>>, vector<1x16xf32>,
      %add3A_861 = arith.constant 200 : i32
      %add3A_862 = arith.addi %add3A_861, %add3A_849 : i32
      %swap3A_863 = arith.index_cast %add3A_862 : i32 to index
      %swap3A_864 = arith.constant 0 : index
      %swap3A_865 = tpu.vector_load %arg8[%swap3A_863, %swap3A_864] {strides = array<i32>} : memref<800x128xf32, #tpu.memory_space<vmem>>, vector<1x16xf32>,
      %swap3A_866 = vector.shape_cast %swap3A_865 : vector<1x16xf32> to vector<16xf32>
      %swap3A_867 = vector.shape_cast %get3A_853 : vector<16xf32> to vector<1x16xf32>
      tpu.vector_store %arg8[%swap3A_863, %swap3A_864], %swap3A_867 {add = true, strides = array<i32>} : memref<800x128xf32, #tpu.memory_space<vmem>>, vector<1x16xf32>,
      %get3A_868 = arith.index_cast %add3A_849 : i32 to index
      %get3A_869 = arith.constant 16 : index
      %get3A_870 = tpu.vector_load %arg9[%get3A_868, %get3A_869] {strides = array<i32>} : memref<200x128xf32, #tpu.memory_space<vmem>>, vector<1x16xf32>,
      %get3A_871 = vector.shape_cast %get3A_870 : vector<1x16xf32> to vector<16xf32>
      %add3A_872 = arith.constant 0 : i32
      %add3A_873 = arith.addi %add3A_872, %add3A_849 : i32
      %swap3A_874 = arith.index_cast %add3A_873 : i32 to index
      %swap3A_875 = arith.constant 16 : index
      %swap3A_876 = tpu.vector_load %arg8[%swap3A_874, %swap3A_875] {strides = array<i32>} : memref<800x128xf32, #tpu.memory_space<vmem>>, vector<1x16xf32>,
      %swap3A_877 = vector.shape_cast %swap3A_876 : vector<1x16xf32> to vector<16xf32>
      %swap3A_878 = vector.shape_cast %get3A_871 : vector<16xf32> to vector<1x16xf32>
      tpu.vector_store %arg8[%swap3A_874, %swap3A_875], %swap3A_878 {add = true, strides = array<i32>} : memref<800x128xf32, #tpu.memory_space<vmem>>, vector<1x16xf32>,
      %add3A_879 = arith.constant 200 : i32
      %add3A_880 = arith.addi %add3A_879, %add3A_849 : i32
      %swap3A_881 = arith.index_cast %add3A_880 : i32 to index
      %swap3A_882 = arith.constant 16 : index
      %swap3A_883 = tpu.vector_load %arg8[%swap3A_881, %swap3A_882] {strides = array<i32>} : memref<800x128xf32, #tpu.memory_space<vmem>>, vector<1x16xf32>,
      %swap3A_884 = vector.shape_cast %swap3A_883 : vector<1x16xf32> to vector<16xf32>
      %swap3A_885 = vector.shape_cast %get3A_871 : vector<16xf32> to vector<1x16xf32>
      tpu.vector_store %arg8[%swap3A_881, %swap3A_882], %swap3A_885 {add = true, strides = array<i32>} : memref<800x128xf32, #tpu.memory_space<vmem>>, vector<1x16xf32>,
      %get3A_886 = arith.index_cast %add3A_849 : i32 to index
      %get3A_887 = arith.constant 32 : index
      %get3A_888 = tpu.vector_load %arg9[%get3A_886, %get3A_887] {strides = array<i32>} : memref<200x128xf32, #tpu.memory_space<vmem>>, vector<1x16xf32>,
      %get3A_889 = vector.shape_cast %get3A_888 : vector<1x16xf32> to vector<16xf32>
      %add3A_890 = arith.constant 0 : i32
      %add3A_891 = arith.addi %add3A_890, %add3A_849 : i32
      %swap3A_892 = arith.index_cast %add3A_891 : i32 to index
      %swap3A_893 = arith.constant 32 : index
      %swap3A_894 = tpu.vector_load %arg8[%swap3A_892, %swap3A_893] {strides = array<i32>} : memref<800x128xf32, #tpu.memory_space<vmem>>, vector<1x16xf32>,
      %swap3A_895 = vector.shape_cast %swap3A_894 : vector<1x16xf32> to vector<16xf32>
      %swap3A_896 = vector.shape_cast %get3A_889 : vector<16xf32> to vector<1x16xf32>
      tpu.vector_store %arg8[%swap3A_892, %swap3A_893], %swap3A_896 {add = true, strides = array<i32>} : memref<800x128xf32, #tpu.memory_space<vmem>>, vector<1x16xf32>,
      %add3A_897 = arith.constant 200 : i32
      %add3A_898 = arith.addi %add3A_897, %add3A_849 : i32
      %swap3A_899 = arith.index_cast %add3A_898 : i32 to index
      %swap3A_900 = arith.constant 32 : index
      %swap3A_901 = tpu.vector_load %arg8[%swap3A_899, %swap3A_900] {strides = array<i32>} : memref<800x128xf32, #tpu.memory_space<vmem>>, vector<1x16xf32>,
      %swap3A_902 = vector.shape_cast %swap3A_901 : vector<1x16xf32> to vector<16xf32>
      %swap3A_903 = vector.shape_cast %get3A_889 : vector<16xf32> to vector<1x16xf32>
      tpu.vector_store %arg8[%swap3A_899, %swap3A_900], %swap3A_903 {add = true, strides = array<i32>} : memref<800x128xf32, #tpu.memory_space<vmem>>, vector<1x16xf32>,
      %get3A_904 = arith.index_cast %add3A_849 : i32 to index
      %get3A_905 = arith.constant 48 : index
      %get3A_906 = tpu.vector_load %arg9[%get3A_904, %get3A_905] {strides = array<i32>} : memref<200x128xf32, #tpu.memory_space<vmem>>, vector<1x16xf32>,
      %get3A_907 = vector.shape_cast %get3A_906 : vector<1x16xf32> to vector<16xf32>
      %add3A_908 = arith.constant 0 : i32
      %add3A_909 = arith.addi %add3A_908, %add3A_849 : i32
      %swap3A_910 = arith.index_cast %add3A_909 : i32 to index
      %swap3A_911 = arith.constant 48 : index
      %swap3A_912 = tpu.vector_load %arg8[%swap3A_910, %swap3A_911] {strides = array<i32>} : memref<800x128xf32, #tpu.memory_space<vmem>>, vector<1x16xf32>,
      %swap3A_913 = vector.shape_cast %swap3A_912 : vector<1x16xf32> to vector<16xf32>
      %swap3A_914 = vector.shape_cast %get3A_907 : vector<16xf32> to vector<1x16xf32>
      tpu.vector_store %arg8[%swap3A_910, %swap3A_911], %swap3A_914 {add = true, strides = array<i32>} : memref<800x128xf32, #tpu.memory_space<vmem>>, vector<1x16xf32>,
      %add3A_915 = arith.constant 200 : i32
      %add3A_916 = arith.addi %add3A_915, %add3A_849 : i32
      %swap3A_917 = arith.index_cast %add3A_916 : i32 to index
      %swap3A_918 = arith.constant 48 : index
      %swap3A_919 = tpu.vector_load %arg8[%swap3A_917, %swap3A_918] {strides = array<i32>} : memref<800x128xf32, #tpu.memory_space<vmem>>, vector<1x16xf32>,
      %swap3A_920 = vector.shape_cast %swap3A_919 : vector<1x16xf32> to vector<16xf32>
      %swap3A_921 = vector.shape_cast %get3A_907 : vector<16xf32> to vector<1x16xf32>
      tpu.vector_store %arg8[%swap3A_917, %swap3A_918], %swap3A_921 {add = true, strides = array<i32>} : memref<800x128xf32, #tpu.memory_space<vmem>>, vector<1x16xf32>,
      %get3A_922 = arith.index_cast %add3A_849 : i32 to index
      %get3A_923 = arith.constant 64 : index
      %get3A_924 = tpu.vector_load %arg9[%get3A_922, %get3A_923] {strides = array<i32>} : memref<200x128xf32, #tpu.memory_space<vmem>>, vector<1x16xf32>,
      %get3A_925 = vector.shape_cast %get3A_924 : vector<1x16xf32> to vector<16xf32>
      %add3A_926 = arith.constant 0 : i32
      %add3A_927 = arith.addi %add3A_926, %add3A_849 : i32
      %swap3A_928 = arith.index_cast %add3A_927 : i32 to index
      %swap3A_929 = arith.constant 64 : index
      %swap3A_930 = tpu.vector_load %arg8[%swap3A_928, %swap3A_929] {strides = array<i32>} : memref<800x128xf32, #tpu.memory_space<vmem>>, vector<1x16xf32>,
      %swap3A_931 = vector.shape_cast %swap3A_930 : vector<1x16xf32> to vector<16xf32>
      %swap3A_932 = vector.shape_cast %get3A_925 : vector<16xf32> to vector<1x16xf32>
      tpu.vector_store %arg8[%swap3A_928, %swap3A_929], %swap3A_932 {add = true, strides = array<i32>} : memref<800x128xf32, #tpu.memory_space<vmem>>, vector<1x16xf32>,
      %add3A_933 = arith.constant 200 : i32
      %add3A_934 = arith.addi %add3A_933, %add3A_849 : i32
      %swap3A_935 = arith.index_cast %add3A_934 : i32 to index
      %swap3A_936 = arith.constant 64 : index
      %swap3A_937 = tpu.vector_load %arg8[%swap3A_935, %swap3A_936] {strides = array<i32>} : memref<800x128xf32, #tpu.memory_space<vmem>>, vector<1x16xf32>,
      %swap3A_938 = vector.shape_cast %swap3A_937 : vector<1x16xf32> to vector<16xf32>
      %swap3A_939 = vector.shape_cast %get3A_925 : vector<16xf32> to vector<1x16xf32>
      tpu.vector_store %arg8[%swap3A_935, %swap3A_936], %swap3A_939 {add = true, strides = array<i32>} : memref<800x128xf32, #tpu.memory_space<vmem>>, vector<1x16xf32>,
      %get3A_940 = arith.index_cast %add3A_849 : i32 to index
      %get3A_941 = arith.constant 80 : index
      %get3A_942 = tpu.vector_load %arg9[%get3A_940, %get3A_941] {strides = array<i32>} : memref<200x128xf32, #tpu.memory_space<vmem>>, vector<1x16xf32>,
      %get3A_943 = vector.shape_cast %get3A_942 : vector<1x16xf32> to vector<16xf32>
      %add3A_944 = arith.constant 0 : i32
      %add3A_945 = arith.addi %add3A_944, %add3A_849 : i32
      %swap3A_946 = arith.index_cast %add3A_945 : i32 to index
      %swap3A_947 = arith.constant 80 : index
      %swap3A_948 = tpu.vector_load %arg8[%swap3A_946, %swap3A_947] {strides = array<i32>} : memref<800x128xf32, #tpu.memory_space<vmem>>, vector<1x16xf32>,
      %swap3A_949 = vector.shape_cast %swap3A_948 : vector<1x16xf32> to vector<16xf32>
      %swap3A_950 = vector.shape_cast %get3A_943 : vector<16xf32> to vector<1x16xf32>
      tpu.vector_store %arg8[%swap3A_946, %swap3A_947], %swap3A_950 {add = true, strides = array<i32>} : memref<800x128xf32, #tpu.memory_space<vmem>>, vector<1x16xf32>,
      %add3A_951 = arith.constant 200 : i32
      %add3A_952 = arith.addi %add3A_951, %add3A_849 : i32
      %swap3A_953 = arith.index_cast %add3A_952 : i32 to index
      %swap3A_954 = arith.constant 80 : index
      %swap3A_955 = tpu.vector_load %arg8[%swap3A_953, %swap3A_954] {strides = array<i32>} : memref<800x128xf32, #tpu.memory_space<vmem>>, vector<1x16xf32>,
      %swap3A_956 = vector.shape_cast %swap3A_955 : vector<1x16xf32> to vector<16xf32>
      %swap3A_957 = vector.shape_cast %get3A_943 : vector<16xf32> to vector<1x16xf32>
      tpu.vector_store %arg8[%swap3A_953, %swap3A_954], %swap3A_957 {add = true, strides = array<i32>} : memref<800x128xf32, #tpu.memory_space<vmem>>, vector<1x16xf32>,
      %get3A_958 = arith.index_cast %add3A_849 : i32 to index
      %get3A_959 = arith.constant 96 : index
      %get3A_960 = tpu.vector_load %arg9[%get3A_958, %get3A_959] {strides = array<i32>} : memref<200x128xf32, #tpu.memory_space<vmem>>, vector<1x16xf32>,
      %get3A_961 = vector.shape_cast %get3A_960 : vector<1x16xf32> to vector<16xf32>
      %add3A_962 = arith.constant 0 : i32
      %add3A_963 = arith.addi %add3A_962, %add3A_849 : i32
      %swap3A_964 = arith.index_cast %add3A_963 : i32 to index
      %swap3A_965 = arith.constant 96 : index
      %swap3A_966 = tpu.vector_load %arg8[%swap3A_964, %swap3A_965] {strides = array<i32>} : memref<800x128xf32, #tpu.memory_space<vmem>>, vector<1x16xf32>,
      %swap3A_967 = vector.shape_cast %swap3A_966 : vector<1x16xf32> to vector<16xf32>
      %swap3A_968 = vector.shape_cast %get3A_961 : vector<16xf32> to vector<1x16xf32>
      tpu.vector_store %arg8[%swap3A_964, %swap3A_965], %swap3A_968 {add = true, strides = array<i32>} : memref<800x128xf32, #tpu.memory_space<vmem>>, vector<1x16xf32>,
      %add3A_969 = arith.constant 200 : i32
      %add3A_970 = arith.addi %add3A_969, %add3A_849 : i32
      %swap3A_971 = arith.index_cast %add3A_970 : i32 to index
      %swap3A_972 = arith.constant 96 : index
      %swap3A_973 = tpu.vector_load %arg8[%swap3A_971, %swap3A_972] {strides = array<i32>} : memref<800x128xf32, #tpu.memory_space<vmem>>, vector<1x16xf32>,
      %swap3A_974 = vector.shape_cast %swap3A_973 : vector<1x16xf32> to vector<16xf32>
      %swap3A_975 = vector.shape_cast %get3A_961 : vector<16xf32> to vector<1x16xf32>
      tpu.vector_store %arg8[%swap3A_971, %swap3A_972], %swap3A_975 {add = true, strides = array<i32>} : memref<800x128xf32, #tpu.memory_space<vmem>>, vector<1x16xf32>,
      %get3A_976 = arith.index_cast %add3A_849 : i32 to index
      %get3A_977 = arith.constant 112 : index
      %get3A_978 = tpu.vector_load %arg9[%get3A_976, %get3A_977] {strides = array<i32>} : memref<200x128xf32, #tpu.memory_space<vmem>>, vector<1x16xf32>,
      %get3A_979 = vector.shape_cast %get3A_978 : vector<1x16xf32> to vector<16xf32>
      %add3A_980 = arith.constant 0 : i32
      %add3A_981 = arith.addi %add3A_980, %add3A_849 : i32
      %swap3A_982 = arith.index_cast %add3A_981 : i32 to index
      %swap3A_983 = arith.constant 112 : index
      %swap3A_984 = tpu.vector_load %arg8[%swap3A_982, %swap3A_983] {strides = array<i32>} : memref<800x128xf32, #tpu.memory_space<vmem>>, vector<1x16xf32>,
      %swap3A_985 = vector.shape_cast %swap3A_984 : vector<1x16xf32> to vector<16xf32>
      %swap3A_986 = vector.shape_cast %get3A_979 : vector<16xf32> to vector<1x16xf32>
      tpu.vector_store %arg8[%swap3A_982, %swap3A_983], %swap3A_986 {add = true, strides = array<i32>} : memref<800x128xf32, #tpu.memory_space<vmem>>, vector<1x16xf32>,
      %add3A_987 = arith.constant 200 : i32
      %add3A_988 = arith.addi %add3A_987, %add3A_849 : i32
      %swap3A_989 = arith.index_cast %add3A_988 : i32 to index
      %swap3A_990 = arith.constant 112 : index
      %swap3A_991 = tpu.vector_load %arg8[%swap3A_989, %swap3A_990] {strides = array<i32>} : memref<800x128xf32, #tpu.memory_space<vmem>>, vector<1x16xf32>,
      %swap3A_992 = vector.shape_cast %swap3A_991 : vector<1x16xf32> to vector<16xf32>
      %swap3A_993 = vector.shape_cast %get3A_979 : vector<16xf32> to vector<1x16xf32>
      tpu.vector_store %arg8[%swap3A_989, %swap3A_990], %swap3A_993 {add = true, strides = array<i32>} : memref<800x128xf32, #tpu.memory_space<vmem>>, vector<1x16xf32>,
    }
    %scan3A_120 = arith.constant 50 : i32
    %add3A_121 = arith.constant 0 : i32
    %add3A_122 = arith.addi %mul3A_2, %add3A_121 : i32
    %dma_start3A_123 = arith.constant 0 : i32
    %dma_start3A_124 = arith.constant 0 : i32
    %dma_start3A_125 = tpu.memref_slice %arg8[%dma_start3A_123, %dma_start3A_124] : memref<800x128xf32, #tpu.memory_space<vmem>> -> memref<400x128xf32, #tpu.memory_space<vmem>>
    %dma_start3A_126 = arith.constant 0 : i32
    %dma_start3A_127 = tpu.memref_slice %arg5[%add3A_122, %dma_start3A_126] : memref<204800x128xf32, #tpu.memory_space<hbm>> -> memref<400x128xf32, #tpu.memory_space<hbm>>
    %dma_start3A_128 = arith.constant 0 : i32
    %dma_start3A_129 = tpu.memref_slice %arg5[%add3A_122, %dma_start3A_128] : memref<204800x128xf32, #tpu.memory_space<hbm>> -> memref<400x128xf32, #tpu.memory_space<hbm>>
    %dma_start3A_130 = arith.constant 0 : i32
    %dma_start3A_131 = arith.constant 0 : i32
    %dma_start3A_132 = tpu.memref_slice %arg8[%dma_start3A_130, %dma_start3A_131] : memref<800x128xf32, #tpu.memory_space<vmem>> -> memref<400x128xf32, #tpu.memory_space<vmem>>
    tpu.enqueue_dma source(%dma_start3A_132 : memref<400x128xf32, #tpu.memory_space<vmem>>) target(%dma_start3A_129 : memref<400x128xf32, #tpu.memory_space<hbm>>) target_semaphore(%arg13 : memref<!tpu.dma_semaphore, #tpu.memory_space<semaphore_mem>>)
    %scan3A_133 = arith.constant 1 : i32
    %scan3A_134 = arith.constant 6 : i32
    %scan3A_135 = arith.addi %scan3A_133, %scan3A_134 : i32
    %scan3A_136 = arith.constant 1 : i32
    scf.for %scan3A_409 = %scan3A_133 to %scan3A_135 step %scan3A_136  : i32 {
      %mul3A_410 = arith.constant 2 : i32
      %mul3A_411 = arith.muli %mul3A_410, %scan3A_409 : i32
      %mul3A_412 = arith.constant 2 : i32
      %mul3A_413 = arith.muli %mul3A_411, %mul3A_412 : i32
      %mul3A_414 = arith.constant 200 : i32
      %mul3A_415 = arith.muli %mul3A_413, %mul3A_414 : i32
      %add3A_416 = arith.addi %mul3A_2, %mul3A_415 : i32
      %dma_wait3A_417 = tpu.memref_slice %arg2[%add3A_416] : memref<204800xi32, #tpu.memory_space<hbm>> -> memref<400xi32, #tpu.memory_space<hbm>>
      %dma_wait3A_418 = tpu.memref_slice %arg2[%add3A_416] : memref<204800xi32, #tpu.memory_space<hbm>> -> memref<400xi32, #tpu.memory_space<hbm>>
      tpu.wait_dma2 semaphore(%arg11 : memref<!tpu.dma_semaphore, #tpu.memory_space<semaphore_mem>>) src(%dma_wait3A_418 : memref<400xi32, #tpu.memory_space<hbm>>) dst(%arg6 : memref<400xi32, #tpu.memory_space<vmem>>)
      %sub3A = arith.constant 2 : i32
      %sub3A_419 = arith.subi %mul3A_411, %sub3A : i32
      %mul3A_420 = arith.constant 2 : i32
      %mul3A_421 = arith.muli %sub3A_419, %mul3A_420 : i32
      %mul3A_422 = arith.constant 200 : i32
      %mul3A_423 = arith.muli %mul3A_421, %mul3A_422 : i32
      %add3A_424 = arith.addi %mul3A_2, %mul3A_423 : i32
      %dma_wait3A_425 = arith.constant 0 : i32
      %dma_wait3A_426 = arith.constant 0 : i32
      %dma_wait3A_427 = tpu.memref_slice %arg8[%dma_wait3A_425, %dma_wait3A_426] : memref<800x128xf32, #tpu.memory_space<vmem>> -> memref<400x128xf32, #tpu.memory_space<vmem>>
      %dma_wait3A_428 = arith.constant 0 : i32
      %dma_wait3A_429 = tpu.memref_slice %arg5[%add3A_424, %dma_wait3A_428] : memref<204800x128xf32, #tpu.memory_space<hbm>> -> memref<400x128xf32, #tpu.memory_space<hbm>>
      %dma_wait3A_430 = arith.constant 0 : i32
      %dma_wait3A_431 = tpu.memref_slice %arg5[%add3A_424, %dma_wait3A_430] : memref<204800x128xf32, #tpu.memory_space<hbm>> -> memref<400x128xf32, #tpu.memory_space<hbm>>
      %dma_wait3A_432 = arith.constant 0 : i32
      %dma_wait3A_433 = arith.constant 0 : i32
      %dma_wait3A_434 = tpu.memref_slice %arg8[%dma_wait3A_432, %dma_wait3A_433] : memref<800x128xf32, #tpu.memory_space<vmem>> -> memref<400x128xf32, #tpu.memory_space<vmem>>
      tpu.wait_dma2 semaphore(%arg13 : memref<!tpu.dma_semaphore, #tpu.memory_space<semaphore_mem>>) src(%dma_wait3A_434 : memref<400x128xf32, #tpu.memory_space<vmem>>) dst(%dma_wait3A_431 : memref<400x128xf32, #tpu.memory_space<hbm>>)
      %dma_start3A_435 = arith.constant 0 : i32
      %dma_start3A_436 = arith.constant 0 : i32
      %dma_start3A_437 = tpu.memref_slice %arg8[%dma_start3A_435, %dma_start3A_436] : memref<800x128xf32, #tpu.memory_space<vmem>> -> memref<104x128xf32, #tpu.memory_space<vmem>>
      %dma_start3A_438 = arith.constant 0 : i32
      %dma_start3A_439 = tpu.memref_slice %arg6[%dma_start3A_438] : memref<400xi32, #tpu.memory_space<vmem>> -> memref<104xi32, #tpu.memory_space<vmem>>
      %dma_start3A_440 = arith.constant 0 : i32
      %dma_start3A_441 = arith.constant 0 : i32
      %dma_start3A_442 = tpu.memref_slice %arg3[%dma_start3A_440, %dma_start3A_441] : memref<100000x128xf32, #tpu.memory_space<hbm>> -> memref<100000x128xf32, #tpu.memory_space<hbm>>
      tpu.enqueue_indirect_dma source(%dma_start3A_442 : memref<100000x128xf32, #tpu.memory_space<hbm>>) target(%dma_start3A_437 : memref<104x128xf32, #tpu.memory_space<vmem>>) offsets(%dma_start3A_439 : memref<104xi32, #tpu.memory_space<vmem>>) semaphore(%arg10 : memref<!tpu.dma_semaphore, #tpu.memory_space<semaphore_mem>>)
      %dma_start3A_443 = arith.constant 104 : i32
      %dma_start3A_444 = arith.constant 0 : i32
      %dma_start3A_445 = tpu.memref_slice %arg8[%dma_start3A_443, %dma_start3A_444] : memref<800x128xf32, #tpu.memory_space<vmem>> -> memref<96x128xf32, #tpu.memory_space<vmem>>
      %dma_start3A_446 = arith.constant 104 : i32
      %dma_start3A_447 = tpu.memref_slice %arg6[%dma_start3A_446] : memref<400xi32, #tpu.memory_space<vmem>> -> memref<96xi32, #tpu.memory_space<vmem>>
      %dma_start3A_448 = arith.constant 0 : i32
      %dma_start3A_449 = arith.constant 0 : i32
      %dma_start3A_450 = tpu.memref_slice %arg3[%dma_start3A_448, %dma_start3A_449] : memref<100000x128xf32, #tpu.memory_space<hbm>> -> memref<100000x128xf32, #tpu.memory_space<hbm>>
      tpu.enqueue_indirect_dma source(%dma_start3A_450 : memref<100000x128xf32, #tpu.memory_space<hbm>>) target(%dma_start3A_445 : memref<96x128xf32, #tpu.memory_space<vmem>>) offsets(%dma_start3A_447 : memref<96xi32, #tpu.memory_space<vmem>>) semaphore(%arg10 : memref<!tpu.dma_semaphore, #tpu.memory_space<semaphore_mem>>)
      %dma_start3A_451 = arith.constant 200 : i32
      %dma_start3A_452 = arith.constant 0 : i32
      %dma_start3A_453 = tpu.memref_slice %arg8[%dma_start3A_451, %dma_start3A_452] : memref<800x128xf32, #tpu.memory_space<vmem>> -> memref<104x128xf32, #tpu.memory_space<vmem>>
      %dma_start3A_454 = arith.constant 200 : i32
      %dma_start3A_455 = tpu.memref_slice %arg6[%dma_start3A_454] : memref<400xi32, #tpu.memory_space<vmem>> -> memref<104xi32, #tpu.memory_space<vmem>>
      %dma_start3A_456 = arith.constant 0 : i32
      %dma_start3A_457 = arith.constant 0 : i32
      %dma_start3A_458 = tpu.memref_slice %arg3[%dma_start3A_456, %dma_start3A_457] : memref<100000x128xf32, #tpu.memory_space<hbm>> -> memref<100000x128xf32, #tpu.memory_space<hbm>>
      tpu.enqueue_indirect_dma source(%dma_start3A_458 : memref<100000x128xf32, #tpu.memory_space<hbm>>) target(%dma_start3A_453 : memref<104x128xf32, #tpu.memory_space<vmem>>) offsets(%dma_start3A_455 : memref<104xi32, #tpu.memory_space<vmem>>) semaphore(%arg10 : memref<!tpu.dma_semaphore, #tpu.memory_space<semaphore_mem>>)
      %dma_start3A_459 = arith.constant 304 : i32
      %dma_start3A_460 = arith.constant 0 : i32
      %dma_start3A_461 = tpu.memref_slice %arg8[%dma_start3A_459, %dma_start3A_460] : memref<800x128xf32, #tpu.memory_space<vmem>> -> memref<96x128xf32, #tpu.memory_space<vmem>>
      %dma_start3A_462 = arith.constant 304 : i32
      %dma_start3A_463 = tpu.memref_slice %arg6[%dma_start3A_462] : memref<400xi32, #tpu.memory_space<vmem>> -> memref<96xi32, #tpu.memory_space<vmem>>
      %dma_start3A_464 = arith.constant 0 : i32
      %dma_start3A_465 = arith.constant 0 : i32
      %dma_start3A_466 = tpu.memref_slice %arg3[%dma_start3A_464, %dma_start3A_465] : memref<100000x128xf32, #tpu.memory_space<hbm>> -> memref<100000x128xf32, #tpu.memory_space<hbm>>
      tpu.enqueue_indirect_dma source(%dma_start3A_466 : memref<100000x128xf32, #tpu.memory_space<hbm>>) target(%dma_start3A_461 : memref<96x128xf32, #tpu.memory_space<vmem>>) offsets(%dma_start3A_463 : memref<96xi32, #tpu.memory_space<vmem>>) semaphore(%arg10 : memref<!tpu.dma_semaphore, #tpu.memory_space<semaphore_mem>>)
      %dma_wait3A_467 = arith.constant 400 : i32
      %dma_wait3A_468 = arith.constant 0 : i32
      %dma_wait3A_469 = tpu.memref_slice %arg8[%dma_wait3A_467, %dma_wait3A_468] : memref<800x128xf32, #tpu.memory_space<vmem>> -> memref<104x128xf32, #tpu.memory_space<vmem>>
      %dma_wait3A_470 = arith.constant 0 : i32
      %dma_wait3A_471 = tpu.memref_slice %arg7[%dma_wait3A_470] : memref<400xi32, #tpu.memory_space<vmem>> -> memref<104xi32, #tpu.memory_space<vmem>>
      %dma_wait3A_472 = arith.constant 0 : i32
      %dma_wait3A_473 = arith.constant 0 : i32
      %dma_wait3A_474 = tpu.memref_slice %arg3[%dma_wait3A_472, %dma_wait3A_473] : memref<100000x128xf32, #tpu.memory_space<hbm>> -> memref<100000x128xf32, #tpu.memory_space<hbm>>
      tpu.wait_indirect_dma semaphore(%arg10 : memref<!tpu.dma_semaphore, #tpu.memory_space<semaphore_mem>>) src(%dma_wait3A_474 : memref<100000x128xf32, #tpu.memory_space<hbm>>) dst(%dma_wait3A_469 : memref<104x128xf32, #tpu.memory_space<vmem>>)
      %dma_wait3A_475 = arith.constant 504 : i32
      %dma_wait3A_476 = arith.constant 0 : i32
      %dma_wait3A_477 = tpu.memref_slice %arg8[%dma_wait3A_475, %dma_wait3A_476] : memref<800x128xf32, #tpu.memory_space<vmem>> -> memref<96x128xf32, #tpu.memory_space<vmem>>
      %dma_wait3A_478 = arith.constant 104 : i32
      %dma_wait3A_479 = tpu.memref_slice %arg7[%dma_wait3A_478] : memref<400xi32, #tpu.memory_space<vmem>> -> memref<96xi32, #tpu.memory_space<vmem>>
      %dma_wait3A_480 = arith.constant 0 : i32
      %dma_wait3A_481 = arith.constant 0 : i32
      %dma_wait3A_482 = tpu.memref_slice %arg3[%dma_wait3A_480, %dma_wait3A_481] : memref<100000x128xf32, #tpu.memory_space<hbm>> -> memref<100000x128xf32, #tpu.memory_space<hbm>>
      tpu.wait_indirect_dma semaphore(%arg10 : memref<!tpu.dma_semaphore, #tpu.memory_space<semaphore_mem>>) src(%dma_wait3A_482 : memref<100000x128xf32, #tpu.memory_space<hbm>>) dst(%dma_wait3A_477 : memref<96x128xf32, #tpu.memory_space<vmem>>)
      %dma_wait3A_483 = arith.constant 600 : i32
      %dma_wait3A_484 = arith.constant 0 : i32
      %dma_wait3A_485 = tpu.memref_slice %arg8[%dma_wait3A_483, %dma_wait3A_484] : memref<800x128xf32, #tpu.memory_space<vmem>> -> memref<104x128xf32, #tpu.memory_space<vmem>>
      %dma_wait3A_486 = arith.constant 200 : i32
      %dma_wait3A_487 = tpu.memref_slice %arg7[%dma_wait3A_486] : memref<400xi32, #tpu.memory_space<vmem>> -> memref<104xi32, #tpu.memory_space<vmem>>
      %dma_wait3A_488 = arith.constant 0 : i32
      %dma_wait3A_489 = arith.constant 0 : i32
      %dma_wait3A_490 = tpu.memref_slice %arg3[%dma_wait3A_488, %dma_wait3A_489] : memref<100000x128xf32, #tpu.memory_space<hbm>> -> memref<100000x128xf32, #tpu.memory_space<hbm>>
      tpu.wait_indirect_dma semaphore(%arg10 : memref<!tpu.dma_semaphore, #tpu.memory_space<semaphore_mem>>) src(%dma_wait3A_490 : memref<100000x128xf32, #tpu.memory_space<hbm>>) dst(%dma_wait3A_485 : memref<104x128xf32, #tpu.memory_space<vmem>>)
      %dma_wait3A_491 = arith.constant 704 : i32
      %dma_wait3A_492 = arith.constant 0 : i32
      %dma_wait3A_493 = tpu.memref_slice %arg8[%dma_wait3A_491, %dma_wait3A_492] : memref<800x128xf32, #tpu.memory_space<vmem>> -> memref<96x128xf32, #tpu.memory_space<vmem>>
      %dma_wait3A_494 = arith.constant 304 : i32
      %dma_wait3A_495 = tpu.memref_slice %arg7[%dma_wait3A_494] : memref<400xi32, #tpu.memory_space<vmem>> -> memref<96xi32, #tpu.memory_space<vmem>>
      %dma_wait3A_496 = arith.constant 0 : i32
      %dma_wait3A_497 = arith.constant 0 : i32
      %dma_wait3A_498 = tpu.memref_slice %arg3[%dma_wait3A_496, %dma_wait3A_497] : memref<100000x128xf32, #tpu.memory_space<hbm>> -> memref<100000x128xf32, #tpu.memory_space<hbm>>
      tpu.wait_indirect_dma semaphore(%arg10 : memref<!tpu.dma_semaphore, #tpu.memory_space<semaphore_mem>>) src(%dma_wait3A_498 : memref<100000x128xf32, #tpu.memory_space<hbm>>) dst(%dma_wait3A_493 : memref<96x128xf32, #tpu.memory_space<vmem>>)
      %add3A_499 = arith.constant 1 : i32
      %add3A_500 = arith.addi %mul3A_411, %add3A_499 : i32
      %mul3A_501 = arith.constant 2 : i32
      %mul3A_502 = arith.muli %add3A_500, %mul3A_501 : i32
      %mul3A_503 = arith.constant 200 : i32
      %mul3A_504 = arith.muli %mul3A_502, %mul3A_503 : i32
      %add3A_505 = arith.addi %mul3A_2, %mul3A_504 : i32
      %dma_start3A_506 = tpu.memref_slice %arg2[%add3A_505] : memref<204800xi32, #tpu.memory_space<hbm>> -> memref<400xi32, #tpu.memory_space<hbm>>
      %dma_start3A_507 = tpu.memref_slice %arg2[%add3A_505] : memref<204800xi32, #tpu.memory_space<hbm>> -> memref<400xi32, #tpu.memory_space<hbm>>
      tpu.enqueue_dma source(%dma_start3A_507 : memref<400xi32, #tpu.memory_space<hbm>>) target(%arg7 : memref<400xi32, #tpu.memory_space<vmem>>) target_semaphore(%arg12 : memref<!tpu.dma_semaphore, #tpu.memory_space<semaphore_mem>>)
      %scan3A_508 = arith.constant 0 : i32
      %scan3A_509 = arith.constant 50 : i32
      %scan3A_510 = arith.addi %scan3A_508, %scan3A_509 : i32
      %scan3A_511 = arith.constant 1 : i32
      scf.for %scan3A_653 = %scan3A_508 to %scan3A_510 step %scan3A_511  : i32 {
        %mul3A_654 = arith.constant 4 : i32
        %mul3A_655 = arith.muli %scan3A_653, %mul3A_654 : i32
        %add3A_656 = arith.constant 0 : i32
        %add3A_657 = arith.addi %mul3A_655, %add3A_656 : i32
        %get3A = arith.index_cast %add3A_657 : i32 to index
        %get3A_658 = arith.constant 0 : index
        %get3A_659 = tpu.vector_load %arg9[%get3A, %get3A_658] {strides = array<i32>} : memref<200x128xf32, #tpu.memory_space<vmem>>, vector<1x16xf32>,
        %get3A_660 = vector.shape_cast %get3A_659 : vector<1x16xf32> to vector<16xf32>
        %add3A_661 = arith.constant 400 : i32
        %add3A_662 = arith.addi %add3A_661, %add3A_657 : i32
        %swap3A = arith.index_cast %add3A_662 : i32 to index
        %swap3A_663 = arith.constant 0 : index
        %swap3A_664 = tpu.vector_load %arg8[%swap3A, %swap3A_663] {strides = array<i32>} : memref<800x128xf32, #tpu.memory_space<vmem>>, vector<1x16xf32>,
        %swap3A_665 = vector.shape_cast %swap3A_664 : vector<1x16xf32> to vector<16xf32>
        %swap3A_666 = vector.shape_cast %get3A_660 : vector<16xf32> to vector<1x16xf32>
        tpu.vector_store %arg8[%swap3A, %swap3A_663], %swap3A_666 {add = true, strides = array<i32>} : memref<800x128xf32, #tpu.memory_space<vmem>>, vector<1x16xf32>,
        %add3A_667 = arith.constant 600 : i32
        %add3A_668 = arith.addi %add3A_667, %add3A_657 : i32
        %swap3A_669 = arith.index_cast %add3A_668 : i32 to index
        %swap3A_670 = arith.constant 0 : index
        %swap3A_671 = tpu.vector_load %arg8[%swap3A_669, %swap3A_670] {strides = array<i32>} : memref<800x128xf32, #tpu.memory_space<vmem>>, vector<1x16xf32>,
        %swap3A_672 = vector.shape_cast %swap3A_671 : vector<1x16xf32> to vector<16xf32>
        %swap3A_673 = vector.shape_cast %get3A_660 : vector<16xf32> to vector<1x16xf32>
        tpu.vector_store %arg8[%swap3A_669, %swap3A_670], %swap3A_673 {add = true, strides = array<i32>} : memref<800x128xf32, #tpu.memory_space<vmem>>, vector<1x16xf32>,
        %get3A_674 = arith.index_cast %add3A_657 : i32 to index
        %get3A_675 = arith.constant 16 : index
        %get3A_676 = tpu.vector_load %arg9[%get3A_674, %get3A_675] {strides = array<i32>} : memref<200x128xf32, #tpu.memory_space<vmem>>, vector<1x16xf32>,
        %get3A_677 = vector.shape_cast %get3A_676 : vector<1x16xf32> to vector<16xf32>
        %add3A_678 = arith.constant 400 : i32
        %add3A_679 = arith.addi %add3A_678, %add3A_657 : i32
        %swap3A_680 = arith.index_cast %add3A_679 : i32 to index
        %swap3A_681 = arith.constant 16 : index
        %swap3A_682 = tpu.vector_load %arg8[%swap3A_680, %swap3A_681] {strides = array<i32>} : memref<800x128xf32, #tpu.memory_space<vmem>>, vector<1x16xf32>,
        %swap3A_683 = vector.shape_cast %swap3A_682 : vector<1x16xf32> to vector<16xf32>
        %swap3A_684 = vector.shape_cast %get3A_677 : vector<16xf32> to vector<1x16xf32>
        tpu.vector_store %arg8[%swap3A_680, %swap3A_681], %swap3A_684 {add = true, strides = array<i32>} : memref<800x128xf32, #tpu.memory_space<vmem>>, vector<1x16xf32>,
        %add3A_685 = arith.constant 600 : i32
        %add3A_686 = arith.addi %add3A_685, %add3A_657 : i32
        %swap3A_687 = arith.index_cast %add3A_686 : i32 to index
        %swap3A_688 = arith.constant 16 : index
        %swap3A_689 = tpu.vector_load %arg8[%swap3A_687, %swap3A_688] {strides = array<i32>} : memref<800x128xf32, #tpu.memory_space<vmem>>, vector<1x16xf32>,
        %swap3A_690 = vector.shape_cast %swap3A_689 : vector<1x16xf32> to vector<16xf32>
        %swap3A_691 = vector.shape_cast %get3A_677 : vector<16xf32> to vector<1x16xf32>
        tpu.vector_store %arg8[%swap3A_687, %swap3A_688], %swap3A_691 {add = true, strides = array<i32>} : memref<800x128xf32, #tpu.memory_space<vmem>>, vector<1x16xf32>,
        %get3A_692 = arith.index_cast %add3A_657 : i32 to index
        %get3A_693 = arith.constant 32 : index
        %get3A_694 = tpu.vector_load %arg9[%get3A_692, %get3A_693] {strides = array<i32>} : memref<200x128xf32, #tpu.memory_space<vmem>>, vector<1x16xf32>,
        %get3A_695 = vector.shape_cast %get3A_694 : vector<1x16xf32> to vector<16xf32>
        %add3A_696 = arith.constant 400 : i32
        %add3A_697 = arith.addi %add3A_696, %add3A_657 : i32
        %swap3A_698 = arith.index_cast %add3A_697 : i32 to index
        %swap3A_699 = arith.constant 32 : index
        %swap3A_700 = tpu.vector_load %arg8[%swap3A_698, %swap3A_699] {strides = array<i32>} : memref<800x128xf32, #tpu.memory_space<vmem>>, vector<1x16xf32>,
        %swap3A_701 = vector.shape_cast %swap3A_700 : vector<1x16xf32> to vector<16xf32>
        %swap3A_702 = vector.shape_cast %get3A_695 : vector<16xf32> to vector<1x16xf32>
        tpu.vector_store %arg8[%swap3A_698, %swap3A_699], %swap3A_702 {add = true, strides = array<i32>} : memref<800x128xf32, #tpu.memory_space<vmem>>, vector<1x16xf32>,
        %add3A_703 = arith.constant 600 : i32
        %add3A_704 = arith.addi %add3A_703, %add3A_657 : i32
        %swap3A_705 = arith.index_cast %add3A_704 : i32 to index
        %swap3A_706 = arith.constant 32 : index
        %swap3A_707 = tpu.vector_load %arg8[%swap3A_705, %swap3A_706] {strides = array<i32>} : memref<800x128xf32, #tpu.memory_space<vmem>>, vector<1x16xf32>,
        %swap3A_708 = vector.shape_cast %swap3A_707 : vector<1x16xf32> to vector<16xf32>
        %swap3A_709 = vector.shape_cast %get3A_695 : vector<16xf32> to vector<1x16xf32>
        tpu.vector_store %arg8[%swap3A_705, %swap3A_706], %swap3A_709 {add = true, strides = array<i32>} : memref<800x128xf32, #tpu.memory_space<vmem>>, vector<1x16xf32>,
        %get3A_710 = arith.index_cast %add3A_657 : i32 to index
        %get3A_711 = arith.constant 48 : index
        %get3A_712 = tpu.vector_load %arg9[%get3A_710, %get3A_711] {strides = array<i32>} : memref<200x128xf32, #tpu.memory_space<vmem>>, vector<1x16xf32>,
        %get3A_713 = vector.shape_cast %get3A_712 : vector<1x16xf32> to vector<16xf32>
        %add3A_714 = arith.constant 400 : i32
        %add3A_715 = arith.addi %add3A_714, %add3A_657 : i32
        %swap3A_716 = arith.index_cast %add3A_715 : i32 to index
        %swap3A_717 = arith.constant 48 : index
        %swap3A_718 = tpu.vector_load %arg8[%swap3A_716, %swap3A_717] {strides = array<i32>} : memref<800x128xf32, #tpu.memory_space<vmem>>, vector<1x16xf32>,
        %swap3A_719 = vector.shape_cast %swap3A_718 : vector<1x16xf32> to vector<16xf32>
        %swap3A_720 = vector.shape_cast %get3A_713 : vector<16xf32> to vector<1x16xf32>
        tpu.vector_store %arg8[%swap3A_716, %swap3A_717], %swap3A_720 {add = true, strides = array<i32>} : memref<800x128xf32, #tpu.memory_space<vmem>>, vector<1x16xf32>,
        %add3A_721 = arith.constant 600 : i32
        %add3A_722 = arith.addi %add3A_721, %add3A_657 : i32
        %swap3A_723 = arith.index_cast %add3A_722 : i32 to index
        %swap3A_724 = arith.constant 48 : index
        %swap3A_725 = tpu.vector_load %arg8[%swap3A_723, %swap3A_724] {strides = array<i32>} : memref<800x128xf32, #tpu.memory_space<vmem>>, vector<1x16xf32>,
        %swap3A_726 = vector.shape_cast %swap3A_725 : vector<1x16xf32> to vector<16xf32>
        %swap3A_727 = vector.shape_cast %get3A_713 : vector<16xf32> to vector<1x16xf32>
        tpu.vector_store %arg8[%swap3A_723, %swap3A_724], %swap3A_727 {add = true, strides = array<i32>} : memref<800x128xf32, #tpu.memory_space<vmem>>, vector<1x16xf32>,
        %get3A_728 = arith.index_cast %add3A_657 : i32 to index
        %get3A_729 = arith.constant 64 : index
        %get3A_730 = tpu.vector_load %arg9[%get3A_728, %get3A_729] {strides = array<i32>} : memref<200x128xf32, #tpu.memory_space<vmem>>, vector<1x16xf32>,
        %get3A_731 = vector.shape_cast %get3A_730 : vector<1x16xf32> to vector<16xf32>
        %add3A_732 = arith.constant 400 : i32
        %add3A_733 = arith.addi %add3A_732, %add3A_657 : i32
        %swap3A_734 = arith.index_cast %add3A_733 : i32 to index
        %swap3A_735 = arith.constant 64 : index
        %swap3A_736 = tpu.vector_load %arg8[%swap3A_734, %swap3A_735] {strides = array<i32>} : memref<800x128xf32, #tpu.memory_space<vmem>>, vector<1x16xf32>,
        %swap3A_737 = vector.shape_cast %swap3A_736 : vector<1x16xf32> to vector<16xf32>
        %swap3A_738 = vector.shape_cast %get3A_731 : vector<16xf32> to vector<1x16xf32>
        tpu.vector_store %arg8[%swap3A_734, %swap3A_735], %swap3A_738 {add = true, strides = array<i32>} : memref<800x128xf32, #tpu.memory_space<vmem>>, vector<1x16xf32>,
        %add3A_739 = arith.constant 600 : i32
        %add3A_740 = arith.addi %add3A_739, %add3A_657 : i32
        %swap3A_741 = arith.index_cast %add3A_740 : i32 to index
        %swap3A_742 = arith.constant 64 : index
        %swap3A_743 = tpu.vector_load %arg8[%swap3A_741, %swap3A_742] {strides = array<i32>} : memref<800x128xf32, #tpu.memory_space<vmem>>, vector<1x16xf32>,
        %swap3A_744 = vector.shape_cast %swap3A_743 : vector<1x16xf32> to vector<16xf32>
        %swap3A_745 = vector.shape_cast %get3A_731 : vector<16xf32> to vector<1x16xf32>
        tpu.vector_store %arg8[%swap3A_741, %swap3A_742], %swap3A_745 {add = true, strides = array<i32>} : memref<800x128xf32, #tpu.memory_space<vmem>>, vector<1x16xf32>,
        %get3A_746 = arith.index_cast %add3A_657 : i32 to index
        %get3A_747 = arith.constant 80 : index
        %get3A_748 = tpu.vector_load %arg9[%get3A_746, %get3A_747] {strides = array<i32>} : memref<200x128xf32, #tpu.memory_space<vmem>>, vector<1x16xf32>,
        %get3A_749 = vector.shape_cast %get3A_748 : vector<1x16xf32> to vector<16xf32>
        %add3A_750 = arith.constant 400 : i32
        %add3A_751 = arith.addi %add3A_750, %add3A_657 : i32
        %swap3A_752 = arith.index_cast %add3A_751 : i32 to index
        %swap3A_753 = arith.constant 80 : index
        %swap3A_754 = tpu.vector_load %arg8[%swap3A_752, %swap3A_753] {strides = array<i32>} : memref<800x128xf32, #tpu.memory_space<vmem>>, vector<1x16xf32>,
        %swap3A_755 = vector.shape_cast %swap3A_754 : vector<1x16xf32> to vector<16xf32>
        %swap3A_756 = vector.shape_cast %get3A_749 : vector<16xf32> to vector<1x16xf32>
        tpu.vector_store %arg8[%swap3A_752, %swap3A_753], %swap3A_756 {add = true, strides = array<i32>} : memref<800x128xf32, #tpu.memory_space<vmem>>, vector<1x16xf32>,
        %add3A_757 = arith.constant 600 : i32
        %add3A_758 = arith.addi %add3A_757, %add3A_657 : i32
        %swap3A_759 = arith.index_cast %add3A_758 : i32 to index
        %swap3A_760 = arith.constant 80 : index
        %swap3A_761 = tpu.vector_load %arg8[%swap3A_759, %swap3A_760] {strides = array<i32>} : memref<800x128xf32, #tpu.memory_space<vmem>>, vector<1x16xf32>,
        %swap3A_762 = vector.shape_cast %swap3A_761 : vector<1x16xf32> to vector<16xf32>
        %swap3A_763 = vector.shape_cast %get3A_749 : vector<16xf32> to vector<1x16xf32>
        tpu.vector_store %arg8[%swap3A_759, %swap3A_760], %swap3A_763 {add = true, strides = array<i32>} : memref<800x128xf32, #tpu.memory_space<vmem>>, vector<1x16xf32>,
        %get3A_764 = arith.index_cast %add3A_657 : i32 to index
        %get3A_765 = arith.constant 96 : index
        %get3A_766 = tpu.vector_load %arg9[%get3A_764, %get3A_765] {strides = array<i32>} : memref<200x128xf32, #tpu.memory_space<vmem>>, vector<1x16xf32>,
        %get3A_767 = vector.shape_cast %get3A_766 : vector<1x16xf32> to vector<16xf32>
        %add3A_768 = arith.constant 400 : i32
        %add3A_769 = arith.addi %add3A_768, %add3A_657 : i32
        %swap3A_770 = arith.index_cast %add3A_769 : i32 to index
        %swap3A_771 = arith.constant 96 : index
        %swap3A_772 = tpu.vector_load %arg8[%swap3A_770, %swap3A_771] {strides = array<i32>} : memref<800x128xf32, #tpu.memory_space<vmem>>, vector<1x16xf32>,
        %swap3A_773 = vector.shape_cast %swap3A_772 : vector<1x16xf32> to vector<16xf32>
        %swap3A_774 = vector.shape_cast %get3A_767 : vector<16xf32> to vector<1x16xf32>
        tpu.vector_store %arg8[%swap3A_770, %swap3A_771], %swap3A_774 {add = true, strides = array<i32>} : memref<800x128xf32, #tpu.memory_space<vmem>>, vector<1x16xf32>,
        %add3A_775 = arith.constant 600 : i32
        %add3A_776 = arith.addi %add3A_775, %add3A_657 : i32
        %swap3A_777 = arith.index_cast %add3A_776 : i32 to index
        %swap3A_778 = arith.constant 96 : index
        %swap3A_779 = tpu.vector_load %arg8[%swap3A_777, %swap3A_778] {strides = array<i32>} : memref<800x128xf32, #tpu.memory_space<vmem>>, vector<1x16xf32>,
        %swap3A_780 = vector.shape_cast %swap3A_779 : vector<1x16xf32> to vector<16xf32>
        %swap3A_781 = vector.shape_cast %get3A_767 : vector<16xf32> to vector<1x16xf32>
        tpu.vector_store %arg8[%swap3A_777, %swap3A_778], %swap3A_781 {add = true, strides = array<i32>} : memref<800x128xf32, #tpu.memory_space<vmem>>, vector<1x16xf32>,
        %get3A_782 = arith.index_cast %add3A_657 : i32 to index
        %get3A_783 = arith.constant 112 : index
        %get3A_784 = tpu.vector_load %arg9[%get3A_782, %get3A_783] {strides = array<i32>} : memref<200x128xf32, #tpu.memory_space<vmem>>, vector<1x16xf32>,
        %get3A_785 = vector.shape_cast %get3A_784 : vector<1x16xf32> to vector<16xf32>
        %add3A_786 = arith.constant 400 : i32
        %add3A_787 = arith.addi %add3A_786, %add3A_657 : i32
        %swap3A_788 = arith.index_cast %add3A_787 : i32 to index
        %swap3A_789 = arith.constant 112 : index
        %swap3A_790 = tpu.vector_load %arg8[%swap3A_788, %swap3A_789] {strides = array<i32>} : memref<800x128xf32, #tpu.memory_space<vmem>>, vector<1x16xf32>,
        %swap3A_791 = vector.shape_cast %swap3A_790 : vector<1x16xf32> to vector<16xf32>
        %swap3A_792 = vector.shape_cast %get3A_785 : vector<16xf32> to vector<1x16xf32>
        tpu.vector_store %arg8[%swap3A_788, %swap3A_789], %swap3A_792 {add = true, strides = array<i32>} : memref<800x128xf32, #tpu.memory_space<vmem>>, vector<1x16xf32>,
        %add3A_793 = arith.constant 600 : i32
        %add3A_794 = arith.addi %add3A_793, %add3A_657 : i32
        %swap3A_795 = arith.index_cast %add3A_794 : i32 to index
        %swap3A_796 = arith.constant 112 : index
        %swap3A_797 = tpu.vector_load %arg8[%swap3A_795, %swap3A_796] {strides = array<i32>} : memref<800x128xf32, #tpu.memory_space<vmem>>, vector<1x16xf32>,
        %swap3A_798 = vector.shape_cast %swap3A_797 : vector<1x16xf32> to vector<16xf32>
        %swap3A_799 = vector.shape_cast %get3A_785 : vector<16xf32> to vector<1x16xf32>
        tpu.vector_store %arg8[%swap3A_795, %swap3A_796], %swap3A_799 {add = true, strides = array<i32>} : memref<800x128xf32, #tpu.memory_space<vmem>>, vector<1x16xf32>,
        %add3A_800 = arith.constant 1 : i32
        %add3A_801 = arith.addi %mul3A_655, %add3A_800 : i32
        %get3A_802 = arith.index_cast %add3A_801 : i32 to index
        %get3A_803 = arith.constant 0 : index
        %get3A_804 = tpu.vector_load %arg9[%get3A_802, %get3A_803] {strides = array<i32>} : memref<200x128xf32, #tpu.memory_space<vmem>>, vector<1x16xf32>,
        %get3A_805 = vector.shape_cast %get3A_804 : vector<1x16xf32> to vector<16xf32>
        %add3A_806 = arith.constant 400 : i32
        %add3A_807 = arith.addi %add3A_806, %add3A_801 : i32
        %swap3A_808 = arith.index_cast %add3A_807 : i32 to index
        %swap3A_809 = arith.constant 0 : index
        %swap3A_810 = tpu.vector_load %arg8[%swap3A_808, %swap3A_809] {strides = array<i32>} : memref<800x128xf32, #tpu.memory_space<vmem>>, vector<1x16xf32>,
        %swap3A_811 = vector.shape_cast %swap3A_810 : vector<1x16xf32> to vector<16xf32>
        %swap3A_812 = vector.shape_cast %get3A_805 : vector<16xf32> to vector<1x16xf32>
        tpu.vector_store %arg8[%swap3A_808, %swap3A_809], %swap3A_812 {add = true, strides = array<i32>} : memref<800x128xf32, #tpu.memory_space<vmem>>, vector<1x16xf32>,
        %add3A_813 = arith.constant 600 : i32
        %add3A_814 = arith.addi %add3A_813, %add3A_801 : i32
        %swap3A_815 = arith.index_cast %add3A_814 : i32 to index
        %swap3A_816 = arith.constant 0 : index
        %swap3A_817 = tpu.vector_load %arg8[%swap3A_815, %swap3A_816] {strides = array<i32>} : memref<800x128xf32, #tpu.memory_space<vmem>>, vector<1x16xf32>,
        %swap3A_818 = vector.shape_cast %swap3A_817 : vector<1x16xf32> to vector<16xf32>
        %swap3A_819 = vector.shape_cast %get3A_805 : vector<16xf32> to vector<1x16xf32>
        tpu.vector_store %arg8[%swap3A_815, %swap3A_816], %swap3A_819 {add = true, strides = array<i32>} : memref<800x128xf32, #tpu.memory_space<vmem>>, vector<1x16xf32>,
        %get3A_820 = arith.index_cast %add3A_801 : i32 to index
        %get3A_821 = arith.constant 16 : index
        %get3A_822 = tpu.vector_load %arg9[%get3A_820, %get3A_821] {strides = array<i32>} : memref<200x128xf32, #tpu.memory_space<vmem>>, vector<1x16xf32>,
        %get3A_823 = vector.shape_cast %get3A_822 : vector<1x16xf32> to vector<16xf32>
        %add3A_824 = arith.constant 400 : i32
        %add3A_825 = arith.addi %add3A_824, %add3A_801 : i32
        %swap3A_826 = arith.index_cast %add3A_825 : i32 to index
        %swap3A_827 = arith.constant 16 : index
        %swap3A_828 = tpu.vector_load %arg8[%swap3A_826, %swap3A_827] {strides = array<i32>} : memref<800x128xf32, #tpu.memory_space<vmem>>, vector<1x16xf32>,
        %swap3A_829 = vector.shape_cast %swap3A_828 : vector<1x16xf32> to vector<16xf32>
        %swap3A_830 = vector.shape_cast %get3A_823 : vector<16xf32> to vector<1x16xf32>
        tpu.vector_store %arg8[%swap3A_826, %swap3A_827], %swap3A_830 {add = true, strides = array<i32>} : memref<800x128xf32, #tpu.memory_space<vmem>>, vector<1x16xf32>,
        %add3A_831 = arith.constant 600 : i32
        %add3A_832 = arith.addi %add3A_831, %add3A_801 : i32
        %swap3A_833 = arith.index_cast %add3A_832 : i32 to index
        %swap3A_834 = arith.constant 16 : index
        %swap3A_835 = tpu.vector_load %arg8[%swap3A_833, %swap3A_834] {strides = array<i32>} : memref<800x128xf32, #tpu.memory_space<vmem>>, vector<1x16xf32>,
        %swap3A_836 = vector.shape_cast %swap3A_835 : vector<1x16xf32> to vector<16xf32>
        %swap3A_837 = vector.shape_cast %get3A_823 : vector<16xf32> to vector<1x16xf32>
        tpu.vector_store %arg8[%swap3A_833, %swap3A_834], %swap3A_837 {add = true, strides = array<i32>} : memref<800x128xf32, #tpu.memory_space<vmem>>, vector<1x16xf32>,
        %get3A_838 = arith.index_cast %add3A_801 : i32 to index
        %get3A_839 = arith.constant 32 : index
        %get3A_840 = tpu.vector_load %arg9[%get3A_838, %get3A_839] {strides = array<i32>} : memref<200x128xf32, #tpu.memory_space<vmem>>, vector<1x16xf32>,
        %get3A_841 = vector.shape_cast %get3A_840 : vector<1x16xf32> to vector<16xf32>
        %add3A_842 = arith.constant 400 : i32
        %add3A_843 = arith.addi %add3A_842, %add3A_801 : i32
        %swap3A_844 = arith.index_cast %add3A_843 : i32 to index
        %swap3A_845 = arith.constant 32 : index
        %swap3A_846 = tpu.vector_load %arg8[%swap3A_844, %swap3A_845] {strides = array<i32>} : memref<800x128xf32, #tpu.memory_space<vmem>>, vector<1x16xf32>,
        %swap3A_847 = vector.shape_cast %swap3A_846 : vector<1x16xf32> to vector<16xf32>
        %swap3A_848 = vector.shape_cast %get3A_841 : vector<16xf32> to vector<1x16xf32>
        tpu.vector_store %arg8[%swap3A_844, %swap3A_845], %swap3A_848 {add = true, strides = array<i32>} : memref<800x128xf32, #tpu.memory_space<vmem>>, vector<1x16xf32>,
        %add3A_849 = arith.constant 600 : i32
        %add3A_850 = arith.addi %add3A_849, %add3A_801 : i32
        %swap3A_851 = arith.index_cast %add3A_850 : i32 to index
        %swap3A_852 = arith.constant 32 : index
        %swap3A_853 = tpu.vector_load %arg8[%swap3A_851, %swap3A_852] {strides = array<i32>} : memref<800x128xf32, #tpu.memory_space<vmem>>, vector<1x16xf32>,
        %swap3A_854 = vector.shape_cast %swap3A_853 : vector<1x16xf32> to vector<16xf32>
        %swap3A_855 = vector.shape_cast %get3A_841 : vector<16xf32> to vector<1x16xf32>
        tpu.vector_store %arg8[%swap3A_851, %swap3A_852], %swap3A_855 {add = true, strides = array<i32>} : memref<800x128xf32, #tpu.memory_space<vmem>>, vector<1x16xf32>,
        %get3A_856 = arith.index_cast %add3A_801 : i32 to index
        %get3A_857 = arith.constant 48 : index
        %get3A_858 = tpu.vector_load %arg9[%get3A_856, %get3A_857] {strides = array<i32>} : memref<200x128xf32, #tpu.memory_space<vmem>>, vector<1x16xf32>,
        %get3A_859 = vector.shape_cast %get3A_858 : vector<1x16xf32> to vector<16xf32>
        %add3A_860 = arith.constant 400 : i32
        %add3A_861 = arith.addi %add3A_860, %add3A_801 : i32
        %swap3A_862 = arith.index_cast %add3A_861 : i32 to index
        %swap3A_863 = arith.constant 48 : index
        %swap3A_864 = tpu.vector_load %arg8[%swap3A_862, %swap3A_863] {strides = array<i32>} : memref<800x128xf32, #tpu.memory_space<vmem>>, vector<1x16xf32>,
        %swap3A_865 = vector.shape_cast %swap3A_864 : vector<1x16xf32> to vector<16xf32>
        %swap3A_866 = vector.shape_cast %get3A_859 : vector<16xf32> to vector<1x16xf32>
        tpu.vector_store %arg8[%swap3A_862, %swap3A_863], %swap3A_866 {add = true, strides = array<i32>} : memref<800x128xf32, #tpu.memory_space<vmem>>, vector<1x16xf32>,
        %add3A_867 = arith.constant 600 : i32
        %add3A_868 = arith.addi %add3A_867, %add3A_801 : i32
        %swap3A_869 = arith.index_cast %add3A_868 : i32 to index
        %swap3A_870 = arith.constant 48 : index
        %swap3A_871 = tpu.vector_load %arg8[%swap3A_869, %swap3A_870] {strides = array<i32>} : memref<800x128xf32, #tpu.memory_space<vmem>>, vector<1x16xf32>,
        %swap3A_872 = vector.shape_cast %swap3A_871 : vector<1x16xf32> to vector<16xf32>
        %swap3A_873 = vector.shape_cast %get3A_859 : vector<16xf32> to vector<1x16xf32>
        tpu.vector_store %arg8[%swap3A_869, %swap3A_870], %swap3A_873 {add = true, strides = array<i32>} : memref<800x128xf32, #tpu.memory_space<vmem>>, vector<1x16xf32>,
        %get3A_874 = arith.index_cast %add3A_801 : i32 to index
        %get3A_875 = arith.constant 64 : index
        %get3A_876 = tpu.vector_load %arg9[%get3A_874, %get3A_875] {strides = array<i32>} : memref<200x128xf32, #tpu.memory_space<vmem>>, vector<1x16xf32>,
        %get3A_877 = vector.shape_cast %get3A_876 : vector<1x16xf32> to vector<16xf32>
        %add3A_878 = arith.constant 400 : i32
        %add3A_879 = arith.addi %add3A_878, %add3A_801 : i32
        %swap3A_880 = arith.index_cast %add3A_879 : i32 to index
        %swap3A_881 = arith.constant 64 : index
        %swap3A_882 = tpu.vector_load %arg8[%swap3A_880, %swap3A_881] {strides = array<i32>} : memref<800x128xf32, #tpu.memory_space<vmem>>, vector<1x16xf32>,
        %swap3A_883 = vector.shape_cast %swap3A_882 : vector<1x16xf32> to vector<16xf32>
        %swap3A_884 = vector.shape_cast %get3A_877 : vector<16xf32> to vector<1x16xf32>
        tpu.vector_store %arg8[%swap3A_880, %swap3A_881], %swap3A_884 {add = true, strides = array<i32>} : memref<800x128xf32, #tpu.memory_space<vmem>>, vector<1x16xf32>,
        %add3A_885 = arith.constant 600 : i32
        %add3A_886 = arith.addi %add3A_885, %add3A_801 : i32
        %swap3A_887 = arith.index_cast %add3A_886 : i32 to index
        %swap3A_888 = arith.constant 64 : index
        %swap3A_889 = tpu.vector_load %arg8[%swap3A_887, %swap3A_888] {strides = array<i32>} : memref<800x128xf32, #tpu.memory_space<vmem>>, vector<1x16xf32>,
        %swap3A_890 = vector.shape_cast %swap3A_889 : vector<1x16xf32> to vector<16xf32>
        %swap3A_891 = vector.shape_cast %get3A_877 : vector<16xf32> to vector<1x16xf32>
        tpu.vector_store %arg8[%swap3A_887, %swap3A_888], %swap3A_891 {add = true, strides = array<i32>} : memref<800x128xf32, #tpu.memory_space<vmem>>, vector<1x16xf32>,
        %get3A_892 = arith.index_cast %add3A_801 : i32 to index
        %get3A_893 = arith.constant 80 : index
        %get3A_894 = tpu.vector_load %arg9[%get3A_892, %get3A_893] {strides = array<i32>} : memref<200x128xf32, #tpu.memory_space<vmem>>, vector<1x16xf32>,
        %get3A_895 = vector.shape_cast %get3A_894 : vector<1x16xf32> to vector<16xf32>
        %add3A_896 = arith.constant 400 : i32
        %add3A_897 = arith.addi %add3A_896, %add3A_801 : i32
        %swap3A_898 = arith.index_cast %add3A_897 : i32 to index
        %swap3A_899 = arith.constant 80 : index
        %swap3A_900 = tpu.vector_load %arg8[%swap3A_898, %swap3A_899] {strides = array<i32>} : memref<800x128xf32, #tpu.memory_space<vmem>>, vector<1x16xf32>,
        %swap3A_901 = vector.shape_cast %swap3A_900 : vector<1x16xf32> to vector<16xf32>
        %swap3A_902 = vector.shape_cast %get3A_895 : vector<16xf32> to vector<1x16xf32>
        tpu.vector_store %arg8[%swap3A_898, %swap3A_899], %swap3A_902 {add = true, strides = array<i32>} : memref<800x128xf32, #tpu.memory_space<vmem>>, vector<1x16xf32>,
        %add3A_903 = arith.constant 600 : i32
        %add3A_904 = arith.addi %add3A_903, %add3A_801 : i32
        %swap3A_905 = arith.index_cast %add3A_904 : i32 to index
        %swap3A_906 = arith.constant 80 : index
        %swap3A_907 = tpu.vector_load %arg8[%swap3A_905, %swap3A_906] {strides = array<i32>} : memref<800x128xf32, #tpu.memory_space<vmem>>, vector<1x16xf32>,
        %swap3A_908 = vector.shape_cast %swap3A_907 : vector<1x16xf32> to vector<16xf32>
        %swap3A_909 = vector.shape_cast %get3A_895 : vector<16xf32> to vector<1x16xf32>
        tpu.vector_store %arg8[%swap3A_905, %swap3A_906], %swap3A_909 {add = true, strides = array<i32>} : memref<800x128xf32, #tpu.memory_space<vmem>>, vector<1x16xf32>,
        %get3A_910 = arith.index_cast %add3A_801 : i32 to index
        %get3A_911 = arith.constant 96 : index
        %get3A_912 = tpu.vector_load %arg9[%get3A_910, %get3A_911] {strides = array<i32>} : memref<200x128xf32, #tpu.memory_space<vmem>>, vector<1x16xf32>,
        %get3A_913 = vector.shape_cast %get3A_912 : vector<1x16xf32> to vector<16xf32>
        %add3A_914 = arith.constant 400 : i32
        %add3A_915 = arith.addi %add3A_914, %add3A_801 : i32
        %swap3A_916 = arith.index_cast %add3A_915 : i32 to index
        %swap3A_917 = arith.constant 96 : index
        %swap3A_918 = tpu.vector_load %arg8[%swap3A_916, %swap3A_917] {strides = array<i32>} : memref<800x128xf32, #tpu.memory_space<vmem>>, vector<1x16xf32>,
        %swap3A_919 = vector.shape_cast %swap3A_918 : vector<1x16xf32> to vector<16xf32>
        %swap3A_920 = vector.shape_cast %get3A_913 : vector<16xf32> to vector<1x16xf32>
        tpu.vector_store %arg8[%swap3A_916, %swap3A_917], %swap3A_920 {add = true, strides = array<i32>} : memref<800x128xf32, #tpu.memory_space<vmem>>, vector<1x16xf32>,
        %add3A_921 = arith.constant 600 : i32
        %add3A_922 = arith.addi %add3A_921, %add3A_801 : i32
        %swap3A_923 = arith.index_cast %add3A_922 : i32 to index
        %swap3A_924 = arith.constant 96 : index
        %swap3A_925 = tpu.vector_load %arg8[%swap3A_923, %swap3A_924] {strides = array<i32>} : memref<800x128xf32, #tpu.memory_space<vmem>>, vector<1x16xf32>,
        %swap3A_926 = vector.shape_cast %swap3A_925 : vector<1x16xf32> to vector<16xf32>
        %swap3A_927 = vector.shape_cast %get3A_913 : vector<16xf32> to vector<1x16xf32>
        tpu.vector_store %arg8[%swap3A_923, %swap3A_924], %swap3A_927 {add = true, strides = array<i32>} : memref<800x128xf32, #tpu.memory_space<vmem>>, vector<1x16xf32>,
        %get3A_928 = arith.index_cast %add3A_801 : i32 to index
        %get3A_929 = arith.constant 112 : index
        %get3A_930 = tpu.vector_load %arg9[%get3A_928, %get3A_929] {strides = array<i32>} : memref<200x128xf32, #tpu.memory_space<vmem>>, vector<1x16xf32>,
        %get3A_931 = vector.shape_cast %get3A_930 : vector<1x16xf32> to vector<16xf32>
        %add3A_932 = arith.constant 400 : i32
        %add3A_933 = arith.addi %add3A_932, %add3A_801 : i32
        %swap3A_934 = arith.index_cast %add3A_933 : i32 to index
        %swap3A_935 = arith.constant 112 : index
        %swap3A_936 = tpu.vector_load %arg8[%swap3A_934, %swap3A_935] {strides = array<i32>} : memref<800x128xf32, #tpu.memory_space<vmem>>, vector<1x16xf32>,
        %swap3A_937 = vector.shape_cast %swap3A_936 : vector<1x16xf32> to vector<16xf32>
        %swap3A_938 = vector.shape_cast %get3A_931 : vector<16xf32> to vector<1x16xf32>
        tpu.vector_store %arg8[%swap3A_934, %swap3A_935], %swap3A_938 {add = true, strides = array<i32>} : memref<800x128xf32, #tpu.memory_space<vmem>>, vector<1x16xf32>,
        %add3A_939 = arith.constant 600 : i32
        %add3A_940 = arith.addi %add3A_939, %add3A_801 : i32
        %swap3A_941 = arith.index_cast %add3A_940 : i32 to index
        %swap3A_942 = arith.constant 112 : index
        %swap3A_943 = tpu.vector_load %arg8[%swap3A_941, %swap3A_942] {strides = array<i32>} : memref<800x128xf32, #tpu.memory_space<vmem>>, vector<1x16xf32>,
        %swap3A_944 = vector.shape_cast %swap3A_943 : vector<1x16xf32> to vector<16xf32>
        %swap3A_945 = vector.shape_cast %get3A_931 : vector<16xf32> to vector<1x16xf32>
        tpu.vector_store %arg8[%swap3A_941, %swap3A_942], %swap3A_945 {add = true, strides = array<i32>} : memref<800x128xf32, #tpu.memory_space<vmem>>, vector<1x16xf32>,
        %add3A_946 = arith.constant 2 : i32
        %add3A_947 = arith.addi %mul3A_655, %add3A_946 : i32
        %get3A_948 = arith.index_cast %add3A_947 : i32 to index
        %get3A_949 = arith.constant 0 : index
        %get3A_950 = tpu.vector_load %arg9[%get3A_948, %get3A_949] {strides = array<i32>} : memref<200x128xf32, #tpu.memory_space<vmem>>, vector<1x16xf32>,
        %get3A_951 = vector.shape_cast %get3A_950 : vector<1x16xf32> to vector<16xf32>
        %add3A_952 = arith.constant 400 : i32
        %add3A_953 = arith.addi %add3A_952, %add3A_947 : i32
        %swap3A_954 = arith.index_cast %add3A_953 : i32 to index
        %swap3A_955 = arith.constant 0 : index
        %swap3A_956 = tpu.vector_load %arg8[%swap3A_954, %swap3A_955] {strides = array<i32>} : memref<800x128xf32, #tpu.memory_space<vmem>>, vector<1x16xf32>,
        %swap3A_957 = vector.shape_cast %swap3A_956 : vector<1x16xf32> to vector<16xf32>
        %swap3A_958 = vector.shape_cast %get3A_951 : vector<16xf32> to vector<1x16xf32>
        tpu.vector_store %arg8[%swap3A_954, %swap3A_955], %swap3A_958 {add = true, strides = array<i32>} : memref<800x128xf32, #tpu.memory_space<vmem>>, vector<1x16xf32>,
        %add3A_959 = arith.constant 600 : i32
        %add3A_960 = arith.addi %add3A_959, %add3A_947 : i32
        %swap3A_961 = arith.index_cast %add3A_960 : i32 to index
        %swap3A_962 = arith.constant 0 : index
        %swap3A_963 = tpu.vector_load %arg8[%swap3A_961, %swap3A_962] {strides = array<i32>} : memref<800x128xf32, #tpu.memory_space<vmem>>, vector<1x16xf32>,
        %swap3A_964 = vector.shape_cast %swap3A_963 : vector<1x16xf32> to vector<16xf32>
        %swap3A_965 = vector.shape_cast %get3A_951 : vector<16xf32> to vector<1x16xf32>
        tpu.vector_store %arg8[%swap3A_961, %swap3A_962], %swap3A_965 {add = true, strides = array<i32>} : memref<800x128xf32, #tpu.memory_space<vmem>>, vector<1x16xf32>,
        %get3A_966 = arith.index_cast %add3A_947 : i32 to index
        %get3A_967 = arith.constant 16 : index
        %get3A_968 = tpu.vector_load %arg9[%get3A_966, %get3A_967] {strides = array<i32>} : memref<200x128xf32, #tpu.memory_space<vmem>>, vector<1x16xf32>,
        %get3A_969 = vector.shape_cast %get3A_968 : vector<1x16xf32> to vector<16xf32>
        %add3A_970 = arith.constant 400 : i32
        %add3A_971 = arith.addi %add3A_970, %add3A_947 : i32
        %swap3A_972 = arith.index_cast %add3A_971 : i32 to index
        %swap3A_973 = arith.constant 16 : index
        %swap3A_974 = tpu.vector_load %arg8[%swap3A_972, %swap3A_973] {strides = array<i32>} : memref<800x128xf32, #tpu.memory_space<vmem>>, vector<1x16xf32>,
        %swap3A_975 = vector.shape_cast %swap3A_974 : vector<1x16xf32> to vector<16xf32>
        %swap3A_976 = vector.shape_cast %get3A_969 : vector<16xf32> to vector<1x16xf32>
        tpu.vector_store %arg8[%swap3A_972, %swap3A_973], %swap3A_976 {add = true, strides = array<i32>} : memref<800x128xf32, #tpu.memory_space<vmem>>, vector<1x16xf32>,
        %add3A_977 = arith.constant 600 : i32
        %add3A_978 = arith.addi %add3A_977, %add3A_947 : i32
        %swap3A_979 = arith.index_cast %add3A_978 : i32 to index
        %swap3A_980 = arith.constant 16 : index
        %swap3A_981 = tpu.vector_load %arg8[%swap3A_979, %swap3A_980] {strides = array<i32>} : memref<800x128xf32, #tpu.memory_space<vmem>>, vector<1x16xf32>,
        %swap3A_982 = vector.shape_cast %swap3A_981 : vector<1x16xf32> to vector<16xf32>
        %swap3A_983 = vector.shape_cast %get3A_969 : vector<16xf32> to vector<1x16xf32>
        tpu.vector_store %arg8[%swap3A_979, %swap3A_980], %swap3A_983 {add = true, strides = array<i32>} : memref<800x128xf32, #tpu.memory_space<vmem>>, vector<1x16xf32>,
        %get3A_984 = arith.index_cast %add3A_947 : i32 to index
        %get3A_985 = arith.constant 32 : index
        %get3A_986 = tpu.vector_load %arg9[%get3A_984, %get3A_985] {strides = array<i32>} : memref<200x128xf32, #tpu.memory_space<vmem>>, vector<1x16xf32>,
        %get3A_987 = vector.shape_cast %get3A_986 : vector<1x16xf32> to vector<16xf32>
        %add3A_988 = arith.constant 400 : i32
        %add3A_989 = arith.addi %add3A_988, %add3A_947 : i32
        %swap3A_990 = arith.index_cast %add3A_989 : i32 to index
        %swap3A_991 = arith.constant 32 : index
        %swap3A_992 = tpu.vector_load %arg8[%swap3A_990, %swap3A_991] {strides = array<i32>} : memref<800x128xf32, #tpu.memory_space<vmem>>, vector<1x16xf32>,
        %swap3A_993 = vector.shape_cast %swap3A_992 : vector<1x16xf32> to vector<16xf32>
        %swap3A_994 = vector.shape_cast %get3A_987 : vector<16xf32> to vector<1x16xf32>
        tpu.vector_store %arg8[%swap3A_990, %swap3A_991], %swap3A_994 {add = true, strides = array<i32>} : memref<800x128xf32, #tpu.memory_space<vmem>>, vector<1x16xf32>,
        %add3A_995 = arith.constant 600 : i32
        %add3A_996 = arith.addi %add3A_995, %add3A_947 : i32
        %swap3A_997 = arith.index_cast %add3A_996 : i32 to index
        %swap3A_998 = arith.constant 32 : index
        %swap3A_999 = tpu.vector_load %arg8[%swap3A_997, %swap3A_998] {strides = array<i32>} : memref<800x128xf32, #tpu.memory_space<vmem>>, vector<1x16xf32>,
        %swap3A_1000 = vector.shape_cast %swap3A_999 : vector<1x16xf32> to vector<16xf32>
        %swap3A_1001 = vector.shape_cast %get3A_987 : vector<16xf32> to vector<1x16xf32>
        tpu.vector_store %arg8[%swap3A_997, %swap3A_998], %swap3A_1001 {add = true, strides = array<i32>} : memref<800x128xf32, #tpu.memory_space<vmem>>, vector<1x16xf32>,
        %get3A_1002 = arith.index_cast %add3A_947 : i32 to index
        %get3A_1003 = arith.constant 48 : index
        %get3A_1004 = tpu.vector_load %arg9[%get3A_1002, %get3A_1003] {strides = array<i32>} : memref<200x128xf32, #tpu.memory_space<vmem>>, vector<1x16xf32>,
        %get3A_1005 = vector.shape_cast %get3A_1004 : vector<1x16xf32> to vector<16xf32>
        %add3A_1006 = arith.constant 400 : i32
        %add3A_1007 = arith.addi %add3A_1006, %add3A_947 : i32
        %swap3A_1008 = arith.index_cast %add3A_1007 : i32 to index
        %swap3A_1009 = arith.constant 48 : index
        %swap3A_1010 = tpu.vector_load %arg8[%swap3A_1008, %swap3A_1009] {strides = array<i32>} : memref<800x128xf32, #tpu.memory_space<vmem>>, vector<1x16xf32>,
        %swap3A_1011 = vector.shape_cast %swap3A_1010 : vector<1x16xf32> to vector<16xf32>
        %swap3A_1012 = vector.shape_cast %get3A_1005 : vector<16xf32> to vector<1x16xf32>
        tpu.vector_store %arg8[%swap3A_1008, %swap3A_1009], %swap3A_1012 {add = true, strides = array<i32>} : memref<800x128xf32, #tpu.memory_space<vmem>>, vector<1x16xf32>,
        %add3A_1013 = arith.constant 600 : i32
        %add3A_1014 = arith.addi %add3A_1013, %add3A_947 : i32
        %swap3A_1015 = arith.index_cast %add3A_1014 : i32 to index
        %swap3A_1016 = arith.constant 48 : index
        %swap3A_1017 = tpu.vector_load %arg8[%swap3A_1015, %swap3A_1016] {strides = array<i32>} : memref<800x128xf32, #tpu.memory_space<vmem>>, vector<1x16xf32>,
        %swap3A_1018 = vector.shape_cast %swap3A_1017 : vector<1x16xf32> to vector<16xf32>
        %swap3A_1019 = vector.shape_cast %get3A_1005 : vector<16xf32> to vector<1x16xf32>
        tpu.vector_store %arg8[%swap3A_1015, %swap3A_1016], %swap3A_1019 {add = true, strides = array<i32>} : memref<800x128xf32, #tpu.memory_space<vmem>>, vector<1x16xf32>,
        %get3A_1020 = arith.index_cast %add3A_947 : i32 to index
        %get3A_1021 = arith.constant 64 : index
        %get3A_1022 = tpu.vector_load %arg9[%get3A_1020, %get3A_1021] {strides = array<i32>} : memref<200x128xf32, #tpu.memory_space<vmem>>, vector<1x16xf32>,
        %get3A_1023 = vector.shape_cast %get3A_1022 : vector<1x16xf32> to vector<16xf32>
        %add3A_1024 = arith.constant 400 : i32
        %add3A_1025 = arith.addi %add3A_1024, %add3A_947 : i32
        %swap3A_1026 = arith.index_cast %add3A_1025 : i32 to index
        %swap3A_1027 = arith.constant 64 : index
        %swap3A_1028 = tpu.vector_load %arg8[%swap3A_1026, %swap3A_1027] {strides = array<i32>} : memref<800x128xf32, #tpu.memory_space<vmem>>, vector<1x16xf32>,
        %swap3A_1029 = vector.shape_cast %swap3A_1028 : vector<1x16xf32> to vector<16xf32>
        %swap3A_1030 = vector.shape_cast %get3A_1023 : vector<16xf32> to vector<1x16xf32>
        tpu.vector_store %arg8[%swap3A_1026, %swap3A_1027], %swap3A_1030 {add = true, strides = array<i32>} : memref<800x128xf32, #tpu.memory_space<vmem>>, vector<1x16xf32>,
        %add3A_1031 = arith.constant 600 : i32
        %add3A_1032 = arith.addi %add3A_1031, %add3A_947 : i32
        %swap3A_1033 = arith.index_cast %add3A_1032 : i32 to index
        %swap3A_1034 = arith.constant 64 : index
        %swap3A_1035 = tpu.vector_load %arg8[%swap3A_1033, %swap3A_1034] {strides = array<i32>} : memref<800x128xf32, #tpu.memory_space<vmem>>, vector<1x16xf32>,
        %swap3A_1036 = vector.shape_cast %swap3A_1035 : vector<1x16xf32> to vector<16xf32>
        %swap3A_1037 = vector.shape_cast %get3A_1023 : vector<16xf32> to vector<1x16xf32>
        tpu.vector_store %arg8[%swap3A_1033, %swap3A_1034], %swap3A_1037 {add = true, strides = array<i32>} : memref<800x128xf32, #tpu.memory_space<vmem>>, vector<1x16xf32>,
        %get3A_1038 = arith.index_cast %add3A_947 : i32 to index
        %get3A_1039 = arith.constant 80 : index
        %get3A_1040 = tpu.vector_load %arg9[%get3A_1038, %get3A_1039] {strides = array<i32>} : memref<200x128xf32, #tpu.memory_space<vmem>>, vector<1x16xf32>,
        %get3A_1041 = vector.shape_cast %get3A_1040 : vector<1x16xf32> to vector<16xf32>
        %add3A_1042 = arith.constant 400 : i32
        %add3A_1043 = arith.addi %add3A_1042, %add3A_947 : i32
        %swap3A_1044 = arith.index_cast %add3A_1043 : i32 to index
        %swap3A_1045 = arith.constant 80 : index
        %swap3A_1046 = tpu.vector_load %arg8[%swap3A_1044, %swap3A_1045] {strides = array<i32>} : memref<800x128xf32, #tpu.memory_space<vmem>>, vector<1x16xf32>,
        %swap3A_1047 = vector.shape_cast %swap3A_1046 : vector<1x16xf32> to vector<16xf32>
        %swap3A_1048 = vector.shape_cast %get3A_1041 : vector<16xf32> to vector<1x16xf32>
        tpu.vector_store %arg8[%swap3A_1044, %swap3A_1045], %swap3A_1048 {add = true, strides = array<i32>} : memref<800x128xf32, #tpu.memory_space<vmem>>, vector<1x16xf32>,
        %add3A_1049 = arith.constant 600 : i32
        %add3A_1050 = arith.addi %add3A_1049, %add3A_947 : i32
        %swap3A_1051 = arith.index_cast %add3A_1050 : i32 to index
        %swap3A_1052 = arith.constant 80 : index
        %swap3A_1053 = tpu.vector_load %arg8[%swap3A_1051, %swap3A_1052] {strides = array<i32>} : memref<800x128xf32, #tpu.memory_space<vmem>>, vector<1x16xf32>,
        %swap3A_1054 = vector.shape_cast %swap3A_1053 : vector<1x16xf32> to vector<16xf32>
        %swap3A_1055 = vector.shape_cast %get3A_1041 : vector<16xf32> to vector<1x16xf32>
        tpu.vector_store %arg8[%swap3A_1051, %swap3A_1052], %swap3A_1055 {add = true, strides = array<i32>} : memref<800x128xf32, #tpu.memory_space<vmem>>, vector<1x16xf32>,
        %get3A_1056 = arith.index_cast %add3A_947 : i32 to index
        %get3A_1057 = arith.constant 96 : index
        %get3A_1058 = tpu.vector_load %arg9[%get3A_1056, %get3A_1057] {strides = array<i32>} : memref<200x128xf32, #tpu.memory_space<vmem>>, vector<1x16xf32>,
        %get3A_1059 = vector.shape_cast %get3A_1058 : vector<1x16xf32> to vector<16xf32>
        %add3A_1060 = arith.constant 400 : i32
        %add3A_1061 = arith.addi %add3A_1060, %add3A_947 : i32
        %swap3A_1062 = arith.index_cast %add3A_1061 : i32 to index
        %swap3A_1063 = arith.constant 96 : index
        %swap3A_1064 = tpu.vector_load %arg8[%swap3A_1062, %swap3A_1063] {strides = array<i32>} : memref<800x128xf32, #tpu.memory_space<vmem>>, vector<1x16xf32>,
        %swap3A_1065 = vector.shape_cast %swap3A_1064 : vector<1x16xf32> to vector<16xf32>
        %swap3A_1066 = vector.shape_cast %get3A_1059 : vector<16xf32> to vector<1x16xf32>
        tpu.vector_store %arg8[%swap3A_1062, %swap3A_1063], %swap3A_1066 {add = true, strides = array<i32>} : memref<800x128xf32, #tpu.memory_space<vmem>>, vector<1x16xf32>,
        %add3A_1067 = arith.constant 600 : i32
        %add3A_1068 = arith.addi %add3A_1067, %add3A_947 : i32
        %swap3A_1069 = arith.index_cast %add3A_1068 : i32 to index
        %swap3A_1070 = arith.constant 96 : index
        %swap3A_1071 = tpu.vector_load %arg8[%swap3A_1069, %swap3A_1070] {strides = array<i32>} : memref<800x128xf32, #tpu.memory_space<vmem>>, vector<1x16xf32>,
        %swap3A_1072 = vector.shape_cast %swap3A_1071 : vector<1x16xf32> to vector<16xf32>
        %swap3A_1073 = vector.shape_cast %get3A_1059 : vector<16xf32> to vector<1x16xf32>
        tpu.vector_store %arg8[%swap3A_1069, %swap3A_1070], %swap3A_1073 {add = true, strides = array<i32>} : memref<800x128xf32, #tpu.memory_space<vmem>>, vector<1x16xf32>,
        %get3A_1074 = arith.index_cast %add3A_947 : i32 to index
        %get3A_1075 = arith.constant 112 : index
        %get3A_1076 = tpu.vector_load %arg9[%get3A_1074, %get3A_1075] {strides = array<i32>} : memref<200x128xf32, #tpu.memory_space<vmem>>, vector<1x16xf32>,
        %get3A_1077 = vector.shape_cast %get3A_1076 : vector<1x16xf32> to vector<16xf32>
        %add3A_1078 = arith.constant 400 : i32
        %add3A_1079 = arith.addi %add3A_1078, %add3A_947 : i32
        %swap3A_1080 = arith.index_cast %add3A_1079 : i32 to index
        %swap3A_1081 = arith.constant 112 : index
        %swap3A_1082 = tpu.vector_load %arg8[%swap3A_1080, %swap3A_1081] {strides = array<i32>} : memref<800x128xf32, #tpu.memory_space<vmem>>, vector<1x16xf32>,
        %swap3A_1083 = vector.shape_cast %swap3A_1082 : vector<1x16xf32> to vector<16xf32>
        %swap3A_1084 = vector.shape_cast %get3A_1077 : vector<16xf32> to vector<1x16xf32>
        tpu.vector_store %arg8[%swap3A_1080, %swap3A_1081], %swap3A_1084 {add = true, strides = array<i32>} : memref<800x128xf32, #tpu.memory_space<vmem>>, vector<1x16xf32>,
        %add3A_1085 = arith.constant 600 : i32
        %add3A_1086 = arith.addi %add3A_1085, %add3A_947 : i32
        %swap3A_1087 = arith.index_cast %add3A_1086 : i32 to index
        %swap3A_1088 = arith.constant 112 : index
        %swap3A_1089 = tpu.vector_load %arg8[%swap3A_1087, %swap3A_1088] {strides = array<i32>} : memref<800x128xf32, #tpu.memory_space<vmem>>, vector<1x16xf32>,
        %swap3A_1090 = vector.shape_cast %swap3A_1089 : vector<1x16xf32> to vector<16xf32>
        %swap3A_1091 = vector.shape_cast %get3A_1077 : vector<16xf32> to vector<1x16xf32>
        tpu.vector_store %arg8[%swap3A_1087, %swap3A_1088], %swap3A_1091 {add = true, strides = array<i32>} : memref<800x128xf32, #tpu.memory_space<vmem>>, vector<1x16xf32>,
        %add3A_1092 = arith.constant 3 : i32
        %add3A_1093 = arith.addi %mul3A_655, %add3A_1092 : i32
        %get3A_1094 = arith.index_cast %add3A_1093 : i32 to index
        %get3A_1095 = arith.constant 0 : index
        %get3A_1096 = tpu.vector_load %arg9[%get3A_1094, %get3A_1095] {strides = array<i32>} : memref<200x128xf32, #tpu.memory_space<vmem>>, vector<1x16xf32>,
        %get3A_1097 = vector.shape_cast %get3A_1096 : vector<1x16xf32> to vector<16xf32>
        %add3A_1098 = arith.constant 400 : i32
        %add3A_1099 = arith.addi %add3A_1098, %add3A_1093 : i32
        %swap3A_1100 = arith.index_cast %add3A_1099 : i32 to index
        %swap3A_1101 = arith.constant 0 : index
        %swap3A_1102 = tpu.vector_load %arg8[%swap3A_1100, %swap3A_1101] {strides = array<i32>} : memref<800x128xf32, #tpu.memory_space<vmem>>, vector<1x16xf32>,
        %swap3A_1103 = vector.shape_cast %swap3A_1102 : vector<1x16xf32> to vector<16xf32>
        %swap3A_1104 = vector.shape_cast %get3A_1097 : vector<16xf32> to vector<1x16xf32>
        tpu.vector_store %arg8[%swap3A_1100, %swap3A_1101], %swap3A_1104 {add = true, strides = array<i32>} : memref<800x128xf32, #tpu.memory_space<vmem>>, vector<1x16xf32>,
        %add3A_1105 = arith.constant 600 : i32
        %add3A_1106 = arith.addi %add3A_1105, %add3A_1093 : i32
        %swap3A_1107 = arith.index_cast %add3A_1106 : i32 to index
        %swap3A_1108 = arith.constant 0 : index
        %swap3A_1109 = tpu.vector_load %arg8[%swap3A_1107, %swap3A_1108] {strides = array<i32>} : memref<800x128xf32, #tpu.memory_space<vmem>>, vector<1x16xf32>,
        %swap3A_1110 = vector.shape_cast %swap3A_1109 : vector<1x16xf32> to vector<16xf32>
        %swap3A_1111 = vector.shape_cast %get3A_1097 : vector<16xf32> to vector<1x16xf32>
        tpu.vector_store %arg8[%swap3A_1107, %swap3A_1108], %swap3A_1111 {add = true, strides = array<i32>} : memref<800x128xf32, #tpu.memory_space<vmem>>, vector<1x16xf32>,
        %get3A_1112 = arith.index_cast %add3A_1093 : i32 to index
        %get3A_1113 = arith.constant 16 : index
        %get3A_1114 = tpu.vector_load %arg9[%get3A_1112, %get3A_1113] {strides = array<i32>} : memref<200x128xf32, #tpu.memory_space<vmem>>, vector<1x16xf32>,
        %get3A_1115 = vector.shape_cast %get3A_1114 : vector<1x16xf32> to vector<16xf32>
        %add3A_1116 = arith.constant 400 : i32
        %add3A_1117 = arith.addi %add3A_1116, %add3A_1093 : i32
        %swap3A_1118 = arith.index_cast %add3A_1117 : i32 to index
        %swap3A_1119 = arith.constant 16 : index
        %swap3A_1120 = tpu.vector_load %arg8[%swap3A_1118, %swap3A_1119] {strides = array<i32>} : memref<800x128xf32, #tpu.memory_space<vmem>>, vector<1x16xf32>,
        %swap3A_1121 = vector.shape_cast %swap3A_1120 : vector<1x16xf32> to vector<16xf32>
        %swap3A_1122 = vector.shape_cast %get3A_1115 : vector<16xf32> to vector<1x16xf32>
        tpu.vector_store %arg8[%swap3A_1118, %swap3A_1119], %swap3A_1122 {add = true, strides = array<i32>} : memref<800x128xf32, #tpu.memory_space<vmem>>, vector<1x16xf32>,
        %add3A_1123 = arith.constant 600 : i32
        %add3A_1124 = arith.addi %add3A_1123, %add3A_1093 : i32
        %swap3A_1125 = arith.index_cast %add3A_1124 : i32 to index
        %swap3A_1126 = arith.constant 16 : index
        %swap3A_1127 = tpu.vector_load %arg8[%swap3A_1125, %swap3A_1126] {strides = array<i32>} : memref<800x128xf32, #tpu.memory_space<vmem>>, vector<1x16xf32>,
        %swap3A_1128 = vector.shape_cast %swap3A_1127 : vector<1x16xf32> to vector<16xf32>
        %swap3A_1129 = vector.shape_cast %get3A_1115 : vector<16xf32> to vector<1x16xf32>
        tpu.vector_store %arg8[%swap3A_1125, %swap3A_1126], %swap3A_1129 {add = true, strides = array<i32>} : memref<800x128xf32, #tpu.memory_space<vmem>>, vector<1x16xf32>,
        %get3A_1130 = arith.index_cast %add3A_1093 : i32 to index
        %get3A_1131 = arith.constant 32 : index
        %get3A_1132 = tpu.vector_load %arg9[%get3A_1130, %get3A_1131] {strides = array<i32>} : memref<200x128xf32, #tpu.memory_space<vmem>>, vector<1x16xf32>,
        %get3A_1133 = vector.shape_cast %get3A_1132 : vector<1x16xf32> to vector<16xf32>
        %add3A_1134 = arith.constant 400 : i32
        %add3A_1135 = arith.addi %add3A_1134, %add3A_1093 : i32
        %swap3A_1136 = arith.index_cast %add3A_1135 : i32 to index
        %swap3A_1137 = arith.constant 32 : index
        %swap3A_1138 = tpu.vector_load %arg8[%swap3A_1136, %swap3A_1137] {strides = array<i32>} : memref<800x128xf32, #tpu.memory_space<vmem>>, vector<1x16xf32>,
        %swap3A_1139 = vector.shape_cast %swap3A_1138 : vector<1x16xf32> to vector<16xf32>
        %swap3A_1140 = vector.shape_cast %get3A_1133 : vector<16xf32> to vector<1x16xf32>
        tpu.vector_store %arg8[%swap3A_1136, %swap3A_1137], %swap3A_1140 {add = true, strides = array<i32>} : memref<800x128xf32, #tpu.memory_space<vmem>>, vector<1x16xf32>,
        %add3A_1141 = arith.constant 600 : i32
        %add3A_1142 = arith.addi %add3A_1141, %add3A_1093 : i32
        %swap3A_1143 = arith.index_cast %add3A_1142 : i32 to index
        %swap3A_1144 = arith.constant 32 : index
        %swap3A_1145 = tpu.vector_load %arg8[%swap3A_1143, %swap3A_1144] {strides = array<i32>} : memref<800x128xf32, #tpu.memory_space<vmem>>, vector<1x16xf32>,
        %swap3A_1146 = vector.shape_cast %swap3A_1145 : vector<1x16xf32> to vector<16xf32>
        %swap3A_1147 = vector.shape_cast %get3A_1133 : vector<16xf32> to vector<1x16xf32>
        tpu.vector_store %arg8[%swap3A_1143, %swap3A_1144], %swap3A_1147 {add = true, strides = array<i32>} : memref<800x128xf32, #tpu.memory_space<vmem>>, vector<1x16xf32>,
        %get3A_1148 = arith.index_cast %add3A_1093 : i32 to index
        %get3A_1149 = arith.constant 48 : index
        %get3A_1150 = tpu.vector_load %arg9[%get3A_1148, %get3A_1149] {strides = array<i32>} : memref<200x128xf32, #tpu.memory_space<vmem>>, vector<1x16xf32>,
        %get3A_1151 = vector.shape_cast %get3A_1150 : vector<1x16xf32> to vector<16xf32>
        %add3A_1152 = arith.constant 400 : i32
        %add3A_1153 = arith.addi %add3A_1152, %add3A_1093 : i32
        %swap3A_1154 = arith.index_cast %add3A_1153 : i32 to index
        %swap3A_1155 = arith.constant 48 : index
        %swap3A_1156 = tpu.vector_load %arg8[%swap3A_1154, %swap3A_1155] {strides = array<i32>} : memref<800x128xf32, #tpu.memory_space<vmem>>, vector<1x16xf32>,
        %swap3A_1157 = vector.shape_cast %swap3A_1156 : vector<1x16xf32> to vector<16xf32>
        %swap3A_1158 = vector.shape_cast %get3A_1151 : vector<16xf32> to vector<1x16xf32>
        tpu.vector_store %arg8[%swap3A_1154, %swap3A_1155], %swap3A_1158 {add = true, strides = array<i32>} : memref<800x128xf32, #tpu.memory_space<vmem>>, vector<1x16xf32>,
        %add3A_1159 = arith.constant 600 : i32
        %add3A_1160 = arith.addi %add3A_1159, %add3A_1093 : i32
        %swap3A_1161 = arith.index_cast %add3A_1160 : i32 to index
        %swap3A_1162 = arith.constant 48 : index
        %swap3A_1163 = tpu.vector_load %arg8[%swap3A_1161, %swap3A_1162] {strides = array<i32>} : memref<800x128xf32, #tpu.memory_space<vmem>>, vector<1x16xf32>,
        %swap3A_1164 = vector.shape_cast %swap3A_1163 : vector<1x16xf32> to vector<16xf32>
        %swap3A_1165 = vector.shape_cast %get3A_1151 : vector<16xf32> to vector<1x16xf32>
        tpu.vector_store %arg8[%swap3A_1161, %swap3A_1162], %swap3A_1165 {add = true, strides = array<i32>} : memref<800x128xf32, #tpu.memory_space<vmem>>, vector<1x16xf32>,
        %get3A_1166 = arith.index_cast %add3A_1093 : i32 to index
        %get3A_1167 = arith.constant 64 : index
        %get3A_1168 = tpu.vector_load %arg9[%get3A_1166, %get3A_1167] {strides = array<i32>} : memref<200x128xf32, #tpu.memory_space<vmem>>, vector<1x16xf32>,
        %get3A_1169 = vector.shape_cast %get3A_1168 : vector<1x16xf32> to vector<16xf32>
        %add3A_1170 = arith.constant 400 : i32
        %add3A_1171 = arith.addi %add3A_1170, %add3A_1093 : i32
        %swap3A_1172 = arith.index_cast %add3A_1171 : i32 to index
        %swap3A_1173 = arith.constant 64 : index
        %swap3A_1174 = tpu.vector_load %arg8[%swap3A_1172, %swap3A_1173] {strides = array<i32>} : memref<800x128xf32, #tpu.memory_space<vmem>>, vector<1x16xf32>,
        %swap3A_1175 = vector.shape_cast %swap3A_1174 : vector<1x16xf32> to vector<16xf32>
        %swap3A_1176 = vector.shape_cast %get3A_1169 : vector<16xf32> to vector<1x16xf32>
        tpu.vector_store %arg8[%swap3A_1172, %swap3A_1173], %swap3A_1176 {add = true, strides = array<i32>} : memref<800x128xf32, #tpu.memory_space<vmem>>, vector<1x16xf32>,
        %add3A_1177 = arith.constant 600 : i32
        %add3A_1178 = arith.addi %add3A_1177, %add3A_1093 : i32
        %swap3A_1179 = arith.index_cast %add3A_1178 : i32 to index
        %swap3A_1180 = arith.constant 64 : index
        %swap3A_1181 = tpu.vector_load %arg8[%swap3A_1179, %swap3A_1180] {strides = array<i32>} : memref<800x128xf32, #tpu.memory_space<vmem>>, vector<1x16xf32>,
        %swap3A_1182 = vector.shape_cast %swap3A_1181 : vector<1x16xf32> to vector<16xf32>
        %swap3A_1183 = vector.shape_cast %get3A_1169 : vector<16xf32> to vector<1x16xf32>
        tpu.vector_store %arg8[%swap3A_1179, %swap3A_1180], %swap3A_1183 {add = true, strides = array<i32>} : memref<800x128xf32, #tpu.memory_space<vmem>>, vector<1x16xf32>,
        %get3A_1184 = arith.index_cast %add3A_1093 : i32 to index
        %get3A_1185 = arith.constant 80 : index
        %get3A_1186 = tpu.vector_load %arg9[%get3A_1184, %get3A_1185] {strides = array<i32>} : memref<200x128xf32, #tpu.memory_space<vmem>>, vector<1x16xf32>,
        %get3A_1187 = vector.shape_cast %get3A_1186 : vector<1x16xf32> to vector<16xf32>
        %add3A_1188 = arith.constant 400 : i32
        %add3A_1189 = arith.addi %add3A_1188, %add3A_1093 : i32
        %swap3A_1190 = arith.index_cast %add3A_1189 : i32 to index
        %swap3A_1191 = arith.constant 80 : index
        %swap3A_1192 = tpu.vector_load %arg8[%swap3A_1190, %swap3A_1191] {strides = array<i32>} : memref<800x128xf32, #tpu.memory_space<vmem>>, vector<1x16xf32>,
        %swap3A_1193 = vector.shape_cast %swap3A_1192 : vector<1x16xf32> to vector<16xf32>
        %swap3A_1194 = vector.shape_cast %get3A_1187 : vector<16xf32> to vector<1x16xf32>
        tpu.vector_store %arg8[%swap3A_1190, %swap3A_1191], %swap3A_1194 {add = true, strides = array<i32>} : memref<800x128xf32, #tpu.memory_space<vmem>>, vector<1x16xf32>,
        %add3A_1195 = arith.constant 600 : i32
        %add3A_1196 = arith.addi %add3A_1195, %add3A_1093 : i32
        %swap3A_1197 = arith.index_cast %add3A_1196 : i32 to index
        %swap3A_1198 = arith.constant 80 : index
        %swap3A_1199 = tpu.vector_load %arg8[%swap3A_1197, %swap3A_1198] {strides = array<i32>} : memref<800x128xf32, #tpu.memory_space<vmem>>, vector<1x16xf32>,
        %swap3A_1200 = vector.shape_cast %swap3A_1199 : vector<1x16xf32> to vector<16xf32>
        %swap3A_1201 = vector.shape_cast %get3A_1187 : vector<16xf32> to vector<1x16xf32>
        tpu.vector_store %arg8[%swap3A_1197, %swap3A_1198], %swap3A_1201 {add = true, strides = array<i32>} : memref<800x128xf32, #tpu.memory_space<vmem>>, vector<1x16xf32>,
        %get3A_1202 = arith.index_cast %add3A_1093 : i32 to index
        %get3A_1203 = arith.constant 96 : index
        %get3A_1204 = tpu.vector_load %arg9[%get3A_1202, %get3A_1203] {strides = array<i32>} : memref<200x128xf32, #tpu.memory_space<vmem>>, vector<1x16xf32>,
        %get3A_1205 = vector.shape_cast %get3A_1204 : vector<1x16xf32> to vector<16xf32>
        %add3A_1206 = arith.constant 400 : i32
        %add3A_1207 = arith.addi %add3A_1206, %add3A_1093 : i32
        %swap3A_1208 = arith.index_cast %add3A_1207 : i32 to index
        %swap3A_1209 = arith.constant 96 : index
        %swap3A_1210 = tpu.vector_load %arg8[%swap3A_1208, %swap3A_1209] {strides = array<i32>} : memref<800x128xf32, #tpu.memory_space<vmem>>, vector<1x16xf32>,
        %swap3A_1211 = vector.shape_cast %swap3A_1210 : vector<1x16xf32> to vector<16xf32>
        %swap3A_1212 = vector.shape_cast %get3A_1205 : vector<16xf32> to vector<1x16xf32>
        tpu.vector_store %arg8[%swap3A_1208, %swap3A_1209], %swap3A_1212 {add = true, strides = array<i32>} : memref<800x128xf32, #tpu.memory_space<vmem>>, vector<1x16xf32>,
        %add3A_1213 = arith.constant 600 : i32
        %add3A_1214 = arith.addi %add3A_1213, %add3A_1093 : i32
        %swap3A_1215 = arith.index_cast %add3A_1214 : i32 to index
        %swap3A_1216 = arith.constant 96 : index
        %swap3A_1217 = tpu.vector_load %arg8[%swap3A_1215, %swap3A_1216] {strides = array<i32>} : memref<800x128xf32, #tpu.memory_space<vmem>>, vector<1x16xf32>,
        %swap3A_1218 = vector.shape_cast %swap3A_1217 : vector<1x16xf32> to vector<16xf32>
        %swap3A_1219 = vector.shape_cast %get3A_1205 : vector<16xf32> to vector<1x16xf32>
        tpu.vector_store %arg8[%swap3A_1215, %swap3A_1216], %swap3A_1219 {add = true, strides = array<i32>} : memref<800x128xf32, #tpu.memory_space<vmem>>, vector<1x16xf32>,
        %get3A_1220 = arith.index_cast %add3A_1093 : i32 to index
        %get3A_1221 = arith.constant 112 : index
        %get3A_1222 = tpu.vector_load %arg9[%get3A_1220, %get3A_1221] {strides = array<i32>} : memref<200x128xf32, #tpu.memory_space<vmem>>, vector<1x16xf32>,
        %get3A_1223 = vector.shape_cast %get3A_1222 : vector<1x16xf32> to vector<16xf32>
        %add3A_1224 = arith.constant 400 : i32
        %add3A_1225 = arith.addi %add3A_1224, %add3A_1093 : i32
        %swap3A_1226 = arith.index_cast %add3A_1225 : i32 to index
        %swap3A_1227 = arith.constant 112 : index
        %swap3A_1228 = tpu.vector_load %arg8[%swap3A_1226, %swap3A_1227] {strides = array<i32>} : memref<800x128xf32, #tpu.memory_space<vmem>>, vector<1x16xf32>,
        %swap3A_1229 = vector.shape_cast %swap3A_1228 : vector<1x16xf32> to vector<16xf32>
        %swap3A_1230 = vector.shape_cast %get3A_1223 : vector<16xf32> to vector<1x16xf32>
        tpu.vector_store %arg8[%swap3A_1226, %swap3A_1227], %swap3A_1230 {add = true, strides = array<i32>} : memref<800x128xf32, #tpu.memory_space<vmem>>, vector<1x16xf32>,
        %add3A_1231 = arith.constant 600 : i32
        %add3A_1232 = arith.addi %add3A_1231, %add3A_1093 : i32
        %swap3A_1233 = arith.index_cast %add3A_1232 : i32 to index
        %swap3A_1234 = arith.constant 112 : index
        %swap3A_1235 = tpu.vector_load %arg8[%swap3A_1233, %swap3A_1234] {strides = array<i32>} : memref<800x128xf32, #tpu.memory_space<vmem>>, vector<1x16xf32>,
        %swap3A_1236 = vector.shape_cast %swap3A_1235 : vector<1x16xf32> to vector<16xf32>
        %swap3A_1237 = vector.shape_cast %get3A_1223 : vector<16xf32> to vector<1x16xf32>
        tpu.vector_store %arg8[%swap3A_1233, %swap3A_1234], %swap3A_1237 {add = true, strides = array<i32>} : memref<800x128xf32, #tpu.memory_space<vmem>>, vector<1x16xf32>,
      }
      %scan3A_512 = arith.constant 50 : i32
      %sub3A_513 = arith.constant 1 : i32
      %sub3A_514 = arith.subi %mul3A_411, %sub3A_513 : i32
      %mul3A_515 = arith.constant 2 : i32
      %mul3A_516 = arith.muli %sub3A_514, %mul3A_515 : i32
      %mul3A_517 = arith.constant 200 : i32
      %mul3A_518 = arith.muli %mul3A_516, %mul3A_517 : i32
      %add3A_519 = arith.addi %mul3A_2, %mul3A_518 : i32
      %dma_start3A_520 = arith.constant 400 : i32
      %dma_start3A_521 = arith.constant 0 : i32
      %dma_start3A_522 = tpu.memref_slice %arg8[%dma_start3A_520, %dma_start3A_521] : memref<800x128xf32, #tpu.memory_space<vmem>> -> memref<400x128xf32, #tpu.memory_space<vmem>>
      %dma_start3A_523 = arith.constant 0 : i32
      %dma_start3A_524 = tpu.memref_slice %arg5[%add3A_519, %dma_start3A_523] : memref<204800x128xf32, #tpu.memory_space<hbm>> -> memref<400x128xf32, #tpu.memory_space<hbm>>
      %dma_start3A_525 = arith.constant 0 : i32
      %dma_start3A_526 = tpu.memref_slice %arg5[%add3A_519, %dma_start3A_525] : memref<204800x128xf32, #tpu.memory_space<hbm>> -> memref<400x128xf32, #tpu.memory_space<hbm>>
      %dma_start3A_527 = arith.constant 400 : i32
      %dma_start3A_528 = arith.constant 0 : i32
      %dma_start3A_529 = tpu.memref_slice %arg8[%dma_start3A_527, %dma_start3A_528] : memref<800x128xf32, #tpu.memory_space<vmem>> -> memref<400x128xf32, #tpu.memory_space<vmem>>
      tpu.enqueue_dma source(%dma_start3A_529 : memref<400x128xf32, #tpu.memory_space<vmem>>) target(%dma_start3A_526 : memref<400x128xf32, #tpu.memory_space<hbm>>) target_semaphore(%arg14 : memref<!tpu.dma_semaphore, #tpu.memory_space<semaphore_mem>>)
      %mul3A_530 = arith.constant 2 : i32
      %mul3A_531 = arith.muli %mul3A_530, %scan3A_409 : i32
      %add3A_532 = arith.constant 1 : i32
      %add3A_533 = arith.addi %mul3A_531, %add3A_532 : i32
      %mul3A_534 = arith.constant 2 : i32
      %mul3A_535 = arith.muli %add3A_533, %mul3A_534 : i32
      %mul3A_536 = arith.constant 200 : i32
      %mul3A_537 = arith.muli %mul3A_535, %mul3A_536 : i32
      %add3A_538 = arith.addi %mul3A_2, %mul3A_537 : i32
      %dma_wait3A_539 = tpu.memref_slice %arg2[%add3A_538] : memref<204800xi32, #tpu.memory_space<hbm>> -> memref<400xi32, #tpu.memory_space<hbm>>
      %dma_wait3A_540 = tpu.memref_slice %arg2[%add3A_538] : memref<204800xi32, #tpu.memory_space<hbm>> -> memref<400xi32, #tpu.memory_space<hbm>>
      tpu.wait_dma2 semaphore(%arg12 : memref<!tpu.dma_semaphore, #tpu.memory_space<semaphore_mem>>) src(%dma_wait3A_540 : memref<400xi32, #tpu.memory_space<hbm>>) dst(%arg7 : memref<400xi32, #tpu.memory_space<vmem>>)
      %sub3A_541 = arith.constant 2 : i32
      %sub3A_542 = arith.subi %add3A_533, %sub3A_541 : i32
      %mul3A_543 = arith.constant 2 : i32
      %mul3A_544 = arith.muli %sub3A_542, %mul3A_543 : i32
      %mul3A_545 = arith.constant 200 : i32
      %mul3A_546 = arith.muli %mul3A_544, %mul3A_545 : i32
      %add3A_547 = arith.addi %mul3A_2, %mul3A_546 : i32
      %dma_wait3A_548 = arith.constant 400 : i32
      %dma_wait3A_549 = arith.constant 0 : i32
      %dma_wait3A_550 = tpu.memref_slice %arg8[%dma_wait3A_548, %dma_wait3A_549] : memref<800x128xf32, #tpu.memory_space<vmem>> -> memref<400x128xf32, #tpu.memory_space<vmem>>
      %dma_wait3A_551 = arith.constant 0 : i32
      %dma_wait3A_552 = tpu.memref_slice %arg5[%add3A_547, %dma_wait3A_551] : memref<204800x128xf32, #tpu.memory_space<hbm>> -> memref<400x128xf32, #tpu.memory_space<hbm>>
      %dma_wait3A_553 = arith.constant 0 : i32
      %dma_wait3A_554 = tpu.memref_slice %arg5[%add3A_547, %dma_wait3A_553] : memref<204800x128xf32, #tpu.memory_space<hbm>> -> memref<400x128xf32, #tpu.memory_space<hbm>>
      %dma_wait3A_555 = arith.constant 400 : i32
      %dma_wait3A_556 = arith.constant 0 : i32
      %dma_wait3A_557 = tpu.memref_slice %arg8[%dma_wait3A_555, %dma_wait3A_556] : memref<800x128xf32, #tpu.memory_space<vmem>> -> memref<400x128xf32, #tpu.memory_space<vmem>>
      tpu.wait_dma2 semaphore(%arg14 : memref<!tpu.dma_semaphore, #tpu.memory_space<semaphore_mem>>) src(%dma_wait3A_557 : memref<400x128xf32, #tpu.memory_space<vmem>>) dst(%dma_wait3A_554 : memref<400x128xf32, #tpu.memory_space<hbm>>)
      %dma_start3A_558 = arith.constant 400 : i32
      %dma_start3A_559 = arith.constant 0 : i32
      %dma_start3A_560 = tpu.memref_slice %arg8[%dma_start3A_558, %dma_start3A_559] : memref<800x128xf32, #tpu.memory_space<vmem>> -> memref<104x128xf32, #tpu.memory_space<vmem>>
      %dma_start3A_561 = arith.constant 0 : i32
      %dma_start3A_562 = tpu.memref_slice %arg7[%dma_start3A_561] : memref<400xi32, #tpu.memory_space<vmem>> -> memref<104xi32, #tpu.memory_space<vmem>>
      %dma_start3A_563 = arith.constant 0 : i32
      %dma_start3A_564 = arith.constant 0 : i32
      %dma_start3A_565 = tpu.memref_slice %arg3[%dma_start3A_563, %dma_start3A_564] : memref<100000x128xf32, #tpu.memory_space<hbm>> -> memref<100000x128xf32, #tpu.memory_space<hbm>>
      tpu.enqueue_indirect_dma source(%dma_start3A_565 : memref<100000x128xf32, #tpu.memory_space<hbm>>) target(%dma_start3A_560 : memref<104x128xf32, #tpu.memory_space<vmem>>) offsets(%dma_start3A_562 : memref<104xi32, #tpu.memory_space<vmem>>) semaphore(%arg10 : memref<!tpu.dma_semaphore, #tpu.memory_space<semaphore_mem>>)
      %dma_start3A_566 = arith.constant 504 : i32
      %dma_start3A_567 = arith.constant 0 : i32
      %dma_start3A_568 = tpu.memref_slice %arg8[%dma_start3A_566, %dma_start3A_567] : memref<800x128xf32, #tpu.memory_space<vmem>> -> memref<96x128xf32, #tpu.memory_space<vmem>>
      %dma_start3A_569 = arith.constant 104 : i32
      %dma_start3A_570 = tpu.memref_slice %arg7[%dma_start3A_569] : memref<400xi32, #tpu.memory_space<vmem>> -> memref<96xi32, #tpu.memory_space<vmem>>
      %dma_start3A_571 = arith.constant 0 : i32
      %dma_start3A_572 = arith.constant 0 : i32
      %dma_start3A_573 = tpu.memref_slice %arg3[%dma_start3A_571, %dma_start3A_572] : memref<100000x128xf32, #tpu.memory_space<hbm>> -> memref<100000x128xf32, #tpu.memory_space<hbm>>
      tpu.enqueue_indirect_dma source(%dma_start3A_573 : memref<100000x128xf32, #tpu.memory_space<hbm>>) target(%dma_start3A_568 : memref<96x128xf32, #tpu.memory_space<vmem>>) offsets(%dma_start3A_570 : memref<96xi32, #tpu.memory_space<vmem>>) semaphore(%arg10 : memref<!tpu.dma_semaphore, #tpu.memory_space<semaphore_mem>>)
      %dma_start3A_574 = arith.constant 600 : i32
      %dma_start3A_575 = arith.constant 0 : i32
      %dma_start3A_576 = tpu.memref_slice %arg8[%dma_start3A_574, %dma_start3A_575] : memref<800x128xf32, #tpu.memory_space<vmem>> -> memref<104x128xf32, #tpu.memory_space<vmem>>
      %dma_start3A_577 = arith.constant 200 : i32
      %dma_start3A_578 = tpu.memref_slice %arg7[%dma_start3A_577] : memref<400xi32, #tpu.memory_space<vmem>> -> memref<104xi32, #tpu.memory_space<vmem>>
      %dma_start3A_579 = arith.constant 0 : i32
      %dma_start3A_580 = arith.constant 0 : i32
      %dma_start3A_581 = tpu.memref_slice %arg3[%dma_start3A_579, %dma_start3A_580] : memref<100000x128xf32, #tpu.memory_space<hbm>> -> memref<100000x128xf32, #tpu.memory_space<hbm>>
      tpu.enqueue_indirect_dma source(%dma_start3A_581 : memref<100000x128xf32, #tpu.memory_space<hbm>>) target(%dma_start3A_576 : memref<104x128xf32, #tpu.memory_space<vmem>>) offsets(%dma_start3A_578 : memref<104xi32, #tpu.memory_space<vmem>>) semaphore(%arg10 : memref<!tpu.dma_semaphore, #tpu.memory_space<semaphore_mem>>)
      %dma_start3A_582 = arith.constant 704 : i32
      %dma_start3A_583 = arith.constant 0 : i32
      %dma_start3A_584 = tpu.memref_slice %arg8[%dma_start3A_582, %dma_start3A_583] : memref<800x128xf32, #tpu.memory_space<vmem>> -> memref<96x128xf32, #tpu.memory_space<vmem>>
      %dma_start3A_585 = arith.constant 304 : i32
      %dma_start3A_586 = tpu.memref_slice %arg7[%dma_start3A_585] : memref<400xi32, #tpu.memory_space<vmem>> -> memref<96xi32, #tpu.memory_space<vmem>>
      %dma_start3A_587 = arith.constant 0 : i32
      %dma_start3A_588 = arith.constant 0 : i32
      %dma_start3A_589 = tpu.memref_slice %arg3[%dma_start3A_587, %dma_start3A_588] : memref<100000x128xf32, #tpu.memory_space<hbm>> -> memref<100000x128xf32, #tpu.memory_space<hbm>>
      tpu.enqueue_indirect_dma source(%dma_start3A_589 : memref<100000x128xf32, #tpu.memory_space<hbm>>) target(%dma_start3A_584 : memref<96x128xf32, #tpu.memory_space<vmem>>) offsets(%dma_start3A_586 : memref<96xi32, #tpu.memory_space<vmem>>) semaphore(%arg10 : memref<!tpu.dma_semaphore, #tpu.memory_space<semaphore_mem>>)
      %dma_wait3A_590 = arith.constant 0 : i32
      %dma_wait3A_591 = arith.constant 0 : i32
      %dma_wait3A_592 = tpu.memref_slice %arg8[%dma_wait3A_590, %dma_wait3A_591] : memref<800x128xf32, #tpu.memory_space<vmem>> -> memref<104x128xf32, #tpu.memory_space<vmem>>
      %dma_wait3A_593 = arith.constant 0 : i32
      %dma_wait3A_594 = tpu.memref_slice %arg6[%dma_wait3A_593] : memref<400xi32, #tpu.memory_space<vmem>> -> memref<104xi32, #tpu.memory_space<vmem>>
      %dma_wait3A_595 = arith.constant 0 : i32
      %dma_wait3A_596 = arith.constant 0 : i32
      %dma_wait3A_597 = tpu.memref_slice %arg3[%dma_wait3A_595, %dma_wait3A_596] : memref<100000x128xf32, #tpu.memory_space<hbm>> -> memref<100000x128xf32, #tpu.memory_space<hbm>>
      tpu.wait_indirect_dma semaphore(%arg10 : memref<!tpu.dma_semaphore, #tpu.memory_space<semaphore_mem>>) src(%dma_wait3A_597 : memref<100000x128xf32, #tpu.memory_space<hbm>>) dst(%dma_wait3A_592 : memref<104x128xf32, #tpu.memory_space<vmem>>)
      %dma_wait3A_598 = arith.constant 104 : i32
      %dma_wait3A_599 = arith.constant 0 : i32
      %dma_wait3A_600 = tpu.memref_slice %arg8[%dma_wait3A_598, %dma_wait3A_599] : memref<800x128xf32, #tpu.memory_space<vmem>> -> memref<96x128xf32, #tpu.memory_space<vmem>>
      %dma_wait3A_601 = arith.constant 104 : i32
      %dma_wait3A_602 = tpu.memref_slice %arg6[%dma_wait3A_601] : memref<400xi32, #tpu.memory_space<vmem>> -> memref<96xi32, #tpu.memory_space<vmem>>
      %dma_wait3A_603 = arith.constant 0 : i32
      %dma_wait3A_604 = arith.constant 0 : i32
      %dma_wait3A_605 = tpu.memref_slice %arg3[%dma_wait3A_603, %dma_wait3A_604] : memref<100000x128xf32, #tpu.memory_space<hbm>> -> memref<100000x128xf32, #tpu.memory_space<hbm>>
      tpu.wait_indirect_dma semaphore(%arg10 : memref<!tpu.dma_semaphore, #tpu.memory_space<semaphore_mem>>) src(%dma_wait3A_605 : memref<100000x128xf32, #tpu.memory_space<hbm>>) dst(%dma_wait3A_600 : memref<96x128xf32, #tpu.memory_space<vmem>>)
      %dma_wait3A_606 = arith.constant 200 : i32
      %dma_wait3A_607 = arith.constant 0 : i32
      %dma_wait3A_608 = tpu.memref_slice %arg8[%dma_wait3A_606, %dma_wait3A_607] : memref<800x128xf32, #tpu.memory_space<vmem>> -> memref<104x128xf32, #tpu.memory_space<vmem>>
      %dma_wait3A_609 = arith.constant 200 : i32
      %dma_wait3A_610 = tpu.memref_slice %arg6[%dma_wait3A_609] : memref<400xi32, #tpu.memory_space<vmem>> -> memref<104xi32, #tpu.memory_space<vmem>>
      %dma_wait3A_611 = arith.constant 0 : i32
      %dma_wait3A_612 = arith.constant 0 : i32
      %dma_wait3A_613 = tpu.memref_slice %arg3[%dma_wait3A_611, %dma_wait3A_612] : memref<100000x128xf32, #tpu.memory_space<hbm>> -> memref<100000x128xf32, #tpu.memory_space<hbm>>
      tpu.wait_indirect_dma semaphore(%arg10 : memref<!tpu.dma_semaphore, #tpu.memory_space<semaphore_mem>>) src(%dma_wait3A_613 : memref<100000x128xf32, #tpu.memory_space<hbm>>) dst(%dma_wait3A_608 : memref<104x128xf32, #tpu.memory_space<vmem>>)
      %dma_wait3A_614 = arith.constant 304 : i32
      %dma_wait3A_615 = arith.constant 0 : i32
      %dma_wait3A_616 = tpu.memref_slice %arg8[%dma_wait3A_614, %dma_wait3A_615] : memref<800x128xf32, #tpu.memory_space<vmem>> -> memref<96x128xf32, #tpu.memory_space<vmem>>
      %dma_wait3A_617 = arith.constant 304 : i32
      %dma_wait3A_618 = tpu.memref_slice %arg6[%dma_wait3A_617] : memref<400xi32, #tpu.memory_space<vmem>> -> memref<96xi32, #tpu.memory_space<vmem>>
      %dma_wait3A_619 = arith.constant 0 : i32
      %dma_wait3A_620 = arith.constant 0 : i32
      %dma_wait3A_621 = tpu.memref_slice %arg3[%dma_wait3A_619, %dma_wait3A_620] : memref<100000x128xf32, #tpu.memory_space<hbm>> -> memref<100000x128xf32, #tpu.memory_space<hbm>>
      tpu.wait_indirect_dma semaphore(%arg10 : memref<!tpu.dma_semaphore, #tpu.memory_space<semaphore_mem>>) src(%dma_wait3A_621 : memref<100000x128xf32, #tpu.memory_space<hbm>>) dst(%dma_wait3A_616 : memref<96x128xf32, #tpu.memory_space<vmem>>)
      %add3A_622 = arith.constant 1 : i32
      %add3A_623 = arith.addi %add3A_533, %add3A_622 : i32
      %mul3A_624 = arith.constant 2 : i32
      %mul3A_625 = arith.muli %add3A_623, %mul3A_624 : i32
      %mul3A_626 = arith.constant 200 : i32
      %mul3A_627 = arith.muli %mul3A_625, %mul3A_626 : i32
      %add3A_628 = arith.addi %mul3A_2, %mul3A_627 : i32
      %dma_start3A_629 = tpu.memref_slice %arg2[%add3A_628] : memref<204800xi32, #tpu.memory_space<hbm>> -> memref<400xi32, #tpu.memory_space<hbm>>
      %dma_start3A_630 = tpu.memref_slice %arg2[%add3A_628] : memref<204800xi32, #tpu.memory_space<hbm>> -> memref<400xi32, #tpu.memory_space<hbm>>
      tpu.enqueue_dma source(%dma_start3A_630 : memref<400xi32, #tpu.memory_space<hbm>>) target(%arg6 : memref<400xi32, #tpu.memory_space<vmem>>) target_semaphore(%arg11 : memref<!tpu.dma_semaphore, #tpu.memory_space<semaphore_mem>>)
      %scan3A_631 = arith.constant 0 : i32
      %scan3A_632 = arith.constant 50 : i32
      %scan3A_633 = arith.addi %scan3A_631, %scan3A_632 : i32
      %scan3A_634 = arith.constant 1 : i32
      scf.for %scan3A_653 = %scan3A_631 to %scan3A_633 step %scan3A_634  : i32 {
        %mul3A_654 = arith.constant 4 : i32
        %mul3A_655 = arith.muli %scan3A_653, %mul3A_654 : i32
        %add3A_656 = arith.constant 0 : i32
        %add3A_657 = arith.addi %mul3A_655, %add3A_656 : i32
        %get3A = arith.index_cast %add3A_657 : i32 to index
        %get3A_658 = arith.constant 0 : index
        %get3A_659 = tpu.vector_load %arg9[%get3A, %get3A_658] {strides = array<i32>} : memref<200x128xf32, #tpu.memory_space<vmem>>, vector<1x16xf32>,
        %get3A_660 = vector.shape_cast %get3A_659 : vector<1x16xf32> to vector<16xf32>
        %add3A_661 = arith.constant 0 : i32
        %add3A_662 = arith.addi %add3A_661, %add3A_657 : i32
        %swap3A = arith.index_cast %add3A_662 : i32 to index
        %swap3A_663 = arith.constant 0 : index
        %swap3A_664 = tpu.vector_load %arg8[%swap3A, %swap3A_663] {strides = array<i32>} : memref<800x128xf32, #tpu.memory_space<vmem>>, vector<1x16xf32>,
        %swap3A_665 = vector.shape_cast %swap3A_664 : vector<1x16xf32> to vector<16xf32>
        %swap3A_666 = vector.shape_cast %get3A_660 : vector<16xf32> to vector<1x16xf32>
        tpu.vector_store %arg8[%swap3A, %swap3A_663], %swap3A_666 {add = true, strides = array<i32>} : memref<800x128xf32, #tpu.memory_space<vmem>>, vector<1x16xf32>,
        %add3A_667 = arith.constant 200 : i32
        %add3A_668 = arith.addi %add3A_667, %add3A_657 : i32
        %swap3A_669 = arith.index_cast %add3A_668 : i32 to index
        %swap3A_670 = arith.constant 0 : index
        %swap3A_671 = tpu.vector_load %arg8[%swap3A_669, %swap3A_670] {strides = array<i32>} : memref<800x128xf32, #tpu.memory_space<vmem>>, vector<1x16xf32>,
        %swap3A_672 = vector.shape_cast %swap3A_671 : vector<1x16xf32> to vector<16xf32>
        %swap3A_673 = vector.shape_cast %get3A_660 : vector<16xf32> to vector<1x16xf32>
        tpu.vector_store %arg8[%swap3A_669, %swap3A_670], %swap3A_673 {add = true, strides = array<i32>} : memref<800x128xf32, #tpu.memory_space<vmem>>, vector<1x16xf32>,
        %get3A_674 = arith.index_cast %add3A_657 : i32 to index
        %get3A_675 = arith.constant 16 : index
        %get3A_676 = tpu.vector_load %arg9[%get3A_674, %get3A_675] {strides = array<i32>} : memref<200x128xf32, #tpu.memory_space<vmem>>, vector<1x16xf32>,
        %get3A_677 = vector.shape_cast %get3A_676 : vector<1x16xf32> to vector<16xf32>
        %add3A_678 = arith.constant 0 : i32
        %add3A_679 = arith.addi %add3A_678, %add3A_657 : i32
        %swap3A_680 = arith.index_cast %add3A_679 : i32 to index
        %swap3A_681 = arith.constant 16 : index
        %swap3A_682 = tpu.vector_load %arg8[%swap3A_680, %swap3A_681] {strides = array<i32>} : memref<800x128xf32, #tpu.memory_space<vmem>>, vector<1x16xf32>,
        %swap3A_683 = vector.shape_cast %swap3A_682 : vector<1x16xf32> to vector<16xf32>
        %swap3A_684 = vector.shape_cast %get3A_677 : vector<16xf32> to vector<1x16xf32>
        tpu.vector_store %arg8[%swap3A_680, %swap3A_681], %swap3A_684 {add = true, strides = array<i32>} : memref<800x128xf32, #tpu.memory_space<vmem>>, vector<1x16xf32>,
        %add3A_685 = arith.constant 200 : i32
        %add3A_686 = arith.addi %add3A_685, %add3A_657 : i32
        %swap3A_687 = arith.index_cast %add3A_686 : i32 to index
        %swap3A_688 = arith.constant 16 : index
        %swap3A_689 = tpu.vector_load %arg8[%swap3A_687, %swap3A_688] {strides = array<i32>} : memref<800x128xf32, #tpu.memory_space<vmem>>, vector<1x16xf32>,
        %swap3A_690 = vector.shape_cast %swap3A_689 : vector<1x16xf32> to vector<16xf32>
        %swap3A_691 = vector.shape_cast %get3A_677 : vector<16xf32> to vector<1x16xf32>
        tpu.vector_store %arg8[%swap3A_687, %swap3A_688], %swap3A_691 {add = true, strides = array<i32>} : memref<800x128xf32, #tpu.memory_space<vmem>>, vector<1x16xf32>,
        %get3A_692 = arith.index_cast %add3A_657 : i32 to index
        %get3A_693 = arith.constant 32 : index
        %get3A_694 = tpu.vector_load %arg9[%get3A_692, %get3A_693] {strides = array<i32>} : memref<200x128xf32, #tpu.memory_space<vmem>>, vector<1x16xf32>,
        %get3A_695 = vector.shape_cast %get3A_694 : vector<1x16xf32> to vector<16xf32>
        %add3A_696 = arith.constant 0 : i32
        %add3A_697 = arith.addi %add3A_696, %add3A_657 : i32
        %swap3A_698 = arith.index_cast %add3A_697 : i32 to index
        %swap3A_699 = arith.constant 32 : index
        %swap3A_700 = tpu.vector_load %arg8[%swap3A_698, %swap3A_699] {strides = array<i32>} : memref<800x128xf32, #tpu.memory_space<vmem>>, vector<1x16xf32>,
        %swap3A_701 = vector.shape_cast %swap3A_700 : vector<1x16xf32> to vector<16xf32>
        %swap3A_702 = vector.shape_cast %get3A_695 : vector<16xf32> to vector<1x16xf32>
        tpu.vector_store %arg8[%swap3A_698, %swap3A_699], %swap3A_702 {add = true, strides = array<i32>} : memref<800x128xf32, #tpu.memory_space<vmem>>, vector<1x16xf32>,
        %add3A_703 = arith.constant 200 : i32
        %add3A_704 = arith.addi %add3A_703, %add3A_657 : i32
        %swap3A_705 = arith.index_cast %add3A_704 : i32 to index
        %swap3A_706 = arith.constant 32 : index
        %swap3A_707 = tpu.vector_load %arg8[%swap3A_705, %swap3A_706] {strides = array<i32>} : memref<800x128xf32, #tpu.memory_space<vmem>>, vector<1x16xf32>,
        %swap3A_708 = vector.shape_cast %swap3A_707 : vector<1x16xf32> to vector<16xf32>
        %swap3A_709 = vector.shape_cast %get3A_695 : vector<16xf32> to vector<1x16xf32>
        tpu.vector_store %arg8[%swap3A_705, %swap3A_706], %swap3A_709 {add = true, strides = array<i32>} : memref<800x128xf32, #tpu.memory_space<vmem>>, vector<1x16xf32>,
        %get3A_710 = arith.index_cast %add3A_657 : i32 to index
        %get3A_711 = arith.constant 48 : index
        %get3A_712 = tpu.vector_load %arg9[%get3A_710, %get3A_711] {strides = array<i32>} : memref<200x128xf32, #tpu.memory_space<vmem>>, vector<1x16xf32>,
        %get3A_713 = vector.shape_cast %get3A_712 : vector<1x16xf32> to vector<16xf32>
        %add3A_714 = arith.constant 0 : i32
        %add3A_715 = arith.addi %add3A_714, %add3A_657 : i32
        %swap3A_716 = arith.index_cast %add3A_715 : i32 to index
        %swap3A_717 = arith.constant 48 : index
        %swap3A_718 = tpu.vector_load %arg8[%swap3A_716, %swap3A_717] {strides = array<i32>} : memref<800x128xf32, #tpu.memory_space<vmem>>, vector<1x16xf32>,
        %swap3A_719 = vector.shape_cast %swap3A_718 : vector<1x16xf32> to vector<16xf32>
        %swap3A_720 = vector.shape_cast %get3A_713 : vector<16xf32> to vector<1x16xf32>
        tpu.vector_store %arg8[%swap3A_716, %swap3A_717], %swap3A_720 {add = true, strides = array<i32>} : memref<800x128xf32, #tpu.memory_space<vmem>>, vector<1x16xf32>,
        %add3A_721 = arith.constant 200 : i32
        %add3A_722 = arith.addi %add3A_721, %add3A_657 : i32
        %swap3A_723 = arith.index_cast %add3A_722 : i32 to index
        %swap3A_724 = arith.constant 48 : index
        %swap3A_725 = tpu.vector_load %arg8[%swap3A_723, %swap3A_724] {strides = array<i32>} : memref<800x128xf32, #tpu.memory_space<vmem>>, vector<1x16xf32>,
        %swap3A_726 = vector.shape_cast %swap3A_725 : vector<1x16xf32> to vector<16xf32>
        %swap3A_727 = vector.shape_cast %get3A_713 : vector<16xf32> to vector<1x16xf32>
        tpu.vector_store %arg8[%swap3A_723, %swap3A_724], %swap3A_727 {add = true, strides = array<i32>} : memref<800x128xf32, #tpu.memory_space<vmem>>, vector<1x16xf32>,
        %get3A_728 = arith.index_cast %add3A_657 : i32 to index
        %get3A_729 = arith.constant 64 : index
        %get3A_730 = tpu.vector_load %arg9[%get3A_728, %get3A_729] {strides = array<i32>} : memref<200x128xf32, #tpu.memory_space<vmem>>, vector<1x16xf32>,
        %get3A_731 = vector.shape_cast %get3A_730 : vector<1x16xf32> to vector<16xf32>
        %add3A_732 = arith.constant 0 : i32
        %add3A_733 = arith.addi %add3A_732, %add3A_657 : i32
        %swap3A_734 = arith.index_cast %add3A_733 : i32 to index
        %swap3A_735 = arith.constant 64 : index
        %swap3A_736 = tpu.vector_load %arg8[%swap3A_734, %swap3A_735] {strides = array<i32>} : memref<800x128xf32, #tpu.memory_space<vmem>>, vector<1x16xf32>,
        %swap3A_737 = vector.shape_cast %swap3A_736 : vector<1x16xf32> to vector<16xf32>
        %swap3A_738 = vector.shape_cast %get3A_731 : vector<16xf32> to vector<1x16xf32>
        tpu.vector_store %arg8[%swap3A_734, %swap3A_735], %swap3A_738 {add = true, strides = array<i32>} : memref<800x128xf32, #tpu.memory_space<vmem>>, vector<1x16xf32>,
        %add3A_739 = arith.constant 200 : i32
        %add3A_740 = arith.addi %add3A_739, %add3A_657 : i32
        %swap3A_741 = arith.index_cast %add3A_740 : i32 to index
        %swap3A_742 = arith.constant 64 : index
        %swap3A_743 = tpu.vector_load %arg8[%swap3A_741, %swap3A_742] {strides = array<i32>} : memref<800x128xf32, #tpu.memory_space<vmem>>, vector<1x16xf32>,
        %swap3A_744 = vector.shape_cast %swap3A_743 : vector<1x16xf32> to vector<16xf32>
        %swap3A_745 = vector.shape_cast %get3A_731 : vector<16xf32> to vector<1x16xf32>
        tpu.vector_store %arg8[%swap3A_741, %swap3A_742], %swap3A_745 {add = true, strides = array<i32>} : memref<800x128xf32, #tpu.memory_space<vmem>>, vector<1x16xf32>,
        %get3A_746 = arith.index_cast %add3A_657 : i32 to index
        %get3A_747 = arith.constant 80 : index
        %get3A_748 = tpu.vector_load %arg9[%get3A_746, %get3A_747] {strides = array<i32>} : memref<200x128xf32, #tpu.memory_space<vmem>>, vector<1x16xf32>,
        %get3A_749 = vector.shape_cast %get3A_748 : vector<1x16xf32> to vector<16xf32>
        %add3A_750 = arith.constant 0 : i32
        %add3A_751 = arith.addi %add3A_750, %add3A_657 : i32
        %swap3A_752 = arith.index_cast %add3A_751 : i32 to index
        %swap3A_753 = arith.constant 80 : index
        %swap3A_754 = tpu.vector_load %arg8[%swap3A_752, %swap3A_753] {strides = array<i32>} : memref<800x128xf32, #tpu.memory_space<vmem>>, vector<1x16xf32>,
        %swap3A_755 = vector.shape_cast %swap3A_754 : vector<1x16xf32> to vector<16xf32>
        %swap3A_756 = vector.shape_cast %get3A_749 : vector<16xf32> to vector<1x16xf32>
        tpu.vector_store %arg8[%swap3A_752, %swap3A_753], %swap3A_756 {add = true, strides = array<i32>} : memref<800x128xf32, #tpu.memory_space<vmem>>, vector<1x16xf32>,
        %add3A_757 = arith.constant 200 : i32
        %add3A_758 = arith.addi %add3A_757, %add3A_657 : i32
        %swap3A_759 = arith.index_cast %add3A_758 : i32 to index
        %swap3A_760 = arith.constant 80 : index
        %swap3A_761 = tpu.vector_load %arg8[%swap3A_759, %swap3A_760] {strides = array<i32>} : memref<800x128xf32, #tpu.memory_space<vmem>>, vector<1x16xf32>,
        %swap3A_762 = vector.shape_cast %swap3A_761 : vector<1x16xf32> to vector<16xf32>
        %swap3A_763 = vector.shape_cast %get3A_749 : vector<16xf32> to vector<1x16xf32>
        tpu.vector_store %arg8[%swap3A_759, %swap3A_760], %swap3A_763 {add = true, strides = array<i32>} : memref<800x128xf32, #tpu.memory_space<vmem>>, vector<1x16xf32>,
        %get3A_764 = arith.index_cast %add3A_657 : i32 to index
        %get3A_765 = arith.constant 96 : index
        %get3A_766 = tpu.vector_load %arg9[%get3A_764, %get3A_765] {strides = array<i32>} : memref<200x128xf32, #tpu.memory_space<vmem>>, vector<1x16xf32>,
        %get3A_767 = vector.shape_cast %get3A_766 : vector<1x16xf32> to vector<16xf32>
        %add3A_768 = arith.constant 0 : i32
        %add3A_769 = arith.addi %add3A_768, %add3A_657 : i32
        %swap3A_770 = arith.index_cast %add3A_769 : i32 to index
        %swap3A_771 = arith.constant 96 : index
        %swap3A_772 = tpu.vector_load %arg8[%swap3A_770, %swap3A_771] {strides = array<i32>} : memref<800x128xf32, #tpu.memory_space<vmem>>, vector<1x16xf32>,
        %swap3A_773 = vector.shape_cast %swap3A_772 : vector<1x16xf32> to vector<16xf32>
        %swap3A_774 = vector.shape_cast %get3A_767 : vector<16xf32> to vector<1x16xf32>
        tpu.vector_store %arg8[%swap3A_770, %swap3A_771], %swap3A_774 {add = true, strides = array<i32>} : memref<800x128xf32, #tpu.memory_space<vmem>>, vector<1x16xf32>,
        %add3A_775 = arith.constant 200 : i32
        %add3A_776 = arith.addi %add3A_775, %add3A_657 : i32
        %swap3A_777 = arith.index_cast %add3A_776 : i32 to index
        %swap3A_778 = arith.constant 96 : index
        %swap3A_779 = tpu.vector_load %arg8[%swap3A_777, %swap3A_778] {strides = array<i32>} : memref<800x128xf32, #tpu.memory_space<vmem>>, vector<1x16xf32>,
        %swap3A_780 = vector.shape_cast %swap3A_779 : vector<1x16xf32> to vector<16xf32>
        %swap3A_781 = vector.shape_cast %get3A_767 : vector<16xf32> to vector<1x16xf32>
        tpu.vector_store %arg8[%swap3A_777, %swap3A_778], %swap3A_781 {add = true, strides = array<i32>} : memref<800x128xf32, #tpu.memory_space<vmem>>, vector<1x16xf32>,
        %get3A_782 = arith.index_cast %add3A_657 : i32 to index
        %get3A_783 = arith.constant 112 : index
        %get3A_784 = tpu.vector_load %arg9[%get3A_782, %get3A_783] {strides = array<i32>} : memref<200x128xf32, #tpu.memory_space<vmem>>, vector<1x16xf32>,
        %get3A_785 = vector.shape_cast %get3A_784 : vector<1x16xf32> to vector<16xf32>
        %add3A_786 = arith.constant 0 : i32
        %add3A_787 = arith.addi %add3A_786, %add3A_657 : i32
        %swap3A_788 = arith.index_cast %add3A_787 : i32 to index
        %swap3A_789 = arith.constant 112 : index
        %swap3A_790 = tpu.vector_load %arg8[%swap3A_788, %swap3A_789] {strides = array<i32>} : memref<800x128xf32, #tpu.memory_space<vmem>>, vector<1x16xf32>,
        %swap3A_791 = vector.shape_cast %swap3A_790 : vector<1x16xf32> to vector<16xf32>
        %swap3A_792 = vector.shape_cast %get3A_785 : vector<16xf32> to vector<1x16xf32>
        tpu.vector_store %arg8[%swap3A_788, %swap3A_789], %swap3A_792 {add = true, strides = array<i32>} : memref<800x128xf32, #tpu.memory_space<vmem>>, vector<1x16xf32>,
        %add3A_793 = arith.constant 200 : i32
        %add3A_794 = arith.addi %add3A_793, %add3A_657 : i32
        %swap3A_795 = arith.index_cast %add3A_794 : i32 to index
        %swap3A_796 = arith.constant 112 : index
        %swap3A_797 = tpu.vector_load %arg8[%swap3A_795, %swap3A_796] {strides = array<i32>} : memref<800x128xf32, #tpu.memory_space<vmem>>, vector<1x16xf32>,
        %swap3A_798 = vector.shape_cast %swap3A_797 : vector<1x16xf32> to vector<16xf32>
        %swap3A_799 = vector.shape_cast %get3A_785 : vector<16xf32> to vector<1x16xf32>
        tpu.vector_store %arg8[%swap3A_795, %swap3A_796], %swap3A_799 {add = true, strides = array<i32>} : memref<800x128xf32, #tpu.memory_space<vmem>>, vector<1x16xf32>,
        %add3A_800 = arith.constant 1 : i32
        %add3A_801 = arith.addi %mul3A_655, %add3A_800 : i32
        %get3A_802 = arith.index_cast %add3A_801 : i32 to index
        %get3A_803 = arith.constant 0 : index
        %get3A_804 = tpu.vector_load %arg9[%get3A_802, %get3A_803] {strides = array<i32>} : memref<200x128xf32, #tpu.memory_space<vmem>>, vector<1x16xf32>,
        %get3A_805 = vector.shape_cast %get3A_804 : vector<1x16xf32> to vector<16xf32>
        %add3A_806 = arith.constant 0 : i32
        %add3A_807 = arith.addi %add3A_806, %add3A_801 : i32
        %swap3A_808 = arith.index_cast %add3A_807 : i32 to index
        %swap3A_809 = arith.constant 0 : index
        %swap3A_810 = tpu.vector_load %arg8[%swap3A_808, %swap3A_809] {strides = array<i32>} : memref<800x128xf32, #tpu.memory_space<vmem>>, vector<1x16xf32>,
        %swap3A_811 = vector.shape_cast %swap3A_810 : vector<1x16xf32> to vector<16xf32>
        %swap3A_812 = vector.shape_cast %get3A_805 : vector<16xf32> to vector<1x16xf32>
        tpu.vector_store %arg8[%swap3A_808, %swap3A_809], %swap3A_812 {add = true, strides = array<i32>} : memref<800x128xf32, #tpu.memory_space<vmem>>, vector<1x16xf32>,
        %add3A_813 = arith.constant 200 : i32
        %add3A_814 = arith.addi %add3A_813, %add3A_801 : i32
        %swap3A_815 = arith.index_cast %add3A_814 : i32 to index
        %swap3A_816 = arith.constant 0 : index
        %swap3A_817 = tpu.vector_load %arg8[%swap3A_815, %swap3A_816] {strides = array<i32>} : memref<800x128xf32, #tpu.memory_space<vmem>>, vector<1x16xf32>,
        %swap3A_818 = vector.shape_cast %swap3A_817 : vector<1x16xf32> to vector<16xf32>
        %swap3A_819 = vector.shape_cast %get3A_805 : vector<16xf32> to vector<1x16xf32>
        tpu.vector_store %arg8[%swap3A_815, %swap3A_816], %swap3A_819 {add = true, strides = array<i32>} : memref<800x128xf32, #tpu.memory_space<vmem>>, vector<1x16xf32>,
        %get3A_820 = arith.index_cast %add3A_801 : i32 to index
        %get3A_821 = arith.constant 16 : index
        %get3A_822 = tpu.vector_load %arg9[%get3A_820, %get3A_821] {strides = array<i32>} : memref<200x128xf32, #tpu.memory_space<vmem>>, vector<1x16xf32>,
        %get3A_823 = vector.shape_cast %get3A_822 : vector<1x16xf32> to vector<16xf32>
        %add3A_824 = arith.constant 0 : i32
        %add3A_825 = arith.addi %add3A_824, %add3A_801 : i32
        %swap3A_826 = arith.index_cast %add3A_825 : i32 to index
        %swap3A_827 = arith.constant 16 : index
        %swap3A_828 = tpu.vector_load %arg8[%swap3A_826, %swap3A_827] {strides = array<i32>} : memref<800x128xf32, #tpu.memory_space<vmem>>, vector<1x16xf32>,
        %swap3A_829 = vector.shape_cast %swap3A_828 : vector<1x16xf32> to vector<16xf32>
        %swap3A_830 = vector.shape_cast %get3A_823 : vector<16xf32> to vector<1x16xf32>
        tpu.vector_store %arg8[%swap3A_826, %swap3A_827], %swap3A_830 {add = true, strides = array<i32>} : memref<800x128xf32, #tpu.memory_space<vmem>>, vector<1x16xf32>,
        %add3A_831 = arith.constant 200 : i32
        %add3A_832 = arith.addi %add3A_831, %add3A_801 : i32
        %swap3A_833 = arith.index_cast %add3A_832 : i32 to index
        %swap3A_834 = arith.constant 16 : index
        %swap3A_835 = tpu.vector_load %arg8[%swap3A_833, %swap3A_834] {strides = array<i32>} : memref<800x128xf32, #tpu.memory_space<vmem>>, vector<1x16xf32>,
        %swap3A_836 = vector.shape_cast %swap3A_835 : vector<1x16xf32> to vector<16xf32>
        %swap3A_837 = vector.shape_cast %get3A_823 : vector<16xf32> to vector<1x16xf32>
        tpu.vector_store %arg8[%swap3A_833, %swap3A_834], %swap3A_837 {add = true, strides = array<i32>} : memref<800x128xf32, #tpu.memory_space<vmem>>, vector<1x16xf32>,
        %get3A_838 = arith.index_cast %add3A_801 : i32 to index
        %get3A_839 = arith.constant 32 : index
        %get3A_840 = tpu.vector_load %arg9[%get3A_838, %get3A_839] {strides = array<i32>} : memref<200x128xf32, #tpu.memory_space<vmem>>, vector<1x16xf32>,
        %get3A_841 = vector.shape_cast %get3A_840 : vector<1x16xf32> to vector<16xf32>
        %add3A_842 = arith.constant 0 : i32
        %add3A_843 = arith.addi %add3A_842, %add3A_801 : i32
        %swap3A_844 = arith.index_cast %add3A_843 : i32 to index
        %swap3A_845 = arith.constant 32 : index
        %swap3A_846 = tpu.vector_load %arg8[%swap3A_844, %swap3A_845] {strides = array<i32>} : memref<800x128xf32, #tpu.memory_space<vmem>>, vector<1x16xf32>,
        %swap3A_847 = vector.shape_cast %swap3A_846 : vector<1x16xf32> to vector<16xf32>
        %swap3A_848 = vector.shape_cast %get3A_841 : vector<16xf32> to vector<1x16xf32>
        tpu.vector_store %arg8[%swap3A_844, %swap3A_845], %swap3A_848 {add = true, strides = array<i32>} : memref<800x128xf32, #tpu.memory_space<vmem>>, vector<1x16xf32>,
        %add3A_849 = arith.constant 200 : i32
        %add3A_850 = arith.addi %add3A_849, %add3A_801 : i32
        %swap3A_851 = arith.index_cast %add3A_850 : i32 to index
        %swap3A_852 = arith.constant 32 : index
        %swap3A_853 = tpu.vector_load %arg8[%swap3A_851, %swap3A_852] {strides = array<i32>} : memref<800x128xf32, #tpu.memory_space<vmem>>, vector<1x16xf32>,
        %swap3A_854 = vector.shape_cast %swap3A_853 : vector<1x16xf32> to vector<16xf32>
        %swap3A_855 = vector.shape_cast %get3A_841 : vector<16xf32> to vector<1x16xf32>
        tpu.vector_store %arg8[%swap3A_851, %swap3A_852], %swap3A_855 {add = true, strides = array<i32>} : memref<800x128xf32, #tpu.memory_space<vmem>>, vector<1x16xf32>,
        %get3A_856 = arith.index_cast %add3A_801 : i32 to index
        %get3A_857 = arith.constant 48 : index
        %get3A_858 = tpu.vector_load %arg9[%get3A_856, %get3A_857] {strides = array<i32>} : memref<200x128xf32, #tpu.memory_space<vmem>>, vector<1x16xf32>,
        %get3A_859 = vector.shape_cast %get3A_858 : vector<1x16xf32> to vector<16xf32>
        %add3A_860 = arith.constant 0 : i32
        %add3A_861 = arith.addi %add3A_860, %add3A_801 : i32
        %swap3A_862 = arith.index_cast %add3A_861 : i32 to index
        %swap3A_863 = arith.constant 48 : index
        %swap3A_864 = tpu.vector_load %arg8[%swap3A_862, %swap3A_863] {strides = array<i32>} : memref<800x128xf32, #tpu.memory_space<vmem>>, vector<1x16xf32>,
        %swap3A_865 = vector.shape_cast %swap3A_864 : vector<1x16xf32> to vector<16xf32>
        %swap3A_866 = vector.shape_cast %get3A_859 : vector<16xf32> to vector<1x16xf32>
        tpu.vector_store %arg8[%swap3A_862, %swap3A_863], %swap3A_866 {add = true, strides = array<i32>} : memref<800x128xf32, #tpu.memory_space<vmem>>, vector<1x16xf32>,
        %add3A_867 = arith.constant 200 : i32
        %add3A_868 = arith.addi %add3A_867, %add3A_801 : i32
        %swap3A_869 = arith.index_cast %add3A_868 : i32 to index
        %swap3A_870 = arith.constant 48 : index
        %swap3A_871 = tpu.vector_load %arg8[%swap3A_869, %swap3A_870] {strides = array<i32>} : memref<800x128xf32, #tpu.memory_space<vmem>>, vector<1x16xf32>,
        %swap3A_872 = vector.shape_cast %swap3A_871 : vector<1x16xf32> to vector<16xf32>
        %swap3A_873 = vector.shape_cast %get3A_859 : vector<16xf32> to vector<1x16xf32>
        tpu.vector_store %arg8[%swap3A_869, %swap3A_870], %swap3A_873 {add = true, strides = array<i32>} : memref<800x128xf32, #tpu.memory_space<vmem>>, vector<1x16xf32>,
        %get3A_874 = arith.index_cast %add3A_801 : i32 to index
        %get3A_875 = arith.constant 64 : index
        %get3A_876 = tpu.vector_load %arg9[%get3A_874, %get3A_875] {strides = array<i32>} : memref<200x128xf32, #tpu.memory_space<vmem>>, vector<1x16xf32>,
        %get3A_877 = vector.shape_cast %get3A_876 : vector<1x16xf32> to vector<16xf32>
        %add3A_878 = arith.constant 0 : i32
        %add3A_879 = arith.addi %add3A_878, %add3A_801 : i32
        %swap3A_880 = arith.index_cast %add3A_879 : i32 to index
        %swap3A_881 = arith.constant 64 : index
        %swap3A_882 = tpu.vector_load %arg8[%swap3A_880, %swap3A_881] {strides = array<i32>} : memref<800x128xf32, #tpu.memory_space<vmem>>, vector<1x16xf32>,
        %swap3A_883 = vector.shape_cast %swap3A_882 : vector<1x16xf32> to vector<16xf32>
        %swap3A_884 = vector.shape_cast %get3A_877 : vector<16xf32> to vector<1x16xf32>
        tpu.vector_store %arg8[%swap3A_880, %swap3A_881], %swap3A_884 {add = true, strides = array<i32>} : memref<800x128xf32, #tpu.memory_space<vmem>>, vector<1x16xf32>,
        %add3A_885 = arith.constant 200 : i32
        %add3A_886 = arith.addi %add3A_885, %add3A_801 : i32
        %swap3A_887 = arith.index_cast %add3A_886 : i32 to index
        %swap3A_888 = arith.constant 64 : index
        %swap3A_889 = tpu.vector_load %arg8[%swap3A_887, %swap3A_888] {strides = array<i32>} : memref<800x128xf32, #tpu.memory_space<vmem>>, vector<1x16xf32>,
        %swap3A_890 = vector.shape_cast %swap3A_889 : vector<1x16xf32> to vector<16xf32>
        %swap3A_891 = vector.shape_cast %get3A_877 : vector<16xf32> to vector<1x16xf32>
        tpu.vector_store %arg8[%swap3A_887, %swap3A_888], %swap3A_891 {add = true, strides = array<i32>} : memref<800x128xf32, #tpu.memory_space<vmem>>, vector<1x16xf32>,
        %get3A_892 = arith.index_cast %add3A_801 : i32 to index
        %get3A_893 = arith.constant 80 : index
        %get3A_894 = tpu.vector_load %arg9[%get3A_892, %get3A_893] {strides = array<i32>} : memref<200x128xf32, #tpu.memory_space<vmem>>, vector<1x16xf32>,
        %get3A_895 = vector.shape_cast %get3A_894 : vector<1x16xf32> to vector<16xf32>
        %add3A_896 = arith.constant 0 : i32
        %add3A_897 = arith.addi %add3A_896, %add3A_801 : i32
        %swap3A_898 = arith.index_cast %add3A_897 : i32 to index
        %swap3A_899 = arith.constant 80 : index
        %swap3A_900 = tpu.vector_load %arg8[%swap3A_898, %swap3A_899] {strides = array<i32>} : memref<800x128xf32, #tpu.memory_space<vmem>>, vector<1x16xf32>,
        %swap3A_901 = vector.shape_cast %swap3A_900 : vector<1x16xf32> to vector<16xf32>
        %swap3A_902 = vector.shape_cast %get3A_895 : vector<16xf32> to vector<1x16xf32>
        tpu.vector_store %arg8[%swap3A_898, %swap3A_899], %swap3A_902 {add = true, strides = array<i32>} : memref<800x128xf32, #tpu.memory_space<vmem>>, vector<1x16xf32>,
        %add3A_903 = arith.constant 200 : i32
        %add3A_904 = arith.addi %add3A_903, %add3A_801 : i32
        %swap3A_905 = arith.index_cast %add3A_904 : i32 to index
        %swap3A_906 = arith.constant 80 : index
        %swap3A_907 = tpu.vector_load %arg8[%swap3A_905, %swap3A_906] {strides = array<i32>} : memref<800x128xf32, #tpu.memory_space<vmem>>, vector<1x16xf32>,
        %swap3A_908 = vector.shape_cast %swap3A_907 : vector<1x16xf32> to vector<16xf32>
        %swap3A_909 = vector.shape_cast %get3A_895 : vector<16xf32> to vector<1x16xf32>
        tpu.vector_store %arg8[%swap3A_905, %swap3A_906], %swap3A_909 {add = true, strides = array<i32>} : memref<800x128xf32, #tpu.memory_space<vmem>>, vector<1x16xf32>,
        %get3A_910 = arith.index_cast %add3A_801 : i32 to index
        %get3A_911 = arith.constant 96 : index
        %get3A_912 = tpu.vector_load %arg9[%get3A_910, %get3A_911] {strides = array<i32>} : memref<200x128xf32, #tpu.memory_space<vmem>>, vector<1x16xf32>,
        %get3A_913 = vector.shape_cast %get3A_912 : vector<1x16xf32> to vector<16xf32>
        %add3A_914 = arith.constant 0 : i32
        %add3A_915 = arith.addi %add3A_914, %add3A_801 : i32
        %swap3A_916 = arith.index_cast %add3A_915 : i32 to index
        %swap3A_917 = arith.constant 96 : index
        %swap3A_918 = tpu.vector_load %arg8[%swap3A_916, %swap3A_917] {strides = array<i32>} : memref<800x128xf32, #tpu.memory_space<vmem>>, vector<1x16xf32>,
        %swap3A_919 = vector.shape_cast %swap3A_918 : vector<1x16xf32> to vector<16xf32>
        %swap3A_920 = vector.shape_cast %get3A_913 : vector<16xf32> to vector<1x16xf32>
        tpu.vector_store %arg8[%swap3A_916, %swap3A_917], %swap3A_920 {add = true, strides = array<i32>} : memref<800x128xf32, #tpu.memory_space<vmem>>, vector<1x16xf32>,
        %add3A_921 = arith.constant 200 : i32
        %add3A_922 = arith.addi %add3A_921, %add3A_801 : i32
        %swap3A_923 = arith.index_cast %add3A_922 : i32 to index
        %swap3A_924 = arith.constant 96 : index
        %swap3A_925 = tpu.vector_load %arg8[%swap3A_923, %swap3A_924] {strides = array<i32>} : memref<800x128xf32, #tpu.memory_space<vmem>>, vector<1x16xf32>,
        %swap3A_926 = vector.shape_cast %swap3A_925 : vector<1x16xf32> to vector<16xf32>
        %swap3A_927 = vector.shape_cast %get3A_913 : vector<16xf32> to vector<1x16xf32>
        tpu.vector_store %arg8[%swap3A_923, %swap3A_924], %swap3A_927 {add = true, strides = array<i32>} : memref<800x128xf32, #tpu.memory_space<vmem>>, vector<1x16xf32>,
        %get3A_928 = arith.index_cast %add3A_801 : i32 to index
        %get3A_929 = arith.constant 112 : index
        %get3A_930 = tpu.vector_load %arg9[%get3A_928, %get3A_929] {strides = array<i32>} : memref<200x128xf32, #tpu.memory_space<vmem>>, vector<1x16xf32>,
        %get3A_931 = vector.shape_cast %get3A_930 : vector<1x16xf32> to vector<16xf32>
        %add3A_932 = arith.constant 0 : i32
        %add3A_933 = arith.addi %add3A_932, %add3A_801 : i32
        %swap3A_934 = arith.index_cast %add3A_933 : i32 to index
        %swap3A_935 = arith.constant 112 : index
        %swap3A_936 = tpu.vector_load %arg8[%swap3A_934, %swap3A_935] {strides = array<i32>} : memref<800x128xf32, #tpu.memory_space<vmem>>, vector<1x16xf32>,
        %swap3A_937 = vector.shape_cast %swap3A_936 : vector<1x16xf32> to vector<16xf32>
        %swap3A_938 = vector.shape_cast %get3A_931 : vector<16xf32> to vector<1x16xf32>
        tpu.vector_store %arg8[%swap3A_934, %swap3A_935], %swap3A_938 {add = true, strides = array<i32>} : memref<800x128xf32, #tpu.memory_space<vmem>>, vector<1x16xf32>,
        %add3A_939 = arith.constant 200 : i32
        %add3A_940 = arith.addi %add3A_939, %add3A_801 : i32
        %swap3A_941 = arith.index_cast %add3A_940 : i32 to index
        %swap3A_942 = arith.constant 112 : index
        %swap3A_943 = tpu.vector_load %arg8[%swap3A_941, %swap3A_942] {strides = array<i32>} : memref<800x128xf32, #tpu.memory_space<vmem>>, vector<1x16xf32>,
        %swap3A_944 = vector.shape_cast %swap3A_943 : vector<1x16xf32> to vector<16xf32>
        %swap3A_945 = vector.shape_cast %get3A_931 : vector<16xf32> to vector<1x16xf32>
        tpu.vector_store %arg8[%swap3A_941, %swap3A_942], %swap3A_945 {add = true, strides = array<i32>} : memref<800x128xf32, #tpu.memory_space<vmem>>, vector<1x16xf32>,
        %add3A_946 = arith.constant 2 : i32
        %add3A_947 = arith.addi %mul3A_655, %add3A_946 : i32
        %get3A_948 = arith.index_cast %add3A_947 : i32 to index
        %get3A_949 = arith.constant 0 : index
        %get3A_950 = tpu.vector_load %arg9[%get3A_948, %get3A_949] {strides = array<i32>} : memref<200x128xf32, #tpu.memory_space<vmem>>, vector<1x16xf32>,
        %get3A_951 = vector.shape_cast %get3A_950 : vector<1x16xf32> to vector<16xf32>
        %add3A_952 = arith.constant 0 : i32
        %add3A_953 = arith.addi %add3A_952, %add3A_947 : i32
        %swap3A_954 = arith.index_cast %add3A_953 : i32 to index
        %swap3A_955 = arith.constant 0 : index
        %swap3A_956 = tpu.vector_load %arg8[%swap3A_954, %swap3A_955] {strides = array<i32>} : memref<800x128xf32, #tpu.memory_space<vmem>>, vector<1x16xf32>,
        %swap3A_957 = vector.shape_cast %swap3A_956 : vector<1x16xf32> to vector<16xf32>
        %swap3A_958 = vector.shape_cast %get3A_951 : vector<16xf32> to vector<1x16xf32>
        tpu.vector_store %arg8[%swap3A_954, %swap3A_955], %swap3A_958 {add = true, strides = array<i32>} : memref<800x128xf32, #tpu.memory_space<vmem>>, vector<1x16xf32>,
        %add3A_959 = arith.constant 200 : i32
        %add3A_960 = arith.addi %add3A_959, %add3A_947 : i32
        %swap3A_961 = arith.index_cast %add3A_960 : i32 to index
        %swap3A_962 = arith.constant 0 : index
        %swap3A_963 = tpu.vector_load %arg8[%swap3A_961, %swap3A_962] {strides = array<i32>} : memref<800x128xf32, #tpu.memory_space<vmem>>, vector<1x16xf32>,
        %swap3A_964 = vector.shape_cast %swap3A_963 : vector<1x16xf32> to vector<16xf32>
        %swap3A_965 = vector.shape_cast %get3A_951 : vector<16xf32> to vector<1x16xf32>
        tpu.vector_store %arg8[%swap3A_961, %swap3A_962], %swap3A_965 {add = true, strides = array<i32>} : memref<800x128xf32, #tpu.memory_space<vmem>>, vector<1x16xf32>,
        %get3A_966 = arith.index_cast %add3A_947 : i32 to index
        %get3A_967 = arith.constant 16 : index
        %get3A_968 = tpu.vector_load %arg9[%get3A_966, %get3A_967] {strides = array<i32>} : memref<200x128xf32, #tpu.memory_space<vmem>>, vector<1x16xf32>,
        %get3A_969 = vector.shape_cast %get3A_968 : vector<1x16xf32> to vector<16xf32>
        %add3A_970 = arith.constant 0 : i32
        %add3A_971 = arith.addi %add3A_970, %add3A_947 : i32
        %swap3A_972 = arith.index_cast %add3A_971 : i32 to index
        %swap3A_973 = arith.constant 16 : index
        %swap3A_974 = tpu.vector_load %arg8[%swap3A_972, %swap3A_973] {strides = array<i32>} : memref<800x128xf32, #tpu.memory_space<vmem>>, vector<1x16xf32>,
        %swap3A_975 = vector.shape_cast %swap3A_974 : vector<1x16xf32> to vector<16xf32>
        %swap3A_976 = vector.shape_cast %get3A_969 : vector<16xf32> to vector<1x16xf32>
        tpu.vector_store %arg8[%swap3A_972, %swap3A_973], %swap3A_976 {add = true, strides = array<i32>} : memref<800x128xf32, #tpu.memory_space<vmem>>, vector<1x16xf32>,
        %add3A_977 = arith.constant 200 : i32
        %add3A_978 = arith.addi %add3A_977, %add3A_947 : i32
        %swap3A_979 = arith.index_cast %add3A_978 : i32 to index
        %swap3A_980 = arith.constant 16 : index
        %swap3A_981 = tpu.vector_load %arg8[%swap3A_979, %swap3A_980] {strides = array<i32>} : memref<800x128xf32, #tpu.memory_space<vmem>>, vector<1x16xf32>,
        %swap3A_982 = vector.shape_cast %swap3A_981 : vector<1x16xf32> to vector<16xf32>
        %swap3A_983 = vector.shape_cast %get3A_969 : vector<16xf32> to vector<1x16xf32>
        tpu.vector_store %arg8[%swap3A_979, %swap3A_980], %swap3A_983 {add = true, strides = array<i32>} : memref<800x128xf32, #tpu.memory_space<vmem>>, vector<1x16xf32>,
        %get3A_984 = arith.index_cast %add3A_947 : i32 to index
        %get3A_985 = arith.constant 32 : index
        %get3A_986 = tpu.vector_load %arg9[%get3A_984, %get3A_985] {strides = array<i32>} : memref<200x128xf32, #tpu.memory_space<vmem>>, vector<1x16xf32>,
        %get3A_987 = vector.shape_cast %get3A_986 : vector<1x16xf32> to vector<16xf32>
        %add3A_988 = arith.constant 0 : i32
        %add3A_989 = arith.addi %add3A_988, %add3A_947 : i32
        %swap3A_990 = arith.index_cast %add3A_989 : i32 to index
        %swap3A_991 = arith.constant 32 : index
        %swap3A_992 = tpu.vector_load %arg8[%swap3A_990, %swap3A_991] {strides = array<i32>} : memref<800x128xf32, #tpu.memory_space<vmem>>, vector<1x16xf32>,
        %swap3A_993 = vector.shape_cast %swap3A_992 : vector<1x16xf32> to vector<16xf32>
        %swap3A_994 = vector.shape_cast %get3A_987 : vector<16xf32> to vector<1x16xf32>
        tpu.vector_store %arg8[%swap3A_990, %swap3A_991], %swap3A_994 {add = true, strides = array<i32>} : memref<800x128xf32, #tpu.memory_space<vmem>>, vector<1x16xf32>,
        %add3A_995 = arith.constant 200 : i32
        %add3A_996 = arith.addi %add3A_995, %add3A_947 : i32
        %swap3A_997 = arith.index_cast %add3A_996 : i32 to index
        %swap3A_998 = arith.constant 32 : index
        %swap3A_999 = tpu.vector_load %arg8[%swap3A_997, %swap3A_998] {strides = array<i32>} : memref<800x128xf32, #tpu.memory_space<vmem>>, vector<1x16xf32>,
        %swap3A_1000 = vector.shape_cast %swap3A_999 : vector<1x16xf32> to vector<16xf32>
        %swap3A_1001 = vector.shape_cast %get3A_987 : vector<16xf32> to vector<1x16xf32>
        tpu.vector_store %arg8[%swap3A_997, %swap3A_998], %swap3A_1001 {add = true, strides = array<i32>} : memref<800x128xf32, #tpu.memory_space<vmem>>, vector<1x16xf32>,
        %get3A_1002 = arith.index_cast %add3A_947 : i32 to index
        %get3A_1003 = arith.constant 48 : index
        %get3A_1004 = tpu.vector_load %arg9[%get3A_1002, %get3A_1003] {strides = array<i32>} : memref<200x128xf32, #tpu.memory_space<vmem>>, vector<1x16xf32>,
        %get3A_1005 = vector.shape_cast %get3A_1004 : vector<1x16xf32> to vector<16xf32>
        %add3A_1006 = arith.constant 0 : i32
        %add3A_1007 = arith.addi %add3A_1006, %add3A_947 : i32
        %swap3A_1008 = arith.index_cast %add3A_1007 : i32 to index
        %swap3A_1009 = arith.constant 48 : index
        %swap3A_1010 = tpu.vector_load %arg8[%swap3A_1008, %swap3A_1009] {strides = array<i32>} : memref<800x128xf32, #tpu.memory_space<vmem>>, vector<1x16xf32>,
        %swap3A_1011 = vector.shape_cast %swap3A_1010 : vector<1x16xf32> to vector<16xf32>
        %swap3A_1012 = vector.shape_cast %get3A_1005 : vector<16xf32> to vector<1x16xf32>
        tpu.vector_store %arg8[%swap3A_1008, %swap3A_1009], %swap3A_1012 {add = true, strides = array<i32>} : memref<800x128xf32, #tpu.memory_space<vmem>>, vector<1x16xf32>,
        %add3A_1013 = arith.constant 200 : i32
        %add3A_1014 = arith.addi %add3A_1013, %add3A_947 : i32
        %swap3A_1015 = arith.index_cast %add3A_1014 : i32 to index
        %swap3A_1016 = arith.constant 48 : index
        %swap3A_1017 = tpu.vector_load %arg8[%swap3A_1015, %swap3A_1016] {strides = array<i32>} : memref<800x128xf32, #tpu.memory_space<vmem>>, vector<1x16xf32>,
        %swap3A_1018 = vector.shape_cast %swap3A_1017 : vector<1x16xf32> to vector<16xf32>
        %swap3A_1019 = vector.shape_cast %get3A_1005 : vector<16xf32> to vector<1x16xf32>
        tpu.vector_store %arg8[%swap3A_1015, %swap3A_1016], %swap3A_1019 {add = true, strides = array<i32>} : memref<800x128xf32, #tpu.memory_space<vmem>>, vector<1x16xf32>,
        %get3A_1020 = arith.index_cast %add3A_947 : i32 to index
        %get3A_1021 = arith.constant 64 : index
        %get3A_1022 = tpu.vector_load %arg9[%get3A_1020, %get3A_1021] {strides = array<i32>} : memref<200x128xf32, #tpu.memory_space<vmem>>, vector<1x16xf32>,
        %get3A_1023 = vector.shape_cast %get3A_1022 : vector<1x16xf32> to vector<16xf32>
        %add3A_1024 = arith.constant 0 : i32
        %add3A_1025 = arith.addi %add3A_1024, %add3A_947 : i32
        %swap3A_1026 = arith.index_cast %add3A_1025 : i32 to index
        %swap3A_1027 = arith.constant 64 : index
        %swap3A_1028 = tpu.vector_load %arg8[%swap3A_1026, %swap3A_1027] {strides = array<i32>} : memref<800x128xf32, #tpu.memory_space<vmem>>, vector<1x16xf32>,
        %swap3A_1029 = vector.shape_cast %swap3A_1028 : vector<1x16xf32> to vector<16xf32>
        %swap3A_1030 = vector.shape_cast %get3A_1023 : vector<16xf32> to vector<1x16xf32>
        tpu.vector_store %arg8[%swap3A_1026, %swap3A_1027], %swap3A_1030 {add = true, strides = array<i32>} : memref<800x128xf32, #tpu.memory_space<vmem>>, vector<1x16xf32>,
        %add3A_1031 = arith.constant 200 : i32
        %add3A_1032 = arith.addi %add3A_1031, %add3A_947 : i32
        %swap3A_1033 = arith.index_cast %add3A_1032 : i32 to index
        %swap3A_1034 = arith.constant 64 : index
        %swap3A_1035 = tpu.vector_load %arg8[%swap3A_1033, %swap3A_1034] {strides = array<i32>} : memref<800x128xf32, #tpu.memory_space<vmem>>, vector<1x16xf32>,
        %swap3A_1036 = vector.shape_cast %swap3A_1035 : vector<1x16xf32> to vector<16xf32>
        %swap3A_1037 = vector.shape_cast %get3A_1023 : vector<16xf32> to vector<1x16xf32>
        tpu.vector_store %arg8[%swap3A_1033, %swap3A_1034], %swap3A_1037 {add = true, strides = array<i32>} : memref<800x128xf32, #tpu.memory_space<vmem>>, vector<1x16xf32>,
        %get3A_1038 = arith.index_cast %add3A_947 : i32 to index
        %get3A_1039 = arith.constant 80 : index
        %get3A_1040 = tpu.vector_load %arg9[%get3A_1038, %get3A_1039] {strides = array<i32>} : memref<200x128xf32, #tpu.memory_space<vmem>>, vector<1x16xf32>,
        %get3A_1041 = vector.shape_cast %get3A_1040 : vector<1x16xf32> to vector<16xf32>
        %add3A_1042 = arith.constant 0 : i32
        %add3A_1043 = arith.addi %add3A_1042, %add3A_947 : i32
        %swap3A_1044 = arith.index_cast %add3A_1043 : i32 to index
        %swap3A_1045 = arith.constant 80 : index
        %swap3A_1046 = tpu.vector_load %arg8[%swap3A_1044, %swap3A_1045] {strides = array<i32>} : memref<800x128xf32, #tpu.memory_space<vmem>>, vector<1x16xf32>,
        %swap3A_1047 = vector.shape_cast %swap3A_1046 : vector<1x16xf32> to vector<16xf32>
        %swap3A_1048 = vector.shape_cast %get3A_1041 : vector<16xf32> to vector<1x16xf32>
        tpu.vector_store %arg8[%swap3A_1044, %swap3A_1045], %swap3A_1048 {add = true, strides = array<i32>} : memref<800x128xf32, #tpu.memory_space<vmem>>, vector<1x16xf32>,
        %add3A_1049 = arith.constant 200 : i32
        %add3A_1050 = arith.addi %add3A_1049, %add3A_947 : i32
        %swap3A_1051 = arith.index_cast %add3A_1050 : i32 to index
        %swap3A_1052 = arith.constant 80 : index
        %swap3A_1053 = tpu.vector_load %arg8[%swap3A_1051, %swap3A_1052] {strides = array<i32>} : memref<800x128xf32, #tpu.memory_space<vmem>>, vector<1x16xf32>,
        %swap3A_1054 = vector.shape_cast %swap3A_1053 : vector<1x16xf32> to vector<16xf32>
        %swap3A_1055 = vector.shape_cast %get3A_1041 : vector<16xf32> to vector<1x16xf32>
        tpu.vector_store %arg8[%swap3A_1051, %swap3A_1052], %swap3A_1055 {add = true, strides = array<i32>} : memref<800x128xf32, #tpu.memory_space<vmem>>, vector<1x16xf32>,
        %get3A_1056 = arith.index_cast %add3A_947 : i32 to index
        %get3A_1057 = arith.constant 96 : index
        %get3A_1058 = tpu.vector_load %arg9[%get3A_1056, %get3A_1057] {strides = array<i32>} : memref<200x128xf32, #tpu.memory_space<vmem>>, vector<1x16xf32>,
        %get3A_1059 = vector.shape_cast %get3A_1058 : vector<1x16xf32> to vector<16xf32>
        %add3A_1060 = arith.constant 0 : i32
        %add3A_1061 = arith.addi %add3A_1060, %add3A_947 : i32
        %swap3A_1062 = arith.index_cast %add3A_1061 : i32 to index
        %swap3A_1063 = arith.constant 96 : index
        %swap3A_1064 = tpu.vector_load %arg8[%swap3A_1062, %swap3A_1063] {strides = array<i32>} : memref<800x128xf32, #tpu.memory_space<vmem>>, vector<1x16xf32>,
        %swap3A_1065 = vector.shape_cast %swap3A_1064 : vector<1x16xf32> to vector<16xf32>
        %swap3A_1066 = vector.shape_cast %get3A_1059 : vector<16xf32> to vector<1x16xf32>
        tpu.vector_store %arg8[%swap3A_1062, %swap3A_1063], %swap3A_1066 {add = true, strides = array<i32>} : memref<800x128xf32, #tpu.memory_space<vmem>>, vector<1x16xf32>,
        %add3A_1067 = arith.constant 200 : i32
        %add3A_1068 = arith.addi %add3A_1067, %add3A_947 : i32
        %swap3A_1069 = arith.index_cast %add3A_1068 : i32 to index
        %swap3A_1070 = arith.constant 96 : index
        %swap3A_1071 = tpu.vector_load %arg8[%swap3A_1069, %swap3A_1070] {strides = array<i32>} : memref<800x128xf32, #tpu.memory_space<vmem>>, vector<1x16xf32>,
        %swap3A_1072 = vector.shape_cast %swap3A_1071 : vector<1x16xf32> to vector<16xf32>
        %swap3A_1073 = vector.shape_cast %get3A_1059 : vector<16xf32> to vector<1x16xf32>
        tpu.vector_store %arg8[%swap3A_1069, %swap3A_1070], %swap3A_1073 {add = true, strides = array<i32>} : memref<800x128xf32, #tpu.memory_space<vmem>>, vector<1x16xf32>,
        %get3A_1074 = arith.index_cast %add3A_947 : i32 to index
        %get3A_1075 = arith.constant 112 : index
        %get3A_1076 = tpu.vector_load %arg9[%get3A_1074, %get3A_1075] {strides = array<i32>} : memref<200x128xf32, #tpu.memory_space<vmem>>, vector<1x16xf32>,
        %get3A_1077 = vector.shape_cast %get3A_1076 : vector<1x16xf32> to vector<16xf32>
        %add3A_1078 = arith.constant 0 : i32
        %add3A_1079 = arith.addi %add3A_1078, %add3A_947 : i32
        %swap3A_1080 = arith.index_cast %add3A_1079 : i32 to index
        %swap3A_1081 = arith.constant 112 : index
        %swap3A_1082 = tpu.vector_load %arg8[%swap3A_1080, %swap3A_1081] {strides = array<i32>} : memref<800x128xf32, #tpu.memory_space<vmem>>, vector<1x16xf32>,
        %swap3A_1083 = vector.shape_cast %swap3A_1082 : vector<1x16xf32> to vector<16xf32>
        %swap3A_1084 = vector.shape_cast %get3A_1077 : vector<16xf32> to vector<1x16xf32>
        tpu.vector_store %arg8[%swap3A_1080, %swap3A_1081], %swap3A_1084 {add = true, strides = array<i32>} : memref<800x128xf32, #tpu.memory_space<vmem>>, vector<1x16xf32>,
        %add3A_1085 = arith.constant 200 : i32
        %add3A_1086 = arith.addi %add3A_1085, %add3A_947 : i32
        %swap3A_1087 = arith.index_cast %add3A_1086 : i32 to index
        %swap3A_1088 = arith.constant 112 : index
        %swap3A_1089 = tpu.vector_load %arg8[%swap3A_1087, %swap3A_1088] {strides = array<i32>} : memref<800x128xf32, #tpu.memory_space<vmem>>, vector<1x16xf32>,
        %swap3A_1090 = vector.shape_cast %swap3A_1089 : vector<1x16xf32> to vector<16xf32>
        %swap3A_1091 = vector.shape_cast %get3A_1077 : vector<16xf32> to vector<1x16xf32>
        tpu.vector_store %arg8[%swap3A_1087, %swap3A_1088], %swap3A_1091 {add = true, strides = array<i32>} : memref<800x128xf32, #tpu.memory_space<vmem>>, vector<1x16xf32>,
        %add3A_1092 = arith.constant 3 : i32
        %add3A_1093 = arith.addi %mul3A_655, %add3A_1092 : i32
        %get3A_1094 = arith.index_cast %add3A_1093 : i32 to index
        %get3A_1095 = arith.constant 0 : index
        %get3A_1096 = tpu.vector_load %arg9[%get3A_1094, %get3A_1095] {strides = array<i32>} : memref<200x128xf32, #tpu.memory_space<vmem>>, vector<1x16xf32>,
        %get3A_1097 = vector.shape_cast %get3A_1096 : vector<1x16xf32> to vector<16xf32>
        %add3A_1098 = arith.constant 0 : i32
        %add3A_1099 = arith.addi %add3A_1098, %add3A_1093 : i32
        %swap3A_1100 = arith.index_cast %add3A_1099 : i32 to index
        %swap3A_1101 = arith.constant 0 : index
        %swap3A_1102 = tpu.vector_load %arg8[%swap3A_1100, %swap3A_1101] {strides = array<i32>} : memref<800x128xf32, #tpu.memory_space<vmem>>, vector<1x16xf32>,
        %swap3A_1103 = vector.shape_cast %swap3A_1102 : vector<1x16xf32> to vector<16xf32>
        %swap3A_1104 = vector.shape_cast %get3A_1097 : vector<16xf32> to vector<1x16xf32>
        tpu.vector_store %arg8[%swap3A_1100, %swap3A_1101], %swap3A_1104 {add = true, strides = array<i32>} : memref<800x128xf32, #tpu.memory_space<vmem>>, vector<1x16xf32>,
        %add3A_1105 = arith.constant 200 : i32
        %add3A_1106 = arith.addi %add3A_1105, %add3A_1093 : i32
        %swap3A_1107 = arith.index_cast %add3A_1106 : i32 to index
        %swap3A_1108 = arith.constant 0 : index
        %swap3A_1109 = tpu.vector_load %arg8[%swap3A_1107, %swap3A_1108] {strides = array<i32>} : memref<800x128xf32, #tpu.memory_space<vmem>>, vector<1x16xf32>,
        %swap3A_1110 = vector.shape_cast %swap3A_1109 : vector<1x16xf32> to vector<16xf32>
        %swap3A_1111 = vector.shape_cast %get3A_1097 : vector<16xf32> to vector<1x16xf32>
        tpu.vector_store %arg8[%swap3A_1107, %swap3A_1108], %swap3A_1111 {add = true, strides = array<i32>} : memref<800x128xf32, #tpu.memory_space<vmem>>, vector<1x16xf32>,
        %get3A_1112 = arith.index_cast %add3A_1093 : i32 to index
        %get3A_1113 = arith.constant 16 : index
        %get3A_1114 = tpu.vector_load %arg9[%get3A_1112, %get3A_1113] {strides = array<i32>} : memref<200x128xf32, #tpu.memory_space<vmem>>, vector<1x16xf32>,
        %get3A_1115 = vector.shape_cast %get3A_1114 : vector<1x16xf32> to vector<16xf32>
        %add3A_1116 = arith.constant 0 : i32
        %add3A_1117 = arith.addi %add3A_1116, %add3A_1093 : i32
        %swap3A_1118 = arith.index_cast %add3A_1117 : i32 to index
        %swap3A_1119 = arith.constant 16 : index
        %swap3A_1120 = tpu.vector_load %arg8[%swap3A_1118, %swap3A_1119] {strides = array<i32>} : memref<800x128xf32, #tpu.memory_space<vmem>>, vector<1x16xf32>,
        %swap3A_1121 = vector.shape_cast %swap3A_1120 : vector<1x16xf32> to vector<16xf32>
        %swap3A_1122 = vector.shape_cast %get3A_1115 : vector<16xf32> to vector<1x16xf32>
        tpu.vector_store %arg8[%swap3A_1118, %swap3A_1119], %swap3A_1122 {add = true, strides = array<i32>} : memref<800x128xf32, #tpu.memory_space<vmem>>, vector<1x16xf32>,
        %add3A_1123 = arith.constant 200 : i32
        %add3A_1124 = arith.addi %add3A_1123, %add3A_1093 : i32
        %swap3A_1125 = arith.index_cast %add3A_1124 : i32 to index
        %swap3A_1126 = arith.constant 16 : index
        %swap3A_1127 = tpu.vector_load %arg8[%swap3A_1125, %swap3A_1126] {strides = array<i32>} : memref<800x128xf32, #tpu.memory_space<vmem>>, vector<1x16xf32>,
        %swap3A_1128 = vector.shape_cast %swap3A_1127 : vector<1x16xf32> to vector<16xf32>
        %swap3A_1129 = vector.shape_cast %get3A_1115 : vector<16xf32> to vector<1x16xf32>
        tpu.vector_store %arg8[%swap3A_1125, %swap3A_1126], %swap3A_1129 {add = true, strides = array<i32>} : memref<800x128xf32, #tpu.memory_space<vmem>>, vector<1x16xf32>,
        %get3A_1130 = arith.index_cast %add3A_1093 : i32 to index
        %get3A_1131 = arith.constant 32 : index
        %get3A_1132 = tpu.vector_load %arg9[%get3A_1130, %get3A_1131] {strides = array<i32>} : memref<200x128xf32, #tpu.memory_space<vmem>>, vector<1x16xf32>,
        %get3A_1133 = vector.shape_cast %get3A_1132 : vector<1x16xf32> to vector<16xf32>
        %add3A_1134 = arith.constant 0 : i32
        %add3A_1135 = arith.addi %add3A_1134, %add3A_1093 : i32
        %swap3A_1136 = arith.index_cast %add3A_1135 : i32 to index
        %swap3A_1137 = arith.constant 32 : index
        %swap3A_1138 = tpu.vector_load %arg8[%swap3A_1136, %swap3A_1137] {strides = array<i32>} : memref<800x128xf32, #tpu.memory_space<vmem>>, vector<1x16xf32>,
        %swap3A_1139 = vector.shape_cast %swap3A_1138 : vector<1x16xf32> to vector<16xf32>
        %swap3A_1140 = vector.shape_cast %get3A_1133 : vector<16xf32> to vector<1x16xf32>
        tpu.vector_store %arg8[%swap3A_1136, %swap3A_1137], %swap3A_1140 {add = true, strides = array<i32>} : memref<800x128xf32, #tpu.memory_space<vmem>>, vector<1x16xf32>,
        %add3A_1141 = arith.constant 200 : i32
        %add3A_1142 = arith.addi %add3A_1141, %add3A_1093 : i32
        %swap3A_1143 = arith.index_cast %add3A_1142 : i32 to index
        %swap3A_1144 = arith.constant 32 : index
        %swap3A_1145 = tpu.vector_load %arg8[%swap3A_1143, %swap3A_1144] {strides = array<i32>} : memref<800x128xf32, #tpu.memory_space<vmem>>, vector<1x16xf32>,
        %swap3A_1146 = vector.shape_cast %swap3A_1145 : vector<1x16xf32> to vector<16xf32>
        %swap3A_1147 = vector.shape_cast %get3A_1133 : vector<16xf32> to vector<1x16xf32>
        tpu.vector_store %arg8[%swap3A_1143, %swap3A_1144], %swap3A_1147 {add = true, strides = array<i32>} : memref<800x128xf32, #tpu.memory_space<vmem>>, vector<1x16xf32>,
        %get3A_1148 = arith.index_cast %add3A_1093 : i32 to index
        %get3A_1149 = arith.constant 48 : index
        %get3A_1150 = tpu.vector_load %arg9[%get3A_1148, %get3A_1149] {strides = array<i32>} : memref<200x128xf32, #tpu.memory_space<vmem>>, vector<1x16xf32>,
        %get3A_1151 = vector.shape_cast %get3A_1150 : vector<1x16xf32> to vector<16xf32>
        %add3A_1152 = arith.constant 0 : i32
        %add3A_1153 = arith.addi %add3A_1152, %add3A_1093 : i32
        %swap3A_1154 = arith.index_cast %add3A_1153 : i32 to index
        %swap3A_1155 = arith.constant 48 : index
        %swap3A_1156 = tpu.vector_load %arg8[%swap3A_1154, %swap3A_1155] {strides = array<i32>} : memref<800x128xf32, #tpu.memory_space<vmem>>, vector<1x16xf32>,
        %swap3A_1157 = vector.shape_cast %swap3A_1156 : vector<1x16xf32> to vector<16xf32>
        %swap3A_1158 = vector.shape_cast %get3A_1151 : vector<16xf32> to vector<1x16xf32>
        tpu.vector_store %arg8[%swap3A_1154, %swap3A_1155], %swap3A_1158 {add = true, strides = array<i32>} : memref<800x128xf32, #tpu.memory_space<vmem>>, vector<1x16xf32>,
        %add3A_1159 = arith.constant 200 : i32
        %add3A_1160 = arith.addi %add3A_1159, %add3A_1093 : i32
        %swap3A_1161 = arith.index_cast %add3A_1160 : i32 to index
        %swap3A_1162 = arith.constant 48 : index
        %swap3A_1163 = tpu.vector_load %arg8[%swap3A_1161, %swap3A_1162] {strides = array<i32>} : memref<800x128xf32, #tpu.memory_space<vmem>>, vector<1x16xf32>,
        %swap3A_1164 = vector.shape_cast %swap3A_1163 : vector<1x16xf32> to vector<16xf32>
        %swap3A_1165 = vector.shape_cast %get3A_1151 : vector<16xf32> to vector<1x16xf32>
        tpu.vector_store %arg8[%swap3A_1161, %swap3A_1162], %swap3A_1165 {add = true, strides = array<i32>} : memref<800x128xf32, #tpu.memory_space<vmem>>, vector<1x16xf32>,
        %get3A_1166 = arith.index_cast %add3A_1093 : i32 to index
        %get3A_1167 = arith.constant 64 : index
        %get3A_1168 = tpu.vector_load %arg9[%get3A_1166, %get3A_1167] {strides = array<i32>} : memref<200x128xf32, #tpu.memory_space<vmem>>, vector<1x16xf32>,
        %get3A_1169 = vector.shape_cast %get3A_1168 : vector<1x16xf32> to vector<16xf32>
        %add3A_1170 = arith.constant 0 : i32
        %add3A_1171 = arith.addi %add3A_1170, %add3A_1093 : i32
        %swap3A_1172 = arith.index_cast %add3A_1171 : i32 to index
        %swap3A_1173 = arith.constant 64 : index
        %swap3A_1174 = tpu.vector_load %arg8[%swap3A_1172, %swap3A_1173] {strides = array<i32>} : memref<800x128xf32, #tpu.memory_space<vmem>>, vector<1x16xf32>,
        %swap3A_1175 = vector.shape_cast %swap3A_1174 : vector<1x16xf32> to vector<16xf32>
        %swap3A_1176 = vector.shape_cast %get3A_1169 : vector<16xf32> to vector<1x16xf32>
        tpu.vector_store %arg8[%swap3A_1172, %swap3A_1173], %swap3A_1176 {add = true, strides = array<i32>} : memref<800x128xf32, #tpu.memory_space<vmem>>, vector<1x16xf32>,
        %add3A_1177 = arith.constant 200 : i32
        %add3A_1178 = arith.addi %add3A_1177, %add3A_1093 : i32
        %swap3A_1179 = arith.index_cast %add3A_1178 : i32 to index
        %swap3A_1180 = arith.constant 64 : index
        %swap3A_1181 = tpu.vector_load %arg8[%swap3A_1179, %swap3A_1180] {strides = array<i32>} : memref<800x128xf32, #tpu.memory_space<vmem>>, vector<1x16xf32>,
        %swap3A_1182 = vector.shape_cast %swap3A_1181 : vector<1x16xf32> to vector<16xf32>
        %swap3A_1183 = vector.shape_cast %get3A_1169 : vector<16xf32> to vector<1x16xf32>
        tpu.vector_store %arg8[%swap3A_1179, %swap3A_1180], %swap3A_1183 {add = true, strides = array<i32>} : memref<800x128xf32, #tpu.memory_space<vmem>>, vector<1x16xf32>,
        %get3A_1184 = arith.index_cast %add3A_1093 : i32 to index
        %get3A_1185 = arith.constant 80 : index
        %get3A_1186 = tpu.vector_load %arg9[%get3A_1184, %get3A_1185] {strides = array<i32>} : memref<200x128xf32, #tpu.memory_space<vmem>>, vector<1x16xf32>,
        %get3A_1187 = vector.shape_cast %get3A_1186 : vector<1x16xf32> to vector<16xf32>
        %add3A_1188 = arith.constant 0 : i32
        %add3A_1189 = arith.addi %add3A_1188, %add3A_1093 : i32
        %swap3A_1190 = arith.index_cast %add3A_1189 : i32 to index
        %swap3A_1191 = arith.constant 80 : index
        %swap3A_1192 = tpu.vector_load %arg8[%swap3A_1190, %swap3A_1191] {strides = array<i32>} : memref<800x128xf32, #tpu.memory_space<vmem>>, vector<1x16xf32>,
        %swap3A_1193 = vector.shape_cast %swap3A_1192 : vector<1x16xf32> to vector<16xf32>
        %swap3A_1194 = vector.shape_cast %get3A_1187 : vector<16xf32> to vector<1x16xf32>
        tpu.vector_store %arg8[%swap3A_1190, %swap3A_1191], %swap3A_1194 {add = true, strides = array<i32>} : memref<800x128xf32, #tpu.memory_space<vmem>>, vector<1x16xf32>,
        %add3A_1195 = arith.constant 200 : i32
        %add3A_1196 = arith.addi %add3A_1195, %add3A_1093 : i32
        %swap3A_1197 = arith.index_cast %add3A_1196 : i32 to index
        %swap3A_1198 = arith.constant 80 : index
        %swap3A_1199 = tpu.vector_load %arg8[%swap3A_1197, %swap3A_1198] {strides = array<i32>} : memref<800x128xf32, #tpu.memory_space<vmem>>, vector<1x16xf32>,
        %swap3A_1200 = vector.shape_cast %swap3A_1199 : vector<1x16xf32> to vector<16xf32>
        %swap3A_1201 = vector.shape_cast %get3A_1187 : vector<16xf32> to vector<1x16xf32>
        tpu.vector_store %arg8[%swap3A_1197, %swap3A_1198], %swap3A_1201 {add = true, strides = array<i32>} : memref<800x128xf32, #tpu.memory_space<vmem>>, vector<1x16xf32>,
        %get3A_1202 = arith.index_cast %add3A_1093 : i32 to index
        %get3A_1203 = arith.constant 96 : index
        %get3A_1204 = tpu.vector_load %arg9[%get3A_1202, %get3A_1203] {strides = array<i32>} : memref<200x128xf32, #tpu.memory_space<vmem>>, vector<1x16xf32>,
        %get3A_1205 = vector.shape_cast %get3A_1204 : vector<1x16xf32> to vector<16xf32>
        %add3A_1206 = arith.constant 0 : i32
        %add3A_1207 = arith.addi %add3A_1206, %add3A_1093 : i32
        %swap3A_1208 = arith.index_cast %add3A_1207 : i32 to index
        %swap3A_1209 = arith.constant 96 : index
        %swap3A_1210 = tpu.vector_load %arg8[%swap3A_1208, %swap3A_1209] {strides = array<i32>} : memref<800x128xf32, #tpu.memory_space<vmem>>, vector<1x16xf32>,
        %swap3A_1211 = vector.shape_cast %swap3A_1210 : vector<1x16xf32> to vector<16xf32>
        %swap3A_1212 = vector.shape_cast %get3A_1205 : vector<16xf32> to vector<1x16xf32>
        tpu.vector_store %arg8[%swap3A_1208, %swap3A_1209], %swap3A_1212 {add = true, strides = array<i32>} : memref<800x128xf32, #tpu.memory_space<vmem>>, vector<1x16xf32>,
        %add3A_1213 = arith.constant 200 : i32
        %add3A_1214 = arith.addi %add3A_1213, %add3A_1093 : i32
        %swap3A_1215 = arith.index_cast %add3A_1214 : i32 to index
        %swap3A_1216 = arith.constant 96 : index
        %swap3A_1217 = tpu.vector_load %arg8[%swap3A_1215, %swap3A_1216] {strides = array<i32>} : memref<800x128xf32, #tpu.memory_space<vmem>>, vector<1x16xf32>,
        %swap3A_1218 = vector.shape_cast %swap3A_1217 : vector<1x16xf32> to vector<16xf32>
        %swap3A_1219 = vector.shape_cast %get3A_1205 : vector<16xf32> to vector<1x16xf32>
        tpu.vector_store %arg8[%swap3A_1215, %swap3A_1216], %swap3A_1219 {add = true, strides = array<i32>} : memref<800x128xf32, #tpu.memory_space<vmem>>, vector<1x16xf32>,
        %get3A_1220 = arith.index_cast %add3A_1093 : i32 to index
        %get3A_1221 = arith.constant 112 : index
        %get3A_1222 = tpu.vector_load %arg9[%get3A_1220, %get3A_1221] {strides = array<i32>} : memref<200x128xf32, #tpu.memory_space<vmem>>, vector<1x16xf32>,
        %get3A_1223 = vector.shape_cast %get3A_1222 : vector<1x16xf32> to vector<16xf32>
        %add3A_1224 = arith.constant 0 : i32
        %add3A_1225 = arith.addi %add3A_1224, %add3A_1093 : i32
        %swap3A_1226 = arith.index_cast %add3A_1225 : i32 to index
        %swap3A_1227 = arith.constant 112 : index
        %swap3A_1228 = tpu.vector_load %arg8[%swap3A_1226, %swap3A_1227] {strides = array<i32>} : memref<800x128xf32, #tpu.memory_space<vmem>>, vector<1x16xf32>,
        %swap3A_1229 = vector.shape_cast %swap3A_1228 : vector<1x16xf32> to vector<16xf32>
        %swap3A_1230 = vector.shape_cast %get3A_1223 : vector<16xf32> to vector<1x16xf32>
        tpu.vector_store %arg8[%swap3A_1226, %swap3A_1227], %swap3A_1230 {add = true, strides = array<i32>} : memref<800x128xf32, #tpu.memory_space<vmem>>, vector<1x16xf32>,
        %add3A_1231 = arith.constant 200 : i32
        %add3A_1232 = arith.addi %add3A_1231, %add3A_1093 : i32
        %swap3A_1233 = arith.index_cast %add3A_1232 : i32 to index
        %swap3A_1234 = arith.constant 112 : index
        %swap3A_1235 = tpu.vector_load %arg8[%swap3A_1233, %swap3A_1234] {strides = array<i32>} : memref<800x128xf32, #tpu.memory_space<vmem>>, vector<1x16xf32>,
        %swap3A_1236 = vector.shape_cast %swap3A_1235 : vector<1x16xf32> to vector<16xf32>
        %swap3A_1237 = vector.shape_cast %get3A_1223 : vector<16xf32> to vector<1x16xf32>
        tpu.vector_store %arg8[%swap3A_1233, %swap3A_1234], %swap3A_1237 {add = true, strides = array<i32>} : memref<800x128xf32, #tpu.memory_space<vmem>>, vector<1x16xf32>,
      }
      %scan3A_635 = arith.constant 50 : i32
      %sub3A_636 = arith.constant 1 : i32
      %sub3A_637 = arith.subi %add3A_533, %sub3A_636 : i32
      %mul3A_638 = arith.constant 2 : i32
      %mul3A_639 = arith.muli %sub3A_637, %mul3A_638 : i32
      %mul3A_640 = arith.constant 200 : i32
      %mul3A_641 = arith.muli %mul3A_639, %mul3A_640 : i32
      %add3A_642 = arith.addi %mul3A_2, %mul3A_641 : i32
      %dma_start3A_643 = arith.constant 0 : i32
      %dma_start3A_644 = arith.constant 0 : i32
      %dma_start3A_645 = tpu.memref_slice %arg8[%dma_start3A_643, %dma_start3A_644] : memref<800x128xf32, #tpu.memory_space<vmem>> -> memref<400x128xf32, #tpu.memory_space<vmem>>
      %dma_start3A_646 = arith.constant 0 : i32
      %dma_start3A_647 = tpu.memref_slice %arg5[%add3A_642, %dma_start3A_646] : memref<204800x128xf32, #tpu.memory_space<hbm>> -> memref<400x128xf32, #tpu.memory_space<hbm>>
      %dma_start3A_648 = arith.constant 0 : i32
      %dma_start3A_649 = tpu.memref_slice %arg5[%add3A_642, %dma_start3A_648] : memref<204800x128xf32, #tpu.memory_space<hbm>> -> memref<400x128xf32, #tpu.memory_space<hbm>>
      %dma_start3A_650 = arith.constant 0 : i32
      %dma_start3A_651 = arith.constant 0 : i32
      %dma_start3A_652 = tpu.memref_slice %arg8[%dma_start3A_650, %dma_start3A_651] : memref<800x128xf32, #tpu.memory_space<vmem>> -> memref<400x128xf32, #tpu.memory_space<vmem>>
      tpu.enqueue_dma source(%dma_start3A_652 : memref<400x128xf32, #tpu.memory_space<vmem>>) target(%dma_start3A_649 : memref<400x128xf32, #tpu.memory_space<hbm>>) target_semaphore(%arg13 : memref<!tpu.dma_semaphore, #tpu.memory_space<semaphore_mem>>)
    }
    %scan3A_137 = arith.constant 6 : i32
    %add3A_138 = arith.constant 5600 : i32
    %add3A_139 = arith.addi %mul3A_2, %add3A_138 : i32
    %dma_wait3A_140 = tpu.memref_slice %arg2[%add3A_139] : memref<204800xi32, #tpu.memory_space<hbm>> -> memref<400xi32, #tpu.memory_space<hbm>>
    %dma_wait3A_141 = tpu.memref_slice %arg2[%add3A_139] : memref<204800xi32, #tpu.memory_space<hbm>> -> memref<400xi32, #tpu.memory_space<hbm>>
    tpu.wait_dma2 semaphore(%arg11 : memref<!tpu.dma_semaphore, #tpu.memory_space<semaphore_mem>>) src(%dma_wait3A_141 : memref<400xi32, #tpu.memory_space<hbm>>) dst(%arg6 : memref<400xi32, #tpu.memory_space<vmem>>)
    %add3A_142 = arith.constant 4800 : i32
    %add3A_143 = arith.addi %mul3A_2, %add3A_142 : i32
    %dma_wait3A_144 = arith.constant 0 : i32
    %dma_wait3A_145 = arith.constant 0 : i32
    %dma_wait3A_146 = tpu.memref_slice %arg8[%dma_wait3A_144, %dma_wait3A_145] : memref<800x128xf32, #tpu.memory_space<vmem>> -> memref<400x128xf32, #tpu.memory_space<vmem>>
    %dma_wait3A_147 = arith.constant 0 : i32
    %dma_wait3A_148 = tpu.memref_slice %arg5[%add3A_143, %dma_wait3A_147] : memref<204800x128xf32, #tpu.memory_space<hbm>> -> memref<400x128xf32, #tpu.memory_space<hbm>>
    %dma_wait3A_149 = arith.constant 0 : i32
    %dma_wait3A_150 = tpu.memref_slice %arg5[%add3A_143, %dma_wait3A_149] : memref<204800x128xf32, #tpu.memory_space<hbm>> -> memref<400x128xf32, #tpu.memory_space<hbm>>
    %dma_wait3A_151 = arith.constant 0 : i32
    %dma_wait3A_152 = arith.constant 0 : i32
    %dma_wait3A_153 = tpu.memref_slice %arg8[%dma_wait3A_151, %dma_wait3A_152] : memref<800x128xf32, #tpu.memory_space<vmem>> -> memref<400x128xf32, #tpu.memory_space<vmem>>
    tpu.wait_dma2 semaphore(%arg13 : memref<!tpu.dma_semaphore, #tpu.memory_space<semaphore_mem>>) src(%dma_wait3A_153 : memref<400x128xf32, #tpu.memory_space<vmem>>) dst(%dma_wait3A_150 : memref<400x128xf32, #tpu.memory_space<hbm>>)
    %dma_start3A_154 = arith.constant 0 : i32
    %dma_start3A_155 = arith.constant 0 : i32
    %dma_start3A_156 = tpu.memref_slice %arg8[%dma_start3A_154, %dma_start3A_155] : memref<800x128xf32, #tpu.memory_space<vmem>> -> memref<104x128xf32, #tpu.memory_space<vmem>>
    %dma_start3A_157 = arith.constant 0 : i32
    %dma_start3A_158 = tpu.memref_slice %arg6[%dma_start3A_157] : memref<400xi32, #tpu.memory_space<vmem>> -> memref<104xi32, #tpu.memory_space<vmem>>
    %dma_start3A_159 = arith.constant 0 : i32
    %dma_start3A_160 = arith.constant 0 : i32
    %dma_start3A_161 = tpu.memref_slice %arg3[%dma_start3A_159, %dma_start3A_160] : memref<100000x128xf32, #tpu.memory_space<hbm>> -> memref<100000x128xf32, #tpu.memory_space<hbm>>
    tpu.enqueue_indirect_dma source(%dma_start3A_161 : memref<100000x128xf32, #tpu.memory_space<hbm>>) target(%dma_start3A_156 : memref<104x128xf32, #tpu.memory_space<vmem>>) offsets(%dma_start3A_158 : memref<104xi32, #tpu.memory_space<vmem>>) semaphore(%arg10 : memref<!tpu.dma_semaphore, #tpu.memory_space<semaphore_mem>>)
    %dma_start3A_162 = arith.constant 104 : i32
    %dma_start3A_163 = arith.constant 0 : i32
    %dma_start3A_164 = tpu.memref_slice %arg8[%dma_start3A_162, %dma_start3A_163] : memref<800x128xf32, #tpu.memory_space<vmem>> -> memref<96x128xf32, #tpu.memory_space<vmem>>
    %dma_start3A_165 = arith.constant 104 : i32
    %dma_start3A_166 = tpu.memref_slice %arg6[%dma_start3A_165] : memref<400xi32, #tpu.memory_space<vmem>> -> memref<96xi32, #tpu.memory_space<vmem>>
    %dma_start3A_167 = arith.constant 0 : i32
    %dma_start3A_168 = arith.constant 0 : i32
    %dma_start3A_169 = tpu.memref_slice %arg3[%dma_start3A_167, %dma_start3A_168] : memref<100000x128xf32, #tpu.memory_space<hbm>> -> memref<100000x128xf32, #tpu.memory_space<hbm>>
    tpu.enqueue_indirect_dma source(%dma_start3A_169 : memref<100000x128xf32, #tpu.memory_space<hbm>>) target(%dma_start3A_164 : memref<96x128xf32, #tpu.memory_space<vmem>>) offsets(%dma_start3A_166 : memref<96xi32, #tpu.memory_space<vmem>>) semaphore(%arg10 : memref<!tpu.dma_semaphore, #tpu.memory_space<semaphore_mem>>)
    %dma_start3A_170 = arith.constant 200 : i32
    %dma_start3A_171 = arith.constant 0 : i32
    %dma_start3A_172 = tpu.memref_slice %arg8[%dma_start3A_170, %dma_start3A_171] : memref<800x128xf32, #tpu.memory_space<vmem>> -> memref<104x128xf32, #tpu.memory_space<vmem>>
    %dma_start3A_173 = arith.constant 200 : i32
    %dma_start3A_174 = tpu.memref_slice %arg6[%dma_start3A_173] : memref<400xi32, #tpu.memory_space<vmem>> -> memref<104xi32, #tpu.memory_space<vmem>>
    %dma_start3A_175 = arith.constant 0 : i32
    %dma_start3A_176 = arith.constant 0 : i32
    %dma_start3A_177 = tpu.memref_slice %arg3[%dma_start3A_175, %dma_start3A_176] : memref<100000x128xf32, #tpu.memory_space<hbm>> -> memref<100000x128xf32, #tpu.memory_space<hbm>>
    tpu.enqueue_indirect_dma source(%dma_start3A_177 : memref<100000x128xf32, #tpu.memory_space<hbm>>) target(%dma_start3A_172 : memref<104x128xf32, #tpu.memory_space<vmem>>) offsets(%dma_start3A_174 : memref<104xi32, #tpu.memory_space<vmem>>) semaphore(%arg10 : memref<!tpu.dma_semaphore, #tpu.memory_space<semaphore_mem>>)
    %dma_start3A_178 = arith.constant 304 : i32
    %dma_start3A_179 = arith.constant 0 : i32
    %dma_start3A_180 = tpu.memref_slice %arg8[%dma_start3A_178, %dma_start3A_179] : memref<800x128xf32, #tpu.memory_space<vmem>> -> memref<96x128xf32, #tpu.memory_space<vmem>>
    %dma_start3A_181 = arith.constant 304 : i32
    %dma_start3A_182 = tpu.memref_slice %arg6[%dma_start3A_181] : memref<400xi32, #tpu.memory_space<vmem>> -> memref<96xi32, #tpu.memory_space<vmem>>
    %dma_start3A_183 = arith.constant 0 : i32
    %dma_start3A_184 = arith.constant 0 : i32
    %dma_start3A_185 = tpu.memref_slice %arg3[%dma_start3A_183, %dma_start3A_184] : memref<100000x128xf32, #tpu.memory_space<hbm>> -> memref<100000x128xf32, #tpu.memory_space<hbm>>
    tpu.enqueue_indirect_dma source(%dma_start3A_185 : memref<100000x128xf32, #tpu.memory_space<hbm>>) target(%dma_start3A_180 : memref<96x128xf32, #tpu.memory_space<vmem>>) offsets(%dma_start3A_182 : memref<96xi32, #tpu.memory_space<vmem>>) semaphore(%arg10 : memref<!tpu.dma_semaphore, #tpu.memory_space<semaphore_mem>>)
    %dma_wait3A_186 = arith.constant 400 : i32
    %dma_wait3A_187 = arith.constant 0 : i32
    %dma_wait3A_188 = tpu.memref_slice %arg8[%dma_wait3A_186, %dma_wait3A_187] : memref<800x128xf32, #tpu.memory_space<vmem>> -> memref<104x128xf32, #tpu.memory_space<vmem>>
    %dma_wait3A_189 = arith.constant 0 : i32
    %dma_wait3A_190 = tpu.memref_slice %arg7[%dma_wait3A_189] : memref<400xi32, #tpu.memory_space<vmem>> -> memref<104xi32, #tpu.memory_space<vmem>>
    %dma_wait3A_191 = arith.constant 0 : i32
    %dma_wait3A_192 = arith.constant 0 : i32
    %dma_wait3A_193 = tpu.memref_slice %arg3[%dma_wait3A_191, %dma_wait3A_192] : memref<100000x128xf32, #tpu.memory_space<hbm>> -> memref<100000x128xf32, #tpu.memory_space<hbm>>
    tpu.wait_indirect_dma semaphore(%arg10 : memref<!tpu.dma_semaphore, #tpu.memory_space<semaphore_mem>>) src(%dma_wait3A_193 : memref<100000x128xf32, #tpu.memory_space<hbm>>) dst(%dma_wait3A_188 : memref<104x128xf32, #tpu.memory_space<vmem>>)
    %dma_wait3A_194 = arith.constant 504 : i32
    %dma_wait3A_195 = arith.constant 0 : i32
    %dma_wait3A_196 = tpu.memref_slice %arg8[%dma_wait3A_194, %dma_wait3A_195] : memref<800x128xf32, #tpu.memory_space<vmem>> -> memref<96x128xf32, #tpu.memory_space<vmem>>
    %dma_wait3A_197 = arith.constant 104 : i32
    %dma_wait3A_198 = tpu.memref_slice %arg7[%dma_wait3A_197] : memref<400xi32, #tpu.memory_space<vmem>> -> memref<96xi32, #tpu.memory_space<vmem>>
    %dma_wait3A_199 = arith.constant 0 : i32
    %dma_wait3A_200 = arith.constant 0 : i32
    %dma_wait3A_201 = tpu.memref_slice %arg3[%dma_wait3A_199, %dma_wait3A_200] : memref<100000x128xf32, #tpu.memory_space<hbm>> -> memref<100000x128xf32, #tpu.memory_space<hbm>>
    tpu.wait_indirect_dma semaphore(%arg10 : memref<!tpu.dma_semaphore, #tpu.memory_space<semaphore_mem>>) src(%dma_wait3A_201 : memref<100000x128xf32, #tpu.memory_space<hbm>>) dst(%dma_wait3A_196 : memref<96x128xf32, #tpu.memory_space<vmem>>)
    %dma_wait3A_202 = arith.constant 600 : i32
    %dma_wait3A_203 = arith.constant 0 : i32
    %dma_wait3A_204 = tpu.memref_slice %arg8[%dma_wait3A_202, %dma_wait3A_203] : memref<800x128xf32, #tpu.memory_space<vmem>> -> memref<104x128xf32, #tpu.memory_space<vmem>>
    %dma_wait3A_205 = arith.constant 200 : i32
    %dma_wait3A_206 = tpu.memref_slice %arg7[%dma_wait3A_205] : memref<400xi32, #tpu.memory_space<vmem>> -> memref<104xi32, #tpu.memory_space<vmem>>
    %dma_wait3A_207 = arith.constant 0 : i32
    %dma_wait3A_208 = arith.constant 0 : i32
    %dma_wait3A_209 = tpu.memref_slice %arg3[%dma_wait3A_207, %dma_wait3A_208] : memref<100000x128xf32, #tpu.memory_space<hbm>> -> memref<100000x128xf32, #tpu.memory_space<hbm>>
    tpu.wait_indirect_dma semaphore(%arg10 : memref<!tpu.dma_semaphore, #tpu.memory_space<semaphore_mem>>) src(%dma_wait3A_209 : memref<100000x128xf32, #tpu.memory_space<hbm>>) dst(%dma_wait3A_204 : memref<104x128xf32, #tpu.memory_space<vmem>>)
    %dma_wait3A_210 = arith.constant 704 : i32
    %dma_wait3A_211 = arith.constant 0 : i32
    %dma_wait3A_212 = tpu.memref_slice %arg8[%dma_wait3A_210, %dma_wait3A_211] : memref<800x128xf32, #tpu.memory_space<vmem>> -> memref<96x128xf32, #tpu.memory_space<vmem>>
    %dma_wait3A_213 = arith.constant 304 : i32
    %dma_wait3A_214 = tpu.memref_slice %arg7[%dma_wait3A_213] : memref<400xi32, #tpu.memory_space<vmem>> -> memref<96xi32, #tpu.memory_space<vmem>>
    %dma_wait3A_215 = arith.constant 0 : i32
    %dma_wait3A_216 = arith.constant 0 : i32
    %dma_wait3A_217 = tpu.memref_slice %arg3[%dma_wait3A_215, %dma_wait3A_216] : memref<100000x128xf32, #tpu.memory_space<hbm>> -> memref<100000x128xf32, #tpu.memory_space<hbm>>
    tpu.wait_indirect_dma semaphore(%arg10 : memref<!tpu.dma_semaphore, #tpu.memory_space<semaphore_mem>>) src(%dma_wait3A_217 : memref<100000x128xf32, #tpu.memory_space<hbm>>) dst(%dma_wait3A_212 : memref<96x128xf32, #tpu.memory_space<vmem>>)
    %add3A_218 = arith.constant 6000 : i32
    %add3A_219 = arith.addi %mul3A_2, %add3A_218 : i32
    %dma_start3A_220 = tpu.memref_slice %arg2[%add3A_219] : memref<204800xi32, #tpu.memory_space<hbm>> -> memref<400xi32, #tpu.memory_space<hbm>>
    %dma_start3A_221 = tpu.memref_slice %arg2[%add3A_219] : memref<204800xi32, #tpu.memory_space<hbm>> -> memref<400xi32, #tpu.memory_space<hbm>>
    tpu.enqueue_dma source(%dma_start3A_221 : memref<400xi32, #tpu.memory_space<hbm>>) target(%arg7 : memref<400xi32, #tpu.memory_space<vmem>>) target_semaphore(%arg12 : memref<!tpu.dma_semaphore, #tpu.memory_space<semaphore_mem>>)
    %scan3A_222 = arith.constant 0 : i32
    %scan3A_223 = arith.constant 50 : i32
    %scan3A_224 = arith.addi %scan3A_222, %scan3A_223 : i32
    %scan3A_225 = arith.constant 1 : i32
    scf.for %scan3A_409 = %scan3A_222 to %scan3A_224 step %scan3A_225  : i32 {
      %mul3A_410 = arith.constant 4 : i32
      %mul3A_411 = arith.muli %scan3A_409, %mul3A_410 : i32
      %add3A_412 = arith.constant 0 : i32
      %add3A_413 = arith.addi %mul3A_411, %add3A_412 : i32
      %get3A = arith.index_cast %add3A_413 : i32 to index
      %get3A_414 = arith.constant 0 : index
      %get3A_415 = tpu.vector_load %arg9[%get3A, %get3A_414] {strides = array<i32>} : memref<200x128xf32, #tpu.memory_space<vmem>>, vector<1x16xf32>,
      %get3A_416 = vector.shape_cast %get3A_415 : vector<1x16xf32> to vector<16xf32>
      %add3A_417 = arith.constant 400 : i32
      %add3A_418 = arith.addi %add3A_417, %add3A_413 : i32
      %swap3A = arith.index_cast %add3A_418 : i32 to index
      %swap3A_419 = arith.constant 0 : index
      %swap3A_420 = tpu.vector_load %arg8[%swap3A, %swap3A_419] {strides = array<i32>} : memref<800x128xf32, #tpu.memory_space<vmem>>, vector<1x16xf32>,
      %swap3A_421 = vector.shape_cast %swap3A_420 : vector<1x16xf32> to vector<16xf32>
      %swap3A_422 = vector.shape_cast %get3A_416 : vector<16xf32> to vector<1x16xf32>
      tpu.vector_store %arg8[%swap3A, %swap3A_419], %swap3A_422 {add = true, strides = array<i32>} : memref<800x128xf32, #tpu.memory_space<vmem>>, vector<1x16xf32>,
      %add3A_423 = arith.constant 600 : i32
      %add3A_424 = arith.addi %add3A_423, %add3A_413 : i32
      %swap3A_425 = arith.index_cast %add3A_424 : i32 to index
      %swap3A_426 = arith.constant 0 : index
      %swap3A_427 = tpu.vector_load %arg8[%swap3A_425, %swap3A_426] {strides = array<i32>} : memref<800x128xf32, #tpu.memory_space<vmem>>, vector<1x16xf32>,
      %swap3A_428 = vector.shape_cast %swap3A_427 : vector<1x16xf32> to vector<16xf32>
      %swap3A_429 = vector.shape_cast %get3A_416 : vector<16xf32> to vector<1x16xf32>
      tpu.vector_store %arg8[%swap3A_425, %swap3A_426], %swap3A_429 {add = true, strides = array<i32>} : memref<800x128xf32, #tpu.memory_space<vmem>>, vector<1x16xf32>,
      %get3A_430 = arith.index_cast %add3A_413 : i32 to index
      %get3A_431 = arith.constant 16 : index
      %get3A_432 = tpu.vector_load %arg9[%get3A_430, %get3A_431] {strides = array<i32>} : memref<200x128xf32, #tpu.memory_space<vmem>>, vector<1x16xf32>,
      %get3A_433 = vector.shape_cast %get3A_432 : vector<1x16xf32> to vector<16xf32>
      %add3A_434 = arith.constant 400 : i32
      %add3A_435 = arith.addi %add3A_434, %add3A_413 : i32
      %swap3A_436 = arith.index_cast %add3A_435 : i32 to index
      %swap3A_437 = arith.constant 16 : index
      %swap3A_438 = tpu.vector_load %arg8[%swap3A_436, %swap3A_437] {strides = array<i32>} : memref<800x128xf32, #tpu.memory_space<vmem>>, vector<1x16xf32>,
      %swap3A_439 = vector.shape_cast %swap3A_438 : vector<1x16xf32> to vector<16xf32>
      %swap3A_440 = vector.shape_cast %get3A_433 : vector<16xf32> to vector<1x16xf32>
      tpu.vector_store %arg8[%swap3A_436, %swap3A_437], %swap3A_440 {add = true, strides = array<i32>} : memref<800x128xf32, #tpu.memory_space<vmem>>, vector<1x16xf32>,
      %add3A_441 = arith.constant 600 : i32
      %add3A_442 = arith.addi %add3A_441, %add3A_413 : i32
      %swap3A_443 = arith.index_cast %add3A_442 : i32 to index
      %swap3A_444 = arith.constant 16 : index
      %swap3A_445 = tpu.vector_load %arg8[%swap3A_443, %swap3A_444] {strides = array<i32>} : memref<800x128xf32, #tpu.memory_space<vmem>>, vector<1x16xf32>,
      %swap3A_446 = vector.shape_cast %swap3A_445 : vector<1x16xf32> to vector<16xf32>
      %swap3A_447 = vector.shape_cast %get3A_433 : vector<16xf32> to vector<1x16xf32>
      tpu.vector_store %arg8[%swap3A_443, %swap3A_444], %swap3A_447 {add = true, strides = array<i32>} : memref<800x128xf32, #tpu.memory_space<vmem>>, vector<1x16xf32>,
      %get3A_448 = arith.index_cast %add3A_413 : i32 to index
      %get3A_449 = arith.constant 32 : index
      %get3A_450 = tpu.vector_load %arg9[%get3A_448, %get3A_449] {strides = array<i32>} : memref<200x128xf32, #tpu.memory_space<vmem>>, vector<1x16xf32>,
      %get3A_451 = vector.shape_cast %get3A_450 : vector<1x16xf32> to vector<16xf32>
      %add3A_452 = arith.constant 400 : i32
      %add3A_453 = arith.addi %add3A_452, %add3A_413 : i32
      %swap3A_454 = arith.index_cast %add3A_453 : i32 to index
      %swap3A_455 = arith.constant 32 : index
      %swap3A_456 = tpu.vector_load %arg8[%swap3A_454, %swap3A_455] {strides = array<i32>} : memref<800x128xf32, #tpu.memory_space<vmem>>, vector<1x16xf32>,
      %swap3A_457 = vector.shape_cast %swap3A_456 : vector<1x16xf32> to vector<16xf32>
      %swap3A_458 = vector.shape_cast %get3A_451 : vector<16xf32> to vector<1x16xf32>
      tpu.vector_store %arg8[%swap3A_454, %swap3A_455], %swap3A_458 {add = true, strides = array<i32>} : memref<800x128xf32, #tpu.memory_space<vmem>>, vector<1x16xf32>,
      %add3A_459 = arith.constant 600 : i32
      %add3A_460 = arith.addi %add3A_459, %add3A_413 : i32
      %swap3A_461 = arith.index_cast %add3A_460 : i32 to index
      %swap3A_462 = arith.constant 32 : index
      %swap3A_463 = tpu.vector_load %arg8[%swap3A_461, %swap3A_462] {strides = array<i32>} : memref<800x128xf32, #tpu.memory_space<vmem>>, vector<1x16xf32>,
      %swap3A_464 = vector.shape_cast %swap3A_463 : vector<1x16xf32> to vector<16xf32>
      %swap3A_465 = vector.shape_cast %get3A_451 : vector<16xf32> to vector<1x16xf32>
      tpu.vector_store %arg8[%swap3A_461, %swap3A_462], %swap3A_465 {add = true, strides = array<i32>} : memref<800x128xf32, #tpu.memory_space<vmem>>, vector<1x16xf32>,
      %get3A_466 = arith.index_cast %add3A_413 : i32 to index
      %get3A_467 = arith.constant 48 : index
      %get3A_468 = tpu.vector_load %arg9[%get3A_466, %get3A_467] {strides = array<i32>} : memref<200x128xf32, #tpu.memory_space<vmem>>, vector<1x16xf32>,
      %get3A_469 = vector.shape_cast %get3A_468 : vector<1x16xf32> to vector<16xf32>
      %add3A_470 = arith.constant 400 : i32
      %add3A_471 = arith.addi %add3A_470, %add3A_413 : i32
      %swap3A_472 = arith.index_cast %add3A_471 : i32 to index
      %swap3A_473 = arith.constant 48 : index
      %swap3A_474 = tpu.vector_load %arg8[%swap3A_472, %swap3A_473] {strides = array<i32>} : memref<800x128xf32, #tpu.memory_space<vmem>>, vector<1x16xf32>,
      %swap3A_475 = vector.shape_cast %swap3A_474 : vector<1x16xf32> to vector<16xf32>
      %swap3A_476 = vector.shape_cast %get3A_469 : vector<16xf32> to vector<1x16xf32>
      tpu.vector_store %arg8[%swap3A_472, %swap3A_473], %swap3A_476 {add = true, strides = array<i32>} : memref<800x128xf32, #tpu.memory_space<vmem>>, vector<1x16xf32>,
      %add3A_477 = arith.constant 600 : i32
      %add3A_478 = arith.addi %add3A_477, %add3A_413 : i32
      %swap3A_479 = arith.index_cast %add3A_478 : i32 to index
      %swap3A_480 = arith.constant 48 : index
      %swap3A_481 = tpu.vector_load %arg8[%swap3A_479, %swap3A_480] {strides = array<i32>} : memref<800x128xf32, #tpu.memory_space<vmem>>, vector<1x16xf32>,
      %swap3A_482 = vector.shape_cast %swap3A_481 : vector<1x16xf32> to vector<16xf32>
      %swap3A_483 = vector.shape_cast %get3A_469 : vector<16xf32> to vector<1x16xf32>
      tpu.vector_store %arg8[%swap3A_479, %swap3A_480], %swap3A_483 {add = true, strides = array<i32>} : memref<800x128xf32, #tpu.memory_space<vmem>>, vector<1x16xf32>,
      %get3A_484 = arith.index_cast %add3A_413 : i32 to index
      %get3A_485 = arith.constant 64 : index
      %get3A_486 = tpu.vector_load %arg9[%get3A_484, %get3A_485] {strides = array<i32>} : memref<200x128xf32, #tpu.memory_space<vmem>>, vector<1x16xf32>,
      %get3A_487 = vector.shape_cast %get3A_486 : vector<1x16xf32> to vector<16xf32>
      %add3A_488 = arith.constant 400 : i32
      %add3A_489 = arith.addi %add3A_488, %add3A_413 : i32
      %swap3A_490 = arith.index_cast %add3A_489 : i32 to index
      %swap3A_491 = arith.constant 64 : index
      %swap3A_492 = tpu.vector_load %arg8[%swap3A_490, %swap3A_491] {strides = array<i32>} : memref<800x128xf32, #tpu.memory_space<vmem>>, vector<1x16xf32>,
      %swap3A_493 = vector.shape_cast %swap3A_492 : vector<1x16xf32> to vector<16xf32>
      %swap3A_494 = vector.shape_cast %get3A_487 : vector<16xf32> to vector<1x16xf32>
      tpu.vector_store %arg8[%swap3A_490, %swap3A_491], %swap3A_494 {add = true, strides = array<i32>} : memref<800x128xf32, #tpu.memory_space<vmem>>, vector<1x16xf32>,
      %add3A_495 = arith.constant 600 : i32
      %add3A_496 = arith.addi %add3A_495, %add3A_413 : i32
      %swap3A_497 = arith.index_cast %add3A_496 : i32 to index
      %swap3A_498 = arith.constant 64 : index
      %swap3A_499 = tpu.vector_load %arg8[%swap3A_497, %swap3A_498] {strides = array<i32>} : memref<800x128xf32, #tpu.memory_space<vmem>>, vector<1x16xf32>,
      %swap3A_500 = vector.shape_cast %swap3A_499 : vector<1x16xf32> to vector<16xf32>
      %swap3A_501 = vector.shape_cast %get3A_487 : vector<16xf32> to vector<1x16xf32>
      tpu.vector_store %arg8[%swap3A_497, %swap3A_498], %swap3A_501 {add = true, strides = array<i32>} : memref<800x128xf32, #tpu.memory_space<vmem>>, vector<1x16xf32>,
      %get3A_502 = arith.index_cast %add3A_413 : i32 to index
      %get3A_503 = arith.constant 80 : index
      %get3A_504 = tpu.vector_load %arg9[%get3A_502, %get3A_503] {strides = array<i32>} : memref<200x128xf32, #tpu.memory_space<vmem>>, vector<1x16xf32>,
      %get3A_505 = vector.shape_cast %get3A_504 : vector<1x16xf32> to vector<16xf32>
      %add3A_506 = arith.constant 400 : i32
      %add3A_507 = arith.addi %add3A_506, %add3A_413 : i32
      %swap3A_508 = arith.index_cast %add3A_507 : i32 to index
      %swap3A_509 = arith.constant 80 : index
      %swap3A_510 = tpu.vector_load %arg8[%swap3A_508, %swap3A_509] {strides = array<i32>} : memref<800x128xf32, #tpu.memory_space<vmem>>, vector<1x16xf32>,
      %swap3A_511 = vector.shape_cast %swap3A_510 : vector<1x16xf32> to vector<16xf32>
      %swap3A_512 = vector.shape_cast %get3A_505 : vector<16xf32> to vector<1x16xf32>
      tpu.vector_store %arg8[%swap3A_508, %swap3A_509], %swap3A_512 {add = true, strides = array<i32>} : memref<800x128xf32, #tpu.memory_space<vmem>>, vector<1x16xf32>,
      %add3A_513 = arith.constant 600 : i32
      %add3A_514 = arith.addi %add3A_513, %add3A_413 : i32
      %swap3A_515 = arith.index_cast %add3A_514 : i32 to index
      %swap3A_516 = arith.constant 80 : index
      %swap3A_517 = tpu.vector_load %arg8[%swap3A_515, %swap3A_516] {strides = array<i32>} : memref<800x128xf32, #tpu.memory_space<vmem>>, vector<1x16xf32>,
      %swap3A_518 = vector.shape_cast %swap3A_517 : vector<1x16xf32> to vector<16xf32>
      %swap3A_519 = vector.shape_cast %get3A_505 : vector<16xf32> to vector<1x16xf32>
      tpu.vector_store %arg8[%swap3A_515, %swap3A_516], %swap3A_519 {add = true, strides = array<i32>} : memref<800x128xf32, #tpu.memory_space<vmem>>, vector<1x16xf32>,
      %get3A_520 = arith.index_cast %add3A_413 : i32 to index
      %get3A_521 = arith.constant 96 : index
      %get3A_522 = tpu.vector_load %arg9[%get3A_520, %get3A_521] {strides = array<i32>} : memref<200x128xf32, #tpu.memory_space<vmem>>, vector<1x16xf32>,
      %get3A_523 = vector.shape_cast %get3A_522 : vector<1x16xf32> to vector<16xf32>
      %add3A_524 = arith.constant 400 : i32
      %add3A_525 = arith.addi %add3A_524, %add3A_413 : i32
      %swap3A_526 = arith.index_cast %add3A_525 : i32 to index
      %swap3A_527 = arith.constant 96 : index
      %swap3A_528 = tpu.vector_load %arg8[%swap3A_526, %swap3A_527] {strides = array<i32>} : memref<800x128xf32, #tpu.memory_space<vmem>>, vector<1x16xf32>,
      %swap3A_529 = vector.shape_cast %swap3A_528 : vector<1x16xf32> to vector<16xf32>
      %swap3A_530 = vector.shape_cast %get3A_523 : vector<16xf32> to vector<1x16xf32>
      tpu.vector_store %arg8[%swap3A_526, %swap3A_527], %swap3A_530 {add = true, strides = array<i32>} : memref<800x128xf32, #tpu.memory_space<vmem>>, vector<1x16xf32>,
      %add3A_531 = arith.constant 600 : i32
      %add3A_532 = arith.addi %add3A_531, %add3A_413 : i32
      %swap3A_533 = arith.index_cast %add3A_532 : i32 to index
      %swap3A_534 = arith.constant 96 : index
      %swap3A_535 = tpu.vector_load %arg8[%swap3A_533, %swap3A_534] {strides = array<i32>} : memref<800x128xf32, #tpu.memory_space<vmem>>, vector<1x16xf32>,
      %swap3A_536 = vector.shape_cast %swap3A_535 : vector<1x16xf32> to vector<16xf32>
      %swap3A_537 = vector.shape_cast %get3A_523 : vector<16xf32> to vector<1x16xf32>
      tpu.vector_store %arg8[%swap3A_533, %swap3A_534], %swap3A_537 {add = true, strides = array<i32>} : memref<800x128xf32, #tpu.memory_space<vmem>>, vector<1x16xf32>,
      %get3A_538 = arith.index_cast %add3A_413 : i32 to index
      %get3A_539 = arith.constant 112 : index
      %get3A_540 = tpu.vector_load %arg9[%get3A_538, %get3A_539] {strides = array<i32>} : memref<200x128xf32, #tpu.memory_space<vmem>>, vector<1x16xf32>,
      %get3A_541 = vector.shape_cast %get3A_540 : vector<1x16xf32> to vector<16xf32>
      %add3A_542 = arith.constant 400 : i32
      %add3A_543 = arith.addi %add3A_542, %add3A_413 : i32
      %swap3A_544 = arith.index_cast %add3A_543 : i32 to index
      %swap3A_545 = arith.constant 112 : index
      %swap3A_546 = tpu.vector_load %arg8[%swap3A_544, %swap3A_545] {strides = array<i32>} : memref<800x128xf32, #tpu.memory_space<vmem>>, vector<1x16xf32>,
      %swap3A_547 = vector.shape_cast %swap3A_546 : vector<1x16xf32> to vector<16xf32>
      %swap3A_548 = vector.shape_cast %get3A_541 : vector<16xf32> to vector<1x16xf32>
      tpu.vector_store %arg8[%swap3A_544, %swap3A_545], %swap3A_548 {add = true, strides = array<i32>} : memref<800x128xf32, #tpu.memory_space<vmem>>, vector<1x16xf32>,
      %add3A_549 = arith.constant 600 : i32
      %add3A_550 = arith.addi %add3A_549, %add3A_413 : i32
      %swap3A_551 = arith.index_cast %add3A_550 : i32 to index
      %swap3A_552 = arith.constant 112 : index
      %swap3A_553 = tpu.vector_load %arg8[%swap3A_551, %swap3A_552] {strides = array<i32>} : memref<800x128xf32, #tpu.memory_space<vmem>>, vector<1x16xf32>,
      %swap3A_554 = vector.shape_cast %swap3A_553 : vector<1x16xf32> to vector<16xf32>
      %swap3A_555 = vector.shape_cast %get3A_541 : vector<16xf32> to vector<1x16xf32>
      tpu.vector_store %arg8[%swap3A_551, %swap3A_552], %swap3A_555 {add = true, strides = array<i32>} : memref<800x128xf32, #tpu.memory_space<vmem>>, vector<1x16xf32>,
      %add3A_556 = arith.constant 1 : i32
      %add3A_557 = arith.addi %mul3A_411, %add3A_556 : i32
      %get3A_558 = arith.index_cast %add3A_557 : i32 to index
      %get3A_559 = arith.constant 0 : index
      %get3A_560 = tpu.vector_load %arg9[%get3A_558, %get3A_559] {strides = array<i32>} : memref<200x128xf32, #tpu.memory_space<vmem>>, vector<1x16xf32>,
      %get3A_561 = vector.shape_cast %get3A_560 : vector<1x16xf32> to vector<16xf32>
      %add3A_562 = arith.constant 400 : i32
      %add3A_563 = arith.addi %add3A_562, %add3A_557 : i32
      %swap3A_564 = arith.index_cast %add3A_563 : i32 to index
      %swap3A_565 = arith.constant 0 : index
      %swap3A_566 = tpu.vector_load %arg8[%swap3A_564, %swap3A_565] {strides = array<i32>} : memref<800x128xf32, #tpu.memory_space<vmem>>, vector<1x16xf32>,
      %swap3A_567 = vector.shape_cast %swap3A_566 : vector<1x16xf32> to vector<16xf32>
      %swap3A_568 = vector.shape_cast %get3A_561 : vector<16xf32> to vector<1x16xf32>
      tpu.vector_store %arg8[%swap3A_564, %swap3A_565], %swap3A_568 {add = true, strides = array<i32>} : memref<800x128xf32, #tpu.memory_space<vmem>>, vector<1x16xf32>,
      %add3A_569 = arith.constant 600 : i32
      %add3A_570 = arith.addi %add3A_569, %add3A_557 : i32
      %swap3A_571 = arith.index_cast %add3A_570 : i32 to index
      %swap3A_572 = arith.constant 0 : index
      %swap3A_573 = tpu.vector_load %arg8[%swap3A_571, %swap3A_572] {strides = array<i32>} : memref<800x128xf32, #tpu.memory_space<vmem>>, vector<1x16xf32>,
      %swap3A_574 = vector.shape_cast %swap3A_573 : vector<1x16xf32> to vector<16xf32>
      %swap3A_575 = vector.shape_cast %get3A_561 : vector<16xf32> to vector<1x16xf32>
      tpu.vector_store %arg8[%swap3A_571, %swap3A_572], %swap3A_575 {add = true, strides = array<i32>} : memref<800x128xf32, #tpu.memory_space<vmem>>, vector<1x16xf32>,
      %get3A_576 = arith.index_cast %add3A_557 : i32 to index
      %get3A_577 = arith.constant 16 : index
      %get3A_578 = tpu.vector_load %arg9[%get3A_576, %get3A_577] {strides = array<i32>} : memref<200x128xf32, #tpu.memory_space<vmem>>, vector<1x16xf32>,
      %get3A_579 = vector.shape_cast %get3A_578 : vector<1x16xf32> to vector<16xf32>
      %add3A_580 = arith.constant 400 : i32
      %add3A_581 = arith.addi %add3A_580, %add3A_557 : i32
      %swap3A_582 = arith.index_cast %add3A_581 : i32 to index
      %swap3A_583 = arith.constant 16 : index
      %swap3A_584 = tpu.vector_load %arg8[%swap3A_582, %swap3A_583] {strides = array<i32>} : memref<800x128xf32, #tpu.memory_space<vmem>>, vector<1x16xf32>,
      %swap3A_585 = vector.shape_cast %swap3A_584 : vector<1x16xf32> to vector<16xf32>
      %swap3A_586 = vector.shape_cast %get3A_579 : vector<16xf32> to vector<1x16xf32>
      tpu.vector_store %arg8[%swap3A_582, %swap3A_583], %swap3A_586 {add = true, strides = array<i32>} : memref<800x128xf32, #tpu.memory_space<vmem>>, vector<1x16xf32>,
      %add3A_587 = arith.constant 600 : i32
      %add3A_588 = arith.addi %add3A_587, %add3A_557 : i32
      %swap3A_589 = arith.index_cast %add3A_588 : i32 to index
      %swap3A_590 = arith.constant 16 : index
      %swap3A_591 = tpu.vector_load %arg8[%swap3A_589, %swap3A_590] {strides = array<i32>} : memref<800x128xf32, #tpu.memory_space<vmem>>, vector<1x16xf32>,
      %swap3A_592 = vector.shape_cast %swap3A_591 : vector<1x16xf32> to vector<16xf32>
      %swap3A_593 = vector.shape_cast %get3A_579 : vector<16xf32> to vector<1x16xf32>
      tpu.vector_store %arg8[%swap3A_589, %swap3A_590], %swap3A_593 {add = true, strides = array<i32>} : memref<800x128xf32, #tpu.memory_space<vmem>>, vector<1x16xf32>,
      %get3A_594 = arith.index_cast %add3A_557 : i32 to index
      %get3A_595 = arith.constant 32 : index
      %get3A_596 = tpu.vector_load %arg9[%get3A_594, %get3A_595] {strides = array<i32>} : memref<200x128xf32, #tpu.memory_space<vmem>>, vector<1x16xf32>,
      %get3A_597 = vector.shape_cast %get3A_596 : vector<1x16xf32> to vector<16xf32>
      %add3A_598 = arith.constant 400 : i32
      %add3A_599 = arith.addi %add3A_598, %add3A_557 : i32
      %swap3A_600 = arith.index_cast %add3A_599 : i32 to index
      %swap3A_601 = arith.constant 32 : index
      %swap3A_602 = tpu.vector_load %arg8[%swap3A_600, %swap3A_601] {strides = array<i32>} : memref<800x128xf32, #tpu.memory_space<vmem>>, vector<1x16xf32>,
      %swap3A_603 = vector.shape_cast %swap3A_602 : vector<1x16xf32> to vector<16xf32>
      %swap3A_604 = vector.shape_cast %get3A_597 : vector<16xf32> to vector<1x16xf32>
      tpu.vector_store %arg8[%swap3A_600, %swap3A_601], %swap3A_604 {add = true, strides = array<i32>} : memref<800x128xf32, #tpu.memory_space<vmem>>, vector<1x16xf32>,
      %add3A_605 = arith.constant 600 : i32
      %add3A_606 = arith.addi %add3A_605, %add3A_557 : i32
      %swap3A_607 = arith.index_cast %add3A_606 : i32 to index
      %swap3A_608 = arith.constant 32 : index
      %swap3A_609 = tpu.vector_load %arg8[%swap3A_607, %swap3A_608] {strides = array<i32>} : memref<800x128xf32, #tpu.memory_space<vmem>>, vector<1x16xf32>,
      %swap3A_610 = vector.shape_cast %swap3A_609 : vector<1x16xf32> to vector<16xf32>
      %swap3A_611 = vector.shape_cast %get3A_597 : vector<16xf32> to vector<1x16xf32>
      tpu.vector_store %arg8[%swap3A_607, %swap3A_608], %swap3A_611 {add = true, strides = array<i32>} : memref<800x128xf32, #tpu.memory_space<vmem>>, vector<1x16xf32>,
      %get3A_612 = arith.index_cast %add3A_557 : i32 to index
      %get3A_613 = arith.constant 48 : index
      %get3A_614 = tpu.vector_load %arg9[%get3A_612, %get3A_613] {strides = array<i32>} : memref<200x128xf32, #tpu.memory_space<vmem>>, vector<1x16xf32>,
      %get3A_615 = vector.shape_cast %get3A_614 : vector<1x16xf32> to vector<16xf32>
      %add3A_616 = arith.constant 400 : i32
      %add3A_617 = arith.addi %add3A_616, %add3A_557 : i32
      %swap3A_618 = arith.index_cast %add3A_617 : i32 to index
      %swap3A_619 = arith.constant 48 : index
      %swap3A_620 = tpu.vector_load %arg8[%swap3A_618, %swap3A_619] {strides = array<i32>} : memref<800x128xf32, #tpu.memory_space<vmem>>, vector<1x16xf32>,
      %swap3A_621 = vector.shape_cast %swap3A_620 : vector<1x16xf32> to vector<16xf32>
      %swap3A_622 = vector.shape_cast %get3A_615 : vector<16xf32> to vector<1x16xf32>
      tpu.vector_store %arg8[%swap3A_618, %swap3A_619], %swap3A_622 {add = true, strides = array<i32>} : memref<800x128xf32, #tpu.memory_space<vmem>>, vector<1x16xf32>,
      %add3A_623 = arith.constant 600 : i32
      %add3A_624 = arith.addi %add3A_623, %add3A_557 : i32
      %swap3A_625 = arith.index_cast %add3A_624 : i32 to index
      %swap3A_626 = arith.constant 48 : index
      %swap3A_627 = tpu.vector_load %arg8[%swap3A_625, %swap3A_626] {strides = array<i32>} : memref<800x128xf32, #tpu.memory_space<vmem>>, vector<1x16xf32>,
      %swap3A_628 = vector.shape_cast %swap3A_627 : vector<1x16xf32> to vector<16xf32>
      %swap3A_629 = vector.shape_cast %get3A_615 : vector<16xf32> to vector<1x16xf32>
      tpu.vector_store %arg8[%swap3A_625, %swap3A_626], %swap3A_629 {add = true, strides = array<i32>} : memref<800x128xf32, #tpu.memory_space<vmem>>, vector<1x16xf32>,
      %get3A_630 = arith.index_cast %add3A_557 : i32 to index
      %get3A_631 = arith.constant 64 : index
      %get3A_632 = tpu.vector_load %arg9[%get3A_630, %get3A_631] {strides = array<i32>} : memref<200x128xf32, #tpu.memory_space<vmem>>, vector<1x16xf32>,
      %get3A_633 = vector.shape_cast %get3A_632 : vector<1x16xf32> to vector<16xf32>
      %add3A_634 = arith.constant 400 : i32
      %add3A_635 = arith.addi %add3A_634, %add3A_557 : i32
      %swap3A_636 = arith.index_cast %add3A_635 : i32 to index
      %swap3A_637 = arith.constant 64 : index
      %swap3A_638 = tpu.vector_load %arg8[%swap3A_636, %swap3A_637] {strides = array<i32>} : memref<800x128xf32, #tpu.memory_space<vmem>>, vector<1x16xf32>,
      %swap3A_639 = vector.shape_cast %swap3A_638 : vector<1x16xf32> to vector<16xf32>
      %swap3A_640 = vector.shape_cast %get3A_633 : vector<16xf32> to vector<1x16xf32>
      tpu.vector_store %arg8[%swap3A_636, %swap3A_637], %swap3A_640 {add = true, strides = array<i32>} : memref<800x128xf32, #tpu.memory_space<vmem>>, vector<1x16xf32>,
      %add3A_641 = arith.constant 600 : i32
      %add3A_642 = arith.addi %add3A_641, %add3A_557 : i32
      %swap3A_643 = arith.index_cast %add3A_642 : i32 to index
      %swap3A_644 = arith.constant 64 : index
      %swap3A_645 = tpu.vector_load %arg8[%swap3A_643, %swap3A_644] {strides = array<i32>} : memref<800x128xf32, #tpu.memory_space<vmem>>, vector<1x16xf32>,
      %swap3A_646 = vector.shape_cast %swap3A_645 : vector<1x16xf32> to vector<16xf32>
      %swap3A_647 = vector.shape_cast %get3A_633 : vector<16xf32> to vector<1x16xf32>
      tpu.vector_store %arg8[%swap3A_643, %swap3A_644], %swap3A_647 {add = true, strides = array<i32>} : memref<800x128xf32, #tpu.memory_space<vmem>>, vector<1x16xf32>,
      %get3A_648 = arith.index_cast %add3A_557 : i32 to index
      %get3A_649 = arith.constant 80 : index
      %get3A_650 = tpu.vector_load %arg9[%get3A_648, %get3A_649] {strides = array<i32>} : memref<200x128xf32, #tpu.memory_space<vmem>>, vector<1x16xf32>,
      %get3A_651 = vector.shape_cast %get3A_650 : vector<1x16xf32> to vector<16xf32>
      %add3A_652 = arith.constant 400 : i32
      %add3A_653 = arith.addi %add3A_652, %add3A_557 : i32
      %swap3A_654 = arith.index_cast %add3A_653 : i32 to index
      %swap3A_655 = arith.constant 80 : index
      %swap3A_656 = tpu.vector_load %arg8[%swap3A_654, %swap3A_655] {strides = array<i32>} : memref<800x128xf32, #tpu.memory_space<vmem>>, vector<1x16xf32>,
      %swap3A_657 = vector.shape_cast %swap3A_656 : vector<1x16xf32> to vector<16xf32>
      %swap3A_658 = vector.shape_cast %get3A_651 : vector<16xf32> to vector<1x16xf32>
      tpu.vector_store %arg8[%swap3A_654, %swap3A_655], %swap3A_658 {add = true, strides = array<i32>} : memref<800x128xf32, #tpu.memory_space<vmem>>, vector<1x16xf32>,
      %add3A_659 = arith.constant 600 : i32
      %add3A_660 = arith.addi %add3A_659, %add3A_557 : i32
      %swap3A_661 = arith.index_cast %add3A_660 : i32 to index
      %swap3A_662 = arith.constant 80 : index
      %swap3A_663 = tpu.vector_load %arg8[%swap3A_661, %swap3A_662] {strides = array<i32>} : memref<800x128xf32, #tpu.memory_space<vmem>>, vector<1x16xf32>,
      %swap3A_664 = vector.shape_cast %swap3A_663 : vector<1x16xf32> to vector<16xf32>
      %swap3A_665 = vector.shape_cast %get3A_651 : vector<16xf32> to vector<1x16xf32>
      tpu.vector_store %arg8[%swap3A_661, %swap3A_662], %swap3A_665 {add = true, strides = array<i32>} : memref<800x128xf32, #tpu.memory_space<vmem>>, vector<1x16xf32>,
      %get3A_666 = arith.index_cast %add3A_557 : i32 to index
      %get3A_667 = arith.constant 96 : index
      %get3A_668 = tpu.vector_load %arg9[%get3A_666, %get3A_667] {strides = array<i32>} : memref<200x128xf32, #tpu.memory_space<vmem>>, vector<1x16xf32>,
      %get3A_669 = vector.shape_cast %get3A_668 : vector<1x16xf32> to vector<16xf32>
      %add3A_670 = arith.constant 400 : i32
      %add3A_671 = arith.addi %add3A_670, %add3A_557 : i32
      %swap3A_672 = arith.index_cast %add3A_671 : i32 to index
      %swap3A_673 = arith.constant 96 : index
      %swap3A_674 = tpu.vector_load %arg8[%swap3A_672, %swap3A_673] {strides = array<i32>} : memref<800x128xf32, #tpu.memory_space<vmem>>, vector<1x16xf32>,
      %swap3A_675 = vector.shape_cast %swap3A_674 : vector<1x16xf32> to vector<16xf32>
      %swap3A_676 = vector.shape_cast %get3A_669 : vector<16xf32> to vector<1x16xf32>
      tpu.vector_store %arg8[%swap3A_672, %swap3A_673], %swap3A_676 {add = true, strides = array<i32>} : memref<800x128xf32, #tpu.memory_space<vmem>>, vector<1x16xf32>,
      %add3A_677 = arith.constant 600 : i32
      %add3A_678 = arith.addi %add3A_677, %add3A_557 : i32
      %swap3A_679 = arith.index_cast %add3A_678 : i32 to index
      %swap3A_680 = arith.constant 96 : index
      %swap3A_681 = tpu.vector_load %arg8[%swap3A_679, %swap3A_680] {strides = array<i32>} : memref<800x128xf32, #tpu.memory_space<vmem>>, vector<1x16xf32>,
      %swap3A_682 = vector.shape_cast %swap3A_681 : vector<1x16xf32> to vector<16xf32>
      %swap3A_683 = vector.shape_cast %get3A_669 : vector<16xf32> to vector<1x16xf32>
      tpu.vector_store %arg8[%swap3A_679, %swap3A_680], %swap3A_683 {add = true, strides = array<i32>} : memref<800x128xf32, #tpu.memory_space<vmem>>, vector<1x16xf32>,
      %get3A_684 = arith.index_cast %add3A_557 : i32 to index
      %get3A_685 = arith.constant 112 : index
      %get3A_686 = tpu.vector_load %arg9[%get3A_684, %get3A_685] {strides = array<i32>} : memref<200x128xf32, #tpu.memory_space<vmem>>, vector<1x16xf32>,
      %get3A_687 = vector.shape_cast %get3A_686 : vector<1x16xf32> to vector<16xf32>
      %add3A_688 = arith.constant 400 : i32
      %add3A_689 = arith.addi %add3A_688, %add3A_557 : i32
      %swap3A_690 = arith.index_cast %add3A_689 : i32 to index
      %swap3A_691 = arith.constant 112 : index
      %swap3A_692 = tpu.vector_load %arg8[%swap3A_690, %swap3A_691] {strides = array<i32>} : memref<800x128xf32, #tpu.memory_space<vmem>>, vector<1x16xf32>,
      %swap3A_693 = vector.shape_cast %swap3A_692 : vector<1x16xf32> to vector<16xf32>
      %swap3A_694 = vector.shape_cast %get3A_687 : vector<16xf32> to vector<1x16xf32>
      tpu.vector_store %arg8[%swap3A_690, %swap3A_691], %swap3A_694 {add = true, strides = array<i32>} : memref<800x128xf32, #tpu.memory_space<vmem>>, vector<1x16xf32>,
      %add3A_695 = arith.constant 600 : i32
      %add3A_696 = arith.addi %add3A_695, %add3A_557 : i32
      %swap3A_697 = arith.index_cast %add3A_696 : i32 to index
      %swap3A_698 = arith.constant 112 : index
      %swap3A_699 = tpu.vector_load %arg8[%swap3A_697, %swap3A_698] {strides = array<i32>} : memref<800x128xf32, #tpu.memory_space<vmem>>, vector<1x16xf32>,
      %swap3A_700 = vector.shape_cast %swap3A_699 : vector<1x16xf32> to vector<16xf32>
      %swap3A_701 = vector.shape_cast %get3A_687 : vector<16xf32> to vector<1x16xf32>
      tpu.vector_store %arg8[%swap3A_697, %swap3A_698], %swap3A_701 {add = true, strides = array<i32>} : memref<800x128xf32, #tpu.memory_space<vmem>>, vector<1x16xf32>,
      %add3A_702 = arith.constant 2 : i32
      %add3A_703 = arith.addi %mul3A_411, %add3A_702 : i32
      %get3A_704 = arith.index_cast %add3A_703 : i32 to index
      %get3A_705 = arith.constant 0 : index
      %get3A_706 = tpu.vector_load %arg9[%get3A_704, %get3A_705] {strides = array<i32>} : memref<200x128xf32, #tpu.memory_space<vmem>>, vector<1x16xf32>,
      %get3A_707 = vector.shape_cast %get3A_706 : vector<1x16xf32> to vector<16xf32>
      %add3A_708 = arith.constant 400 : i32
      %add3A_709 = arith.addi %add3A_708, %add3A_703 : i32
      %swap3A_710 = arith.index_cast %add3A_709 : i32 to index
      %swap3A_711 = arith.constant 0 : index
      %swap3A_712 = tpu.vector_load %arg8[%swap3A_710, %swap3A_711] {strides = array<i32>} : memref<800x128xf32, #tpu.memory_space<vmem>>, vector<1x16xf32>,
      %swap3A_713 = vector.shape_cast %swap3A_712 : vector<1x16xf32> to vector<16xf32>
      %swap3A_714 = vector.shape_cast %get3A_707 : vector<16xf32> to vector<1x16xf32>
      tpu.vector_store %arg8[%swap3A_710, %swap3A_711], %swap3A_714 {add = true, strides = array<i32>} : memref<800x128xf32, #tpu.memory_space<vmem>>, vector<1x16xf32>,
      %add3A_715 = arith.constant 600 : i32
      %add3A_716 = arith.addi %add3A_715, %add3A_703 : i32
      %swap3A_717 = arith.index_cast %add3A_716 : i32 to index
      %swap3A_718 = arith.constant 0 : index
      %swap3A_719 = tpu.vector_load %arg8[%swap3A_717, %swap3A_718] {strides = array<i32>} : memref<800x128xf32, #tpu.memory_space<vmem>>, vector<1x16xf32>,
      %swap3A_720 = vector.shape_cast %swap3A_719 : vector<1x16xf32> to vector<16xf32>
      %swap3A_721 = vector.shape_cast %get3A_707 : vector<16xf32> to vector<1x16xf32>
      tpu.vector_store %arg8[%swap3A_717, %swap3A_718], %swap3A_721 {add = true, strides = array<i32>} : memref<800x128xf32, #tpu.memory_space<vmem>>, vector<1x16xf32>,
      %get3A_722 = arith.index_cast %add3A_703 : i32 to index
      %get3A_723 = arith.constant 16 : index
      %get3A_724 = tpu.vector_load %arg9[%get3A_722, %get3A_723] {strides = array<i32>} : memref<200x128xf32, #tpu.memory_space<vmem>>, vector<1x16xf32>,
      %get3A_725 = vector.shape_cast %get3A_724 : vector<1x16xf32> to vector<16xf32>
      %add3A_726 = arith.constant 400 : i32
      %add3A_727 = arith.addi %add3A_726, %add3A_703 : i32
      %swap3A_728 = arith.index_cast %add3A_727 : i32 to index
      %swap3A_729 = arith.constant 16 : index
      %swap3A_730 = tpu.vector_load %arg8[%swap3A_728, %swap3A_729] {strides = array<i32>} : memref<800x128xf32, #tpu.memory_space<vmem>>, vector<1x16xf32>,
      %swap3A_731 = vector.shape_cast %swap3A_730 : vector<1x16xf32> to vector<16xf32>
      %swap3A_732 = vector.shape_cast %get3A_725 : vector<16xf32> to vector<1x16xf32>
      tpu.vector_store %arg8[%swap3A_728, %swap3A_729], %swap3A_732 {add = true, strides = array<i32>} : memref<800x128xf32, #tpu.memory_space<vmem>>, vector<1x16xf32>,
      %add3A_733 = arith.constant 600 : i32
      %add3A_734 = arith.addi %add3A_733, %add3A_703 : i32
      %swap3A_735 = arith.index_cast %add3A_734 : i32 to index
      %swap3A_736 = arith.constant 16 : index
      %swap3A_737 = tpu.vector_load %arg8[%swap3A_735, %swap3A_736] {strides = array<i32>} : memref<800x128xf32, #tpu.memory_space<vmem>>, vector<1x16xf32>,
      %swap3A_738 = vector.shape_cast %swap3A_737 : vector<1x16xf32> to vector<16xf32>
      %swap3A_739 = vector.shape_cast %get3A_725 : vector<16xf32> to vector<1x16xf32>
      tpu.vector_store %arg8[%swap3A_735, %swap3A_736], %swap3A_739 {add = true, strides = array<i32>} : memref<800x128xf32, #tpu.memory_space<vmem>>, vector<1x16xf32>,
      %get3A_740 = arith.index_cast %add3A_703 : i32 to index
      %get3A_741 = arith.constant 32 : index
      %get3A_742 = tpu.vector_load %arg9[%get3A_740, %get3A_741] {strides = array<i32>} : memref<200x128xf32, #tpu.memory_space<vmem>>, vector<1x16xf32>,
      %get3A_743 = vector.shape_cast %get3A_742 : vector<1x16xf32> to vector<16xf32>
      %add3A_744 = arith.constant 400 : i32
      %add3A_745 = arith.addi %add3A_744, %add3A_703 : i32
      %swap3A_746 = arith.index_cast %add3A_745 : i32 to index
      %swap3A_747 = arith.constant 32 : index
      %swap3A_748 = tpu.vector_load %arg8[%swap3A_746, %swap3A_747] {strides = array<i32>} : memref<800x128xf32, #tpu.memory_space<vmem>>, vector<1x16xf32>,
      %swap3A_749 = vector.shape_cast %swap3A_748 : vector<1x16xf32> to vector<16xf32>
      %swap3A_750 = vector.shape_cast %get3A_743 : vector<16xf32> to vector<1x16xf32>
      tpu.vector_store %arg8[%swap3A_746, %swap3A_747], %swap3A_750 {add = true, strides = array<i32>} : memref<800x128xf32, #tpu.memory_space<vmem>>, vector<1x16xf32>,
      %add3A_751 = arith.constant 600 : i32
      %add3A_752 = arith.addi %add3A_751, %add3A_703 : i32
      %swap3A_753 = arith.index_cast %add3A_752 : i32 to index
      %swap3A_754 = arith.constant 32 : index
      %swap3A_755 = tpu.vector_load %arg8[%swap3A_753, %swap3A_754] {strides = array<i32>} : memref<800x128xf32, #tpu.memory_space<vmem>>, vector<1x16xf32>,
      %swap3A_756 = vector.shape_cast %swap3A_755 : vector<1x16xf32> to vector<16xf32>
      %swap3A_757 = vector.shape_cast %get3A_743 : vector<16xf32> to vector<1x16xf32>
      tpu.vector_store %arg8[%swap3A_753, %swap3A_754], %swap3A_757 {add = true, strides = array<i32>} : memref<800x128xf32, #tpu.memory_space<vmem>>, vector<1x16xf32>,
      %get3A_758 = arith.index_cast %add3A_703 : i32 to index
      %get3A_759 = arith.constant 48 : index
      %get3A_760 = tpu.vector_load %arg9[%get3A_758, %get3A_759] {strides = array<i32>} : memref<200x128xf32, #tpu.memory_space<vmem>>, vector<1x16xf32>,
      %get3A_761 = vector.shape_cast %get3A_760 : vector<1x16xf32> to vector<16xf32>
      %add3A_762 = arith.constant 400 : i32
      %add3A_763 = arith.addi %add3A_762, %add3A_703 : i32
      %swap3A_764 = arith.index_cast %add3A_763 : i32 to index
      %swap3A_765 = arith.constant 48 : index
      %swap3A_766 = tpu.vector_load %arg8[%swap3A_764, %swap3A_765] {strides = array<i32>} : memref<800x128xf32, #tpu.memory_space<vmem>>, vector<1x16xf32>,
      %swap3A_767 = vector.shape_cast %swap3A_766 : vector<1x16xf32> to vector<16xf32>
      %swap3A_768 = vector.shape_cast %get3A_761 : vector<16xf32> to vector<1x16xf32>
      tpu.vector_store %arg8[%swap3A_764, %swap3A_765], %swap3A_768 {add = true, strides = array<i32>} : memref<800x128xf32, #tpu.memory_space<vmem>>, vector<1x16xf32>,
      %add3A_769 = arith.constant 600 : i32
      %add3A_770 = arith.addi %add3A_769, %add3A_703 : i32
      %swap3A_771 = arith.index_cast %add3A_770 : i32 to index
      %swap3A_772 = arith.constant 48 : index
      %swap3A_773 = tpu.vector_load %arg8[%swap3A_771, %swap3A_772] {strides = array<i32>} : memref<800x128xf32, #tpu.memory_space<vmem>>, vector<1x16xf32>,
      %swap3A_774 = vector.shape_cast %swap3A_773 : vector<1x16xf32> to vector<16xf32>
      %swap3A_775 = vector.shape_cast %get3A_761 : vector<16xf32> to vector<1x16xf32>
      tpu.vector_store %arg8[%swap3A_771, %swap3A_772], %swap3A_775 {add = true, strides = array<i32>} : memref<800x128xf32, #tpu.memory_space<vmem>>, vector<1x16xf32>,
      %get3A_776 = arith.index_cast %add3A_703 : i32 to index
      %get3A_777 = arith.constant 64 : index
      %get3A_778 = tpu.vector_load %arg9[%get3A_776, %get3A_777] {strides = array<i32>} : memref<200x128xf32, #tpu.memory_space<vmem>>, vector<1x16xf32>,
      %get3A_779 = vector.shape_cast %get3A_778 : vector<1x16xf32> to vector<16xf32>
      %add3A_780 = arith.constant 400 : i32
      %add3A_781 = arith.addi %add3A_780, %add3A_703 : i32
      %swap3A_782 = arith.index_cast %add3A_781 : i32 to index
      %swap3A_783 = arith.constant 64 : index
      %swap3A_784 = tpu.vector_load %arg8[%swap3A_782, %swap3A_783] {strides = array<i32>} : memref<800x128xf32, #tpu.memory_space<vmem>>, vector<1x16xf32>,
      %swap3A_785 = vector.shape_cast %swap3A_784 : vector<1x16xf32> to vector<16xf32>
      %swap3A_786 = vector.shape_cast %get3A_779 : vector<16xf32> to vector<1x16xf32>
      tpu.vector_store %arg8[%swap3A_782, %swap3A_783], %swap3A_786 {add = true, strides = array<i32>} : memref<800x128xf32, #tpu.memory_space<vmem>>, vector<1x16xf32>,
      %add3A_787 = arith.constant 600 : i32
      %add3A_788 = arith.addi %add3A_787, %add3A_703 : i32
      %swap3A_789 = arith.index_cast %add3A_788 : i32 to index
      %swap3A_790 = arith.constant 64 : index
      %swap3A_791 = tpu.vector_load %arg8[%swap3A_789, %swap3A_790] {strides = array<i32>} : memref<800x128xf32, #tpu.memory_space<vmem>>, vector<1x16xf32>,
      %swap3A_792 = vector.shape_cast %swap3A_791 : vector<1x16xf32> to vector<16xf32>
      %swap3A_793 = vector.shape_cast %get3A_779 : vector<16xf32> to vector<1x16xf32>
      tpu.vector_store %arg8[%swap3A_789, %swap3A_790], %swap3A_793 {add = true, strides = array<i32>} : memref<800x128xf32, #tpu.memory_space<vmem>>, vector<1x16xf32>,
      %get3A_794 = arith.index_cast %add3A_703 : i32 to index
      %get3A_795 = arith.constant 80 : index
      %get3A_796 = tpu.vector_load %arg9[%get3A_794, %get3A_795] {strides = array<i32>} : memref<200x128xf32, #tpu.memory_space<vmem>>, vector<1x16xf32>,
      %get3A_797 = vector.shape_cast %get3A_796 : vector<1x16xf32> to vector<16xf32>
      %add3A_798 = arith.constant 400 : i32
      %add3A_799 = arith.addi %add3A_798, %add3A_703 : i32
      %swap3A_800 = arith.index_cast %add3A_799 : i32 to index
      %swap3A_801 = arith.constant 80 : index
      %swap3A_802 = tpu.vector_load %arg8[%swap3A_800, %swap3A_801] {strides = array<i32>} : memref<800x128xf32, #tpu.memory_space<vmem>>, vector<1x16xf32>,
      %swap3A_803 = vector.shape_cast %swap3A_802 : vector<1x16xf32> to vector<16xf32>
      %swap3A_804 = vector.shape_cast %get3A_797 : vector<16xf32> to vector<1x16xf32>
      tpu.vector_store %arg8[%swap3A_800, %swap3A_801], %swap3A_804 {add = true, strides = array<i32>} : memref<800x128xf32, #tpu.memory_space<vmem>>, vector<1x16xf32>,
      %add3A_805 = arith.constant 600 : i32
      %add3A_806 = arith.addi %add3A_805, %add3A_703 : i32
      %swap3A_807 = arith.index_cast %add3A_806 : i32 to index
      %swap3A_808 = arith.constant 80 : index
      %swap3A_809 = tpu.vector_load %arg8[%swap3A_807, %swap3A_808] {strides = array<i32>} : memref<800x128xf32, #tpu.memory_space<vmem>>, vector<1x16xf32>,
      %swap3A_810 = vector.shape_cast %swap3A_809 : vector<1x16xf32> to vector<16xf32>
      %swap3A_811 = vector.shape_cast %get3A_797 : vector<16xf32> to vector<1x16xf32>
      tpu.vector_store %arg8[%swap3A_807, %swap3A_808], %swap3A_811 {add = true, strides = array<i32>} : memref<800x128xf32, #tpu.memory_space<vmem>>, vector<1x16xf32>,
      %get3A_812 = arith.index_cast %add3A_703 : i32 to index
      %get3A_813 = arith.constant 96 : index
      %get3A_814 = tpu.vector_load %arg9[%get3A_812, %get3A_813] {strides = array<i32>} : memref<200x128xf32, #tpu.memory_space<vmem>>, vector<1x16xf32>,
      %get3A_815 = vector.shape_cast %get3A_814 : vector<1x16xf32> to vector<16xf32>
      %add3A_816 = arith.constant 400 : i32
      %add3A_817 = arith.addi %add3A_816, %add3A_703 : i32
      %swap3A_818 = arith.index_cast %add3A_817 : i32 to index
      %swap3A_819 = arith.constant 96 : index
      %swap3A_820 = tpu.vector_load %arg8[%swap3A_818, %swap3A_819] {strides = array<i32>} : memref<800x128xf32, #tpu.memory_space<vmem>>, vector<1x16xf32>,
      %swap3A_821 = vector.shape_cast %swap3A_820 : vector<1x16xf32> to vector<16xf32>
      %swap3A_822 = vector.shape_cast %get3A_815 : vector<16xf32> to vector<1x16xf32>
      tpu.vector_store %arg8[%swap3A_818, %swap3A_819], %swap3A_822 {add = true, strides = array<i32>} : memref<800x128xf32, #tpu.memory_space<vmem>>, vector<1x16xf32>,
      %add3A_823 = arith.constant 600 : i32
      %add3A_824 = arith.addi %add3A_823, %add3A_703 : i32
      %swap3A_825 = arith.index_cast %add3A_824 : i32 to index
      %swap3A_826 = arith.constant 96 : index
      %swap3A_827 = tpu.vector_load %arg8[%swap3A_825, %swap3A_826] {strides = array<i32>} : memref<800x128xf32, #tpu.memory_space<vmem>>, vector<1x16xf32>,
      %swap3A_828 = vector.shape_cast %swap3A_827 : vector<1x16xf32> to vector<16xf32>
      %swap3A_829 = vector.shape_cast %get3A_815 : vector<16xf32> to vector<1x16xf32>
      tpu.vector_store %arg8[%swap3A_825, %swap3A_826], %swap3A_829 {add = true, strides = array<i32>} : memref<800x128xf32, #tpu.memory_space<vmem>>, vector<1x16xf32>,
      %get3A_830 = arith.index_cast %add3A_703 : i32 to index
      %get3A_831 = arith.constant 112 : index
      %get3A_832 = tpu.vector_load %arg9[%get3A_830, %get3A_831] {strides = array<i32>} : memref<200x128xf32, #tpu.memory_space<vmem>>, vector<1x16xf32>,
      %get3A_833 = vector.shape_cast %get3A_832 : vector<1x16xf32> to vector<16xf32>
      %add3A_834 = arith.constant 400 : i32
      %add3A_835 = arith.addi %add3A_834, %add3A_703 : i32
      %swap3A_836 = arith.index_cast %add3A_835 : i32 to index
      %swap3A_837 = arith.constant 112 : index
      %swap3A_838 = tpu.vector_load %arg8[%swap3A_836, %swap3A_837] {strides = array<i32>} : memref<800x128xf32, #tpu.memory_space<vmem>>, vector<1x16xf32>,
      %swap3A_839 = vector.shape_cast %swap3A_838 : vector<1x16xf32> to vector<16xf32>
      %swap3A_840 = vector.shape_cast %get3A_833 : vector<16xf32> to vector<1x16xf32>
      tpu.vector_store %arg8[%swap3A_836, %swap3A_837], %swap3A_840 {add = true, strides = array<i32>} : memref<800x128xf32, #tpu.memory_space<vmem>>, vector<1x16xf32>,
      %add3A_841 = arith.constant 600 : i32
      %add3A_842 = arith.addi %add3A_841, %add3A_703 : i32
      %swap3A_843 = arith.index_cast %add3A_842 : i32 to index
      %swap3A_844 = arith.constant 112 : index
      %swap3A_845 = tpu.vector_load %arg8[%swap3A_843, %swap3A_844] {strides = array<i32>} : memref<800x128xf32, #tpu.memory_space<vmem>>, vector<1x16xf32>,
      %swap3A_846 = vector.shape_cast %swap3A_845 : vector<1x16xf32> to vector<16xf32>
      %swap3A_847 = vector.shape_cast %get3A_833 : vector<16xf32> to vector<1x16xf32>
      tpu.vector_store %arg8[%swap3A_843, %swap3A_844], %swap3A_847 {add = true, strides = array<i32>} : memref<800x128xf32, #tpu.memory_space<vmem>>, vector<1x16xf32>,
      %add3A_848 = arith.constant 3 : i32
      %add3A_849 = arith.addi %mul3A_411, %add3A_848 : i32
      %get3A_850 = arith.index_cast %add3A_849 : i32 to index
      %get3A_851 = arith.constant 0 : index
      %get3A_852 = tpu.vector_load %arg9[%get3A_850, %get3A_851] {strides = array<i32>} : memref<200x128xf32, #tpu.memory_space<vmem>>, vector<1x16xf32>,
      %get3A_853 = vector.shape_cast %get3A_852 : vector<1x16xf32> to vector<16xf32>
      %add3A_854 = arith.constant 400 : i32
      %add3A_855 = arith.addi %add3A_854, %add3A_849 : i32
      %swap3A_856 = arith.index_cast %add3A_855 : i32 to index
      %swap3A_857 = arith.constant 0 : index
      %swap3A_858 = tpu.vector_load %arg8[%swap3A_856, %swap3A_857] {strides = array<i32>} : memref<800x128xf32, #tpu.memory_space<vmem>>, vector<1x16xf32>,
      %swap3A_859 = vector.shape_cast %swap3A_858 : vector<1x16xf32> to vector<16xf32>
      %swap3A_860 = vector.shape_cast %get3A_853 : vector<16xf32> to vector<1x16xf32>
      tpu.vector_store %arg8[%swap3A_856, %swap3A_857], %swap3A_860 {add = true, strides = array<i32>} : memref<800x128xf32, #tpu.memory_space<vmem>>, vector<1x16xf32>,
      %add3A_861 = arith.constant 600 : i32
      %add3A_862 = arith.addi %add3A_861, %add3A_849 : i32
      %swap3A_863 = arith.index_cast %add3A_862 : i32 to index
      %swap3A_864 = arith.constant 0 : index
      %swap3A_865 = tpu.vector_load %arg8[%swap3A_863, %swap3A_864] {strides = array<i32>} : memref<800x128xf32, #tpu.memory_space<vmem>>, vector<1x16xf32>,
      %swap3A_866 = vector.shape_cast %swap3A_865 : vector<1x16xf32> to vector<16xf32>
      %swap3A_867 = vector.shape_cast %get3A_853 : vector<16xf32> to vector<1x16xf32>
      tpu.vector_store %arg8[%swap3A_863, %swap3A_864], %swap3A_867 {add = true, strides = array<i32>} : memref<800x128xf32, #tpu.memory_space<vmem>>, vector<1x16xf32>,
      %get3A_868 = arith.index_cast %add3A_849 : i32 to index
      %get3A_869 = arith.constant 16 : index
      %get3A_870 = tpu.vector_load %arg9[%get3A_868, %get3A_869] {strides = array<i32>} : memref<200x128xf32, #tpu.memory_space<vmem>>, vector<1x16xf32>,
      %get3A_871 = vector.shape_cast %get3A_870 : vector<1x16xf32> to vector<16xf32>
      %add3A_872 = arith.constant 400 : i32
      %add3A_873 = arith.addi %add3A_872, %add3A_849 : i32
      %swap3A_874 = arith.index_cast %add3A_873 : i32 to index
      %swap3A_875 = arith.constant 16 : index
      %swap3A_876 = tpu.vector_load %arg8[%swap3A_874, %swap3A_875] {strides = array<i32>} : memref<800x128xf32, #tpu.memory_space<vmem>>, vector<1x16xf32>,
      %swap3A_877 = vector.shape_cast %swap3A_876 : vector<1x16xf32> to vector<16xf32>
      %swap3A_878 = vector.shape_cast %get3A_871 : vector<16xf32> to vector<1x16xf32>
      tpu.vector_store %arg8[%swap3A_874, %swap3A_875], %swap3A_878 {add = true, strides = array<i32>} : memref<800x128xf32, #tpu.memory_space<vmem>>, vector<1x16xf32>,
      %add3A_879 = arith.constant 600 : i32
      %add3A_880 = arith.addi %add3A_879, %add3A_849 : i32
      %swap3A_881 = arith.index_cast %add3A_880 : i32 to index
      %swap3A_882 = arith.constant 16 : index
      %swap3A_883 = tpu.vector_load %arg8[%swap3A_881, %swap3A_882] {strides = array<i32>} : memref<800x128xf32, #tpu.memory_space<vmem>>, vector<1x16xf32>,
      %swap3A_884 = vector.shape_cast %swap3A_883 : vector<1x16xf32> to vector<16xf32>
      %swap3A_885 = vector.shape_cast %get3A_871 : vector<16xf32> to vector<1x16xf32>
      tpu.vector_store %arg8[%swap3A_881, %swap3A_882], %swap3A_885 {add = true, strides = array<i32>} : memref<800x128xf32, #tpu.memory_space<vmem>>, vector<1x16xf32>,
      %get3A_886 = arith.index_cast %add3A_849 : i32 to index
      %get3A_887 = arith.constant 32 : index
      %get3A_888 = tpu.vector_load %arg9[%get3A_886, %get3A_887] {strides = array<i32>} : memref<200x128xf32, #tpu.memory_space<vmem>>, vector<1x16xf32>,
      %get3A_889 = vector.shape_cast %get3A_888 : vector<1x16xf32> to vector<16xf32>
      %add3A_890 = arith.constant 400 : i32
      %add3A_891 = arith.addi %add3A_890, %add3A_849 : i32
      %swap3A_892 = arith.index_cast %add3A_891 : i32 to index
      %swap3A_893 = arith.constant 32 : index
      %swap3A_894 = tpu.vector_load %arg8[%swap3A_892, %swap3A_893] {strides = array<i32>} : memref<800x128xf32, #tpu.memory_space<vmem>>, vector<1x16xf32>,
      %swap3A_895 = vector.shape_cast %swap3A_894 : vector<1x16xf32> to vector<16xf32>
      %swap3A_896 = vector.shape_cast %get3A_889 : vector<16xf32> to vector<1x16xf32>
      tpu.vector_store %arg8[%swap3A_892, %swap3A_893], %swap3A_896 {add = true, strides = array<i32>} : memref<800x128xf32, #tpu.memory_space<vmem>>, vector<1x16xf32>,
      %add3A_897 = arith.constant 600 : i32
      %add3A_898 = arith.addi %add3A_897, %add3A_849 : i32
      %swap3A_899 = arith.index_cast %add3A_898 : i32 to index
      %swap3A_900 = arith.constant 32 : index
      %swap3A_901 = tpu.vector_load %arg8[%swap3A_899, %swap3A_900] {strides = array<i32>} : memref<800x128xf32, #tpu.memory_space<vmem>>, vector<1x16xf32>,
      %swap3A_902 = vector.shape_cast %swap3A_901 : vector<1x16xf32> to vector<16xf32>
      %swap3A_903 = vector.shape_cast %get3A_889 : vector<16xf32> to vector<1x16xf32>
      tpu.vector_store %arg8[%swap3A_899, %swap3A_900], %swap3A_903 {add = true, strides = array<i32>} : memref<800x128xf32, #tpu.memory_space<vmem>>, vector<1x16xf32>,
      %get3A_904 = arith.index_cast %add3A_849 : i32 to index
      %get3A_905 = arith.constant 48 : index
      %get3A_906 = tpu.vector_load %arg9[%get3A_904, %get3A_905] {strides = array<i32>} : memref<200x128xf32, #tpu.memory_space<vmem>>, vector<1x16xf32>,
      %get3A_907 = vector.shape_cast %get3A_906 : vector<1x16xf32> to vector<16xf32>
      %add3A_908 = arith.constant 400 : i32
      %add3A_909 = arith.addi %add3A_908, %add3A_849 : i32
      %swap3A_910 = arith.index_cast %add3A_909 : i32 to index
      %swap3A_911 = arith.constant 48 : index
      %swap3A_912 = tpu.vector_load %arg8[%swap3A_910, %swap3A_911] {strides = array<i32>} : memref<800x128xf32, #tpu.memory_space<vmem>>, vector<1x16xf32>,
      %swap3A_913 = vector.shape_cast %swap3A_912 : vector<1x16xf32> to vector<16xf32>
      %swap3A_914 = vector.shape_cast %get3A_907 : vector<16xf32> to vector<1x16xf32>
      tpu.vector_store %arg8[%swap3A_910, %swap3A_911], %swap3A_914 {add = true, strides = array<i32>} : memref<800x128xf32, #tpu.memory_space<vmem>>, vector<1x16xf32>,
      %add3A_915 = arith.constant 600 : i32
      %add3A_916 = arith.addi %add3A_915, %add3A_849 : i32
      %swap3A_917 = arith.index_cast %add3A_916 : i32 to index
      %swap3A_918 = arith.constant 48 : index
      %swap3A_919 = tpu.vector_load %arg8[%swap3A_917, %swap3A_918] {strides = array<i32>} : memref<800x128xf32, #tpu.memory_space<vmem>>, vector<1x16xf32>,
      %swap3A_920 = vector.shape_cast %swap3A_919 : vector<1x16xf32> to vector<16xf32>
      %swap3A_921 = vector.shape_cast %get3A_907 : vector<16xf32> to vector<1x16xf32>
      tpu.vector_store %arg8[%swap3A_917, %swap3A_918], %swap3A_921 {add = true, strides = array<i32>} : memref<800x128xf32, #tpu.memory_space<vmem>>, vector<1x16xf32>,
      %get3A_922 = arith.index_cast %add3A_849 : i32 to index
      %get3A_923 = arith.constant 64 : index
      %get3A_924 = tpu.vector_load %arg9[%get3A_922, %get3A_923] {strides = array<i32>} : memref<200x128xf32, #tpu.memory_space<vmem>>, vector<1x16xf32>,
      %get3A_925 = vector.shape_cast %get3A_924 : vector<1x16xf32> to vector<16xf32>
      %add3A_926 = arith.constant 400 : i32
      %add3A_927 = arith.addi %add3A_926, %add3A_849 : i32
      %swap3A_928 = arith.index_cast %add3A_927 : i32 to index
      %swap3A_929 = arith.constant 64 : index
      %swap3A_930 = tpu.vector_load %arg8[%swap3A_928, %swap3A_929] {strides = array<i32>} : memref<800x128xf32, #tpu.memory_space<vmem>>, vector<1x16xf32>,
      %swap3A_931 = vector.shape_cast %swap3A_930 : vector<1x16xf32> to vector<16xf32>
      %swap3A_932 = vector.shape_cast %get3A_925 : vector<16xf32> to vector<1x16xf32>
      tpu.vector_store %arg8[%swap3A_928, %swap3A_929], %swap3A_932 {add = true, strides = array<i32>} : memref<800x128xf32, #tpu.memory_space<vmem>>, vector<1x16xf32>,
      %add3A_933 = arith.constant 600 : i32
      %add3A_934 = arith.addi %add3A_933, %add3A_849 : i32
      %swap3A_935 = arith.index_cast %add3A_934 : i32 to index
      %swap3A_936 = arith.constant 64 : index
      %swap3A_937 = tpu.vector_load %arg8[%swap3A_935, %swap3A_936] {strides = array<i32>} : memref<800x128xf32, #tpu.memory_space<vmem>>, vector<1x16xf32>,
      %swap3A_938 = vector.shape_cast %swap3A_937 : vector<1x16xf32> to vector<16xf32>
      %swap3A_939 = vector.shape_cast %get3A_925 : vector<16xf32> to vector<1x16xf32>
      tpu.vector_store %arg8[%swap3A_935, %swap3A_936], %swap3A_939 {add = true, strides = array<i32>} : memref<800x128xf32, #tpu.memory_space<vmem>>, vector<1x16xf32>,
      %get3A_940 = arith.index_cast %add3A_849 : i32 to index
      %get3A_941 = arith.constant 80 : index
      %get3A_942 = tpu.vector_load %arg9[%get3A_940, %get3A_941] {strides = array<i32>} : memref<200x128xf32, #tpu.memory_space<vmem>>, vector<1x16xf32>,
      %get3A_943 = vector.shape_cast %get3A_942 : vector<1x16xf32> to vector<16xf32>
      %add3A_944 = arith.constant 400 : i32
      %add3A_945 = arith.addi %add3A_944, %add3A_849 : i32
      %swap3A_946 = arith.index_cast %add3A_945 : i32 to index
      %swap3A_947 = arith.constant 80 : index
      %swap3A_948 = tpu.vector_load %arg8[%swap3A_946, %swap3A_947] {strides = array<i32>} : memref<800x128xf32, #tpu.memory_space<vmem>>, vector<1x16xf32>,
      %swap3A_949 = vector.shape_cast %swap3A_948 : vector<1x16xf32> to vector<16xf32>
      %swap3A_950 = vector.shape_cast %get3A_943 : vector<16xf32> to vector<1x16xf32>
      tpu.vector_store %arg8[%swap3A_946, %swap3A_947], %swap3A_950 {add = true, strides = array<i32>} : memref<800x128xf32, #tpu.memory_space<vmem>>, vector<1x16xf32>,
      %add3A_951 = arith.constant 600 : i32
      %add3A_952 = arith.addi %add3A_951, %add3A_849 : i32
      %swap3A_953 = arith.index_cast %add3A_952 : i32 to index
      %swap3A_954 = arith.constant 80 : index
      %swap3A_955 = tpu.vector_load %arg8[%swap3A_953, %swap3A_954] {strides = array<i32>} : memref<800x128xf32, #tpu.memory_space<vmem>>, vector<1x16xf32>,
      %swap3A_956 = vector.shape_cast %swap3A_955 : vector<1x16xf32> to vector<16xf32>
      %swap3A_957 = vector.shape_cast %get3A_943 : vector<16xf32> to vector<1x16xf32>
      tpu.vector_store %arg8[%swap3A_953, %swap3A_954], %swap3A_957 {add = true, strides = array<i32>} : memref<800x128xf32, #tpu.memory_space<vmem>>, vector<1x16xf32>,
      %get3A_958 = arith.index_cast %add3A_849 : i32 to index
      %get3A_959 = arith.constant 96 : index
      %get3A_960 = tpu.vector_load %arg9[%get3A_958, %get3A_959] {strides = array<i32>} : memref<200x128xf32, #tpu.memory_space<vmem>>, vector<1x16xf32>,
      %get3A_961 = vector.shape_cast %get3A_960 : vector<1x16xf32> to vector<16xf32>
      %add3A_962 = arith.constant 400 : i32
      %add3A_963 = arith.addi %add3A_962, %add3A_849 : i32
      %swap3A_964 = arith.index_cast %add3A_963 : i32 to index
      %swap3A_965 = arith.constant 96 : index
      %swap3A_966 = tpu.vector_load %arg8[%swap3A_964, %swap3A_965] {strides = array<i32>} : memref<800x128xf32, #tpu.memory_space<vmem>>, vector<1x16xf32>,
      %swap3A_967 = vector.shape_cast %swap3A_966 : vector<1x16xf32> to vector<16xf32>
      %swap3A_968 = vector.shape_cast %get3A_961 : vector<16xf32> to vector<1x16xf32>
      tpu.vector_store %arg8[%swap3A_964, %swap3A_965], %swap3A_968 {add = true, strides = array<i32>} : memref<800x128xf32, #tpu.memory_space<vmem>>, vector<1x16xf32>,
      %add3A_969 = arith.constant 600 : i32
      %add3A_970 = arith.addi %add3A_969, %add3A_849 : i32
      %swap3A_971 = arith.index_cast %add3A_970 : i32 to index
      %swap3A_972 = arith.constant 96 : index
      %swap3A_973 = tpu.vector_load %arg8[%swap3A_971, %swap3A_972] {strides = array<i32>} : memref<800x128xf32, #tpu.memory_space<vmem>>, vector<1x16xf32>,
      %swap3A_974 = vector.shape_cast %swap3A_973 : vector<1x16xf32> to vector<16xf32>
      %swap3A_975 = vector.shape_cast %get3A_961 : vector<16xf32> to vector<1x16xf32>
      tpu.vector_store %arg8[%swap3A_971, %swap3A_972], %swap3A_975 {add = true, strides = array<i32>} : memref<800x128xf32, #tpu.memory_space<vmem>>, vector<1x16xf32>,
      %get3A_976 = arith.index_cast %add3A_849 : i32 to index
      %get3A_977 = arith.constant 112 : index
      %get3A_978 = tpu.vector_load %arg9[%get3A_976, %get3A_977] {strides = array<i32>} : memref<200x128xf32, #tpu.memory_space<vmem>>, vector<1x16xf32>,
      %get3A_979 = vector.shape_cast %get3A_978 : vector<1x16xf32> to vector<16xf32>
      %add3A_980 = arith.constant 400 : i32
      %add3A_981 = arith.addi %add3A_980, %add3A_849 : i32
      %swap3A_982 = arith.index_cast %add3A_981 : i32 to index
      %swap3A_983 = arith.constant 112 : index
      %swap3A_984 = tpu.vector_load %arg8[%swap3A_982, %swap3A_983] {strides = array<i32>} : memref<800x128xf32, #tpu.memory_space<vmem>>, vector<1x16xf32>,
      %swap3A_985 = vector.shape_cast %swap3A_984 : vector<1x16xf32> to vector<16xf32>
      %swap3A_986 = vector.shape_cast %get3A_979 : vector<16xf32> to vector<1x16xf32>
      tpu.vector_store %arg8[%swap3A_982, %swap3A_983], %swap3A_986 {add = true, strides = array<i32>} : memref<800x128xf32, #tpu.memory_space<vmem>>, vector<1x16xf32>,
      %add3A_987 = arith.constant 600 : i32
      %add3A_988 = arith.addi %add3A_987, %add3A_849 : i32
      %swap3A_989 = arith.index_cast %add3A_988 : i32 to index
      %swap3A_990 = arith.constant 112 : index
      %swap3A_991 = tpu.vector_load %arg8[%swap3A_989, %swap3A_990] {strides = array<i32>} : memref<800x128xf32, #tpu.memory_space<vmem>>, vector<1x16xf32>,
      %swap3A_992 = vector.shape_cast %swap3A_991 : vector<1x16xf32> to vector<16xf32>
      %swap3A_993 = vector.shape_cast %get3A_979 : vector<16xf32> to vector<1x16xf32>
      tpu.vector_store %arg8[%swap3A_989, %swap3A_990], %swap3A_993 {add = true, strides = array<i32>} : memref<800x128xf32, #tpu.memory_space<vmem>>, vector<1x16xf32>,
    }
    %scan3A_226 = arith.constant 50 : i32
    %add3A_227 = arith.constant 5200 : i32
    %add3A_228 = arith.addi %mul3A_2, %add3A_227 : i32
    %dma_start3A_229 = arith.constant 400 : i32
    %dma_start3A_230 = arith.constant 0 : i32
    %dma_start3A_231 = tpu.memref_slice %arg8[%dma_start3A_229, %dma_start3A_230] : memref<800x128xf32, #tpu.memory_space<vmem>> -> memref<400x128xf32, #tpu.memory_space<vmem>>
    %dma_start3A_232 = arith.constant 0 : i32
    %dma_start3A_233 = tpu.memref_slice %arg5[%add3A_228, %dma_start3A_232] : memref<204800x128xf32, #tpu.memory_space<hbm>> -> memref<400x128xf32, #tpu.memory_space<hbm>>
    %dma_start3A_234 = arith.constant 0 : i32
    %dma_start3A_235 = tpu.memref_slice %arg5[%add3A_228, %dma_start3A_234] : memref<204800x128xf32, #tpu.memory_space<hbm>> -> memref<400x128xf32, #tpu.memory_space<hbm>>
    %dma_start3A_236 = arith.constant 400 : i32
    %dma_start3A_237 = arith.constant 0 : i32
    %dma_start3A_238 = tpu.memref_slice %arg8[%dma_start3A_236, %dma_start3A_237] : memref<800x128xf32, #tpu.memory_space<vmem>> -> memref<400x128xf32, #tpu.memory_space<vmem>>
    tpu.enqueue_dma source(%dma_start3A_238 : memref<400x128xf32, #tpu.memory_space<vmem>>) target(%dma_start3A_235 : memref<400x128xf32, #tpu.memory_space<hbm>>) target_semaphore(%arg14 : memref<!tpu.dma_semaphore, #tpu.memory_space<semaphore_mem>>)
    %add3A_239 = arith.constant 6000 : i32
    %add3A_240 = arith.addi %mul3A_2, %add3A_239 : i32
    %dma_wait3A_241 = tpu.memref_slice %arg2[%add3A_240] : memref<204800xi32, #tpu.memory_space<hbm>> -> memref<400xi32, #tpu.memory_space<hbm>>
    %dma_wait3A_242 = tpu.memref_slice %arg2[%add3A_240] : memref<204800xi32, #tpu.memory_space<hbm>> -> memref<400xi32, #tpu.memory_space<hbm>>
    tpu.wait_dma2 semaphore(%arg12 : memref<!tpu.dma_semaphore, #tpu.memory_space<semaphore_mem>>) src(%dma_wait3A_242 : memref<400xi32, #tpu.memory_space<hbm>>) dst(%arg7 : memref<400xi32, #tpu.memory_space<vmem>>)
    %add3A_243 = arith.constant 5200 : i32
    %add3A_244 = arith.addi %mul3A_2, %add3A_243 : i32
    %dma_wait3A_245 = arith.constant 400 : i32
    %dma_wait3A_246 = arith.constant 0 : i32
    %dma_wait3A_247 = tpu.memref_slice %arg8[%dma_wait3A_245, %dma_wait3A_246] : memref<800x128xf32, #tpu.memory_space<vmem>> -> memref<400x128xf32, #tpu.memory_space<vmem>>
    %dma_wait3A_248 = arith.constant 0 : i32
    %dma_wait3A_249 = tpu.memref_slice %arg5[%add3A_244, %dma_wait3A_248] : memref<204800x128xf32, #tpu.memory_space<hbm>> -> memref<400x128xf32, #tpu.memory_space<hbm>>
    %dma_wait3A_250 = arith.constant 0 : i32
    %dma_wait3A_251 = tpu.memref_slice %arg5[%add3A_244, %dma_wait3A_250] : memref<204800x128xf32, #tpu.memory_space<hbm>> -> memref<400x128xf32, #tpu.memory_space<hbm>>
    %dma_wait3A_252 = arith.constant 400 : i32
    %dma_wait3A_253 = arith.constant 0 : i32
    %dma_wait3A_254 = tpu.memref_slice %arg8[%dma_wait3A_252, %dma_wait3A_253] : memref<800x128xf32, #tpu.memory_space<vmem>> -> memref<400x128xf32, #tpu.memory_space<vmem>>
    tpu.wait_dma2 semaphore(%arg14 : memref<!tpu.dma_semaphore, #tpu.memory_space<semaphore_mem>>) src(%dma_wait3A_254 : memref<400x128xf32, #tpu.memory_space<vmem>>) dst(%dma_wait3A_251 : memref<400x128xf32, #tpu.memory_space<hbm>>)
    %dma_start3A_255 = arith.constant 400 : i32
    %dma_start3A_256 = arith.constant 0 : i32
    %dma_start3A_257 = tpu.memref_slice %arg8[%dma_start3A_255, %dma_start3A_256] : memref<800x128xf32, #tpu.memory_space<vmem>> -> memref<104x128xf32, #tpu.memory_space<vmem>>
    %dma_start3A_258 = arith.constant 0 : i32
    %dma_start3A_259 = tpu.memref_slice %arg7[%dma_start3A_258] : memref<400xi32, #tpu.memory_space<vmem>> -> memref<104xi32, #tpu.memory_space<vmem>>
    %dma_start3A_260 = arith.constant 0 : i32
    %dma_start3A_261 = arith.constant 0 : i32
    %dma_start3A_262 = tpu.memref_slice %arg3[%dma_start3A_260, %dma_start3A_261] : memref<100000x128xf32, #tpu.memory_space<hbm>> -> memref<100000x128xf32, #tpu.memory_space<hbm>>
    tpu.enqueue_indirect_dma source(%dma_start3A_262 : memref<100000x128xf32, #tpu.memory_space<hbm>>) target(%dma_start3A_257 : memref<104x128xf32, #tpu.memory_space<vmem>>) offsets(%dma_start3A_259 : memref<104xi32, #tpu.memory_space<vmem>>) semaphore(%arg10 : memref<!tpu.dma_semaphore, #tpu.memory_space<semaphore_mem>>)
    %dma_start3A_263 = arith.constant 504 : i32
    %dma_start3A_264 = arith.constant 0 : i32
    %dma_start3A_265 = tpu.memref_slice %arg8[%dma_start3A_263, %dma_start3A_264] : memref<800x128xf32, #tpu.memory_space<vmem>> -> memref<96x128xf32, #tpu.memory_space<vmem>>
    %dma_start3A_266 = arith.constant 104 : i32
    %dma_start3A_267 = tpu.memref_slice %arg7[%dma_start3A_266] : memref<400xi32, #tpu.memory_space<vmem>> -> memref<96xi32, #tpu.memory_space<vmem>>
    %dma_start3A_268 = arith.constant 0 : i32
    %dma_start3A_269 = arith.constant 0 : i32
    %dma_start3A_270 = tpu.memref_slice %arg3[%dma_start3A_268, %dma_start3A_269] : memref<100000x128xf32, #tpu.memory_space<hbm>> -> memref<100000x128xf32, #tpu.memory_space<hbm>>
    tpu.enqueue_indirect_dma source(%dma_start3A_270 : memref<100000x128xf32, #tpu.memory_space<hbm>>) target(%dma_start3A_265 : memref<96x128xf32, #tpu.memory_space<vmem>>) offsets(%dma_start3A_267 : memref<96xi32, #tpu.memory_space<vmem>>) semaphore(%arg10 : memref<!tpu.dma_semaphore, #tpu.memory_space<semaphore_mem>>)
    %dma_start3A_271 = arith.constant 600 : i32
    %dma_start3A_272 = arith.constant 0 : i32
    %dma_start3A_273 = tpu.memref_slice %arg8[%dma_start3A_271, %dma_start3A_272] : memref<800x128xf32, #tpu.memory_space<vmem>> -> memref<104x128xf32, #tpu.memory_space<vmem>>
    %dma_start3A_274 = arith.constant 200 : i32
    %dma_start3A_275 = tpu.memref_slice %arg7[%dma_start3A_274] : memref<400xi32, #tpu.memory_space<vmem>> -> memref<104xi32, #tpu.memory_space<vmem>>
    %dma_start3A_276 = arith.constant 0 : i32
    %dma_start3A_277 = arith.constant 0 : i32
    %dma_start3A_278 = tpu.memref_slice %arg3[%dma_start3A_276, %dma_start3A_277] : memref<100000x128xf32, #tpu.memory_space<hbm>> -> memref<100000x128xf32, #tpu.memory_space<hbm>>
    tpu.enqueue_indirect_dma source(%dma_start3A_278 : memref<100000x128xf32, #tpu.memory_space<hbm>>) target(%dma_start3A_273 : memref<104x128xf32, #tpu.memory_space<vmem>>) offsets(%dma_start3A_275 : memref<104xi32, #tpu.memory_space<vmem>>) semaphore(%arg10 : memref<!tpu.dma_semaphore, #tpu.memory_space<semaphore_mem>>)
    %dma_start3A_279 = arith.constant 704 : i32
    %dma_start3A_280 = arith.constant 0 : i32
    %dma_start3A_281 = tpu.memref_slice %arg8[%dma_start3A_279, %dma_start3A_280] : memref<800x128xf32, #tpu.memory_space<vmem>> -> memref<96x128xf32, #tpu.memory_space<vmem>>
    %dma_start3A_282 = arith.constant 304 : i32
    %dma_start3A_283 = tpu.memref_slice %arg7[%dma_start3A_282] : memref<400xi32, #tpu.memory_space<vmem>> -> memref<96xi32, #tpu.memory_space<vmem>>
    %dma_start3A_284 = arith.constant 0 : i32
    %dma_start3A_285 = arith.constant 0 : i32
    %dma_start3A_286 = tpu.memref_slice %arg3[%dma_start3A_284, %dma_start3A_285] : memref<100000x128xf32, #tpu.memory_space<hbm>> -> memref<100000x128xf32, #tpu.memory_space<hbm>>
    tpu.enqueue_indirect_dma source(%dma_start3A_286 : memref<100000x128xf32, #tpu.memory_space<hbm>>) target(%dma_start3A_281 : memref<96x128xf32, #tpu.memory_space<vmem>>) offsets(%dma_start3A_283 : memref<96xi32, #tpu.memory_space<vmem>>) semaphore(%arg10 : memref<!tpu.dma_semaphore, #tpu.memory_space<semaphore_mem>>)
    %dma_wait3A_287 = arith.constant 0 : i32
    %dma_wait3A_288 = arith.constant 0 : i32
    %dma_wait3A_289 = tpu.memref_slice %arg8[%dma_wait3A_287, %dma_wait3A_288] : memref<800x128xf32, #tpu.memory_space<vmem>> -> memref<104x128xf32, #tpu.memory_space<vmem>>
    %dma_wait3A_290 = arith.constant 0 : i32
    %dma_wait3A_291 = tpu.memref_slice %arg6[%dma_wait3A_290] : memref<400xi32, #tpu.memory_space<vmem>> -> memref<104xi32, #tpu.memory_space<vmem>>
    %dma_wait3A_292 = arith.constant 0 : i32
    %dma_wait3A_293 = arith.constant 0 : i32
    %dma_wait3A_294 = tpu.memref_slice %arg3[%dma_wait3A_292, %dma_wait3A_293] : memref<100000x128xf32, #tpu.memory_space<hbm>> -> memref<100000x128xf32, #tpu.memory_space<hbm>>
    tpu.wait_indirect_dma semaphore(%arg10 : memref<!tpu.dma_semaphore, #tpu.memory_space<semaphore_mem>>) src(%dma_wait3A_294 : memref<100000x128xf32, #tpu.memory_space<hbm>>) dst(%dma_wait3A_289 : memref<104x128xf32, #tpu.memory_space<vmem>>)
    %dma_wait3A_295 = arith.constant 104 : i32
    %dma_wait3A_296 = arith.constant 0 : i32
    %dma_wait3A_297 = tpu.memref_slice %arg8[%dma_wait3A_295, %dma_wait3A_296] : memref<800x128xf32, #tpu.memory_space<vmem>> -> memref<96x128xf32, #tpu.memory_space<vmem>>
    %dma_wait3A_298 = arith.constant 104 : i32
    %dma_wait3A_299 = tpu.memref_slice %arg6[%dma_wait3A_298] : memref<400xi32, #tpu.memory_space<vmem>> -> memref<96xi32, #tpu.memory_space<vmem>>
    %dma_wait3A_300 = arith.constant 0 : i32
    %dma_wait3A_301 = arith.constant 0 : i32
    %dma_wait3A_302 = tpu.memref_slice %arg3[%dma_wait3A_300, %dma_wait3A_301] : memref<100000x128xf32, #tpu.memory_space<hbm>> -> memref<100000x128xf32, #tpu.memory_space<hbm>>
    tpu.wait_indirect_dma semaphore(%arg10 : memref<!tpu.dma_semaphore, #tpu.memory_space<semaphore_mem>>) src(%dma_wait3A_302 : memref<100000x128xf32, #tpu.memory_space<hbm>>) dst(%dma_wait3A_297 : memref<96x128xf32, #tpu.memory_space<vmem>>)
    %dma_wait3A_303 = arith.constant 200 : i32
    %dma_wait3A_304 = arith.constant 0 : i32
    %dma_wait3A_305 = tpu.memref_slice %arg8[%dma_wait3A_303, %dma_wait3A_304] : memref<800x128xf32, #tpu.memory_space<vmem>> -> memref<104x128xf32, #tpu.memory_space<vmem>>
    %dma_wait3A_306 = arith.constant 200 : i32
    %dma_wait3A_307 = tpu.memref_slice %arg6[%dma_wait3A_306] : memref<400xi32, #tpu.memory_space<vmem>> -> memref<104xi32, #tpu.memory_space<vmem>>
    %dma_wait3A_308 = arith.constant 0 : i32
    %dma_wait3A_309 = arith.constant 0 : i32
    %dma_wait3A_310 = tpu.memref_slice %arg3[%dma_wait3A_308, %dma_wait3A_309] : memref<100000x128xf32, #tpu.memory_space<hbm>> -> memref<100000x128xf32, #tpu.memory_space<hbm>>
    tpu.wait_indirect_dma semaphore(%arg10 : memref<!tpu.dma_semaphore, #tpu.memory_space<semaphore_mem>>) src(%dma_wait3A_310 : memref<100000x128xf32, #tpu.memory_space<hbm>>) dst(%dma_wait3A_305 : memref<104x128xf32, #tpu.memory_space<vmem>>)
    %dma_wait3A_311 = arith.constant 304 : i32
    %dma_wait3A_312 = arith.constant 0 : i32
    %dma_wait3A_313 = tpu.memref_slice %arg8[%dma_wait3A_311, %dma_wait3A_312] : memref<800x128xf32, #tpu.memory_space<vmem>> -> memref<96x128xf32, #tpu.memory_space<vmem>>
    %dma_wait3A_314 = arith.constant 304 : i32
    %dma_wait3A_315 = tpu.memref_slice %arg6[%dma_wait3A_314] : memref<400xi32, #tpu.memory_space<vmem>> -> memref<96xi32, #tpu.memory_space<vmem>>
    %dma_wait3A_316 = arith.constant 0 : i32
    %dma_wait3A_317 = arith.constant 0 : i32
    %dma_wait3A_318 = tpu.memref_slice %arg3[%dma_wait3A_316, %dma_wait3A_317] : memref<100000x128xf32, #tpu.memory_space<hbm>> -> memref<100000x128xf32, #tpu.memory_space<hbm>>
    tpu.wait_indirect_dma semaphore(%arg10 : memref<!tpu.dma_semaphore, #tpu.memory_space<semaphore_mem>>) src(%dma_wait3A_318 : memref<100000x128xf32, #tpu.memory_space<hbm>>) dst(%dma_wait3A_313 : memref<96x128xf32, #tpu.memory_space<vmem>>)
    %scan3A_319 = arith.constant 0 : i32
    %scan3A_320 = arith.constant 50 : i32
    %scan3A_321 = arith.addi %scan3A_319, %scan3A_320 : i32
    %scan3A_322 = arith.constant 1 : i32
    scf.for %scan3A_409 = %scan3A_319 to %scan3A_321 step %scan3A_322  : i32 {
      %mul3A_410 = arith.constant 4 : i32
      %mul3A_411 = arith.muli %scan3A_409, %mul3A_410 : i32
      %add3A_412 = arith.constant 0 : i32
      %add3A_413 = arith.addi %mul3A_411, %add3A_412 : i32
      %get3A = arith.index_cast %add3A_413 : i32 to index
      %get3A_414 = arith.constant 0 : index
      %get3A_415 = tpu.vector_load %arg9[%get3A, %get3A_414] {strides = array<i32>} : memref<200x128xf32, #tpu.memory_space<vmem>>, vector<1x16xf32>,
      %get3A_416 = vector.shape_cast %get3A_415 : vector<1x16xf32> to vector<16xf32>
      %add3A_417 = arith.constant 0 : i32
      %add3A_418 = arith.addi %add3A_417, %add3A_413 : i32
      %swap3A = arith.index_cast %add3A_418 : i32 to index
      %swap3A_419 = arith.constant 0 : index
      %swap3A_420 = tpu.vector_load %arg8[%swap3A, %swap3A_419] {strides = array<i32>} : memref<800x128xf32, #tpu.memory_space<vmem>>, vector<1x16xf32>,
      %swap3A_421 = vector.shape_cast %swap3A_420 : vector<1x16xf32> to vector<16xf32>
      %swap3A_422 = vector.shape_cast %get3A_416 : vector<16xf32> to vector<1x16xf32>
      tpu.vector_store %arg8[%swap3A, %swap3A_419], %swap3A_422 {add = true, strides = array<i32>} : memref<800x128xf32, #tpu.memory_space<vmem>>, vector<1x16xf32>,
      %add3A_423 = arith.constant 200 : i32
      %add3A_424 = arith.addi %add3A_423, %add3A_413 : i32
      %swap3A_425 = arith.index_cast %add3A_424 : i32 to index
      %swap3A_426 = arith.constant 0 : index
      %swap3A_427 = tpu.vector_load %arg8[%swap3A_425, %swap3A_426] {strides = array<i32>} : memref<800x128xf32, #tpu.memory_space<vmem>>, vector<1x16xf32>,
      %swap3A_428 = vector.shape_cast %swap3A_427 : vector<1x16xf32> to vector<16xf32>
      %swap3A_429 = vector.shape_cast %get3A_416 : vector<16xf32> to vector<1x16xf32>
      tpu.vector_store %arg8[%swap3A_425, %swap3A_426], %swap3A_429 {add = true, strides = array<i32>} : memref<800x128xf32, #tpu.memory_space<vmem>>, vector<1x16xf32>,
      %get3A_430 = arith.index_cast %add3A_413 : i32 to index
      %get3A_431 = arith.constant 16 : index
      %get3A_432 = tpu.vector_load %arg9[%get3A_430, %get3A_431] {strides = array<i32>} : memref<200x128xf32, #tpu.memory_space<vmem>>, vector<1x16xf32>,
      %get3A_433 = vector.shape_cast %get3A_432 : vector<1x16xf32> to vector<16xf32>
      %add3A_434 = arith.constant 0 : i32
      %add3A_435 = arith.addi %add3A_434, %add3A_413 : i32
      %swap3A_436 = arith.index_cast %add3A_435 : i32 to index
      %swap3A_437 = arith.constant 16 : index
      %swap3A_438 = tpu.vector_load %arg8[%swap3A_436, %swap3A_437] {strides = array<i32>} : memref<800x128xf32, #tpu.memory_space<vmem>>, vector<1x16xf32>,
      %swap3A_439 = vector.shape_cast %swap3A_438 : vector<1x16xf32> to vector<16xf32>
      %swap3A_440 = vector.shape_cast %get3A_433 : vector<16xf32> to vector<1x16xf32>
      tpu.vector_store %arg8[%swap3A_436, %swap3A_437], %swap3A_440 {add = true, strides = array<i32>} : memref<800x128xf32, #tpu.memory_space<vmem>>, vector<1x16xf32>,
      %add3A_441 = arith.constant 200 : i32
      %add3A_442 = arith.addi %add3A_441, %add3A_413 : i32
      %swap3A_443 = arith.index_cast %add3A_442 : i32 to index
      %swap3A_444 = arith.constant 16 : index
      %swap3A_445 = tpu.vector_load %arg8[%swap3A_443, %swap3A_444] {strides = array<i32>} : memref<800x128xf32, #tpu.memory_space<vmem>>, vector<1x16xf32>,
      %swap3A_446 = vector.shape_cast %swap3A_445 : vector<1x16xf32> to vector<16xf32>
      %swap3A_447 = vector.shape_cast %get3A_433 : vector<16xf32> to vector<1x16xf32>
      tpu.vector_store %arg8[%swap3A_443, %swap3A_444], %swap3A_447 {add = true, strides = array<i32>} : memref<800x128xf32, #tpu.memory_space<vmem>>, vector<1x16xf32>,
      %get3A_448 = arith.index_cast %add3A_413 : i32 to index
      %get3A_449 = arith.constant 32 : index
      %get3A_450 = tpu.vector_load %arg9[%get3A_448, %get3A_449] {strides = array<i32>} : memref<200x128xf32, #tpu.memory_space<vmem>>, vector<1x16xf32>,
      %get3A_451 = vector.shape_cast %get3A_450 : vector<1x16xf32> to vector<16xf32>
      %add3A_452 = arith.constant 0 : i32
      %add3A_453 = arith.addi %add3A_452, %add3A_413 : i32
      %swap3A_454 = arith.index_cast %add3A_453 : i32 to index
      %swap3A_455 = arith.constant 32 : index
      %swap3A_456 = tpu.vector_load %arg8[%swap3A_454, %swap3A_455] {strides = array<i32>} : memref<800x128xf32, #tpu.memory_space<vmem>>, vector<1x16xf32>,
      %swap3A_457 = vector.shape_cast %swap3A_456 : vector<1x16xf32> to vector<16xf32>
      %swap3A_458 = vector.shape_cast %get3A_451 : vector<16xf32> to vector<1x16xf32>
      tpu.vector_store %arg8[%swap3A_454, %swap3A_455], %swap3A_458 {add = true, strides = array<i32>} : memref<800x128xf32, #tpu.memory_space<vmem>>, vector<1x16xf32>,
      %add3A_459 = arith.constant 200 : i32
      %add3A_460 = arith.addi %add3A_459, %add3A_413 : i32
      %swap3A_461 = arith.index_cast %add3A_460 : i32 to index
      %swap3A_462 = arith.constant 32 : index
      %swap3A_463 = tpu.vector_load %arg8[%swap3A_461, %swap3A_462] {strides = array<i32>} : memref<800x128xf32, #tpu.memory_space<vmem>>, vector<1x16xf32>,
      %swap3A_464 = vector.shape_cast %swap3A_463 : vector<1x16xf32> to vector<16xf32>
      %swap3A_465 = vector.shape_cast %get3A_451 : vector<16xf32> to vector<1x16xf32>
      tpu.vector_store %arg8[%swap3A_461, %swap3A_462], %swap3A_465 {add = true, strides = array<i32>} : memref<800x128xf32, #tpu.memory_space<vmem>>, vector<1x16xf32>,
      %get3A_466 = arith.index_cast %add3A_413 : i32 to index
      %get3A_467 = arith.constant 48 : index
      %get3A_468 = tpu.vector_load %arg9[%get3A_466, %get3A_467] {strides = array<i32>} : memref<200x128xf32, #tpu.memory_space<vmem>>, vector<1x16xf32>,
      %get3A_469 = vector.shape_cast %get3A_468 : vector<1x16xf32> to vector<16xf32>
      %add3A_470 = arith.constant 0 : i32
      %add3A_471 = arith.addi %add3A_470, %add3A_413 : i32
      %swap3A_472 = arith.index_cast %add3A_471 : i32 to index
      %swap3A_473 = arith.constant 48 : index
      %swap3A_474 = tpu.vector_load %arg8[%swap3A_472, %swap3A_473] {strides = array<i32>} : memref<800x128xf32, #tpu.memory_space<vmem>>, vector<1x16xf32>,
      %swap3A_475 = vector.shape_cast %swap3A_474 : vector<1x16xf32> to vector<16xf32>
      %swap3A_476 = vector.shape_cast %get3A_469 : vector<16xf32> to vector<1x16xf32>
      tpu.vector_store %arg8[%swap3A_472, %swap3A_473], %swap3A_476 {add = true, strides = array<i32>} : memref<800x128xf32, #tpu.memory_space<vmem>>, vector<1x16xf32>,
      %add3A_477 = arith.constant 200 : i32
      %add3A_478 = arith.addi %add3A_477, %add3A_413 : i32
      %swap3A_479 = arith.index_cast %add3A_478 : i32 to index
      %swap3A_480 = arith.constant 48 : index
      %swap3A_481 = tpu.vector_load %arg8[%swap3A_479, %swap3A_480] {strides = array<i32>} : memref<800x128xf32, #tpu.memory_space<vmem>>, vector<1x16xf32>,
      %swap3A_482 = vector.shape_cast %swap3A_481 : vector<1x16xf32> to vector<16xf32>
      %swap3A_483 = vector.shape_cast %get3A_469 : vector<16xf32> to vector<1x16xf32>
      tpu.vector_store %arg8[%swap3A_479, %swap3A_480], %swap3A_483 {add = true, strides = array<i32>} : memref<800x128xf32, #tpu.memory_space<vmem>>, vector<1x16xf32>,
      %get3A_484 = arith.index_cast %add3A_413 : i32 to index
      %get3A_485 = arith.constant 64 : index
      %get3A_486 = tpu.vector_load %arg9[%get3A_484, %get3A_485] {strides = array<i32>} : memref<200x128xf32, #tpu.memory_space<vmem>>, vector<1x16xf32>,
      %get3A_487 = vector.shape_cast %get3A_486 : vector<1x16xf32> to vector<16xf32>
      %add3A_488 = arith.constant 0 : i32
      %add3A_489 = arith.addi %add3A_488, %add3A_413 : i32
      %swap3A_490 = arith.index_cast %add3A_489 : i32 to index
      %swap3A_491 = arith.constant 64 : index
      %swap3A_492 = tpu.vector_load %arg8[%swap3A_490, %swap3A_491] {strides = array<i32>} : memref<800x128xf32, #tpu.memory_space<vmem>>, vector<1x16xf32>,
      %swap3A_493 = vector.shape_cast %swap3A_492 : vector<1x16xf32> to vector<16xf32>
      %swap3A_494 = vector.shape_cast %get3A_487 : vector<16xf32> to vector<1x16xf32>
      tpu.vector_store %arg8[%swap3A_490, %swap3A_491], %swap3A_494 {add = true, strides = array<i32>} : memref<800x128xf32, #tpu.memory_space<vmem>>, vector<1x16xf32>,
      %add3A_495 = arith.constant 200 : i32
      %add3A_496 = arith.addi %add3A_495, %add3A_413 : i32
      %swap3A_497 = arith.index_cast %add3A_496 : i32 to index
      %swap3A_498 = arith.constant 64 : index
      %swap3A_499 = tpu.vector_load %arg8[%swap3A_497, %swap3A_498] {strides = array<i32>} : memref<800x128xf32, #tpu.memory_space<vmem>>, vector<1x16xf32>,
      %swap3A_500 = vector.shape_cast %swap3A_499 : vector<1x16xf32> to vector<16xf32>
      %swap3A_501 = vector.shape_cast %get3A_487 : vector<16xf32> to vector<1x16xf32>
      tpu.vector_store %arg8[%swap3A_497, %swap3A_498], %swap3A_501 {add = true, strides = array<i32>} : memref<800x128xf32, #tpu.memory_space<vmem>>, vector<1x16xf32>,
      %get3A_502 = arith.index_cast %add3A_413 : i32 to index
      %get3A_503 = arith.constant 80 : index
      %get3A_504 = tpu.vector_load %arg9[%get3A_502, %get3A_503] {strides = array<i32>} : memref<200x128xf32, #tpu.memory_space<vmem>>, vector<1x16xf32>,
      %get3A_505 = vector.shape_cast %get3A_504 : vector<1x16xf32> to vector<16xf32>
      %add3A_506 = arith.constant 0 : i32
      %add3A_507 = arith.addi %add3A_506, %add3A_413 : i32
      %swap3A_508 = arith.index_cast %add3A_507 : i32 to index
      %swap3A_509 = arith.constant 80 : index
      %swap3A_510 = tpu.vector_load %arg8[%swap3A_508, %swap3A_509] {strides = array<i32>} : memref<800x128xf32, #tpu.memory_space<vmem>>, vector<1x16xf32>,
      %swap3A_511 = vector.shape_cast %swap3A_510 : vector<1x16xf32> to vector<16xf32>
      %swap3A_512 = vector.shape_cast %get3A_505 : vector<16xf32> to vector<1x16xf32>
      tpu.vector_store %arg8[%swap3A_508, %swap3A_509], %swap3A_512 {add = true, strides = array<i32>} : memref<800x128xf32, #tpu.memory_space<vmem>>, vector<1x16xf32>,
      %add3A_513 = arith.constant 200 : i32
      %add3A_514 = arith.addi %add3A_513, %add3A_413 : i32
      %swap3A_515 = arith.index_cast %add3A_514 : i32 to index
      %swap3A_516 = arith.constant 80 : index
      %swap3A_517 = tpu.vector_load %arg8[%swap3A_515, %swap3A_516] {strides = array<i32>} : memref<800x128xf32, #tpu.memory_space<vmem>>, vector<1x16xf32>,
      %swap3A_518 = vector.shape_cast %swap3A_517 : vector<1x16xf32> to vector<16xf32>
      %swap3A_519 = vector.shape_cast %get3A_505 : vector<16xf32> to vector<1x16xf32>
      tpu.vector_store %arg8[%swap3A_515, %swap3A_516], %swap3A_519 {add = true, strides = array<i32>} : memref<800x128xf32, #tpu.memory_space<vmem>>, vector<1x16xf32>,
      %get3A_520 = arith.index_cast %add3A_413 : i32 to index
      %get3A_521 = arith.constant 96 : index
      %get3A_522 = tpu.vector_load %arg9[%get3A_520, %get3A_521] {strides = array<i32>} : memref<200x128xf32, #tpu.memory_space<vmem>>, vector<1x16xf32>,
      %get3A_523 = vector.shape_cast %get3A_522 : vector<1x16xf32> to vector<16xf32>
      %add3A_524 = arith.constant 0 : i32
      %add3A_525 = arith.addi %add3A_524, %add3A_413 : i32
      %swap3A_526 = arith.index_cast %add3A_525 : i32 to index
      %swap3A_527 = arith.constant 96 : index
      %swap3A_528 = tpu.vector_load %arg8[%swap3A_526, %swap3A_527] {strides = array<i32>} : memref<800x128xf32, #tpu.memory_space<vmem>>, vector<1x16xf32>,
      %swap3A_529 = vector.shape_cast %swap3A_528 : vector<1x16xf32> to vector<16xf32>
      %swap3A_530 = vector.shape_cast %get3A_523 : vector<16xf32> to vector<1x16xf32>
      tpu.vector_store %arg8[%swap3A_526, %swap3A_527], %swap3A_530 {add = true, strides = array<i32>} : memref<800x128xf32, #tpu.memory_space<vmem>>, vector<1x16xf32>,
      %add3A_531 = arith.constant 200 : i32
      %add3A_532 = arith.addi %add3A_531, %add3A_413 : i32
      %swap3A_533 = arith.index_cast %add3A_532 : i32 to index
      %swap3A_534 = arith.constant 96 : index
      %swap3A_535 = tpu.vector_load %arg8[%swap3A_533, %swap3A_534] {strides = array<i32>} : memref<800x128xf32, #tpu.memory_space<vmem>>, vector<1x16xf32>,
      %swap3A_536 = vector.shape_cast %swap3A_535 : vector<1x16xf32> to vector<16xf32>
      %swap3A_537 = vector.shape_cast %get3A_523 : vector<16xf32> to vector<1x16xf32>
      tpu.vector_store %arg8[%swap3A_533, %swap3A_534], %swap3A_537 {add = true, strides = array<i32>} : memref<800x128xf32, #tpu.memory_space<vmem>>, vector<1x16xf32>,
      %get3A_538 = arith.index_cast %add3A_413 : i32 to index
      %get3A_539 = arith.constant 112 : index
      %get3A_540 = tpu.vector_load %arg9[%get3A_538, %get3A_539] {strides = array<i32>} : memref<200x128xf32, #tpu.memory_space<vmem>>, vector<1x16xf32>,
      %get3A_541 = vector.shape_cast %get3A_540 : vector<1x16xf32> to vector<16xf32>
      %add3A_542 = arith.constant 0 : i32
      %add3A_543 = arith.addi %add3A_542, %add3A_413 : i32
      %swap3A_544 = arith.index_cast %add3A_543 : i32 to index
      %swap3A_545 = arith.constant 112 : index
      %swap3A_546 = tpu.vector_load %arg8[%swap3A_544, %swap3A_545] {strides = array<i32>} : memref<800x128xf32, #tpu.memory_space<vmem>>, vector<1x16xf32>,
      %swap3A_547 = vector.shape_cast %swap3A_546 : vector<1x16xf32> to vector<16xf32>
      %swap3A_548 = vector.shape_cast %get3A_541 : vector<16xf32> to vector<1x16xf32>
      tpu.vector_store %arg8[%swap3A_544, %swap3A_545], %swap3A_548 {add = true, strides = array<i32>} : memref<800x128xf32, #tpu.memory_space<vmem>>, vector<1x16xf32>,
      %add3A_549 = arith.constant 200 : i32
      %add3A_550 = arith.addi %add3A_549, %add3A_413 : i32
      %swap3A_551 = arith.index_cast %add3A_550 : i32 to index
      %swap3A_552 = arith.constant 112 : index
      %swap3A_553 = tpu.vector_load %arg8[%swap3A_551, %swap3A_552] {strides = array<i32>} : memref<800x128xf32, #tpu.memory_space<vmem>>, vector<1x16xf32>,
      %swap3A_554 = vector.shape_cast %swap3A_553 : vector<1x16xf32> to vector<16xf32>
      %swap3A_555 = vector.shape_cast %get3A_541 : vector<16xf32> to vector<1x16xf32>
      tpu.vector_store %arg8[%swap3A_551, %swap3A_552], %swap3A_555 {add = true, strides = array<i32>} : memref<800x128xf32, #tpu.memory_space<vmem>>, vector<1x16xf32>,
      %add3A_556 = arith.constant 1 : i32
      %add3A_557 = arith.addi %mul3A_411, %add3A_556 : i32
      %get3A_558 = arith.index_cast %add3A_557 : i32 to index
      %get3A_559 = arith.constant 0 : index
      %get3A_560 = tpu.vector_load %arg9[%get3A_558, %get3A_559] {strides = array<i32>} : memref<200x128xf32, #tpu.memory_space<vmem>>, vector<1x16xf32>,
      %get3A_561 = vector.shape_cast %get3A_560 : vector<1x16xf32> to vector<16xf32>
      %add3A_562 = arith.constant 0 : i32
      %add3A_563 = arith.addi %add3A_562, %add3A_557 : i32
      %swap3A_564 = arith.index_cast %add3A_563 : i32 to index
      %swap3A_565 = arith.constant 0 : index
      %swap3A_566 = tpu.vector_load %arg8[%swap3A_564, %swap3A_565] {strides = array<i32>} : memref<800x128xf32, #tpu.memory_space<vmem>>, vector<1x16xf32>,
      %swap3A_567 = vector.shape_cast %swap3A_566 : vector<1x16xf32> to vector<16xf32>
      %swap3A_568 = vector.shape_cast %get3A_561 : vector<16xf32> to vector<1x16xf32>
      tpu.vector_store %arg8[%swap3A_564, %swap3A_565], %swap3A_568 {add = true, strides = array<i32>} : memref<800x128xf32, #tpu.memory_space<vmem>>, vector<1x16xf32>,
      %add3A_569 = arith.constant 200 : i32
      %add3A_570 = arith.addi %add3A_569, %add3A_557 : i32
      %swap3A_571 = arith.index_cast %add3A_570 : i32 to index
      %swap3A_572 = arith.constant 0 : index
      %swap3A_573 = tpu.vector_load %arg8[%swap3A_571, %swap3A_572] {strides = array<i32>} : memref<800x128xf32, #tpu.memory_space<vmem>>, vector<1x16xf32>,
      %swap3A_574 = vector.shape_cast %swap3A_573 : vector<1x16xf32> to vector<16xf32>
      %swap3A_575 = vector.shape_cast %get3A_561 : vector<16xf32> to vector<1x16xf32>
      tpu.vector_store %arg8[%swap3A_571, %swap3A_572], %swap3A_575 {add = true, strides = array<i32>} : memref<800x128xf32, #tpu.memory_space<vmem>>, vector<1x16xf32>,
      %get3A_576 = arith.index_cast %add3A_557 : i32 to index
      %get3A_577 = arith.constant 16 : index
      %get3A_578 = tpu.vector_load %arg9[%get3A_576, %get3A_577] {strides = array<i32>} : memref<200x128xf32, #tpu.memory_space<vmem>>, vector<1x16xf32>,
      %get3A_579 = vector.shape_cast %get3A_578 : vector<1x16xf32> to vector<16xf32>
      %add3A_580 = arith.constant 0 : i32
      %add3A_581 = arith.addi %add3A_580, %add3A_557 : i32
      %swap3A_582 = arith.index_cast %add3A_581 : i32 to index
      %swap3A_583 = arith.constant 16 : index
      %swap3A_584 = tpu.vector_load %arg8[%swap3A_582, %swap3A_583] {strides = array<i32>} : memref<800x128xf32, #tpu.memory_space<vmem>>, vector<1x16xf32>,
      %swap3A_585 = vector.shape_cast %swap3A_584 : vector<1x16xf32> to vector<16xf32>
      %swap3A_586 = vector.shape_cast %get3A_579 : vector<16xf32> to vector<1x16xf32>
      tpu.vector_store %arg8[%swap3A_582, %swap3A_583], %swap3A_586 {add = true, strides = array<i32>} : memref<800x128xf32, #tpu.memory_space<vmem>>, vector<1x16xf32>,
      %add3A_587 = arith.constant 200 : i32
      %add3A_588 = arith.addi %add3A_587, %add3A_557 : i32
      %swap3A_589 = arith.index_cast %add3A_588 : i32 to index
      %swap3A_590 = arith.constant 16 : index
      %swap3A_591 = tpu.vector_load %arg8[%swap3A_589, %swap3A_590] {strides = array<i32>} : memref<800x128xf32, #tpu.memory_space<vmem>>, vector<1x16xf32>,
      %swap3A_592 = vector.shape_cast %swap3A_591 : vector<1x16xf32> to vector<16xf32>
      %swap3A_593 = vector.shape_cast %get3A_579 : vector<16xf32> to vector<1x16xf32>
      tpu.vector_store %arg8[%swap3A_589, %swap3A_590], %swap3A_593 {add = true, strides = array<i32>} : memref<800x128xf32, #tpu.memory_space<vmem>>, vector<1x16xf32>,
      %get3A_594 = arith.index_cast %add3A_557 : i32 to index
      %get3A_595 = arith.constant 32 : index
      %get3A_596 = tpu.vector_load %arg9[%get3A_594, %get3A_595] {strides = array<i32>} : memref<200x128xf32, #tpu.memory_space<vmem>>, vector<1x16xf32>,
      %get3A_597 = vector.shape_cast %get3A_596 : vector<1x16xf32> to vector<16xf32>
      %add3A_598 = arith.constant 0 : i32
      %add3A_599 = arith.addi %add3A_598, %add3A_557 : i32
      %swap3A_600 = arith.index_cast %add3A_599 : i32 to index
      %swap3A_601 = arith.constant 32 : index
      %swap3A_602 = tpu.vector_load %arg8[%swap3A_600, %swap3A_601] {strides = array<i32>} : memref<800x128xf32, #tpu.memory_space<vmem>>, vector<1x16xf32>,
      %swap3A_603 = vector.shape_cast %swap3A_602 : vector<1x16xf32> to vector<16xf32>
      %swap3A_604 = vector.shape_cast %get3A_597 : vector<16xf32> to vector<1x16xf32>
      tpu.vector_store %arg8[%swap3A_600, %swap3A_601], %swap3A_604 {add = true, strides = array<i32>} : memref<800x128xf32, #tpu.memory_space<vmem>>, vector<1x16xf32>,
      %add3A_605 = arith.constant 200 : i32
      %add3A_606 = arith.addi %add3A_605, %add3A_557 : i32
      %swap3A_607 = arith.index_cast %add3A_606 : i32 to index
      %swap3A_608 = arith.constant 32 : index
      %swap3A_609 = tpu.vector_load %arg8[%swap3A_607, %swap3A_608] {strides = array<i32>} : memref<800x128xf32, #tpu.memory_space<vmem>>, vector<1x16xf32>,
      %swap3A_610 = vector.shape_cast %swap3A_609 : vector<1x16xf32> to vector<16xf32>
      %swap3A_611 = vector.shape_cast %get3A_597 : vector<16xf32> to vector<1x16xf32>
      tpu.vector_store %arg8[%swap3A_607, %swap3A_608], %swap3A_611 {add = true, strides = array<i32>} : memref<800x128xf32, #tpu.memory_space<vmem>>, vector<1x16xf32>,
      %get3A_612 = arith.index_cast %add3A_557 : i32 to index
      %get3A_613 = arith.constant 48 : index
      %get3A_614 = tpu.vector_load %arg9[%get3A_612, %get3A_613] {strides = array<i32>} : memref<200x128xf32, #tpu.memory_space<vmem>>, vector<1x16xf32>,
      %get3A_615 = vector.shape_cast %get3A_614 : vector<1x16xf32> to vector<16xf32>
      %add3A_616 = arith.constant 0 : i32
      %add3A_617 = arith.addi %add3A_616, %add3A_557 : i32
      %swap3A_618 = arith.index_cast %add3A_617 : i32 to index
      %swap3A_619 = arith.constant 48 : index
      %swap3A_620 = tpu.vector_load %arg8[%swap3A_618, %swap3A_619] {strides = array<i32>} : memref<800x128xf32, #tpu.memory_space<vmem>>, vector<1x16xf32>,
      %swap3A_621 = vector.shape_cast %swap3A_620 : vector<1x16xf32> to vector<16xf32>
      %swap3A_622 = vector.shape_cast %get3A_615 : vector<16xf32> to vector<1x16xf32>
      tpu.vector_store %arg8[%swap3A_618, %swap3A_619], %swap3A_622 {add = true, strides = array<i32>} : memref<800x128xf32, #tpu.memory_space<vmem>>, vector<1x16xf32>,
      %add3A_623 = arith.constant 200 : i32
      %add3A_624 = arith.addi %add3A_623, %add3A_557 : i32
      %swap3A_625 = arith.index_cast %add3A_624 : i32 to index
      %swap3A_626 = arith.constant 48 : index
      %swap3A_627 = tpu.vector_load %arg8[%swap3A_625, %swap3A_626] {strides = array<i32>} : memref<800x128xf32, #tpu.memory_space<vmem>>, vector<1x16xf32>,
      %swap3A_628 = vector.shape_cast %swap3A_627 : vector<1x16xf32> to vector<16xf32>
      %swap3A_629 = vector.shape_cast %get3A_615 : vector<16xf32> to vector<1x16xf32>
      tpu.vector_store %arg8[%swap3A_625, %swap3A_626], %swap3A_629 {add = true, strides = array<i32>} : memref<800x128xf32, #tpu.memory_space<vmem>>, vector<1x16xf32>,
      %get3A_630 = arith.index_cast %add3A_557 : i32 to index
      %get3A_631 = arith.constant 64 : index
      %get3A_632 = tpu.vector_load %arg9[%get3A_630, %get3A_631] {strides = array<i32>} : memref<200x128xf32, #tpu.memory_space<vmem>>, vector<1x16xf32>,
      %get3A_633 = vector.shape_cast %get3A_632 : vector<1x16xf32> to vector<16xf32>
      %add3A_634 = arith.constant 0 : i32
      %add3A_635 = arith.addi %add3A_634, %add3A_557 : i32
      %swap3A_636 = arith.index_cast %add3A_635 : i32 to index
      %swap3A_637 = arith.constant 64 : index
      %swap3A_638 = tpu.vector_load %arg8[%swap3A_636, %swap3A_637] {strides = array<i32>} : memref<800x128xf32, #tpu.memory_space<vmem>>, vector<1x16xf32>,
      %swap3A_639 = vector.shape_cast %swap3A_638 : vector<1x16xf32> to vector<16xf32>
      %swap3A_640 = vector.shape_cast %get3A_633 : vector<16xf32> to vector<1x16xf32>
      tpu.vector_store %arg8[%swap3A_636, %swap3A_637], %swap3A_640 {add = true, strides = array<i32>} : memref<800x128xf32, #tpu.memory_space<vmem>>, vector<1x16xf32>,
      %add3A_641 = arith.constant 200 : i32
      %add3A_642 = arith.addi %add3A_641, %add3A_557 : i32
      %swap3A_643 = arith.index_cast %add3A_642 : i32 to index
      %swap3A_644 = arith.constant 64 : index
      %swap3A_645 = tpu.vector_load %arg8[%swap3A_643, %swap3A_644] {strides = array<i32>} : memref<800x128xf32, #tpu.memory_space<vmem>>, vector<1x16xf32>,
      %swap3A_646 = vector.shape_cast %swap3A_645 : vector<1x16xf32> to vector<16xf32>
      %swap3A_647 = vector.shape_cast %get3A_633 : vector<16xf32> to vector<1x16xf32>
      tpu.vector_store %arg8[%swap3A_643, %swap3A_644], %swap3A_647 {add = true, strides = array<i32>} : memref<800x128xf32, #tpu.memory_space<vmem>>, vector<1x16xf32>,
      %get3A_648 = arith.index_cast %add3A_557 : i32 to index
      %get3A_649 = arith.constant 80 : index
      %get3A_650 = tpu.vector_load %arg9[%get3A_648, %get3A_649] {strides = array<i32>} : memref<200x128xf32, #tpu.memory_space<vmem>>, vector<1x16xf32>,
      %get3A_651 = vector.shape_cast %get3A_650 : vector<1x16xf32> to vector<16xf32>
      %add3A_652 = arith.constant 0 : i32
      %add3A_653 = arith.addi %add3A_652, %add3A_557 : i32
      %swap3A_654 = arith.index_cast %add3A_653 : i32 to index
      %swap3A_655 = arith.constant 80 : index
      %swap3A_656 = tpu.vector_load %arg8[%swap3A_654, %swap3A_655] {strides = array<i32>} : memref<800x128xf32, #tpu.memory_space<vmem>>, vector<1x16xf32>,
      %swap3A_657 = vector.shape_cast %swap3A_656 : vector<1x16xf32> to vector<16xf32>
      %swap3A_658 = vector.shape_cast %get3A_651 : vector<16xf32> to vector<1x16xf32>
      tpu.vector_store %arg8[%swap3A_654, %swap3A_655], %swap3A_658 {add = true, strides = array<i32>} : memref<800x128xf32, #tpu.memory_space<vmem>>, vector<1x16xf32>,
      %add3A_659 = arith.constant 200 : i32
      %add3A_660 = arith.addi %add3A_659, %add3A_557 : i32
      %swap3A_661 = arith.index_cast %add3A_660 : i32 to index
      %swap3A_662 = arith.constant 80 : index
      %swap3A_663 = tpu.vector_load %arg8[%swap3A_661, %swap3A_662] {strides = array<i32>} : memref<800x128xf32, #tpu.memory_space<vmem>>, vector<1x16xf32>,
      %swap3A_664 = vector.shape_cast %swap3A_663 : vector<1x16xf32> to vector<16xf32>
      %swap3A_665 = vector.shape_cast %get3A_651 : vector<16xf32> to vector<1x16xf32>
      tpu.vector_store %arg8[%swap3A_661, %swap3A_662], %swap3A_665 {add = true, strides = array<i32>} : memref<800x128xf32, #tpu.memory_space<vmem>>, vector<1x16xf32>,
      %get3A_666 = arith.index_cast %add3A_557 : i32 to index
      %get3A_667 = arith.constant 96 : index
      %get3A_668 = tpu.vector_load %arg9[%get3A_666, %get3A_667] {strides = array<i32>} : memref<200x128xf32, #tpu.memory_space<vmem>>, vector<1x16xf32>,
      %get3A_669 = vector.shape_cast %get3A_668 : vector<1x16xf32> to vector<16xf32>
      %add3A_670 = arith.constant 0 : i32
      %add3A_671 = arith.addi %add3A_670, %add3A_557 : i32
      %swap3A_672 = arith.index_cast %add3A_671 : i32 to index
      %swap3A_673 = arith.constant 96 : index
      %swap3A_674 = tpu.vector_load %arg8[%swap3A_672, %swap3A_673] {strides = array<i32>} : memref<800x128xf32, #tpu.memory_space<vmem>>, vector<1x16xf32>,
      %swap3A_675 = vector.shape_cast %swap3A_674 : vector<1x16xf32> to vector<16xf32>
      %swap3A_676 = vector.shape_cast %get3A_669 : vector<16xf32> to vector<1x16xf32>
      tpu.vector_store %arg8[%swap3A_672, %swap3A_673], %swap3A_676 {add = true, strides = array<i32>} : memref<800x128xf32, #tpu.memory_space<vmem>>, vector<1x16xf32>,
      %add3A_677 = arith.constant 200 : i32
      %add3A_678 = arith.addi %add3A_677, %add3A_557 : i32
      %swap3A_679 = arith.index_cast %add3A_678 : i32 to index
      %swap3A_680 = arith.constant 96 : index
      %swap3A_681 = tpu.vector_load %arg8[%swap3A_679, %swap3A_680] {strides = array<i32>} : memref<800x128xf32, #tpu.memory_space<vmem>>, vector<1x16xf32>,
      %swap3A_682 = vector.shape_cast %swap3A_681 : vector<1x16xf32> to vector<16xf32>
      %swap3A_683 = vector.shape_cast %get3A_669 : vector<16xf32> to vector<1x16xf32>
      tpu.vector_store %arg8[%swap3A_679, %swap3A_680], %swap3A_683 {add = true, strides = array<i32>} : memref<800x128xf32, #tpu.memory_space<vmem>>, vector<1x16xf32>,
      %get3A_684 = arith.index_cast %add3A_557 : i32 to index
      %get3A_685 = arith.constant 112 : index
      %get3A_686 = tpu.vector_load %arg9[%get3A_684, %get3A_685] {strides = array<i32>} : memref<200x128xf32, #tpu.memory_space<vmem>>, vector<1x16xf32>,
      %get3A_687 = vector.shape_cast %get3A_686 : vector<1x16xf32> to vector<16xf32>
      %add3A_688 = arith.constant 0 : i32
      %add3A_689 = arith.addi %add3A_688, %add3A_557 : i32
      %swap3A_690 = arith.index_cast %add3A_689 : i32 to index
      %swap3A_691 = arith.constant 112 : index
      %swap3A_692 = tpu.vector_load %arg8[%swap3A_690, %swap3A_691] {strides = array<i32>} : memref<800x128xf32, #tpu.memory_space<vmem>>, vector<1x16xf32>,
      %swap3A_693 = vector.shape_cast %swap3A_692 : vector<1x16xf32> to vector<16xf32>
      %swap3A_694 = vector.shape_cast %get3A_687 : vector<16xf32> to vector<1x16xf32>
      tpu.vector_store %arg8[%swap3A_690, %swap3A_691], %swap3A_694 {add = true, strides = array<i32>} : memref<800x128xf32, #tpu.memory_space<vmem>>, vector<1x16xf32>,
      %add3A_695 = arith.constant 200 : i32
      %add3A_696 = arith.addi %add3A_695, %add3A_557 : i32
      %swap3A_697 = arith.index_cast %add3A_696 : i32 to index
      %swap3A_698 = arith.constant 112 : index
      %swap3A_699 = tpu.vector_load %arg8[%swap3A_697, %swap3A_698] {strides = array<i32>} : memref<800x128xf32, #tpu.memory_space<vmem>>, vector<1x16xf32>,
      %swap3A_700 = vector.shape_cast %swap3A_699 : vector<1x16xf32> to vector<16xf32>
      %swap3A_701 = vector.shape_cast %get3A_687 : vector<16xf32> to vector<1x16xf32>
      tpu.vector_store %arg8[%swap3A_697, %swap3A_698], %swap3A_701 {add = true, strides = array<i32>} : memref<800x128xf32, #tpu.memory_space<vmem>>, vector<1x16xf32>,
      %add3A_702 = arith.constant 2 : i32
      %add3A_703 = arith.addi %mul3A_411, %add3A_702 : i32
      %get3A_704 = arith.index_cast %add3A_703 : i32 to index
      %get3A_705 = arith.constant 0 : index
      %get3A_706 = tpu.vector_load %arg9[%get3A_704, %get3A_705] {strides = array<i32>} : memref<200x128xf32, #tpu.memory_space<vmem>>, vector<1x16xf32>,
      %get3A_707 = vector.shape_cast %get3A_706 : vector<1x16xf32> to vector<16xf32>
      %add3A_708 = arith.constant 0 : i32
      %add3A_709 = arith.addi %add3A_708, %add3A_703 : i32
      %swap3A_710 = arith.index_cast %add3A_709 : i32 to index
      %swap3A_711 = arith.constant 0 : index
      %swap3A_712 = tpu.vector_load %arg8[%swap3A_710, %swap3A_711] {strides = array<i32>} : memref<800x128xf32, #tpu.memory_space<vmem>>, vector<1x16xf32>,
      %swap3A_713 = vector.shape_cast %swap3A_712 : vector<1x16xf32> to vector<16xf32>
      %swap3A_714 = vector.shape_cast %get3A_707 : vector<16xf32> to vector<1x16xf32>
      tpu.vector_store %arg8[%swap3A_710, %swap3A_711], %swap3A_714 {add = true, strides = array<i32>} : memref<800x128xf32, #tpu.memory_space<vmem>>, vector<1x16xf32>,
      %add3A_715 = arith.constant 200 : i32
      %add3A_716 = arith.addi %add3A_715, %add3A_703 : i32
      %swap3A_717 = arith.index_cast %add3A_716 : i32 to index
      %swap3A_718 = arith.constant 0 : index
      %swap3A_719 = tpu.vector_load %arg8[%swap3A_717, %swap3A_718] {strides = array<i32>} : memref<800x128xf32, #tpu.memory_space<vmem>>, vector<1x16xf32>,
      %swap3A_720 = vector.shape_cast %swap3A_719 : vector<1x16xf32> to vector<16xf32>
      %swap3A_721 = vector.shape_cast %get3A_707 : vector<16xf32> to vector<1x16xf32>
      tpu.vector_store %arg8[%swap3A_717, %swap3A_718], %swap3A_721 {add = true, strides = array<i32>} : memref<800x128xf32, #tpu.memory_space<vmem>>, vector<1x16xf32>,
      %get3A_722 = arith.index_cast %add3A_703 : i32 to index
      %get3A_723 = arith.constant 16 : index
      %get3A_724 = tpu.vector_load %arg9[%get3A_722, %get3A_723] {strides = array<i32>} : memref<200x128xf32, #tpu.memory_space<vmem>>, vector<1x16xf32>,
      %get3A_725 = vector.shape_cast %get3A_724 : vector<1x16xf32> to vector<16xf32>
      %add3A_726 = arith.constant 0 : i32
      %add3A_727 = arith.addi %add3A_726, %add3A_703 : i32
      %swap3A_728 = arith.index_cast %add3A_727 : i32 to index
      %swap3A_729 = arith.constant 16 : index
      %swap3A_730 = tpu.vector_load %arg8[%swap3A_728, %swap3A_729] {strides = array<i32>} : memref<800x128xf32, #tpu.memory_space<vmem>>, vector<1x16xf32>,
      %swap3A_731 = vector.shape_cast %swap3A_730 : vector<1x16xf32> to vector<16xf32>
      %swap3A_732 = vector.shape_cast %get3A_725 : vector<16xf32> to vector<1x16xf32>
      tpu.vector_store %arg8[%swap3A_728, %swap3A_729], %swap3A_732 {add = true, strides = array<i32>} : memref<800x128xf32, #tpu.memory_space<vmem>>, vector<1x16xf32>,
      %add3A_733 = arith.constant 200 : i32
      %add3A_734 = arith.addi %add3A_733, %add3A_703 : i32
      %swap3A_735 = arith.index_cast %add3A_734 : i32 to index
      %swap3A_736 = arith.constant 16 : index
      %swap3A_737 = tpu.vector_load %arg8[%swap3A_735, %swap3A_736] {strides = array<i32>} : memref<800x128xf32, #tpu.memory_space<vmem>>, vector<1x16xf32>,
      %swap3A_738 = vector.shape_cast %swap3A_737 : vector<1x16xf32> to vector<16xf32>
      %swap3A_739 = vector.shape_cast %get3A_725 : vector<16xf32> to vector<1x16xf32>
      tpu.vector_store %arg8[%swap3A_735, %swap3A_736], %swap3A_739 {add = true, strides = array<i32>} : memref<800x128xf32, #tpu.memory_space<vmem>>, vector<1x16xf32>,
      %get3A_740 = arith.index_cast %add3A_703 : i32 to index
      %get3A_741 = arith.constant 32 : index
      %get3A_742 = tpu.vector_load %arg9[%get3A_740, %get3A_741] {strides = array<i32>} : memref<200x128xf32, #tpu.memory_space<vmem>>, vector<1x16xf32>,
      %get3A_743 = vector.shape_cast %get3A_742 : vector<1x16xf32> to vector<16xf32>
      %add3A_744 = arith.constant 0 : i32
      %add3A_745 = arith.addi %add3A_744, %add3A_703 : i32
      %swap3A_746 = arith.index_cast %add3A_745 : i32 to index
      %swap3A_747 = arith.constant 32 : index
      %swap3A_748 = tpu.vector_load %arg8[%swap3A_746, %swap3A_747] {strides = array<i32>} : memref<800x128xf32, #tpu.memory_space<vmem>>, vector<1x16xf32>,
      %swap3A_749 = vector.shape_cast %swap3A_748 : vector<1x16xf32> to vector<16xf32>
      %swap3A_750 = vector.shape_cast %get3A_743 : vector<16xf32> to vector<1x16xf32>
      tpu.vector_store %arg8[%swap3A_746, %swap3A_747], %swap3A_750 {add = true, strides = array<i32>} : memref<800x128xf32, #tpu.memory_space<vmem>>, vector<1x16xf32>,
      %add3A_751 = arith.constant 200 : i32
      %add3A_752 = arith.addi %add3A_751, %add3A_703 : i32
      %swap3A_753 = arith.index_cast %add3A_752 : i32 to index
      %swap3A_754 = arith.constant 32 : index
      %swap3A_755 = tpu.vector_load %arg8[%swap3A_753, %swap3A_754] {strides = array<i32>} : memref<800x128xf32, #tpu.memory_space<vmem>>, vector<1x16xf32>,
      %swap3A_756 = vector.shape_cast %swap3A_755 : vector<1x16xf32> to vector<16xf32>
      %swap3A_757 = vector.shape_cast %get3A_743 : vector<16xf32> to vector<1x16xf32>
      tpu.vector_store %arg8[%swap3A_753, %swap3A_754], %swap3A_757 {add = true, strides = array<i32>} : memref<800x128xf32, #tpu.memory_space<vmem>>, vector<1x16xf32>,
      %get3A_758 = arith.index_cast %add3A_703 : i32 to index
      %get3A_759 = arith.constant 48 : index
      %get3A_760 = tpu.vector_load %arg9[%get3A_758, %get3A_759] {strides = array<i32>} : memref<200x128xf32, #tpu.memory_space<vmem>>, vector<1x16xf32>,
      %get3A_761 = vector.shape_cast %get3A_760 : vector<1x16xf32> to vector<16xf32>
      %add3A_762 = arith.constant 0 : i32
      %add3A_763 = arith.addi %add3A_762, %add3A_703 : i32
      %swap3A_764 = arith.index_cast %add3A_763 : i32 to index
      %swap3A_765 = arith.constant 48 : index
      %swap3A_766 = tpu.vector_load %arg8[%swap3A_764, %swap3A_765] {strides = array<i32>} : memref<800x128xf32, #tpu.memory_space<vmem>>, vector<1x16xf32>,
      %swap3A_767 = vector.shape_cast %swap3A_766 : vector<1x16xf32> to vector<16xf32>
      %swap3A_768 = vector.shape_cast %get3A_761 : vector<16xf32> to vector<1x16xf32>
      tpu.vector_store %arg8[%swap3A_764, %swap3A_765], %swap3A_768 {add = true, strides = array<i32>} : memref<800x128xf32, #tpu.memory_space<vmem>>, vector<1x16xf32>,
      %add3A_769 = arith.constant 200 : i32
      %add3A_770 = arith.addi %add3A_769, %add3A_703 : i32
      %swap3A_771 = arith.index_cast %add3A_770 : i32 to index
      %swap3A_772 = arith.constant 48 : index
      %swap3A_773 = tpu.vector_load %arg8[%swap3A_771, %swap3A_772] {strides = array<i32>} : memref<800x128xf32, #tpu.memory_space<vmem>>, vector<1x16xf32>,
      %swap3A_774 = vector.shape_cast %swap3A_773 : vector<1x16xf32> to vector<16xf32>
      %swap3A_775 = vector.shape_cast %get3A_761 : vector<16xf32> to vector<1x16xf32>
      tpu.vector_store %arg8[%swap3A_771, %swap3A_772], %swap3A_775 {add = true, strides = array<i32>} : memref<800x128xf32, #tpu.memory_space<vmem>>, vector<1x16xf32>,
      %get3A_776 = arith.index_cast %add3A_703 : i32 to index
      %get3A_777 = arith.constant 64 : index
      %get3A_778 = tpu.vector_load %arg9[%get3A_776, %get3A_777] {strides = array<i32>} : memref<200x128xf32, #tpu.memory_space<vmem>>, vector<1x16xf32>,
      %get3A_779 = vector.shape_cast %get3A_778 : vector<1x16xf32> to vector<16xf32>
      %add3A_780 = arith.constant 0 : i32
      %add3A_781 = arith.addi %add3A_780, %add3A_703 : i32
      %swap3A_782 = arith.index_cast %add3A_781 : i32 to index
      %swap3A_783 = arith.constant 64 : index
      %swap3A_784 = tpu.vector_load %arg8[%swap3A_782, %swap3A_783] {strides = array<i32>} : memref<800x128xf32, #tpu.memory_space<vmem>>, vector<1x16xf32>,
      %swap3A_785 = vector.shape_cast %swap3A_784 : vector<1x16xf32> to vector<16xf32>
      %swap3A_786 = vector.shape_cast %get3A_779 : vector<16xf32> to vector<1x16xf32>
      tpu.vector_store %arg8[%swap3A_782, %swap3A_783], %swap3A_786 {add = true, strides = array<i32>} : memref<800x128xf32, #tpu.memory_space<vmem>>, vector<1x16xf32>,
      %add3A_787 = arith.constant 200 : i32
      %add3A_788 = arith.addi %add3A_787, %add3A_703 : i32
      %swap3A_789 = arith.index_cast %add3A_788 : i32 to index
      %swap3A_790 = arith.constant 64 : index
      %swap3A_791 = tpu.vector_load %arg8[%swap3A_789, %swap3A_790] {strides = array<i32>} : memref<800x128xf32, #tpu.memory_space<vmem>>, vector<1x16xf32>,
      %swap3A_792 = vector.shape_cast %swap3A_791 : vector<1x16xf32> to vector<16xf32>
      %swap3A_793 = vector.shape_cast %get3A_779 : vector<16xf32> to vector<1x16xf32>
      tpu.vector_store %arg8[%swap3A_789, %swap3A_790], %swap3A_793 {add = true, strides = array<i32>} : memref<800x128xf32, #tpu.memory_space<vmem>>, vector<1x16xf32>,
      %get3A_794 = arith.index_cast %add3A_703 : i32 to index
      %get3A_795 = arith.constant 80 : index
      %get3A_796 = tpu.vector_load %arg9[%get3A_794, %get3A_795] {strides = array<i32>} : memref<200x128xf32, #tpu.memory_space<vmem>>, vector<1x16xf32>,
      %get3A_797 = vector.shape_cast %get3A_796 : vector<1x16xf32> to vector<16xf32>
      %add3A_798 = arith.constant 0 : i32
      %add3A_799 = arith.addi %add3A_798, %add3A_703 : i32
      %swap3A_800 = arith.index_cast %add3A_799 : i32 to index
      %swap3A_801 = arith.constant 80 : index
      %swap3A_802 = tpu.vector_load %arg8[%swap3A_800, %swap3A_801] {strides = array<i32>} : memref<800x128xf32, #tpu.memory_space<vmem>>, vector<1x16xf32>,
      %swap3A_803 = vector.shape_cast %swap3A_802 : vector<1x16xf32> to vector<16xf32>
      %swap3A_804 = vector.shape_cast %get3A_797 : vector<16xf32> to vector<1x16xf32>
      tpu.vector_store %arg8[%swap3A_800, %swap3A_801], %swap3A_804 {add = true, strides = array<i32>} : memref<800x128xf32, #tpu.memory_space<vmem>>, vector<1x16xf32>,
      %add3A_805 = arith.constant 200 : i32
      %add3A_806 = arith.addi %add3A_805, %add3A_703 : i32
      %swap3A_807 = arith.index_cast %add3A_806 : i32 to index
      %swap3A_808 = arith.constant 80 : index
      %swap3A_809 = tpu.vector_load %arg8[%swap3A_807, %swap3A_808] {strides = array<i32>} : memref<800x128xf32, #tpu.memory_space<vmem>>, vector<1x16xf32>,
      %swap3A_810 = vector.shape_cast %swap3A_809 : vector<1x16xf32> to vector<16xf32>
      %swap3A_811 = vector.shape_cast %get3A_797 : vector<16xf32> to vector<1x16xf32>
      tpu.vector_store %arg8[%swap3A_807, %swap3A_808], %swap3A_811 {add = true, strides = array<i32>} : memref<800x128xf32, #tpu.memory_space<vmem>>, vector<1x16xf32>,
      %get3A_812 = arith.index_cast %add3A_703 : i32 to index
      %get3A_813 = arith.constant 96 : index
      %get3A_814 = tpu.vector_load %arg9[%get3A_812, %get3A_813] {strides = array<i32>} : memref<200x128xf32, #tpu.memory_space<vmem>>, vector<1x16xf32>,
      %get3A_815 = vector.shape_cast %get3A_814 : vector<1x16xf32> to vector<16xf32>
      %add3A_816 = arith.constant 0 : i32
      %add3A_817 = arith.addi %add3A_816, %add3A_703 : i32
      %swap3A_818 = arith.index_cast %add3A_817 : i32 to index
      %swap3A_819 = arith.constant 96 : index
      %swap3A_820 = tpu.vector_load %arg8[%swap3A_818, %swap3A_819] {strides = array<i32>} : memref<800x128xf32, #tpu.memory_space<vmem>>, vector<1x16xf32>,
      %swap3A_821 = vector.shape_cast %swap3A_820 : vector<1x16xf32> to vector<16xf32>
      %swap3A_822 = vector.shape_cast %get3A_815 : vector<16xf32> to vector<1x16xf32>
      tpu.vector_store %arg8[%swap3A_818, %swap3A_819], %swap3A_822 {add = true, strides = array<i32>} : memref<800x128xf32, #tpu.memory_space<vmem>>, vector<1x16xf32>,
      %add3A_823 = arith.constant 200 : i32
      %add3A_824 = arith.addi %add3A_823, %add3A_703 : i32
      %swap3A_825 = arith.index_cast %add3A_824 : i32 to index
      %swap3A_826 = arith.constant 96 : index
      %swap3A_827 = tpu.vector_load %arg8[%swap3A_825, %swap3A_826] {strides = array<i32>} : memref<800x128xf32, #tpu.memory_space<vmem>>, vector<1x16xf32>,
      %swap3A_828 = vector.shape_cast %swap3A_827 : vector<1x16xf32> to vector<16xf32>
      %swap3A_829 = vector.shape_cast %get3A_815 : vector<16xf32> to vector<1x16xf32>
      tpu.vector_store %arg8[%swap3A_825, %swap3A_826], %swap3A_829 {add = true, strides = array<i32>} : memref<800x128xf32, #tpu.memory_space<vmem>>, vector<1x16xf32>,
      %get3A_830 = arith.index_cast %add3A_703 : i32 to index
      %get3A_831 = arith.constant 112 : index
      %get3A_832 = tpu.vector_load %arg9[%get3A_830, %get3A_831] {strides = array<i32>} : memref<200x128xf32, #tpu.memory_space<vmem>>, vector<1x16xf32>,
      %get3A_833 = vector.shape_cast %get3A_832 : vector<1x16xf32> to vector<16xf32>
      %add3A_834 = arith.constant 0 : i32
      %add3A_835 = arith.addi %add3A_834, %add3A_703 : i32
      %swap3A_836 = arith.index_cast %add3A_835 : i32 to index
      %swap3A_837 = arith.constant 112 : index
      %swap3A_838 = tpu.vector_load %arg8[%swap3A_836, %swap3A_837] {strides = array<i32>} : memref<800x128xf32, #tpu.memory_space<vmem>>, vector<1x16xf32>,
      %swap3A_839 = vector.shape_cast %swap3A_838 : vector<1x16xf32> to vector<16xf32>
      %swap3A_840 = vector.shape_cast %get3A_833 : vector<16xf32> to vector<1x16xf32>
      tpu.vector_store %arg8[%swap3A_836, %swap3A_837], %swap3A_840 {add = true, strides = array<i32>} : memref<800x128xf32, #tpu.memory_space<vmem>>, vector<1x16xf32>,
      %add3A_841 = arith.constant 200 : i32
      %add3A_842 = arith.addi %add3A_841, %add3A_703 : i32
      %swap3A_843 = arith.index_cast %add3A_842 : i32 to index
      %swap3A_844 = arith.constant 112 : index
      %swap3A_845 = tpu.vector_load %arg8[%swap3A_843, %swap3A_844] {strides = array<i32>} : memref<800x128xf32, #tpu.memory_space<vmem>>, vector<1x16xf32>,
      %swap3A_846 = vector.shape_cast %swap3A_845 : vector<1x16xf32> to vector<16xf32>
      %swap3A_847 = vector.shape_cast %get3A_833 : vector<16xf32> to vector<1x16xf32>
      tpu.vector_store %arg8[%swap3A_843, %swap3A_844], %swap3A_847 {add = true, strides = array<i32>} : memref<800x128xf32, #tpu.memory_space<vmem>>, vector<1x16xf32>,
      %add3A_848 = arith.constant 3 : i32
      %add3A_849 = arith.addi %mul3A_411, %add3A_848 : i32
      %get3A_850 = arith.index_cast %add3A_849 : i32 to index
      %get3A_851 = arith.constant 0 : index
      %get3A_852 = tpu.vector_load %arg9[%get3A_850, %get3A_851] {strides = array<i32>} : memref<200x128xf32, #tpu.memory_space<vmem>>, vector<1x16xf32>,
      %get3A_853 = vector.shape_cast %get3A_852 : vector<1x16xf32> to vector<16xf32>
      %add3A_854 = arith.constant 0 : i32
      %add3A_855 = arith.addi %add3A_854, %add3A_849 : i32
      %swap3A_856 = arith.index_cast %add3A_855 : i32 to index
      %swap3A_857 = arith.constant 0 : index
      %swap3A_858 = tpu.vector_load %arg8[%swap3A_856, %swap3A_857] {strides = array<i32>} : memref<800x128xf32, #tpu.memory_space<vmem>>, vector<1x16xf32>,
      %swap3A_859 = vector.shape_cast %swap3A_858 : vector<1x16xf32> to vector<16xf32>
      %swap3A_860 = vector.shape_cast %get3A_853 : vector<16xf32> to vector<1x16xf32>
      tpu.vector_store %arg8[%swap3A_856, %swap3A_857], %swap3A_860 {add = true, strides = array<i32>} : memref<800x128xf32, #tpu.memory_space<vmem>>, vector<1x16xf32>,
      %add3A_861 = arith.constant 200 : i32
      %add3A_862 = arith.addi %add3A_861, %add3A_849 : i32
      %swap3A_863 = arith.index_cast %add3A_862 : i32 to index
      %swap3A_864 = arith.constant 0 : index
      %swap3A_865 = tpu.vector_load %arg8[%swap3A_863, %swap3A_864] {strides = array<i32>} : memref<800x128xf32, #tpu.memory_space<vmem>>, vector<1x16xf32>,
      %swap3A_866 = vector.shape_cast %swap3A_865 : vector<1x16xf32> to vector<16xf32>
      %swap3A_867 = vector.shape_cast %get3A_853 : vector<16xf32> to vector<1x16xf32>
      tpu.vector_store %arg8[%swap3A_863, %swap3A_864], %swap3A_867 {add = true, strides = array<i32>} : memref<800x128xf32, #tpu.memory_space<vmem>>, vector<1x16xf32>,
      %get3A_868 = arith.index_cast %add3A_849 : i32 to index
      %get3A_869 = arith.constant 16 : index
      %get3A_870 = tpu.vector_load %arg9[%get3A_868, %get3A_869] {strides = array<i32>} : memref<200x128xf32, #tpu.memory_space<vmem>>, vector<1x16xf32>,
      %get3A_871 = vector.shape_cast %get3A_870 : vector<1x16xf32> to vector<16xf32>
      %add3A_872 = arith.constant 0 : i32
      %add3A_873 = arith.addi %add3A_872, %add3A_849 : i32
      %swap3A_874 = arith.index_cast %add3A_873 : i32 to index
      %swap3A_875 = arith.constant 16 : index
      %swap3A_876 = tpu.vector_load %arg8[%swap3A_874, %swap3A_875] {strides = array<i32>} : memref<800x128xf32, #tpu.memory_space<vmem>>, vector<1x16xf32>,
      %swap3A_877 = vector.shape_cast %swap3A_876 : vector<1x16xf32> to vector<16xf32>
      %swap3A_878 = vector.shape_cast %get3A_871 : vector<16xf32> to vector<1x16xf32>
      tpu.vector_store %arg8[%swap3A_874, %swap3A_875], %swap3A_878 {add = true, strides = array<i32>} : memref<800x128xf32, #tpu.memory_space<vmem>>, vector<1x16xf32>,
      %add3A_879 = arith.constant 200 : i32
      %add3A_880 = arith.addi %add3A_879, %add3A_849 : i32
      %swap3A_881 = arith.index_cast %add3A_880 : i32 to index
      %swap3A_882 = arith.constant 16 : index
      %swap3A_883 = tpu.vector_load %arg8[%swap3A_881, %swap3A_882] {strides = array<i32>} : memref<800x128xf32, #tpu.memory_space<vmem>>, vector<1x16xf32>,
      %swap3A_884 = vector.shape_cast %swap3A_883 : vector<1x16xf32> to vector<16xf32>
      %swap3A_885 = vector.shape_cast %get3A_871 : vector<16xf32> to vector<1x16xf32>
      tpu.vector_store %arg8[%swap3A_881, %swap3A_882], %swap3A_885 {add = true, strides = array<i32>} : memref<800x128xf32, #tpu.memory_space<vmem>>, vector<1x16xf32>,
      %get3A_886 = arith.index_cast %add3A_849 : i32 to index
      %get3A_887 = arith.constant 32 : index
      %get3A_888 = tpu.vector_load %arg9[%get3A_886, %get3A_887] {strides = array<i32>} : memref<200x128xf32, #tpu.memory_space<vmem>>, vector<1x16xf32>,
      %get3A_889 = vector.shape_cast %get3A_888 : vector<1x16xf32> to vector<16xf32>
      %add3A_890 = arith.constant 0 : i32
      %add3A_891 = arith.addi %add3A_890, %add3A_849 : i32
      %swap3A_892 = arith.index_cast %add3A_891 : i32 to index
      %swap3A_893 = arith.constant 32 : index
      %swap3A_894 = tpu.vector_load %arg8[%swap3A_892, %swap3A_893] {strides = array<i32>} : memref<800x128xf32, #tpu.memory_space<vmem>>, vector<1x16xf32>,
      %swap3A_895 = vector.shape_cast %swap3A_894 : vector<1x16xf32> to vector<16xf32>
      %swap3A_896 = vector.shape_cast %get3A_889 : vector<16xf32> to vector<1x16xf32>
      tpu.vector_store %arg8[%swap3A_892, %swap3A_893], %swap3A_896 {add = true, strides = array<i32>} : memref<800x128xf32, #tpu.memory_space<vmem>>, vector<1x16xf32>,
      %add3A_897 = arith.constant 200 : i32
      %add3A_898 = arith.addi %add3A_897, %add3A_849 : i32
      %swap3A_899 = arith.index_cast %add3A_898 : i32 to index
      %swap3A_900 = arith.constant 32 : index
      %swap3A_901 = tpu.vector_load %arg8[%swap3A_899, %swap3A_900] {strides = array<i32>} : memref<800x128xf32, #tpu.memory_space<vmem>>, vector<1x16xf32>,
      %swap3A_902 = vector.shape_cast %swap3A_901 : vector<1x16xf32> to vector<16xf32>
      %swap3A_903 = vector.shape_cast %get3A_889 : vector<16xf32> to vector<1x16xf32>
      tpu.vector_store %arg8[%swap3A_899, %swap3A_900], %swap3A_903 {add = true, strides = array<i32>} : memref<800x128xf32, #tpu.memory_space<vmem>>, vector<1x16xf32>,
      %get3A_904 = arith.index_cast %add3A_849 : i32 to index
      %get3A_905 = arith.constant 48 : index
      %get3A_906 = tpu.vector_load %arg9[%get3A_904, %get3A_905] {strides = array<i32>} : memref<200x128xf32, #tpu.memory_space<vmem>>, vector<1x16xf32>,
      %get3A_907 = vector.shape_cast %get3A_906 : vector<1x16xf32> to vector<16xf32>
      %add3A_908 = arith.constant 0 : i32
      %add3A_909 = arith.addi %add3A_908, %add3A_849 : i32
      %swap3A_910 = arith.index_cast %add3A_909 : i32 to index
      %swap3A_911 = arith.constant 48 : index
      %swap3A_912 = tpu.vector_load %arg8[%swap3A_910, %swap3A_911] {strides = array<i32>} : memref<800x128xf32, #tpu.memory_space<vmem>>, vector<1x16xf32>,
      %swap3A_913 = vector.shape_cast %swap3A_912 : vector<1x16xf32> to vector<16xf32>
      %swap3A_914 = vector.shape_cast %get3A_907 : vector<16xf32> to vector<1x16xf32>
      tpu.vector_store %arg8[%swap3A_910, %swap3A_911], %swap3A_914 {add = true, strides = array<i32>} : memref<800x128xf32, #tpu.memory_space<vmem>>, vector<1x16xf32>,
      %add3A_915 = arith.constant 200 : i32
      %add3A_916 = arith.addi %add3A_915, %add3A_849 : i32
      %swap3A_917 = arith.index_cast %add3A_916 : i32 to index
      %swap3A_918 = arith.constant 48 : index
      %swap3A_919 = tpu.vector_load %arg8[%swap3A_917, %swap3A_918] {strides = array<i32>} : memref<800x128xf32, #tpu.memory_space<vmem>>, vector<1x16xf32>,
      %swap3A_920 = vector.shape_cast %swap3A_919 : vector<1x16xf32> to vector<16xf32>
      %swap3A_921 = vector.shape_cast %get3A_907 : vector<16xf32> to vector<1x16xf32>
      tpu.vector_store %arg8[%swap3A_917, %swap3A_918], %swap3A_921 {add = true, strides = array<i32>} : memref<800x128xf32, #tpu.memory_space<vmem>>, vector<1x16xf32>,
      %get3A_922 = arith.index_cast %add3A_849 : i32 to index
      %get3A_923 = arith.constant 64 : index
      %get3A_924 = tpu.vector_load %arg9[%get3A_922, %get3A_923] {strides = array<i32>} : memref<200x128xf32, #tpu.memory_space<vmem>>, vector<1x16xf32>,
      %get3A_925 = vector.shape_cast %get3A_924 : vector<1x16xf32> to vector<16xf32>
      %add3A_926 = arith.constant 0 : i32
      %add3A_927 = arith.addi %add3A_926, %add3A_849 : i32
      %swap3A_928 = arith.index_cast %add3A_927 : i32 to index
      %swap3A_929 = arith.constant 64 : index
      %swap3A_930 = tpu.vector_load %arg8[%swap3A_928, %swap3A_929] {strides = array<i32>} : memref<800x128xf32, #tpu.memory_space<vmem>>, vector<1x16xf32>,
      %swap3A_931 = vector.shape_cast %swap3A_930 : vector<1x16xf32> to vector<16xf32>
      %swap3A_932 = vector.shape_cast %get3A_925 : vector<16xf32> to vector<1x16xf32>
      tpu.vector_store %arg8[%swap3A_928, %swap3A_929], %swap3A_932 {add = true, strides = array<i32>} : memref<800x128xf32, #tpu.memory_space<vmem>>, vector<1x16xf32>,
      %add3A_933 = arith.constant 200 : i32
      %add3A_934 = arith.addi %add3A_933, %add3A_849 : i32
      %swap3A_935 = arith.index_cast %add3A_934 : i32 to index
      %swap3A_936 = arith.constant 64 : index
      %swap3A_937 = tpu.vector_load %arg8[%swap3A_935, %swap3A_936] {strides = array<i32>} : memref<800x128xf32, #tpu.memory_space<vmem>>, vector<1x16xf32>,
      %swap3A_938 = vector.shape_cast %swap3A_937 : vector<1x16xf32> to vector<16xf32>
      %swap3A_939 = vector.shape_cast %get3A_925 : vector<16xf32> to vector<1x16xf32>
      tpu.vector_store %arg8[%swap3A_935, %swap3A_936], %swap3A_939 {add = true, strides = array<i32>} : memref<800x128xf32, #tpu.memory_space<vmem>>, vector<1x16xf32>,
      %get3A_940 = arith.index_cast %add3A_849 : i32 to index
      %get3A_941 = arith.constant 80 : index
      %get3A_942 = tpu.vector_load %arg9[%get3A_940, %get3A_941] {strides = array<i32>} : memref<200x128xf32, #tpu.memory_space<vmem>>, vector<1x16xf32>,
      %get3A_943 = vector.shape_cast %get3A_942 : vector<1x16xf32> to vector<16xf32>
      %add3A_944 = arith.constant 0 : i32
      %add3A_945 = arith.addi %add3A_944, %add3A_849 : i32
      %swap3A_946 = arith.index_cast %add3A_945 : i32 to index
      %swap3A_947 = arith.constant 80 : index
      %swap3A_948 = tpu.vector_load %arg8[%swap3A_946, %swap3A_947] {strides = array<i32>} : memref<800x128xf32, #tpu.memory_space<vmem>>, vector<1x16xf32>,
      %swap3A_949 = vector.shape_cast %swap3A_948 : vector<1x16xf32> to vector<16xf32>
      %swap3A_950 = vector.shape_cast %get3A_943 : vector<16xf32> to vector<1x16xf32>
      tpu.vector_store %arg8[%swap3A_946, %swap3A_947], %swap3A_950 {add = true, strides = array<i32>} : memref<800x128xf32, #tpu.memory_space<vmem>>, vector<1x16xf32>,
      %add3A_951 = arith.constant 200 : i32
      %add3A_952 = arith.addi %add3A_951, %add3A_849 : i32
      %swap3A_953 = arith.index_cast %add3A_952 : i32 to index
      %swap3A_954 = arith.constant 80 : index
      %swap3A_955 = tpu.vector_load %arg8[%swap3A_953, %swap3A_954] {strides = array<i32>} : memref<800x128xf32, #tpu.memory_space<vmem>>, vector<1x16xf32>,
      %swap3A_956 = vector.shape_cast %swap3A_955 : vector<1x16xf32> to vector<16xf32>
      %swap3A_957 = vector.shape_cast %get3A_943 : vector<16xf32> to vector<1x16xf32>
      tpu.vector_store %arg8[%swap3A_953, %swap3A_954], %swap3A_957 {add = true, strides = array<i32>} : memref<800x128xf32, #tpu.memory_space<vmem>>, vector<1x16xf32>,
      %get3A_958 = arith.index_cast %add3A_849 : i32 to index
      %get3A_959 = arith.constant 96 : index
      %get3A_960 = tpu.vector_load %arg9[%get3A_958, %get3A_959] {strides = array<i32>} : memref<200x128xf32, #tpu.memory_space<vmem>>, vector<1x16xf32>,
      %get3A_961 = vector.shape_cast %get3A_960 : vector<1x16xf32> to vector<16xf32>
      %add3A_962 = arith.constant 0 : i32
      %add3A_963 = arith.addi %add3A_962, %add3A_849 : i32
      %swap3A_964 = arith.index_cast %add3A_963 : i32 to index
      %swap3A_965 = arith.constant 96 : index
      %swap3A_966 = tpu.vector_load %arg8[%swap3A_964, %swap3A_965] {strides = array<i32>} : memref<800x128xf32, #tpu.memory_space<vmem>>, vector<1x16xf32>,
      %swap3A_967 = vector.shape_cast %swap3A_966 : vector<1x16xf32> to vector<16xf32>
      %swap3A_968 = vector.shape_cast %get3A_961 : vector<16xf32> to vector<1x16xf32>
      tpu.vector_store %arg8[%swap3A_964, %swap3A_965], %swap3A_968 {add = true, strides = array<i32>} : memref<800x128xf32, #tpu.memory_space<vmem>>, vector<1x16xf32>,
      %add3A_969 = arith.constant 200 : i32
      %add3A_970 = arith.addi %add3A_969, %add3A_849 : i32
      %swap3A_971 = arith.index_cast %add3A_970 : i32 to index
      %swap3A_972 = arith.constant 96 : index
      %swap3A_973 = tpu.vector_load %arg8[%swap3A_971, %swap3A_972] {strides = array<i32>} : memref<800x128xf32, #tpu.memory_space<vmem>>, vector<1x16xf32>,
      %swap3A_974 = vector.shape_cast %swap3A_973 : vector<1x16xf32> to vector<16xf32>
      %swap3A_975 = vector.shape_cast %get3A_961 : vector<16xf32> to vector<1x16xf32>
      tpu.vector_store %arg8[%swap3A_971, %swap3A_972], %swap3A_975 {add = true, strides = array<i32>} : memref<800x128xf32, #tpu.memory_space<vmem>>, vector<1x16xf32>,
      %get3A_976 = arith.index_cast %add3A_849 : i32 to index
      %get3A_977 = arith.constant 112 : index
      %get3A_978 = tpu.vector_load %arg9[%get3A_976, %get3A_977] {strides = array<i32>} : memref<200x128xf32, #tpu.memory_space<vmem>>, vector<1x16xf32>,
      %get3A_979 = vector.shape_cast %get3A_978 : vector<1x16xf32> to vector<16xf32>
      %add3A_980 = arith.constant 0 : i32
      %add3A_981 = arith.addi %add3A_980, %add3A_849 : i32
      %swap3A_982 = arith.index_cast %add3A_981 : i32 to index
      %swap3A_983 = arith.constant 112 : index
      %swap3A_984 = tpu.vector_load %arg8[%swap3A_982, %swap3A_983] {strides = array<i32>} : memref<800x128xf32, #tpu.memory_space<vmem>>, vector<1x16xf32>,
      %swap3A_985 = vector.shape_cast %swap3A_984 : vector<1x16xf32> to vector<16xf32>
      %swap3A_986 = vector.shape_cast %get3A_979 : vector<16xf32> to vector<1x16xf32>
      tpu.vector_store %arg8[%swap3A_982, %swap3A_983], %swap3A_986 {add = true, strides = array<i32>} : memref<800x128xf32, #tpu.memory_space<vmem>>, vector<1x16xf32>,
      %add3A_987 = arith.constant 200 : i32
      %add3A_988 = arith.addi %add3A_987, %add3A_849 : i32
      %swap3A_989 = arith.index_cast %add3A_988 : i32 to index
      %swap3A_990 = arith.constant 112 : index
      %swap3A_991 = tpu.vector_load %arg8[%swap3A_989, %swap3A_990] {strides = array<i32>} : memref<800x128xf32, #tpu.memory_space<vmem>>, vector<1x16xf32>,
      %swap3A_992 = vector.shape_cast %swap3A_991 : vector<1x16xf32> to vector<16xf32>
      %swap3A_993 = vector.shape_cast %get3A_979 : vector<16xf32> to vector<1x16xf32>
      tpu.vector_store %arg8[%swap3A_989, %swap3A_990], %swap3A_993 {add = true, strides = array<i32>} : memref<800x128xf32, #tpu.memory_space<vmem>>, vector<1x16xf32>,
    }
    %scan3A_323 = arith.constant 50 : i32
    %add3A_324 = arith.constant 5600 : i32
    %add3A_325 = arith.addi %mul3A_2, %add3A_324 : i32
    %dma_start3A_326 = arith.constant 0 : i32
    %dma_start3A_327 = arith.constant 0 : i32
    %dma_start3A_328 = tpu.memref_slice %arg8[%dma_start3A_326, %dma_start3A_327] : memref<800x128xf32, #tpu.memory_space<vmem>> -> memref<400x128xf32, #tpu.memory_space<vmem>>
    %dma_start3A_329 = arith.constant 0 : i32
    %dma_start3A_330 = tpu.memref_slice %arg5[%add3A_325, %dma_start3A_329] : memref<204800x128xf32, #tpu.memory_space<hbm>> -> memref<400x128xf32, #tpu.memory_space<hbm>>
    %dma_start3A_331 = arith.constant 0 : i32
    %dma_start3A_332 = tpu.memref_slice %arg5[%add3A_325, %dma_start3A_331] : memref<204800x128xf32, #tpu.memory_space<hbm>> -> memref<400x128xf32, #tpu.memory_space<hbm>>
    %dma_start3A_333 = arith.constant 0 : i32
    %dma_start3A_334 = arith.constant 0 : i32
    %dma_start3A_335 = tpu.memref_slice %arg8[%dma_start3A_333, %dma_start3A_334] : memref<800x128xf32, #tpu.memory_space<vmem>> -> memref<400x128xf32, #tpu.memory_space<vmem>>
    tpu.enqueue_dma source(%dma_start3A_335 : memref<400x128xf32, #tpu.memory_space<vmem>>) target(%dma_start3A_332 : memref<400x128xf32, #tpu.memory_space<hbm>>) target_semaphore(%arg13 : memref<!tpu.dma_semaphore, #tpu.memory_space<semaphore_mem>>)
    %dma_wait3A_336 = arith.constant 400 : i32
    %dma_wait3A_337 = arith.constant 0 : i32
    %dma_wait3A_338 = tpu.memref_slice %arg8[%dma_wait3A_336, %dma_wait3A_337] : memref<800x128xf32, #tpu.memory_space<vmem>> -> memref<104x128xf32, #tpu.memory_space<vmem>>
    %dma_wait3A_339 = arith.constant 0 : i32
    %dma_wait3A_340 = tpu.memref_slice %arg7[%dma_wait3A_339] : memref<400xi32, #tpu.memory_space<vmem>> -> memref<104xi32, #tpu.memory_space<vmem>>
    %dma_wait3A_341 = arith.constant 0 : i32
    %dma_wait3A_342 = arith.constant 0 : i32
    %dma_wait3A_343 = tpu.memref_slice %arg3[%dma_wait3A_341, %dma_wait3A_342] : memref<100000x128xf32, #tpu.memory_space<hbm>> -> memref<100000x128xf32, #tpu.memory_space<hbm>>
    tpu.wait_indirect_dma semaphore(%arg10 : memref<!tpu.dma_semaphore, #tpu.memory_space<semaphore_mem>>) src(%dma_wait3A_343 : memref<100000x128xf32, #tpu.memory_space<hbm>>) dst(%dma_wait3A_338 : memref<104x128xf32, #tpu.memory_space<vmem>>)
    %dma_wait3A_344 = arith.constant 504 : i32
    %dma_wait3A_345 = arith.constant 0 : i32
    %dma_wait3A_346 = tpu.memref_slice %arg8[%dma_wait3A_344, %dma_wait3A_345] : memref<800x128xf32, #tpu.memory_space<vmem>> -> memref<96x128xf32, #tpu.memory_space<vmem>>
    %dma_wait3A_347 = arith.constant 104 : i32
    %dma_wait3A_348 = tpu.memref_slice %arg7[%dma_wait3A_347] : memref<400xi32, #tpu.memory_space<vmem>> -> memref<96xi32, #tpu.memory_space<vmem>>
    %dma_wait3A_349 = arith.constant 0 : i32
    %dma_wait3A_350 = arith.constant 0 : i32
    %dma_wait3A_351 = tpu.memref_slice %arg3[%dma_wait3A_349, %dma_wait3A_350] : memref<100000x128xf32, #tpu.memory_space<hbm>> -> memref<100000x128xf32, #tpu.memory_space<hbm>>
    tpu.wait_indirect_dma semaphore(%arg10 : memref<!tpu.dma_semaphore, #tpu.memory_space<semaphore_mem>>) src(%dma_wait3A_351 : memref<100000x128xf32, #tpu.memory_space<hbm>>) dst(%dma_wait3A_346 : memref<96x128xf32, #tpu.memory_space<vmem>>)
    %dma_wait3A_352 = arith.constant 600 : i32
    %dma_wait3A_353 = arith.constant 0 : i32
    %dma_wait3A_354 = tpu.memref_slice %arg8[%dma_wait3A_352, %dma_wait3A_353] : memref<800x128xf32, #tpu.memory_space<vmem>> -> memref<104x128xf32, #tpu.memory_space<vmem>>
    %dma_wait3A_355 = arith.constant 200 : i32
    %dma_wait3A_356 = tpu.memref_slice %arg7[%dma_wait3A_355] : memref<400xi32, #tpu.memory_space<vmem>> -> memref<104xi32, #tpu.memory_space<vmem>>
    %dma_wait3A_357 = arith.constant 0 : i32
    %dma_wait3A_358 = arith.constant 0 : i32
    %dma_wait3A_359 = tpu.memref_slice %arg3[%dma_wait3A_357, %dma_wait3A_358] : memref<100000x128xf32, #tpu.memory_space<hbm>> -> memref<100000x128xf32, #tpu.memory_space<hbm>>
    tpu.wait_indirect_dma semaphore(%arg10 : memref<!tpu.dma_semaphore, #tpu.memory_space<semaphore_mem>>) src(%dma_wait3A_359 : memref<100000x128xf32, #tpu.memory_space<hbm>>) dst(%dma_wait3A_354 : memref<104x128xf32, #tpu.memory_space<vmem>>)
    %dma_wait3A_360 = arith.constant 704 : i32
    %dma_wait3A_361 = arith.constant 0 : i32
    %dma_wait3A_362 = tpu.memref_slice %arg8[%dma_wait3A_360, %dma_wait3A_361] : memref<800x128xf32, #tpu.memory_space<vmem>> -> memref<96x128xf32, #tpu.memory_space<vmem>>
    %dma_wait3A_363 = arith.constant 304 : i32
    %dma_wait3A_364 = tpu.memref_slice %arg7[%dma_wait3A_363] : memref<400xi32, #tpu.memory_space<vmem>> -> memref<96xi32, #tpu.memory_space<vmem>>
    %dma_wait3A_365 = arith.constant 0 : i32
    %dma_wait3A_366 = arith.constant 0 : i32
    %dma_wait3A_367 = tpu.memref_slice %arg3[%dma_wait3A_365, %dma_wait3A_366] : memref<100000x128xf32, #tpu.memory_space<hbm>> -> memref<100000x128xf32, #tpu.memory_space<hbm>>
    tpu.wait_indirect_dma semaphore(%arg10 : memref<!tpu.dma_semaphore, #tpu.memory_space<semaphore_mem>>) src(%dma_wait3A_367 : memref<100000x128xf32, #tpu.memory_space<hbm>>) dst(%dma_wait3A_362 : memref<96x128xf32, #tpu.memory_space<vmem>>)
    %scan3A_368 = arith.constant 0 : i32
    %scan3A_369 = arith.constant 50 : i32
    %scan3A_370 = arith.addi %scan3A_368, %scan3A_369 : i32
    %scan3A_371 = arith.constant 1 : i32
    scf.for %scan3A_409 = %scan3A_368 to %scan3A_370 step %scan3A_371  : i32 {
      %mul3A_410 = arith.constant 4 : i32
      %mul3A_411 = arith.muli %scan3A_409, %mul3A_410 : i32
      %add3A_412 = arith.constant 0 : i32
      %add3A_413 = arith.addi %mul3A_411, %add3A_412 : i32
      %get3A = arith.index_cast %add3A_413 : i32 to index
      %get3A_414 = arith.constant 0 : index
      %get3A_415 = tpu.vector_load %arg9[%get3A, %get3A_414] {strides = array<i32>} : memref<200x128xf32, #tpu.memory_space<vmem>>, vector<1x16xf32>,
      %get3A_416 = vector.shape_cast %get3A_415 : vector<1x16xf32> to vector<16xf32>
      %add3A_417 = arith.constant 400 : i32
      %add3A_418 = arith.addi %add3A_417, %add3A_413 : i32
      %swap3A = arith.index_cast %add3A_418 : i32 to index
      %swap3A_419 = arith.constant 0 : index
      %swap3A_420 = tpu.vector_load %arg8[%swap3A, %swap3A_419] {strides = array<i32>} : memref<800x128xf32, #tpu.memory_space<vmem>>, vector<1x16xf32>,
      %swap3A_421 = vector.shape_cast %swap3A_420 : vector<1x16xf32> to vector<16xf32>
      %swap3A_422 = vector.shape_cast %get3A_416 : vector<16xf32> to vector<1x16xf32>
      tpu.vector_store %arg8[%swap3A, %swap3A_419], %swap3A_422 {add = true, strides = array<i32>} : memref<800x128xf32, #tpu.memory_space<vmem>>, vector<1x16xf32>,
      %add3A_423 = arith.constant 600 : i32
      %add3A_424 = arith.addi %add3A_423, %add3A_413 : i32
      %swap3A_425 = arith.index_cast %add3A_424 : i32 to index
      %swap3A_426 = arith.constant 0 : index
      %swap3A_427 = tpu.vector_load %arg8[%swap3A_425, %swap3A_426] {strides = array<i32>} : memref<800x128xf32, #tpu.memory_space<vmem>>, vector<1x16xf32>,
      %swap3A_428 = vector.shape_cast %swap3A_427 : vector<1x16xf32> to vector<16xf32>
      %swap3A_429 = vector.shape_cast %get3A_416 : vector<16xf32> to vector<1x16xf32>
      tpu.vector_store %arg8[%swap3A_425, %swap3A_426], %swap3A_429 {add = true, strides = array<i32>} : memref<800x128xf32, #tpu.memory_space<vmem>>, vector<1x16xf32>,
      %get3A_430 = arith.index_cast %add3A_413 : i32 to index
      %get3A_431 = arith.constant 16 : index
      %get3A_432 = tpu.vector_load %arg9[%get3A_430, %get3A_431] {strides = array<i32>} : memref<200x128xf32, #tpu.memory_space<vmem>>, vector<1x16xf32>,
      %get3A_433 = vector.shape_cast %get3A_432 : vector<1x16xf32> to vector<16xf32>
      %add3A_434 = arith.constant 400 : i32
      %add3A_435 = arith.addi %add3A_434, %add3A_413 : i32
      %swap3A_436 = arith.index_cast %add3A_435 : i32 to index
      %swap3A_437 = arith.constant 16 : index
      %swap3A_438 = tpu.vector_load %arg8[%swap3A_436, %swap3A_437] {strides = array<i32>} : memref<800x128xf32, #tpu.memory_space<vmem>>, vector<1x16xf32>,
      %swap3A_439 = vector.shape_cast %swap3A_438 : vector<1x16xf32> to vector<16xf32>
      %swap3A_440 = vector.shape_cast %get3A_433 : vector<16xf32> to vector<1x16xf32>
      tpu.vector_store %arg8[%swap3A_436, %swap3A_437], %swap3A_440 {add = true, strides = array<i32>} : memref<800x128xf32, #tpu.memory_space<vmem>>, vector<1x16xf32>,
      %add3A_441 = arith.constant 600 : i32
      %add3A_442 = arith.addi %add3A_441, %add3A_413 : i32
      %swap3A_443 = arith.index_cast %add3A_442 : i32 to index
      %swap3A_444 = arith.constant 16 : index
      %swap3A_445 = tpu.vector_load %arg8[%swap3A_443, %swap3A_444] {strides = array<i32>} : memref<800x128xf32, #tpu.memory_space<vmem>>, vector<1x16xf32>,
      %swap3A_446 = vector.shape_cast %swap3A_445 : vector<1x16xf32> to vector<16xf32>
      %swap3A_447 = vector.shape_cast %get3A_433 : vector<16xf32> to vector<1x16xf32>
      tpu.vector_store %arg8[%swap3A_443, %swap3A_444], %swap3A_447 {add = true, strides = array<i32>} : memref<800x128xf32, #tpu.memory_space<vmem>>, vector<1x16xf32>,
      %get3A_448 = arith.index_cast %add3A_413 : i32 to index
      %get3A_449 = arith.constant 32 : index
      %get3A_450 = tpu.vector_load %arg9[%get3A_448, %get3A_449] {strides = array<i32>} : memref<200x128xf32, #tpu.memory_space<vmem>>, vector<1x16xf32>,
      %get3A_451 = vector.shape_cast %get3A_450 : vector<1x16xf32> to vector<16xf32>
      %add3A_452 = arith.constant 400 : i32
      %add3A_453 = arith.addi %add3A_452, %add3A_413 : i32
      %swap3A_454 = arith.index_cast %add3A_453 : i32 to index
      %swap3A_455 = arith.constant 32 : index
      %swap3A_456 = tpu.vector_load %arg8[%swap3A_454, %swap3A_455] {strides = array<i32>} : memref<800x128xf32, #tpu.memory_space<vmem>>, vector<1x16xf32>,
      %swap3A_457 = vector.shape_cast %swap3A_456 : vector<1x16xf32> to vector<16xf32>
      %swap3A_458 = vector.shape_cast %get3A_451 : vector<16xf32> to vector<1x16xf32>
      tpu.vector_store %arg8[%swap3A_454, %swap3A_455], %swap3A_458 {add = true, strides = array<i32>} : memref<800x128xf32, #tpu.memory_space<vmem>>, vector<1x16xf32>,
      %add3A_459 = arith.constant 600 : i32
      %add3A_460 = arith.addi %add3A_459, %add3A_413 : i32
      %swap3A_461 = arith.index_cast %add3A_460 : i32 to index
      %swap3A_462 = arith.constant 32 : index
      %swap3A_463 = tpu.vector_load %arg8[%swap3A_461, %swap3A_462] {strides = array<i32>} : memref<800x128xf32, #tpu.memory_space<vmem>>, vector<1x16xf32>,
      %swap3A_464 = vector.shape_cast %swap3A_463 : vector<1x16xf32> to vector<16xf32>
      %swap3A_465 = vector.shape_cast %get3A_451 : vector<16xf32> to vector<1x16xf32>
      tpu.vector_store %arg8[%swap3A_461, %swap3A_462], %swap3A_465 {add = true, strides = array<i32>} : memref<800x128xf32, #tpu.memory_space<vmem>>, vector<1x16xf32>,
      %get3A_466 = arith.index_cast %add3A_413 : i32 to index
      %get3A_467 = arith.constant 48 : index
      %get3A_468 = tpu.vector_load %arg9[%get3A_466, %get3A_467] {strides = array<i32>} : memref<200x128xf32, #tpu.memory_space<vmem>>, vector<1x16xf32>,
      %get3A_469 = vector.shape_cast %get3A_468 : vector<1x16xf32> to vector<16xf32>
      %add3A_470 = arith.constant 400 : i32
      %add3A_471 = arith.addi %add3A_470, %add3A_413 : i32
      %swap3A_472 = arith.index_cast %add3A_471 : i32 to index
      %swap3A_473 = arith.constant 48 : index
      %swap3A_474 = tpu.vector_load %arg8[%swap3A_472, %swap3A_473] {strides = array<i32>} : memref<800x128xf32, #tpu.memory_space<vmem>>, vector<1x16xf32>,
      %swap3A_475 = vector.shape_cast %swap3A_474 : vector<1x16xf32> to vector<16xf32>
      %swap3A_476 = vector.shape_cast %get3A_469 : vector<16xf32> to vector<1x16xf32>
      tpu.vector_store %arg8[%swap3A_472, %swap3A_473], %swap3A_476 {add = true, strides = array<i32>} : memref<800x128xf32, #tpu.memory_space<vmem>>, vector<1x16xf32>,
      %add3A_477 = arith.constant 600 : i32
      %add3A_478 = arith.addi %add3A_477, %add3A_413 : i32
      %swap3A_479 = arith.index_cast %add3A_478 : i32 to index
      %swap3A_480 = arith.constant 48 : index
      %swap3A_481 = tpu.vector_load %arg8[%swap3A_479, %swap3A_480] {strides = array<i32>} : memref<800x128xf32, #tpu.memory_space<vmem>>, vector<1x16xf32>,
      %swap3A_482 = vector.shape_cast %swap3A_481 : vector<1x16xf32> to vector<16xf32>
      %swap3A_483 = vector.shape_cast %get3A_469 : vector<16xf32> to vector<1x16xf32>
      tpu.vector_store %arg8[%swap3A_479, %swap3A_480], %swap3A_483 {add = true, strides = array<i32>} : memref<800x128xf32, #tpu.memory_space<vmem>>, vector<1x16xf32>,
      %get3A_484 = arith.index_cast %add3A_413 : i32 to index
      %get3A_485 = arith.constant 64 : index
      %get3A_486 = tpu.vector_load %arg9[%get3A_484, %get3A_485] {strides = array<i32>} : memref<200x128xf32, #tpu.memory_space<vmem>>, vector<1x16xf32>,
      %get3A_487 = vector.shape_cast %get3A_486 : vector<1x16xf32> to vector<16xf32>
      %add3A_488 = arith.constant 400 : i32
      %add3A_489 = arith.addi %add3A_488, %add3A_413 : i32
      %swap3A_490 = arith.index_cast %add3A_489 : i32 to index
      %swap3A_491 = arith.constant 64 : index
      %swap3A_492 = tpu.vector_load %arg8[%swap3A_490, %swap3A_491] {strides = array<i32>} : memref<800x128xf32, #tpu.memory_space<vmem>>, vector<1x16xf32>,
      %swap3A_493 = vector.shape_cast %swap3A_492 : vector<1x16xf32> to vector<16xf32>
      %swap3A_494 = vector.shape_cast %get3A_487 : vector<16xf32> to vector<1x16xf32>
      tpu.vector_store %arg8[%swap3A_490, %swap3A_491], %swap3A_494 {add = true, strides = array<i32>} : memref<800x128xf32, #tpu.memory_space<vmem>>, vector<1x16xf32>,
      %add3A_495 = arith.constant 600 : i32
      %add3A_496 = arith.addi %add3A_495, %add3A_413 : i32
      %swap3A_497 = arith.index_cast %add3A_496 : i32 to index
      %swap3A_498 = arith.constant 64 : index
      %swap3A_499 = tpu.vector_load %arg8[%swap3A_497, %swap3A_498] {strides = array<i32>} : memref<800x128xf32, #tpu.memory_space<vmem>>, vector<1x16xf32>,
      %swap3A_500 = vector.shape_cast %swap3A_499 : vector<1x16xf32> to vector<16xf32>
      %swap3A_501 = vector.shape_cast %get3A_487 : vector<16xf32> to vector<1x16xf32>
      tpu.vector_store %arg8[%swap3A_497, %swap3A_498], %swap3A_501 {add = true, strides = array<i32>} : memref<800x128xf32, #tpu.memory_space<vmem>>, vector<1x16xf32>,
      %get3A_502 = arith.index_cast %add3A_413 : i32 to index
      %get3A_503 = arith.constant 80 : index
      %get3A_504 = tpu.vector_load %arg9[%get3A_502, %get3A_503] {strides = array<i32>} : memref<200x128xf32, #tpu.memory_space<vmem>>, vector<1x16xf32>,
      %get3A_505 = vector.shape_cast %get3A_504 : vector<1x16xf32> to vector<16xf32>
      %add3A_506 = arith.constant 400 : i32
      %add3A_507 = arith.addi %add3A_506, %add3A_413 : i32
      %swap3A_508 = arith.index_cast %add3A_507 : i32 to index
      %swap3A_509 = arith.constant 80 : index
      %swap3A_510 = tpu.vector_load %arg8[%swap3A_508, %swap3A_509] {strides = array<i32>} : memref<800x128xf32, #tpu.memory_space<vmem>>, vector<1x16xf32>,
      %swap3A_511 = vector.shape_cast %swap3A_510 : vector<1x16xf32> to vector<16xf32>
      %swap3A_512 = vector.shape_cast %get3A_505 : vector<16xf32> to vector<1x16xf32>
      tpu.vector_store %arg8[%swap3A_508, %swap3A_509], %swap3A_512 {add = true, strides = array<i32>} : memref<800x128xf32, #tpu.memory_space<vmem>>, vector<1x16xf32>,
      %add3A_513 = arith.constant 600 : i32
      %add3A_514 = arith.addi %add3A_513, %add3A_413 : i32
      %swap3A_515 = arith.index_cast %add3A_514 : i32 to index
      %swap3A_516 = arith.constant 80 : index
      %swap3A_517 = tpu.vector_load %arg8[%swap3A_515, %swap3A_516] {strides = array<i32>} : memref<800x128xf32, #tpu.memory_space<vmem>>, vector<1x16xf32>,
      %swap3A_518 = vector.shape_cast %swap3A_517 : vector<1x16xf32> to vector<16xf32>
      %swap3A_519 = vector.shape_cast %get3A_505 : vector<16xf32> to vector<1x16xf32>
      tpu.vector_store %arg8[%swap3A_515, %swap3A_516], %swap3A_519 {add = true, strides = array<i32>} : memref<800x128xf32, #tpu.memory_space<vmem>>, vector<1x16xf32>,
      %get3A_520 = arith.index_cast %add3A_413 : i32 to index
      %get3A_521 = arith.constant 96 : index
      %get3A_522 = tpu.vector_load %arg9[%get3A_520, %get3A_521] {strides = array<i32>} : memref<200x128xf32, #tpu.memory_space<vmem>>, vector<1x16xf32>,
      %get3A_523 = vector.shape_cast %get3A_522 : vector<1x16xf32> to vector<16xf32>
      %add3A_524 = arith.constant 400 : i32
      %add3A_525 = arith.addi %add3A_524, %add3A_413 : i32
      %swap3A_526 = arith.index_cast %add3A_525 : i32 to index
      %swap3A_527 = arith.constant 96 : index
      %swap3A_528 = tpu.vector_load %arg8[%swap3A_526, %swap3A_527] {strides = array<i32>} : memref<800x128xf32, #tpu.memory_space<vmem>>, vector<1x16xf32>,
      %swap3A_529 = vector.shape_cast %swap3A_528 : vector<1x16xf32> to vector<16xf32>
      %swap3A_530 = vector.shape_cast %get3A_523 : vector<16xf32> to vector<1x16xf32>
      tpu.vector_store %arg8[%swap3A_526, %swap3A_527], %swap3A_530 {add = true, strides = array<i32>} : memref<800x128xf32, #tpu.memory_space<vmem>>, vector<1x16xf32>,
      %add3A_531 = arith.constant 600 : i32
      %add3A_532 = arith.addi %add3A_531, %add3A_413 : i32
      %swap3A_533 = arith.index_cast %add3A_532 : i32 to index
      %swap3A_534 = arith.constant 96 : index
      %swap3A_535 = tpu.vector_load %arg8[%swap3A_533, %swap3A_534] {strides = array<i32>} : memref<800x128xf32, #tpu.memory_space<vmem>>, vector<1x16xf32>,
      %swap3A_536 = vector.shape_cast %swap3A_535 : vector<1x16xf32> to vector<16xf32>
      %swap3A_537 = vector.shape_cast %get3A_523 : vector<16xf32> to vector<1x16xf32>
      tpu.vector_store %arg8[%swap3A_533, %swap3A_534], %swap3A_537 {add = true, strides = array<i32>} : memref<800x128xf32, #tpu.memory_space<vmem>>, vector<1x16xf32>,
      %get3A_538 = arith.index_cast %add3A_413 : i32 to index
      %get3A_539 = arith.constant 112 : index
      %get3A_540 = tpu.vector_load %arg9[%get3A_538, %get3A_539] {strides = array<i32>} : memref<200x128xf32, #tpu.memory_space<vmem>>, vector<1x16xf32>,
      %get3A_541 = vector.shape_cast %get3A_540 : vector<1x16xf32> to vector<16xf32>
      %add3A_542 = arith.constant 400 : i32
      %add3A_543 = arith.addi %add3A_542, %add3A_413 : i32
      %swap3A_544 = arith.index_cast %add3A_543 : i32 to index
      %swap3A_545 = arith.constant 112 : index
      %swap3A_546 = tpu.vector_load %arg8[%swap3A_544, %swap3A_545] {strides = array<i32>} : memref<800x128xf32, #tpu.memory_space<vmem>>, vector<1x16xf32>,
      %swap3A_547 = vector.shape_cast %swap3A_546 : vector<1x16xf32> to vector<16xf32>
      %swap3A_548 = vector.shape_cast %get3A_541 : vector<16xf32> to vector<1x16xf32>
      tpu.vector_store %arg8[%swap3A_544, %swap3A_545], %swap3A_548 {add = true, strides = array<i32>} : memref<800x128xf32, #tpu.memory_space<vmem>>, vector<1x16xf32>,
      %add3A_549 = arith.constant 600 : i32
      %add3A_550 = arith.addi %add3A_549, %add3A_413 : i32
      %swap3A_551 = arith.index_cast %add3A_550 : i32 to index
      %swap3A_552 = arith.constant 112 : index
      %swap3A_553 = tpu.vector_load %arg8[%swap3A_551, %swap3A_552] {strides = array<i32>} : memref<800x128xf32, #tpu.memory_space<vmem>>, vector<1x16xf32>,
      %swap3A_554 = vector.shape_cast %swap3A_553 : vector<1x16xf32> to vector<16xf32>
      %swap3A_555 = vector.shape_cast %get3A_541 : vector<16xf32> to vector<1x16xf32>
      tpu.vector_store %arg8[%swap3A_551, %swap3A_552], %swap3A_555 {add = true, strides = array<i32>} : memref<800x128xf32, #tpu.memory_space<vmem>>, vector<1x16xf32>,
      %add3A_556 = arith.constant 1 : i32
      %add3A_557 = arith.addi %mul3A_411, %add3A_556 : i32
      %get3A_558 = arith.index_cast %add3A_557 : i32 to index
      %get3A_559 = arith.constant 0 : index
      %get3A_560 = tpu.vector_load %arg9[%get3A_558, %get3A_559] {strides = array<i32>} : memref<200x128xf32, #tpu.memory_space<vmem>>, vector<1x16xf32>,
      %get3A_561 = vector.shape_cast %get3A_560 : vector<1x16xf32> to vector<16xf32>
      %add3A_562 = arith.constant 400 : i32
      %add3A_563 = arith.addi %add3A_562, %add3A_557 : i32
      %swap3A_564 = arith.index_cast %add3A_563 : i32 to index
      %swap3A_565 = arith.constant 0 : index
      %swap3A_566 = tpu.vector_load %arg8[%swap3A_564, %swap3A_565] {strides = array<i32>} : memref<800x128xf32, #tpu.memory_space<vmem>>, vector<1x16xf32>,
      %swap3A_567 = vector.shape_cast %swap3A_566 : vector<1x16xf32> to vector<16xf32>
      %swap3A_568 = vector.shape_cast %get3A_561 : vector<16xf32> to vector<1x16xf32>
      tpu.vector_store %arg8[%swap3A_564, %swap3A_565], %swap3A_568 {add = true, strides = array<i32>} : memref<800x128xf32, #tpu.memory_space<vmem>>, vector<1x16xf32>,
      %add3A_569 = arith.constant 600 : i32
      %add3A_570 = arith.addi %add3A_569, %add3A_557 : i32
      %swap3A_571 = arith.index_cast %add3A_570 : i32 to index
      %swap3A_572 = arith.constant 0 : index
      %swap3A_573 = tpu.vector_load %arg8[%swap3A_571, %swap3A_572] {strides = array<i32>} : memref<800x128xf32, #tpu.memory_space<vmem>>, vector<1x16xf32>,
      %swap3A_574 = vector.shape_cast %swap3A_573 : vector<1x16xf32> to vector<16xf32>
      %swap3A_575 = vector.shape_cast %get3A_561 : vector<16xf32> to vector<1x16xf32>
      tpu.vector_store %arg8[%swap3A_571, %swap3A_572], %swap3A_575 {add = true, strides = array<i32>} : memref<800x128xf32, #tpu.memory_space<vmem>>, vector<1x16xf32>,
      %get3A_576 = arith.index_cast %add3A_557 : i32 to index
      %get3A_577 = arith.constant 16 : index
      %get3A_578 = tpu.vector_load %arg9[%get3A_576, %get3A_577] {strides = array<i32>} : memref<200x128xf32, #tpu.memory_space<vmem>>, vector<1x16xf32>,
      %get3A_579 = vector.shape_cast %get3A_578 : vector<1x16xf32> to vector<16xf32>
      %add3A_580 = arith.constant 400 : i32
      %add3A_581 = arith.addi %add3A_580, %add3A_557 : i32
      %swap3A_582 = arith.index_cast %add3A_581 : i32 to index
      %swap3A_583 = arith.constant 16 : index
      %swap3A_584 = tpu.vector_load %arg8[%swap3A_582, %swap3A_583] {strides = array<i32>} : memref<800x128xf32, #tpu.memory_space<vmem>>, vector<1x16xf32>,
      %swap3A_585 = vector.shape_cast %swap3A_584 : vector<1x16xf32> to vector<16xf32>
      %swap3A_586 = vector.shape_cast %get3A_579 : vector<16xf32> to vector<1x16xf32>
      tpu.vector_store %arg8[%swap3A_582, %swap3A_583], %swap3A_586 {add = true, strides = array<i32>} : memref<800x128xf32, #tpu.memory_space<vmem>>, vector<1x16xf32>,
      %add3A_587 = arith.constant 600 : i32
      %add3A_588 = arith.addi %add3A_587, %add3A_557 : i32
      %swap3A_589 = arith.index_cast %add3A_588 : i32 to index
      %swap3A_590 = arith.constant 16 : index
      %swap3A_591 = tpu.vector_load %arg8[%swap3A_589, %swap3A_590] {strides = array<i32>} : memref<800x128xf32, #tpu.memory_space<vmem>>, vector<1x16xf32>,
      %swap3A_592 = vector.shape_cast %swap3A_591 : vector<1x16xf32> to vector<16xf32>
      %swap3A_593 = vector.shape_cast %get3A_579 : vector<16xf32> to vector<1x16xf32>
      tpu.vector_store %arg8[%swap3A_589, %swap3A_590], %swap3A_593 {add = true, strides = array<i32>} : memref<800x128xf32, #tpu.memory_space<vmem>>, vector<1x16xf32>,
      %get3A_594 = arith.index_cast %add3A_557 : i32 to index
      %get3A_595 = arith.constant 32 : index
      %get3A_596 = tpu.vector_load %arg9[%get3A_594, %get3A_595] {strides = array<i32>} : memref<200x128xf32, #tpu.memory_space<vmem>>, vector<1x16xf32>,
      %get3A_597 = vector.shape_cast %get3A_596 : vector<1x16xf32> to vector<16xf32>
      %add3A_598 = arith.constant 400 : i32
      %add3A_599 = arith.addi %add3A_598, %add3A_557 : i32
      %swap3A_600 = arith.index_cast %add3A_599 : i32 to index
      %swap3A_601 = arith.constant 32 : index
      %swap3A_602 = tpu.vector_load %arg8[%swap3A_600, %swap3A_601] {strides = array<i32>} : memref<800x128xf32, #tpu.memory_space<vmem>>, vector<1x16xf32>,
      %swap3A_603 = vector.shape_cast %swap3A_602 : vector<1x16xf32> to vector<16xf32>
      %swap3A_604 = vector.shape_cast %get3A_597 : vector<16xf32> to vector<1x16xf32>
      tpu.vector_store %arg8[%swap3A_600, %swap3A_601], %swap3A_604 {add = true, strides = array<i32>} : memref<800x128xf32, #tpu.memory_space<vmem>>, vector<1x16xf32>,
      %add3A_605 = arith.constant 600 : i32
      %add3A_606 = arith.addi %add3A_605, %add3A_557 : i32
      %swap3A_607 = arith.index_cast %add3A_606 : i32 to index
      %swap3A_608 = arith.constant 32 : index
      %swap3A_609 = tpu.vector_load %arg8[%swap3A_607, %swap3A_608] {strides = array<i32>} : memref<800x128xf32, #tpu.memory_space<vmem>>, vector<1x16xf32>,
      %swap3A_610 = vector.shape_cast %swap3A_609 : vector<1x16xf32> to vector<16xf32>
      %swap3A_611 = vector.shape_cast %get3A_597 : vector<16xf32> to vector<1x16xf32>
      tpu.vector_store %arg8[%swap3A_607, %swap3A_608], %swap3A_611 {add = true, strides = array<i32>} : memref<800x128xf32, #tpu.memory_space<vmem>>, vector<1x16xf32>,
      %get3A_612 = arith.index_cast %add3A_557 : i32 to index
      %get3A_613 = arith.constant 48 : index
      %get3A_614 = tpu.vector_load %arg9[%get3A_612, %get3A_613] {strides = array<i32>} : memref<200x128xf32, #tpu.memory_space<vmem>>, vector<1x16xf32>,
      %get3A_615 = vector.shape_cast %get3A_614 : vector<1x16xf32> to vector<16xf32>
      %add3A_616 = arith.constant 400 : i32
      %add3A_617 = arith.addi %add3A_616, %add3A_557 : i32
      %swap3A_618 = arith.index_cast %add3A_617 : i32 to index
      %swap3A_619 = arith.constant 48 : index
      %swap3A_620 = tpu.vector_load %arg8[%swap3A_618, %swap3A_619] {strides = array<i32>} : memref<800x128xf32, #tpu.memory_space<vmem>>, vector<1x16xf32>,
      %swap3A_621 = vector.shape_cast %swap3A_620 : vector<1x16xf32> to vector<16xf32>
      %swap3A_622 = vector.shape_cast %get3A_615 : vector<16xf32> to vector<1x16xf32>
      tpu.vector_store %arg8[%swap3A_618, %swap3A_619], %swap3A_622 {add = true, strides = array<i32>} : memref<800x128xf32, #tpu.memory_space<vmem>>, vector<1x16xf32>,
      %add3A_623 = arith.constant 600 : i32
      %add3A_624 = arith.addi %add3A_623, %add3A_557 : i32
      %swap3A_625 = arith.index_cast %add3A_624 : i32 to index
      %swap3A_626 = arith.constant 48 : index
      %swap3A_627 = tpu.vector_load %arg8[%swap3A_625, %swap3A_626] {strides = array<i32>} : memref<800x128xf32, #tpu.memory_space<vmem>>, vector<1x16xf32>,
      %swap3A_628 = vector.shape_cast %swap3A_627 : vector<1x16xf32> to vector<16xf32>
      %swap3A_629 = vector.shape_cast %get3A_615 : vector<16xf32> to vector<1x16xf32>
      tpu.vector_store %arg8[%swap3A_625, %swap3A_626], %swap3A_629 {add = true, strides = array<i32>} : memref<800x128xf32, #tpu.memory_space<vmem>>, vector<1x16xf32>,
      %get3A_630 = arith.index_cast %add3A_557 : i32 to index
      %get3A_631 = arith.constant 64 : index
      %get3A_632 = tpu.vector_load %arg9[%get3A_630, %get3A_631] {strides = array<i32>} : memref<200x128xf32, #tpu.memory_space<vmem>>, vector<1x16xf32>,
      %get3A_633 = vector.shape_cast %get3A_632 : vector<1x16xf32> to vector<16xf32>
      %add3A_634 = arith.constant 400 : i32
      %add3A_635 = arith.addi %add3A_634, %add3A_557 : i32
      %swap3A_636 = arith.index_cast %add3A_635 : i32 to index
      %swap3A_637 = arith.constant 64 : index
      %swap3A_638 = tpu.vector_load %arg8[%swap3A_636, %swap3A_637] {strides = array<i32>} : memref<800x128xf32, #tpu.memory_space<vmem>>, vector<1x16xf32>,
      %swap3A_639 = vector.shape_cast %swap3A_638 : vector<1x16xf32> to vector<16xf32>
      %swap3A_640 = vector.shape_cast %get3A_633 : vector<16xf32> to vector<1x16xf32>
      tpu.vector_store %arg8[%swap3A_636, %swap3A_637], %swap3A_640 {add = true, strides = array<i32>} : memref<800x128xf32, #tpu.memory_space<vmem>>, vector<1x16xf32>,
      %add3A_641 = arith.constant 600 : i32
      %add3A_642 = arith.addi %add3A_641, %add3A_557 : i32
      %swap3A_643 = arith.index_cast %add3A_642 : i32 to index
      %swap3A_644 = arith.constant 64 : index
      %swap3A_645 = tpu.vector_load %arg8[%swap3A_643, %swap3A_644] {strides = array<i32>} : memref<800x128xf32, #tpu.memory_space<vmem>>, vector<1x16xf32>,
      %swap3A_646 = vector.shape_cast %swap3A_645 : vector<1x16xf32> to vector<16xf32>
      %swap3A_647 = vector.shape_cast %get3A_633 : vector<16xf32> to vector<1x16xf32>
      tpu.vector_store %arg8[%swap3A_643, %swap3A_644], %swap3A_647 {add = true, strides = array<i32>} : memref<800x128xf32, #tpu.memory_space<vmem>>, vector<1x16xf32>,
      %get3A_648 = arith.index_cast %add3A_557 : i32 to index
      %get3A_649 = arith.constant 80 : index
      %get3A_650 = tpu.vector_load %arg9[%get3A_648, %get3A_649] {strides = array<i32>} : memref<200x128xf32, #tpu.memory_space<vmem>>, vector<1x16xf32>,
      %get3A_651 = vector.shape_cast %get3A_650 : vector<1x16xf32> to vector<16xf32>
      %add3A_652 = arith.constant 400 : i32
      %add3A_653 = arith.addi %add3A_652, %add3A_557 : i32
      %swap3A_654 = arith.index_cast %add3A_653 : i32 to index
      %swap3A_655 = arith.constant 80 : index
      %swap3A_656 = tpu.vector_load %arg8[%swap3A_654, %swap3A_655] {strides = array<i32>} : memref<800x128xf32, #tpu.memory_space<vmem>>, vector<1x16xf32>,
      %swap3A_657 = vector.shape_cast %swap3A_656 : vector<1x16xf32> to vector<16xf32>
      %swap3A_658 = vector.shape_cast %get3A_651 : vector<16xf32> to vector<1x16xf32>
      tpu.vector_store %arg8[%swap3A_654, %swap3A_655], %swap3A_658 {add = true, strides = array<i32>} : memref<800x128xf32, #tpu.memory_space<vmem>>, vector<1x16xf32>,
      %add3A_659 = arith.constant 600 : i32
      %add3A_660 = arith.addi %add3A_659, %add3A_557 : i32
      %swap3A_661 = arith.index_cast %add3A_660 : i32 to index
      %swap3A_662 = arith.constant 80 : index
      %swap3A_663 = tpu.vector_load %arg8[%swap3A_661, %swap3A_662] {strides = array<i32>} : memref<800x128xf32, #tpu.memory_space<vmem>>, vector<1x16xf32>,
      %swap3A_664 = vector.shape_cast %swap3A_663 : vector<1x16xf32> to vector<16xf32>
      %swap3A_665 = vector.shape_cast %get3A_651 : vector<16xf32> to vector<1x16xf32>
      tpu.vector_store %arg8[%swap3A_661, %swap3A_662], %swap3A_665 {add = true, strides = array<i32>} : memref<800x128xf32, #tpu.memory_space<vmem>>, vector<1x16xf32>,
      %get3A_666 = arith.index_cast %add3A_557 : i32 to index
      %get3A_667 = arith.constant 96 : index
      %get3A_668 = tpu.vector_load %arg9[%get3A_666, %get3A_667] {strides = array<i32>} : memref<200x128xf32, #tpu.memory_space<vmem>>, vector<1x16xf32>,
      %get3A_669 = vector.shape_cast %get3A_668 : vector<1x16xf32> to vector<16xf32>
      %add3A_670 = arith.constant 400 : i32
      %add3A_671 = arith.addi %add3A_670, %add3A_557 : i32
      %swap3A_672 = arith.index_cast %add3A_671 : i32 to index
      %swap3A_673 = arith.constant 96 : index
      %swap3A_674 = tpu.vector_load %arg8[%swap3A_672, %swap3A_673] {strides = array<i32>} : memref<800x128xf32, #tpu.memory_space<vmem>>, vector<1x16xf32>,
      %swap3A_675 = vector.shape_cast %swap3A_674 : vector<1x16xf32> to vector<16xf32>
      %swap3A_676 = vector.shape_cast %get3A_669 : vector<16xf32> to vector<1x16xf32>
      tpu.vector_store %arg8[%swap3A_672, %swap3A_673], %swap3A_676 {add = true, strides = array<i32>} : memref<800x128xf32, #tpu.memory_space<vmem>>, vector<1x16xf32>,
      %add3A_677 = arith.constant 600 : i32
      %add3A_678 = arith.addi %add3A_677, %add3A_557 : i32
      %swap3A_679 = arith.index_cast %add3A_678 : i32 to index
      %swap3A_680 = arith.constant 96 : index
      %swap3A_681 = tpu.vector_load %arg8[%swap3A_679, %swap3A_680] {strides = array<i32>} : memref<800x128xf32, #tpu.memory_space<vmem>>, vector<1x16xf32>,
      %swap3A_682 = vector.shape_cast %swap3A_681 : vector<1x16xf32> to vector<16xf32>
      %swap3A_683 = vector.shape_cast %get3A_669 : vector<16xf32> to vector<1x16xf32>
      tpu.vector_store %arg8[%swap3A_679, %swap3A_680], %swap3A_683 {add = true, strides = array<i32>} : memref<800x128xf32, #tpu.memory_space<vmem>>, vector<1x16xf32>,
      %get3A_684 = arith.index_cast %add3A_557 : i32 to index
      %get3A_685 = arith.constant 112 : index
      %get3A_686 = tpu.vector_load %arg9[%get3A_684, %get3A_685] {strides = array<i32>} : memref<200x128xf32, #tpu.memory_space<vmem>>, vector<1x16xf32>,
      %get3A_687 = vector.shape_cast %get3A_686 : vector<1x16xf32> to vector<16xf32>
      %add3A_688 = arith.constant 400 : i32
      %add3A_689 = arith.addi %add3A_688, %add3A_557 : i32
      %swap3A_690 = arith.index_cast %add3A_689 : i32 to index
      %swap3A_691 = arith.constant 112 : index
      %swap3A_692 = tpu.vector_load %arg8[%swap3A_690, %swap3A_691] {strides = array<i32>} : memref<800x128xf32, #tpu.memory_space<vmem>>, vector<1x16xf32>,
      %swap3A_693 = vector.shape_cast %swap3A_692 : vector<1x16xf32> to vector<16xf32>
      %swap3A_694 = vector.shape_cast %get3A_687 : vector<16xf32> to vector<1x16xf32>
      tpu.vector_store %arg8[%swap3A_690, %swap3A_691], %swap3A_694 {add = true, strides = array<i32>} : memref<800x128xf32, #tpu.memory_space<vmem>>, vector<1x16xf32>,
      %add3A_695 = arith.constant 600 : i32
      %add3A_696 = arith.addi %add3A_695, %add3A_557 : i32
      %swap3A_697 = arith.index_cast %add3A_696 : i32 to index
      %swap3A_698 = arith.constant 112 : index
      %swap3A_699 = tpu.vector_load %arg8[%swap3A_697, %swap3A_698] {strides = array<i32>} : memref<800x128xf32, #tpu.memory_space<vmem>>, vector<1x16xf32>,
      %swap3A_700 = vector.shape_cast %swap3A_699 : vector<1x16xf32> to vector<16xf32>
      %swap3A_701 = vector.shape_cast %get3A_687 : vector<16xf32> to vector<1x16xf32>
      tpu.vector_store %arg8[%swap3A_697, %swap3A_698], %swap3A_701 {add = true, strides = array<i32>} : memref<800x128xf32, #tpu.memory_space<vmem>>, vector<1x16xf32>,
      %add3A_702 = arith.constant 2 : i32
      %add3A_703 = arith.addi %mul3A_411, %add3A_702 : i32
      %get3A_704 = arith.index_cast %add3A_703 : i32 to index
      %get3A_705 = arith.constant 0 : index
      %get3A_706 = tpu.vector_load %arg9[%get3A_704, %get3A_705] {strides = array<i32>} : memref<200x128xf32, #tpu.memory_space<vmem>>, vector<1x16xf32>,
      %get3A_707 = vector.shape_cast %get3A_706 : vector<1x16xf32> to vector<16xf32>
      %add3A_708 = arith.constant 400 : i32
      %add3A_709 = arith.addi %add3A_708, %add3A_703 : i32
      %swap3A_710 = arith.index_cast %add3A_709 : i32 to index
      %swap3A_711 = arith.constant 0 : index
      %swap3A_712 = tpu.vector_load %arg8[%swap3A_710, %swap3A_711] {strides = array<i32>} : memref<800x128xf32, #tpu.memory_space<vmem>>, vector<1x16xf32>,
      %swap3A_713 = vector.shape_cast %swap3A_712 : vector<1x16xf32> to vector<16xf32>
      %swap3A_714 = vector.shape_cast %get3A_707 : vector<16xf32> to vector<1x16xf32>
      tpu.vector_store %arg8[%swap3A_710, %swap3A_711], %swap3A_714 {add = true, strides = array<i32>} : memref<800x128xf32, #tpu.memory_space<vmem>>, vector<1x16xf32>,
      %add3A_715 = arith.constant 600 : i32
      %add3A_716 = arith.addi %add3A_715, %add3A_703 : i32
      %swap3A_717 = arith.index_cast %add3A_716 : i32 to index
      %swap3A_718 = arith.constant 0 : index
      %swap3A_719 = tpu.vector_load %arg8[%swap3A_717, %swap3A_718] {strides = array<i32>} : memref<800x128xf32, #tpu.memory_space<vmem>>, vector<1x16xf32>,
      %swap3A_720 = vector.shape_cast %swap3A_719 : vector<1x16xf32> to vector<16xf32>
      %swap3A_721 = vector.shape_cast %get3A_707 : vector<16xf32> to vector<1x16xf32>
      tpu.vector_store %arg8[%swap3A_717, %swap3A_718], %swap3A_721 {add = true, strides = array<i32>} : memref<800x128xf32, #tpu.memory_space<vmem>>, vector<1x16xf32>,
      %get3A_722 = arith.index_cast %add3A_703 : i32 to index
      %get3A_723 = arith.constant 16 : index
      %get3A_724 = tpu.vector_load %arg9[%get3A_722, %get3A_723] {strides = array<i32>} : memref<200x128xf32, #tpu.memory_space<vmem>>, vector<1x16xf32>,
      %get3A_725 = vector.shape_cast %get3A_724 : vector<1x16xf32> to vector<16xf32>
      %add3A_726 = arith.constant 400 : i32
      %add3A_727 = arith.addi %add3A_726, %add3A_703 : i32
      %swap3A_728 = arith.index_cast %add3A_727 : i32 to index
      %swap3A_729 = arith.constant 16 : index
      %swap3A_730 = tpu.vector_load %arg8[%swap3A_728, %swap3A_729] {strides = array<i32>} : memref<800x128xf32, #tpu.memory_space<vmem>>, vector<1x16xf32>,
      %swap3A_731 = vector.shape_cast %swap3A_730 : vector<1x16xf32> to vector<16xf32>
      %swap3A_732 = vector.shape_cast %get3A_725 : vector<16xf32> to vector<1x16xf32>
      tpu.vector_store %arg8[%swap3A_728, %swap3A_729], %swap3A_732 {add = true, strides = array<i32>} : memref<800x128xf32, #tpu.memory_space<vmem>>, vector<1x16xf32>,
      %add3A_733 = arith.constant 600 : i32
      %add3A_734 = arith.addi %add3A_733, %add3A_703 : i32
      %swap3A_735 = arith.index_cast %add3A_734 : i32 to index
      %swap3A_736 = arith.constant 16 : index
      %swap3A_737 = tpu.vector_load %arg8[%swap3A_735, %swap3A_736] {strides = array<i32>} : memref<800x128xf32, #tpu.memory_space<vmem>>, vector<1x16xf32>,
      %swap3A_738 = vector.shape_cast %swap3A_737 : vector<1x16xf32> to vector<16xf32>
      %swap3A_739 = vector.shape_cast %get3A_725 : vector<16xf32> to vector<1x16xf32>
      tpu.vector_store %arg8[%swap3A_735, %swap3A_736], %swap3A_739 {add = true, strides = array<i32>} : memref<800x128xf32, #tpu.memory_space<vmem>>, vector<1x16xf32>,
      %get3A_740 = arith.index_cast %add3A_703 : i32 to index
      %get3A_741 = arith.constant 32 : index
      %get3A_742 = tpu.vector_load %arg9[%get3A_740, %get3A_741] {strides = array<i32>} : memref<200x128xf32, #tpu.memory_space<vmem>>, vector<1x16xf32>,
      %get3A_743 = vector.shape_cast %get3A_742 : vector<1x16xf32> to vector<16xf32>
      %add3A_744 = arith.constant 400 : i32
      %add3A_745 = arith.addi %add3A_744, %add3A_703 : i32
      %swap3A_746 = arith.index_cast %add3A_745 : i32 to index
      %swap3A_747 = arith.constant 32 : index
      %swap3A_748 = tpu.vector_load %arg8[%swap3A_746, %swap3A_747] {strides = array<i32>} : memref<800x128xf32, #tpu.memory_space<vmem>>, vector<1x16xf32>,
      %swap3A_749 = vector.shape_cast %swap3A_748 : vector<1x16xf32> to vector<16xf32>
      %swap3A_750 = vector.shape_cast %get3A_743 : vector<16xf32> to vector<1x16xf32>
      tpu.vector_store %arg8[%swap3A_746, %swap3A_747], %swap3A_750 {add = true, strides = array<i32>} : memref<800x128xf32, #tpu.memory_space<vmem>>, vector<1x16xf32>,
      %add3A_751 = arith.constant 600 : i32
      %add3A_752 = arith.addi %add3A_751, %add3A_703 : i32
      %swap3A_753 = arith.index_cast %add3A_752 : i32 to index
      %swap3A_754 = arith.constant 32 : index
      %swap3A_755 = tpu.vector_load %arg8[%swap3A_753, %swap3A_754] {strides = array<i32>} : memref<800x128xf32, #tpu.memory_space<vmem>>, vector<1x16xf32>,
      %swap3A_756 = vector.shape_cast %swap3A_755 : vector<1x16xf32> to vector<16xf32>
      %swap3A_757 = vector.shape_cast %get3A_743 : vector<16xf32> to vector<1x16xf32>
      tpu.vector_store %arg8[%swap3A_753, %swap3A_754], %swap3A_757 {add = true, strides = array<i32>} : memref<800x128xf32, #tpu.memory_space<vmem>>, vector<1x16xf32>,
      %get3A_758 = arith.index_cast %add3A_703 : i32 to index
      %get3A_759 = arith.constant 48 : index
      %get3A_760 = tpu.vector_load %arg9[%get3A_758, %get3A_759] {strides = array<i32>} : memref<200x128xf32, #tpu.memory_space<vmem>>, vector<1x16xf32>,
      %get3A_761 = vector.shape_cast %get3A_760 : vector<1x16xf32> to vector<16xf32>
      %add3A_762 = arith.constant 400 : i32
      %add3A_763 = arith.addi %add3A_762, %add3A_703 : i32
      %swap3A_764 = arith.index_cast %add3A_763 : i32 to index
      %swap3A_765 = arith.constant 48 : index
      %swap3A_766 = tpu.vector_load %arg8[%swap3A_764, %swap3A_765] {strides = array<i32>} : memref<800x128xf32, #tpu.memory_space<vmem>>, vector<1x16xf32>,
      %swap3A_767 = vector.shape_cast %swap3A_766 : vector<1x16xf32> to vector<16xf32>
      %swap3A_768 = vector.shape_cast %get3A_761 : vector<16xf32> to vector<1x16xf32>
      tpu.vector_store %arg8[%swap3A_764, %swap3A_765], %swap3A_768 {add = true, strides = array<i32>} : memref<800x128xf32, #tpu.memory_space<vmem>>, vector<1x16xf32>,
      %add3A_769 = arith.constant 600 : i32
      %add3A_770 = arith.addi %add3A_769, %add3A_703 : i32
      %swap3A_771 = arith.index_cast %add3A_770 : i32 to index
      %swap3A_772 = arith.constant 48 : index
      %swap3A_773 = tpu.vector_load %arg8[%swap3A_771, %swap3A_772] {strides = array<i32>} : memref<800x128xf32, #tpu.memory_space<vmem>>, vector<1x16xf32>,
      %swap3A_774 = vector.shape_cast %swap3A_773 : vector<1x16xf32> to vector<16xf32>
      %swap3A_775 = vector.shape_cast %get3A_761 : vector<16xf32> to vector<1x16xf32>
      tpu.vector_store %arg8[%swap3A_771, %swap3A_772], %swap3A_775 {add = true, strides = array<i32>} : memref<800x128xf32, #tpu.memory_space<vmem>>, vector<1x16xf32>,
      %get3A_776 = arith.index_cast %add3A_703 : i32 to index
      %get3A_777 = arith.constant 64 : index
      %get3A_778 = tpu.vector_load %arg9[%get3A_776, %get3A_777] {strides = array<i32>} : memref<200x128xf32, #tpu.memory_space<vmem>>, vector<1x16xf32>,
      %get3A_779 = vector.shape_cast %get3A_778 : vector<1x16xf32> to vector<16xf32>
      %add3A_780 = arith.constant 400 : i32
      %add3A_781 = arith.addi %add3A_780, %add3A_703 : i32
      %swap3A_782 = arith.index_cast %add3A_781 : i32 to index
      %swap3A_783 = arith.constant 64 : index
      %swap3A_784 = tpu.vector_load %arg8[%swap3A_782, %swap3A_783] {strides = array<i32>} : memref<800x128xf32, #tpu.memory_space<vmem>>, vector<1x16xf32>,
      %swap3A_785 = vector.shape_cast %swap3A_784 : vector<1x16xf32> to vector<16xf32>
      %swap3A_786 = vector.shape_cast %get3A_779 : vector<16xf32> to vector<1x16xf32>
      tpu.vector_store %arg8[%swap3A_782, %swap3A_783], %swap3A_786 {add = true, strides = array<i32>} : memref<800x128xf32, #tpu.memory_space<vmem>>, vector<1x16xf32>,
      %add3A_787 = arith.constant 600 : i32
      %add3A_788 = arith.addi %add3A_787, %add3A_703 : i32
      %swap3A_789 = arith.index_cast %add3A_788 : i32 to index
      %swap3A_790 = arith.constant 64 : index
      %swap3A_791 = tpu.vector_load %arg8[%swap3A_789, %swap3A_790] {strides = array<i32>} : memref<800x128xf32, #tpu.memory_space<vmem>>, vector<1x16xf32>,
      %swap3A_792 = vector.shape_cast %swap3A_791 : vector<1x16xf32> to vector<16xf32>
      %swap3A_793 = vector.shape_cast %get3A_779 : vector<16xf32> to vector<1x16xf32>
      tpu.vector_store %arg8[%swap3A_789, %swap3A_790], %swap3A_793 {add = true, strides = array<i32>} : memref<800x128xf32, #tpu.memory_space<vmem>>, vector<1x16xf32>,
      %get3A_794 = arith.index_cast %add3A_703 : i32 to index
      %get3A_795 = arith.constant 80 : index
      %get3A_796 = tpu.vector_load %arg9[%get3A_794, %get3A_795] {strides = array<i32>} : memref<200x128xf32, #tpu.memory_space<vmem>>, vector<1x16xf32>,
      %get3A_797 = vector.shape_cast %get3A_796 : vector<1x16xf32> to vector<16xf32>
      %add3A_798 = arith.constant 400 : i32
      %add3A_799 = arith.addi %add3A_798, %add3A_703 : i32
      %swap3A_800 = arith.index_cast %add3A_799 : i32 to index
      %swap3A_801 = arith.constant 80 : index
      %swap3A_802 = tpu.vector_load %arg8[%swap3A_800, %swap3A_801] {strides = array<i32>} : memref<800x128xf32, #tpu.memory_space<vmem>>, vector<1x16xf32>,
      %swap3A_803 = vector.shape_cast %swap3A_802 : vector<1x16xf32> to vector<16xf32>
      %swap3A_804 = vector.shape_cast %get3A_797 : vector<16xf32> to vector<1x16xf32>
      tpu.vector_store %arg8[%swap3A_800, %swap3A_801], %swap3A_804 {add = true, strides = array<i32>} : memref<800x128xf32, #tpu.memory_space<vmem>>, vector<1x16xf32>,
      %add3A_805 = arith.constant 600 : i32
      %add3A_806 = arith.addi %add3A_805, %add3A_703 : i32
      %swap3A_807 = arith.index_cast %add3A_806 : i32 to index
      %swap3A_808 = arith.constant 80 : index
      %swap3A_809 = tpu.vector_load %arg8[%swap3A_807, %swap3A_808] {strides = array<i32>} : memref<800x128xf32, #tpu.memory_space<vmem>>, vector<1x16xf32>,
      %swap3A_810 = vector.shape_cast %swap3A_809 : vector<1x16xf32> to vector<16xf32>
      %swap3A_811 = vector.shape_cast %get3A_797 : vector<16xf32> to vector<1x16xf32>
      tpu.vector_store %arg8[%swap3A_807, %swap3A_808], %swap3A_811 {add = true, strides = array<i32>} : memref<800x128xf32, #tpu.memory_space<vmem>>, vector<1x16xf32>,
      %get3A_812 = arith.index_cast %add3A_703 : i32 to index
      %get3A_813 = arith.constant 96 : index
      %get3A_814 = tpu.vector_load %arg9[%get3A_812, %get3A_813] {strides = array<i32>} : memref<200x128xf32, #tpu.memory_space<vmem>>, vector<1x16xf32>,
      %get3A_815 = vector.shape_cast %get3A_814 : vector<1x16xf32> to vector<16xf32>
      %add3A_816 = arith.constant 400 : i32
      %add3A_817 = arith.addi %add3A_816, %add3A_703 : i32
      %swap3A_818 = arith.index_cast %add3A_817 : i32 to index
      %swap3A_819 = arith.constant 96 : index
      %swap3A_820 = tpu.vector_load %arg8[%swap3A_818, %swap3A_819] {strides = array<i32>} : memref<800x128xf32, #tpu.memory_space<vmem>>, vector<1x16xf32>,
      %swap3A_821 = vector.shape_cast %swap3A_820 : vector<1x16xf32> to vector<16xf32>
      %swap3A_822 = vector.shape_cast %get3A_815 : vector<16xf32> to vector<1x16xf32>
      tpu.vector_store %arg8[%swap3A_818, %swap3A_819], %swap3A_822 {add = true, strides = array<i32>} : memref<800x128xf32, #tpu.memory_space<vmem>>, vector<1x16xf32>,
      %add3A_823 = arith.constant 600 : i32
      %add3A_824 = arith.addi %add3A_823, %add3A_703 : i32
      %swap3A_825 = arith.index_cast %add3A_824 : i32 to index
      %swap3A_826 = arith.constant 96 : index
      %swap3A_827 = tpu.vector_load %arg8[%swap3A_825, %swap3A_826] {strides = array<i32>} : memref<800x128xf32, #tpu.memory_space<vmem>>, vector<1x16xf32>,
      %swap3A_828 = vector.shape_cast %swap3A_827 : vector<1x16xf32> to vector<16xf32>
      %swap3A_829 = vector.shape_cast %get3A_815 : vector<16xf32> to vector<1x16xf32>
      tpu.vector_store %arg8[%swap3A_825, %swap3A_826], %swap3A_829 {add = true, strides = array<i32>} : memref<800x128xf32, #tpu.memory_space<vmem>>, vector<1x16xf32>,
      %get3A_830 = arith.index_cast %add3A_703 : i32 to index
      %get3A_831 = arith.constant 112 : index
      %get3A_832 = tpu.vector_load %arg9[%get3A_830, %get3A_831] {strides = array<i32>} : memref<200x128xf32, #tpu.memory_space<vmem>>, vector<1x16xf32>,
      %get3A_833 = vector.shape_cast %get3A_832 : vector<1x16xf32> to vector<16xf32>
      %add3A_834 = arith.constant 400 : i32
      %add3A_835 = arith.addi %add3A_834, %add3A_703 : i32
      %swap3A_836 = arith.index_cast %add3A_835 : i32 to index
      %swap3A_837 = arith.constant 112 : index
      %swap3A_838 = tpu.vector_load %arg8[%swap3A_836, %swap3A_837] {strides = array<i32>} : memref<800x128xf32, #tpu.memory_space<vmem>>, vector<1x16xf32>,
      %swap3A_839 = vector.shape_cast %swap3A_838 : vector<1x16xf32> to vector<16xf32>
      %swap3A_840 = vector.shape_cast %get3A_833 : vector<16xf32> to vector<1x16xf32>
      tpu.vector_store %arg8[%swap3A_836, %swap3A_837], %swap3A_840 {add = true, strides = array<i32>} : memref<800x128xf32, #tpu.memory_space<vmem>>, vector<1x16xf32>,
      %add3A_841 = arith.constant 600 : i32
      %add3A_842 = arith.addi %add3A_841, %add3A_703 : i32
      %swap3A_843 = arith.index_cast %add3A_842 : i32 to index
      %swap3A_844 = arith.constant 112 : index
      %swap3A_845 = tpu.vector_load %arg8[%swap3A_843, %swap3A_844] {strides = array<i32>} : memref<800x128xf32, #tpu.memory_space<vmem>>, vector<1x16xf32>,
      %swap3A_846 = vector.shape_cast %swap3A_845 : vector<1x16xf32> to vector<16xf32>
      %swap3A_847 = vector.shape_cast %get3A_833 : vector<16xf32> to vector<1x16xf32>
      tpu.vector_store %arg8[%swap3A_843, %swap3A_844], %swap3A_847 {add = true, strides = array<i32>} : memref<800x128xf32, #tpu.memory_space<vmem>>, vector<1x16xf32>,
      %add3A_848 = arith.constant 3 : i32
      %add3A_849 = arith.addi %mul3A_411, %add3A_848 : i32
      %get3A_850 = arith.index_cast %add3A_849 : i32 to index
      %get3A_851 = arith.constant 0 : index
      %get3A_852 = tpu.vector_load %arg9[%get3A_850, %get3A_851] {strides = array<i32>} : memref<200x128xf32, #tpu.memory_space<vmem>>, vector<1x16xf32>,
      %get3A_853 = vector.shape_cast %get3A_852 : vector<1x16xf32> to vector<16xf32>
      %add3A_854 = arith.constant 400 : i32
      %add3A_855 = arith.addi %add3A_854, %add3A_849 : i32
      %swap3A_856 = arith.index_cast %add3A_855 : i32 to index
      %swap3A_857 = arith.constant 0 : index
      %swap3A_858 = tpu.vector_load %arg8[%swap3A_856, %swap3A_857] {strides = array<i32>} : memref<800x128xf32, #tpu.memory_space<vmem>>, vector<1x16xf32>,
      %swap3A_859 = vector.shape_cast %swap3A_858 : vector<1x16xf32> to vector<16xf32>
      %swap3A_860 = vector.shape_cast %get3A_853 : vector<16xf32> to vector<1x16xf32>
      tpu.vector_store %arg8[%swap3A_856, %swap3A_857], %swap3A_860 {add = true, strides = array<i32>} : memref<800x128xf32, #tpu.memory_space<vmem>>, vector<1x16xf32>,
      %add3A_861 = arith.constant 600 : i32
      %add3A_862 = arith.addi %add3A_861, %add3A_849 : i32
      %swap3A_863 = arith.index_cast %add3A_862 : i32 to index
      %swap3A_864 = arith.constant 0 : index
      %swap3A_865 = tpu.vector_load %arg8[%swap3A_863, %swap3A_864] {strides = array<i32>} : memref<800x128xf32, #tpu.memory_space<vmem>>, vector<1x16xf32>,
      %swap3A_866 = vector.shape_cast %swap3A_865 : vector<1x16xf32> to vector<16xf32>
      %swap3A_867 = vector.shape_cast %get3A_853 : vector<16xf32> to vector<1x16xf32>
      tpu.vector_store %arg8[%swap3A_863, %swap3A_864], %swap3A_867 {add = true, strides = array<i32>} : memref<800x128xf32, #tpu.memory_space<vmem>>, vector<1x16xf32>,
      %get3A_868 = arith.index_cast %add3A_849 : i32 to index
      %get3A_869 = arith.constant 16 : index
      %get3A_870 = tpu.vector_load %arg9[%get3A_868, %get3A_869] {strides = array<i32>} : memref<200x128xf32, #tpu.memory_space<vmem>>, vector<1x16xf32>,
      %get3A_871 = vector.shape_cast %get3A_870 : vector<1x16xf32> to vector<16xf32>
      %add3A_872 = arith.constant 400 : i32
      %add3A_873 = arith.addi %add3A_872, %add3A_849 : i32
      %swap3A_874 = arith.index_cast %add3A_873 : i32 to index
      %swap3A_875 = arith.constant 16 : index
      %swap3A_876 = tpu.vector_load %arg8[%swap3A_874, %swap3A_875] {strides = array<i32>} : memref<800x128xf32, #tpu.memory_space<vmem>>, vector<1x16xf32>,
      %swap3A_877 = vector.shape_cast %swap3A_876 : vector<1x16xf32> to vector<16xf32>
      %swap3A_878 = vector.shape_cast %get3A_871 : vector<16xf32> to vector<1x16xf32>
      tpu.vector_store %arg8[%swap3A_874, %swap3A_875], %swap3A_878 {add = true, strides = array<i32>} : memref<800x128xf32, #tpu.memory_space<vmem>>, vector<1x16xf32>,
      %add3A_879 = arith.constant 600 : i32
      %add3A_880 = arith.addi %add3A_879, %add3A_849 : i32
      %swap3A_881 = arith.index_cast %add3A_880 : i32 to index
      %swap3A_882 = arith.constant 16 : index
      %swap3A_883 = tpu.vector_load %arg8[%swap3A_881, %swap3A_882] {strides = array<i32>} : memref<800x128xf32, #tpu.memory_space<vmem>>, vector<1x16xf32>,
      %swap3A_884 = vector.shape_cast %swap3A_883 : vector<1x16xf32> to vector<16xf32>
      %swap3A_885 = vector.shape_cast %get3A_871 : vector<16xf32> to vector<1x16xf32>
      tpu.vector_store %arg8[%swap3A_881, %swap3A_882], %swap3A_885 {add = true, strides = array<i32>} : memref<800x128xf32, #tpu.memory_space<vmem>>, vector<1x16xf32>,
      %get3A_886 = arith.index_cast %add3A_849 : i32 to index
      %get3A_887 = arith.constant 32 : index
      %get3A_888 = tpu.vector_load %arg9[%get3A_886, %get3A_887] {strides = array<i32>} : memref<200x128xf32, #tpu.memory_space<vmem>>, vector<1x16xf32>,
      %get3A_889 = vector.shape_cast %get3A_888 : vector<1x16xf32> to vector<16xf32>
      %add3A_890 = arith.constant 400 : i32
      %add3A_891 = arith.addi %add3A_890, %add3A_849 : i32
      %swap3A_892 = arith.index_cast %add3A_891 : i32 to index
      %swap3A_893 = arith.constant 32 : index
      %swap3A_894 = tpu.vector_load %arg8[%swap3A_892, %swap3A_893] {strides = array<i32>} : memref<800x128xf32, #tpu.memory_space<vmem>>, vector<1x16xf32>,
      %swap3A_895 = vector.shape_cast %swap3A_894 : vector<1x16xf32> to vector<16xf32>
      %swap3A_896 = vector.shape_cast %get3A_889 : vector<16xf32> to vector<1x16xf32>
      tpu.vector_store %arg8[%swap3A_892, %swap3A_893], %swap3A_896 {add = true, strides = array<i32>} : memref<800x128xf32, #tpu.memory_space<vmem>>, vector<1x16xf32>,
      %add3A_897 = arith.constant 600 : i32
      %add3A_898 = arith.addi %add3A_897, %add3A_849 : i32
      %swap3A_899 = arith.index_cast %add3A_898 : i32 to index
      %swap3A_900 = arith.constant 32 : index
      %swap3A_901 = tpu.vector_load %arg8[%swap3A_899, %swap3A_900] {strides = array<i32>} : memref<800x128xf32, #tpu.memory_space<vmem>>, vector<1x16xf32>,
      %swap3A_902 = vector.shape_cast %swap3A_901 : vector<1x16xf32> to vector<16xf32>
      %swap3A_903 = vector.shape_cast %get3A_889 : vector<16xf32> to vector<1x16xf32>
      tpu.vector_store %arg8[%swap3A_899, %swap3A_900], %swap3A_903 {add = true, strides = array<i32>} : memref<800x128xf32, #tpu.memory_space<vmem>>, vector<1x16xf32>,
      %get3A_904 = arith.index_cast %add3A_849 : i32 to index
      %get3A_905 = arith.constant 48 : index
      %get3A_906 = tpu.vector_load %arg9[%get3A_904, %get3A_905] {strides = array<i32>} : memref<200x128xf32, #tpu.memory_space<vmem>>, vector<1x16xf32>,
      %get3A_907 = vector.shape_cast %get3A_906 : vector<1x16xf32> to vector<16xf32>
      %add3A_908 = arith.constant 400 : i32
      %add3A_909 = arith.addi %add3A_908, %add3A_849 : i32
      %swap3A_910 = arith.index_cast %add3A_909 : i32 to index
      %swap3A_911 = arith.constant 48 : index
      %swap3A_912 = tpu.vector_load %arg8[%swap3A_910, %swap3A_911] {strides = array<i32>} : memref<800x128xf32, #tpu.memory_space<vmem>>, vector<1x16xf32>,
      %swap3A_913 = vector.shape_cast %swap3A_912 : vector<1x16xf32> to vector<16xf32>
      %swap3A_914 = vector.shape_cast %get3A_907 : vector<16xf32> to vector<1x16xf32>
      tpu.vector_store %arg8[%swap3A_910, %swap3A_911], %swap3A_914 {add = true, strides = array<i32>} : memref<800x128xf32, #tpu.memory_space<vmem>>, vector<1x16xf32>,
      %add3A_915 = arith.constant 600 : i32
      %add3A_916 = arith.addi %add3A_915, %add3A_849 : i32
      %swap3A_917 = arith.index_cast %add3A_916 : i32 to index
      %swap3A_918 = arith.constant 48 : index
      %swap3A_919 = tpu.vector_load %arg8[%swap3A_917, %swap3A_918] {strides = array<i32>} : memref<800x128xf32, #tpu.memory_space<vmem>>, vector<1x16xf32>,
      %swap3A_920 = vector.shape_cast %swap3A_919 : vector<1x16xf32> to vector<16xf32>
      %swap3A_921 = vector.shape_cast %get3A_907 : vector<16xf32> to vector<1x16xf32>
      tpu.vector_store %arg8[%swap3A_917, %swap3A_918], %swap3A_921 {add = true, strides = array<i32>} : memref<800x128xf32, #tpu.memory_space<vmem>>, vector<1x16xf32>,
      %get3A_922 = arith.index_cast %add3A_849 : i32 to index
      %get3A_923 = arith.constant 64 : index
      %get3A_924 = tpu.vector_load %arg9[%get3A_922, %get3A_923] {strides = array<i32>} : memref<200x128xf32, #tpu.memory_space<vmem>>, vector<1x16xf32>,
      %get3A_925 = vector.shape_cast %get3A_924 : vector<1x16xf32> to vector<16xf32>
      %add3A_926 = arith.constant 400 : i32
      %add3A_927 = arith.addi %add3A_926, %add3A_849 : i32
      %swap3A_928 = arith.index_cast %add3A_927 : i32 to index
      %swap3A_929 = arith.constant 64 : index
      %swap3A_930 = tpu.vector_load %arg8[%swap3A_928, %swap3A_929] {strides = array<i32>} : memref<800x128xf32, #tpu.memory_space<vmem>>, vector<1x16xf32>,
      %swap3A_931 = vector.shape_cast %swap3A_930 : vector<1x16xf32> to vector<16xf32>
      %swap3A_932 = vector.shape_cast %get3A_925 : vector<16xf32> to vector<1x16xf32>
      tpu.vector_store %arg8[%swap3A_928, %swap3A_929], %swap3A_932 {add = true, strides = array<i32>} : memref<800x128xf32, #tpu.memory_space<vmem>>, vector<1x16xf32>,
      %add3A_933 = arith.constant 600 : i32
      %add3A_934 = arith.addi %add3A_933, %add3A_849 : i32
      %swap3A_935 = arith.index_cast %add3A_934 : i32 to index
      %swap3A_936 = arith.constant 64 : index
      %swap3A_937 = tpu.vector_load %arg8[%swap3A_935, %swap3A_936] {strides = array<i32>} : memref<800x128xf32, #tpu.memory_space<vmem>>, vector<1x16xf32>,
      %swap3A_938 = vector.shape_cast %swap3A_937 : vector<1x16xf32> to vector<16xf32>
      %swap3A_939 = vector.shape_cast %get3A_925 : vector<16xf32> to vector<1x16xf32>
      tpu.vector_store %arg8[%swap3A_935, %swap3A_936], %swap3A_939 {add = true, strides = array<i32>} : memref<800x128xf32, #tpu.memory_space<vmem>>, vector<1x16xf32>,
      %get3A_940 = arith.index_cast %add3A_849 : i32 to index
      %get3A_941 = arith.constant 80 : index
      %get3A_942 = tpu.vector_load %arg9[%get3A_940, %get3A_941] {strides = array<i32>} : memref<200x128xf32, #tpu.memory_space<vmem>>, vector<1x16xf32>,
      %get3A_943 = vector.shape_cast %get3A_942 : vector<1x16xf32> to vector<16xf32>
      %add3A_944 = arith.constant 400 : i32
      %add3A_945 = arith.addi %add3A_944, %add3A_849 : i32
      %swap3A_946 = arith.index_cast %add3A_945 : i32 to index
      %swap3A_947 = arith.constant 80 : index
      %swap3A_948 = tpu.vector_load %arg8[%swap3A_946, %swap3A_947] {strides = array<i32>} : memref<800x128xf32, #tpu.memory_space<vmem>>, vector<1x16xf32>,
      %swap3A_949 = vector.shape_cast %swap3A_948 : vector<1x16xf32> to vector<16xf32>
      %swap3A_950 = vector.shape_cast %get3A_943 : vector<16xf32> to vector<1x16xf32>
      tpu.vector_store %arg8[%swap3A_946, %swap3A_947], %swap3A_950 {add = true, strides = array<i32>} : memref<800x128xf32, #tpu.memory_space<vmem>>, vector<1x16xf32>,
      %add3A_951 = arith.constant 600 : i32
      %add3A_952 = arith.addi %add3A_951, %add3A_849 : i32
      %swap3A_953 = arith.index_cast %add3A_952 : i32 to index
      %swap3A_954 = arith.constant 80 : index
      %swap3A_955 = tpu.vector_load %arg8[%swap3A_953, %swap3A_954] {strides = array<i32>} : memref<800x128xf32, #tpu.memory_space<vmem>>, vector<1x16xf32>,
      %swap3A_956 = vector.shape_cast %swap3A_955 : vector<1x16xf32> to vector<16xf32>
      %swap3A_957 = vector.shape_cast %get3A_943 : vector<16xf32> to vector<1x16xf32>
      tpu.vector_store %arg8[%swap3A_953, %swap3A_954], %swap3A_957 {add = true, strides = array<i32>} : memref<800x128xf32, #tpu.memory_space<vmem>>, vector<1x16xf32>,
      %get3A_958 = arith.index_cast %add3A_849 : i32 to index
      %get3A_959 = arith.constant 96 : index
      %get3A_960 = tpu.vector_load %arg9[%get3A_958, %get3A_959] {strides = array<i32>} : memref<200x128xf32, #tpu.memory_space<vmem>>, vector<1x16xf32>,
      %get3A_961 = vector.shape_cast %get3A_960 : vector<1x16xf32> to vector<16xf32>
      %add3A_962 = arith.constant 400 : i32
      %add3A_963 = arith.addi %add3A_962, %add3A_849 : i32
      %swap3A_964 = arith.index_cast %add3A_963 : i32 to index
      %swap3A_965 = arith.constant 96 : index
      %swap3A_966 = tpu.vector_load %arg8[%swap3A_964, %swap3A_965] {strides = array<i32>} : memref<800x128xf32, #tpu.memory_space<vmem>>, vector<1x16xf32>,
      %swap3A_967 = vector.shape_cast %swap3A_966 : vector<1x16xf32> to vector<16xf32>
      %swap3A_968 = vector.shape_cast %get3A_961 : vector<16xf32> to vector<1x16xf32>
      tpu.vector_store %arg8[%swap3A_964, %swap3A_965], %swap3A_968 {add = true, strides = array<i32>} : memref<800x128xf32, #tpu.memory_space<vmem>>, vector<1x16xf32>,
      %add3A_969 = arith.constant 600 : i32
      %add3A_970 = arith.addi %add3A_969, %add3A_849 : i32
      %swap3A_971 = arith.index_cast %add3A_970 : i32 to index
      %swap3A_972 = arith.constant 96 : index
      %swap3A_973 = tpu.vector_load %arg8[%swap3A_971, %swap3A_972] {strides = array<i32>} : memref<800x128xf32, #tpu.memory_space<vmem>>, vector<1x16xf32>,
      %swap3A_974 = vector.shape_cast %swap3A_973 : vector<1x16xf32> to vector<16xf32>
      %swap3A_975 = vector.shape_cast %get3A_961 : vector<16xf32> to vector<1x16xf32>
      tpu.vector_store %arg8[%swap3A_971, %swap3A_972], %swap3A_975 {add = true, strides = array<i32>} : memref<800x128xf32, #tpu.memory_space<vmem>>, vector<1x16xf32>,
      %get3A_976 = arith.index_cast %add3A_849 : i32 to index
      %get3A_977 = arith.constant 112 : index
      %get3A_978 = tpu.vector_load %arg9[%get3A_976, %get3A_977] {strides = array<i32>} : memref<200x128xf32, #tpu.memory_space<vmem>>, vector<1x16xf32>,
      %get3A_979 = vector.shape_cast %get3A_978 : vector<1x16xf32> to vector<16xf32>
      %add3A_980 = arith.constant 400 : i32
      %add3A_981 = arith.addi %add3A_980, %add3A_849 : i32
      %swap3A_982 = arith.index_cast %add3A_981 : i32 to index
      %swap3A_983 = arith.constant 112 : index
      %swap3A_984 = tpu.vector_load %arg8[%swap3A_982, %swap3A_983] {strides = array<i32>} : memref<800x128xf32, #tpu.memory_space<vmem>>, vector<1x16xf32>,
      %swap3A_985 = vector.shape_cast %swap3A_984 : vector<1x16xf32> to vector<16xf32>
      %swap3A_986 = vector.shape_cast %get3A_979 : vector<16xf32> to vector<1x16xf32>
      tpu.vector_store %arg8[%swap3A_982, %swap3A_983], %swap3A_986 {add = true, strides = array<i32>} : memref<800x128xf32, #tpu.memory_space<vmem>>, vector<1x16xf32>,
      %add3A_987 = arith.constant 600 : i32
      %add3A_988 = arith.addi %add3A_987, %add3A_849 : i32
      %swap3A_989 = arith.index_cast %add3A_988 : i32 to index
      %swap3A_990 = arith.constant 112 : index
      %swap3A_991 = tpu.vector_load %arg8[%swap3A_989, %swap3A_990] {strides = array<i32>} : memref<800x128xf32, #tpu.memory_space<vmem>>, vector<1x16xf32>,
      %swap3A_992 = vector.shape_cast %swap3A_991 : vector<1x16xf32> to vector<16xf32>
      %swap3A_993 = vector.shape_cast %get3A_979 : vector<16xf32> to vector<1x16xf32>
      tpu.vector_store %arg8[%swap3A_989, %swap3A_990], %swap3A_993 {add = true, strides = array<i32>} : memref<800x128xf32, #tpu.memory_space<vmem>>, vector<1x16xf32>,
    }
    %scan3A_372 = arith.constant 50 : i32
    %add3A_373 = arith.constant 6000 : i32
    %add3A_374 = arith.addi %mul3A_2, %add3A_373 : i32
    %dma_start3A_375 = arith.constant 400 : i32
    %dma_start3A_376 = arith.constant 0 : i32
    %dma_start3A_377 = tpu.memref_slice %arg8[%dma_start3A_375, %dma_start3A_376] : memref<800x128xf32, #tpu.memory_space<vmem>> -> memref<400x128xf32, #tpu.memory_space<vmem>>
    %dma_start3A_378 = arith.constant 0 : i32
    %dma_start3A_379 = tpu.memref_slice %arg5[%add3A_374, %dma_start3A_378] : memref<204800x128xf32, #tpu.memory_space<hbm>> -> memref<400x128xf32, #tpu.memory_space<hbm>>
    %dma_start3A_380 = arith.constant 0 : i32
    %dma_start3A_381 = tpu.memref_slice %arg5[%add3A_374, %dma_start3A_380] : memref<204800x128xf32, #tpu.memory_space<hbm>> -> memref<400x128xf32, #tpu.memory_space<hbm>>
    %dma_start3A_382 = arith.constant 400 : i32
    %dma_start3A_383 = arith.constant 0 : i32
    %dma_start3A_384 = tpu.memref_slice %arg8[%dma_start3A_382, %dma_start3A_383] : memref<800x128xf32, #tpu.memory_space<vmem>> -> memref<400x128xf32, #tpu.memory_space<vmem>>
    tpu.enqueue_dma source(%dma_start3A_384 : memref<400x128xf32, #tpu.memory_space<vmem>>) target(%dma_start3A_381 : memref<400x128xf32, #tpu.memory_space<hbm>>) target_semaphore(%arg14 : memref<!tpu.dma_semaphore, #tpu.memory_space<semaphore_mem>>)
    %add3A_385 = arith.constant 5600 : i32
    %add3A_386 = arith.addi %mul3A_2, %add3A_385 : i32
    %dma_wait3A_387 = arith.constant 0 : i32
    %dma_wait3A_388 = arith.constant 0 : i32
    %dma_wait3A_389 = tpu.memref_slice %arg8[%dma_wait3A_387, %dma_wait3A_388] : memref<800x128xf32, #tpu.memory_space<vmem>> -> memref<400x128xf32, #tpu.memory_space<vmem>>
    %dma_wait3A_390 = arith.constant 0 : i32
    %dma_wait3A_391 = tpu.memref_slice %arg5[%add3A_386, %dma_wait3A_390] : memref<204800x128xf32, #tpu.memory_space<hbm>> -> memref<400x128xf32, #tpu.memory_space<hbm>>
    %dma_wait3A_392 = arith.constant 0 : i32
    %dma_wait3A_393 = tpu.memref_slice %arg5[%add3A_386, %dma_wait3A_392] : memref<204800x128xf32, #tpu.memory_space<hbm>> -> memref<400x128xf32, #tpu.memory_space<hbm>>
    %dma_wait3A_394 = arith.constant 0 : i32
    %dma_wait3A_395 = arith.constant 0 : i32
    %dma_wait3A_396 = tpu.memref_slice %arg8[%dma_wait3A_394, %dma_wait3A_395] : memref<800x128xf32, #tpu.memory_space<vmem>> -> memref<400x128xf32, #tpu.memory_space<vmem>>
    tpu.wait_dma2 semaphore(%arg13 : memref<!tpu.dma_semaphore, #tpu.memory_space<semaphore_mem>>) src(%dma_wait3A_396 : memref<400x128xf32, #tpu.memory_space<vmem>>) dst(%dma_wait3A_393 : memref<400x128xf32, #tpu.memory_space<hbm>>)
    %add3A_397 = arith.constant 6000 : i32
    %add3A_398 = arith.addi %mul3A_2, %add3A_397 : i32
    %dma_wait3A_399 = arith.constant 400 : i32
    %dma_wait3A_400 = arith.constant 0 : i32
    %dma_wait3A_401 = tpu.memref_slice %arg8[%dma_wait3A_399, %dma_wait3A_400] : memref<800x128xf32, #tpu.memory_space<vmem>> -> memref<400x128xf32, #tpu.memory_space<vmem>>
    %dma_wait3A_402 = arith.constant 0 : i32
    %dma_wait3A_403 = tpu.memref_slice %arg5[%add3A_398, %dma_wait3A_402] : memref<204800x128xf32, #tpu.memory_space<hbm>> -> memref<400x128xf32, #tpu.memory_space<hbm>>
    %dma_wait3A_404 = arith.constant 0 : i32
    %dma_wait3A_405 = tpu.memref_slice %arg5[%add3A_398, %dma_wait3A_404] : memref<204800x128xf32, #tpu.memory_space<hbm>> -> memref<400x128xf32, #tpu.memory_space<hbm>>
    %dma_wait3A_406 = arith.constant 400 : i32
    %dma_wait3A_407 = arith.constant 0 : i32
    %dma_wait3A_408 = tpu.memref_slice %arg8[%dma_wait3A_406, %dma_wait3A_407] : memref<800x128xf32, #tpu.memory_space<vmem>> -> memref<400x128xf32, #tpu.memory_space<vmem>>
    tpu.wait_dma2 semaphore(%arg14 : memref<!tpu.dma_semaphore, #tpu.memory_space<semaphore_mem>>) src(%dma_wait3A_408 : memref<400x128xf32, #tpu.memory_space<vmem>>) dst(%dma_wait3A_405 : memref<400x128xf32, #tpu.memory_space<hbm>>)
    return
  }
}

</mosaic_0001>

<sc_bundles>
// kernel: kernel.3.cloned.1.call-start
scs
__scs_entry_jumppad:
0x0: {  	(pc) =	sbr.rel $0x88, $3  }
0x1: {  	(tag) =	ssettag $0x0;
	lr =	simm.s32 $0x1  }
0x2: {  	[smem:$0x3F9E] =	sst lr;
	_ =	strace $0xD0000000  }
0x3: {  	_ = 	snop  }
0x4: {  	_ = 	snop  }
0x5: {  	_ = 	snop  }
0x6: {  	_ = 	snop  }
0x7: {  	_ = 	snop  }
__scs_overlays_trampoline_lowered:
0x8: {  	[smem:$0x3FAD] =	sst s0  }
0x9: {  	[smem:$0x3FAE] =	sst s1  }
0xa: {  	[smem:$0x3FAF] =	sst s2  }
0xb: {  	[smem:$0x3FB0] =	sst s3  }
0xc: {  	[smem:$0x3FB1] =	sst s4  }
0xd: {  	[smem:$0x3FB2] =	sst s5  }
0xe: {  	[smem:$0x3FB3] =	sst s6  }
0xf: {  	[smem:$0x3FB4] =	sst s7  }
0x10: {  	[smem:$0x3FB5] =	sst s8  }
0x11: {  	[smem:$0x3FB6] =	sst s9;
	s0 =	simm.s32 @!p0 $0x0  }
0x12: {  	s1 =	sld [smem:$0x3F9C];
	s0 =	simm.s32 @p0 $0x1  }
0x13: {  	[smem:$0x3FB7] =	sst s0;
	s0 =	simm.s32 @!p1 $0x0  }
0x14: {  	s2 =	sld [smem:$0x3F9B];
	s0 =	simm.s32 @p1 $0x1  }
0x15: {  	[smem:$0x3FB8] =	sst s0;
	s0 =	simm.s32 @!p2 $0x0  }
0x16: {  	s3 =	sld [smem:$0x3FDB];
	s0 =	simm.s32 @p2 $0x1  }
0x17: {  	s4 =	simm.s32 $0x1BF5;
	[smem:$0x3FBA] =	sst s0  }
0x18: {  	s0 =	sld [smem:$0x3F9D];
	_ =	swait.ge [sflag:s4], $0x0  }
0x19: {  	s7 =	sld [smem:$0x3F9E]  }
0x1a: {  	s8 =	sadd.s32 $0xFFFFE003, lr  }
0x1b: {  	s9 =	sadd.s32 $0xFFFFFEF7, lr;
	s5 =	simm.s32 $0xFFFFFFFF;
	p2 =	slt.u32 s8, $0xFFFFF086  }
0x1c: {  	p1 =	slt.u32 s9, $0xF7A;
	s5 =	simm.s32 @!p2 $0x0  }
0x1d: {  	s5 =	simm.s32 @p1 $0x1;
	p0 =	seq.s32 s7, s2  }
0x1e: {  	s7 =	smul.u32 @!p0 $0xF7A, s2;
	p2 =	seq.s32 @!p0 s5, $0x0  }
0x1f: {  	s9 =	smul.u32 $0xF7A, s1;
	s8 =	simm.s32 @!p0 $0x1BF5;
	p2 =	por !p2, p0  }
0x20: {  	[sflag:s8] =	ssyncset.s32 @!p0 $0xFFFFF086;
	s6 =	sadd.s32 @!p0 s3, s7;
	s7 =	simm.s32 @!p0 $0x108  }
0x21: {  	s3 =	sadd.s32 s3, s9;
	s6 =	sadd.s32 @!p0 $0x88, s6;
	s7 =	simm.s32 @p2 $0x1082  }
0x22: {  	[simem:s7], [sflag:s8] =	dma.local @!p0 [hbm:s6], $0xF7A  }
0x23: {  	s9 =	sor.u32 $0xD0000000, s2;
	s6 =	simm.s32 $0x108;
	_ =	swait.ge @!p0 [sflag:s8], $0x0  }
0x24: {  	s3 =	sadd.s32 $0x88, s3;
	s6 =	simm.s32 @!p1 $0x1082;
	[sflag:s4] =	ssyncset.s32 $0xFFFFF086  }
0x25: {  	[simem:s6], [sflag:s4] =	dma.local [hbm:s3], $0xF7A  }
0x26: {  	[smem:$0x3F9E] =	sst s1;
	(tag) =	ssettag s2;
	_ =	strace s9  }
0x27: {  	s1 =	sld [smem:$0x3FAE]  }
0x28: {  	s2 =	sld [smem:$0x3FAF]  }
0x29: {  	s4 =	sld [smem:$0x3FB1]  }
0x2a: {  	p0 =	seq.s32 s5, $0x0;
	s5 =	sld [smem:$0x3FB2]  }
0x2b: {  	s6 =	sld [smem:$0x3FB3]  }
0x2c: {  	s7 =	sld [smem:$0x3FB4]  }
0x2d: {  	s3 =	simm.s32 $0x108;
	s8 =	sld [smem:$0x3FB5]  }
0x2e: {  	s3 =	simm.s32 @!p0 $0x1082;
	s9 =	sld [smem:$0x3FB6]  }
0x2f: {  	lr =	sadd.s32 s0, s3;
	s0 =	sld [smem:$0x3FAD]  }
0x30: {  	s3 =	sld [smem:$0x3FB0]  }
0x31: {  	[smem:$0x3FB9] =	sst s10  }
0x32: {  	s10 =	sld [smem:$0x3FB7];
	_ =	sdelay $0x3  }
0x33: {  	p0 =	seq.s32 s10, $0x1;
	s10 =	sld [smem:$0x3FB9];
	_ =	sdelay $0x3  }
0x34: {  	[smem:$0x3FB9] =	sst s10  }
0x35: {  	s10 =	sld [smem:$0x3FB8];
	_ =	sdelay $0x3  }
0x36: {  	p1 =	seq.s32 s10, $0x1;
	s10 =	sld [smem:$0x3FB9];
	_ =	sdelay $0x3  }
0x37: {  	[smem:$0x3FB9] =	sst s10  }
0x38: {  	s10 =	sld [smem:$0x3FBA]  }
0x39: {  	_ = 	snop;
	(pc) =	sbr.ind lr, $3  }
0x3a: {  	_ = 	snop  }
0x3b: {  	_ = 	snop  }
0x3c: {  	p2 =	seq.s32 s10, $0x1;
	s10 =	sld [smem:$0x3FB9]  }
0x3d: {  	_ =	shalt  }
0x3e: {  	_ =	shalt  }
0x3f: {  	_ =	shalt  }
0x40: {  	_ =	shalt  }
0x41: {  	_ =	shalt  }
0x42: {  	_ =	shalt  }
0x43: {  	_ =	shalt  }
0x44: {  	_ =	shalt  }
0x45: {  	_ =	shalt  }
0x46: {  	_ =	shalt  }
0x47: {  	_ =	shalt  }
0x48: {  	_ =	shalt  }
0x49: {  	_ =	shalt  }
0x4a: {  	_ =	shalt  }
0x4b: {  	_ =	shalt  }
0x4c: {  	_ =	shalt  }
0x4d: {  	_ =	shalt  }
0x4e: {  	_ =	shalt  }
0x4f: {  	_ =	shalt  }
0x50: {  	_ =	shalt  }
0x51: {  	_ =	shalt  }
0x52: {  	_ =	shalt  }
0x53: {  	_ =	shalt  }
0x54: {  	_ =	shalt  }
0x55: {  	_ =	shalt  }
0x56: {  	_ =	shalt  }
0x57: {  	_ =	shalt  }
0x58: {  	_ =	shalt  }
0x59: {  	_ =	shalt  }
0x5a: {  	_ =	shalt  }
0x5b: {  	_ =	shalt  }
0x5c: {  	_ =	shalt  }
0x5d: {  	_ =	shalt  }
0x5e: {  	_ =	shalt  }
0x5f: {  	_ =	shalt  }
0x60: {  	_ =	shalt  }
0x61: {  	_ =	shalt  }
0x62: {  	_ =	shalt  }
0x63: {  	_ =	shalt  }
0x64: {  	_ =	shalt  }
0x65: {  	_ =	shalt  }
0x66: {  	_ =	shalt  }
0x67: {  	_ =	shalt  }
0x68: {  	_ =	shalt  }
0x69: {  	_ =	shalt  }
0x6a: {  	_ =	shalt  }
0x6b: {  	_ =	shalt  }
0x6c: {  	_ =	shalt  }
0x6d: {  	_ =	shalt  }
0x6e: {  	_ =	shalt  }
0x6f: {  	_ =	shalt  }
0x70: {  	_ =	shalt  }
0x71: {  	_ =	shalt  }
0x72: {  	_ =	shalt  }
0x73: {  	_ =	shalt  }
0x74: {  	_ =	shalt  }
0x75: {  	_ =	shalt  }
0x76: {  	_ =	shalt  }
0x77: {  	_ =	shalt  }
0x78: {  	_ =	shalt  }
0x79: {  	_ =	shalt  }
0x7a: {  	_ =	shalt  }
0x7b: {  	_ =	shalt  }
0x7c: {  	_ =	shalt  }
0x7d: {  	_ =	shalt  }
0x7e: {  	_ =	shalt  }
0x7f: {  	_ =	shalt  }
0x80: {  	_ =	shalt  }
0x81: {  	_ =	shalt  }
0x82: {  	_ =	shalt  }
0x83: {  	_ =	shalt  }
0x84: {  	_ =	shalt  }
0x85: {  	_ =	shalt  }
0x86: {  	_ =	shalt  }
0x87: {  	_ =	shalt  }
.Lfunc_end0:
.L_simem_size_0:
called_computation_lowered:
.L_overlay_start_0:
0x88: {  	s2 =	sld [smem:$0x3FD9]  }
0x89: {  	s3 =	sld [smem:$0x3FFE];
	_ =	sdelay $0x1  }
0x8a: {  	s1 =	srdreg.scid  }
0x8b: {  	s0 =	sand.u32 $0x1, s1  }
0x8c: {  	s17 =	sshll.u32 s0, $0xA;
	s2 =	sadd.s32 s3, s2  }
0x8d: {  	s2 =	sadd.s32 s2, s17  }
0x8e: {  	[smem:$0x3FC5] =	sst s2  }
0x8f: {  	_ = 	snop  }
0x90: {  	s2 =	sld [smem:$0x3FC8]  }
0x91: {  	s18 =	sld [smem:$0x3FC7]  }
0x92: {  	s4 =	sld [smem:$0x3FD0];
	(tm) =	ssettm $0x1  }
0x93: {  	s5 =	sld [smem:$0x3FFB];
	_ =	sdelay $0x3  }
0x94: {  	_ =	strace s5  }
0x95: {  	s5 =	sld [smem:$0x3FFC];
	_ =	sdelay $0x3  }
0x96: {  	_ =	strace s5  }
0x97: {  	s5 =	sld [smem:$0x3FFD];
	_ =	sdelay $0x3  }
0x98: {  	_ =	strace s5  }
0x99: {  	_ =	strace $0x8FFFFFFF  }
0x9a: {  	s19 =	sld [smem:$0x3FDB];
	_ =	sdelay $0x1  }
0x9b: {  	s6 =	simm.s32 $_scs_section_size  }
0x9c: {  	s7 =	simm.s32 $_size__tile_overlayer_lowered;
	s8 =	simm.s32 $_tile_overlayer_lowered  }
0x9d: {  	s22 =	simm.s32 $0x1BFF;
	s21 =	sshll.u32 s8, $0x1;
	s5 =	sadd.s32 s6, s19  }
0x9e: {  	s9 =	simm.s32 $0x0;
	s20 =	sshll.u32 s7, $0x1;
	s7 =	sadd.s32 s21, s5  }
0x9f: {  	[timem:s9], [sflag:s22] =	dma.local [hbm:s7], s20  }
0xa0: {  	_ =	swait.ge [sflag:s22], s20  }
0xa1: {  	s6 =	ssub.s32 $0x0, s20;
	[sflag:s22] =	ssyncset.done $0x0  }
0xa2: {  	[sflag:s22] =	ssyncadd.s32 s6;
	_ =	sdelay $0x1  }
0xa3: {  	s23 =	simm.s32 $0x1B8B  }
0xa4: {  	_ =	swait.ge [sflag:s23], $0x1  }
0xa5: {  	[sflag:s23] =	ssyncset.done $0x0  }
0xa6: {  	s25 =	simm.s32 $0x1B8E;
	s24 =	sld [smem:$0x3FFE];
	[sflag:s23] =	ssyncadd.s32 $0xFFFFFFFF  }
0xa7: {  	s26 =	simm.s32 $execute0_lowered;
	[smem:$0x3FD2] =	sst s25  }
0xa8: {  	s7 =	sshll.u32 s26, $0x1;
	_ =	strace $0x80000046;
	[dreg:$0x1] =	wrdreg $0xFFFFFFFF  }
0xa9: {  	s28 =	simm.s32 $_size_execute0_lowered;
	s5 =	sadd.s32 s5, s7;
	[dreg:$0x0] =	wrdreg $0x0  }
0xaa: {  	s7 =	sshll.u32 s28, $0x1;
	[dreg:$0x2] =	wrdreg s5  }
0xab: {  	[dreg:$0x3] =	wrdreg s7  }
0xac: {  	[dreg:$0x4] =	wrdreg $0xC0  }
0xad: {  	_ =	task [dreg:s9], $0x5FFFF  }
0xae: {  	[dreg:$0x1] =	wrdreg $0xFFFFFFFF  }
0xaf: {  	[dreg:$0x0] =	wrdreg $0x60  }
0xb0: {  	[dreg:$0x2] =	wrdreg s24  }
0xb1: {  	[dreg:$0x3] =	wrdreg s2  }
0xb2: {  	[dreg:$0x4] =	wrdreg s18  }
0xb3: {  	[dreg:$0x5] =	wrdreg s4  }
0xb4: {  	[dreg:$0x6] =	wrdreg $0x9  }
0xb5: {  	_ =	task.clear_ibuf [dreg:s9], $0x7FFFF;
	_ =	strace $0x90000046  }
0xb6: {  	s29 =	simm.s32 $0x9;
	_ =	strace $0x80000048  }
0xb7: {  	_ =	swait.ge [sflag:s29], $0x1  }
0xb8: {  	[sflag:s29] =	ssyncadd.s32 $0xFFFFFFFF  }
0xb9: {  	_ =	strace $0x90000048  }
0xba: {  	_ =	sfence  }
0xbb: {  	s30 =	sld [smem:$0x0];
	_ =	sdelay $0x2  }
0xbc: {  	s31 =	sshll.u32 s1, $0xD;
	s1 =	sshrl.u32 s1, $0x2  }
0xbd: {  	s3 =	sand.u32 $0x4000, s31;
	s1 =	sadd.s32 s1, s30  }
0xbe: {  	s0 =	sor.u32 s3, s0;
	s1 =	sshll.u32 s1, $0x11  }
0xbf: {  	s0 =	sor.u32 s1, s0  }
0xc0: {  	s0 =	sadd.s32 $0x8F2B, s0  }
0xc1: {  	[sflag:s0] =	ssyncadd.remote.s32 $0x1  }
0xc2: {  	_ =	sfence.sel $0xFFFF  }
0xc3: {  	[dreg:$0x0] =	wrdreg $0xFFFFFFFF;
	(pc) =	sbr.abs _section_cstart, $3  }
0xc4: {  	[dreg:$0x1] =	wrdreg $0xFFFFFFFF  }
0xc5: {  	_ =	task.clear_ibuf [dreg:s9], $0x2FFFF;
	_ =	strace $0x9FFFFFFF  }
0xc6: {  	(tm) =	ssettm $0x7FFFFFFF  }
0xc7: {  	_ =	shalt  }
tec
execute0_lowered:
.L_overlay_start_1:
0x0: {  	(tag) =	ssettag $0x1  }
0x1: {  	s0 =	rddreg [dreg:$0x0]  }
0x2: {  	s1 =	rddreg [dreg:$0x1]  }
0x3: {  	s2 =	srdreg.scid;
	s3 =	stileid.u32  }
0x4: {  	s4 =	rddreg [dreg:$0x3];
	s5 =	simm.s32 $0x0;
	s30 =	simm.s32 $0x6800  }
0x5: {  	s31 =	simm.s32 $0x130;
	s20 =	simm.s32 $0x268;
	s13 =	simm.s32 $0x330  }
0x6: {  	s15 =	simm.s32 $0x16400;
	s2 =	sand.u32 $0x1, s2;
	s3 =	sshll.u32 s3, $0x1  }
0x7: {  	s16 =	simm.s32 $0x1;
	s17 =	simm.s32 $0x4;
	s3 =	sor.u32 s2, s3  }
0x8: {  	s18 =	simm.s32 $0x5;
	[smem:$0x7FF] =	sst s5;
	s6 =	smul.u32 $0x1900, s3  }
0x9: {  	s7 =	sadd.s32 $0x400, s0;
	s2 =	ssub.s32 $0x2, s2;
	s10 =	smul.u32 $0x19000, s3  }
0xa: {  	_ =	strace $0x80000047;
	s8 =	sshrl.u32 s2, $0x1;
	s3 =	smul.u32 $0xC8000, s3  }
0xb: {  	s21 =	ssub.s32 s2, s8;
	s22 =	sshrl.u32 s6, $0x3;
	s8 =	sadd.s32 $0x190, s6  }
0xc: {  	s9 =	sadd.s32 $0x320, s6;
	s25 =	sadd.s32 s4, s10;
	s26 =	sadd.s32 $0x1770, s6  }
0xd: {  	s3 =	sshrl.u32 s3, $0x3;
	s14 =	sadd.s32 $0xFFFFFE70, s6;
	s0 =	smax.u32 s21, $0x1  }
0xe: {  	s21 =	simm.s32 $0x0;
	s11 =	sshrl.u32 s8, $0x3;
	s12 =	sshrl.u32 s9, $0x3  }
0xf: {  	s2 =	sadd.s32 s7, s22;
	[dreg:$0x8] =	wrdreg s25;
	s28 =	sshrl.u32 s26, $0x3  }
0x10: {  	s3 =	sadd.s32 s4, s3;
	[dreg:$0xd] =	wrdreg s0;
	s22 =	simm.s32 $0x200  }
0x11: {  	s25 =	simm.s32 $0x400;
	[dreg:$0x5] =	wrdreg s2;
	s23 =	sadd.s32 s7, s11  }
0x12: {  	s0 =	simm.s32 $0x3;
	s24 =	sadd.s32 s7, s12;
	[dreg:$0x6] =	wrdreg s23  }
0x13: {  	s10 =	sadd.s32 s7, s28;
	s29 =	sadd.s32 $0x14500, s3;
	[dreg:$0x7] =	wrdreg s24  }
0x14: {  	s2 =	sshll.u32 s26, $0x4;
	s3 =	sadd.s32 $0x15E00, s3;
	[dreg:$0x9] =	wrdreg s10  }
0x15: {  	s26 =	simm.s32 $0x60;
	s11 =	simm.s32 $0x2C8;
	[dreg:$0xa] =	wrdreg s29  }
0x16: {  	s12 =	simm.s32 $0x13000;
	[dreg:$0xb] =	wrdreg s3;
	s2 =	sadd.s32 s4, s2  }
0x17: {  	s23 =	simm.s32 $0x2;
	s24 =	simm.s32 $0x68;
	s3 =	simm.s32 $0xCC00  }
0x18: {  	s10 =	simm.s32 $0x10000;
	[dreg:$0xc] =	wrdreg s2;
	s2 =	simm.s32 $0x9C00  }
.LBB2_1:
0x19: {  	[dreg:$0xe] =	wrdreg s21  }
0x1a: {  	s19 =	rddreg [dreg:$0x2];
	s29 =	simm.s32 $0x19400;
	s21 =	simm.s32 $0x6  }
0x1b: {  	[tilespmem:s29], [sflag:$0x6] =	stream.linear.gather [hbm4b:s19+s5], $0x6400, $0x38;
	[tilespmem:$0x1F800] =	vst v63  }
0x1c: {  	_ =	swait.ge [sflag:s21], $0x6400  }
0x1d: {  	[sflag:s21] =	ssyncset.done $0x0  }
0x1e: {  	s28 =	rddreg [dreg:$0x5];
	[sflag:s21] =	ssyncadd.s32 $0xFFFF9C00  }
0x1f: {  	[tilespmem:s5], [sflag:$0x2] =	stream.linear.gather [hbm4b:s28+s5], $0x190, $0x38;
	[tilespmem:$0x1F800] =	vst v63  }
0x20: {  	s29 =	rddreg [dreg:$0x6]  }
0x21: {  	[tilespmem:s22], [sflag:$0x3] =	stream.linear.gather [hbm4b:s29+s5], $0x190, $0x38;
	[tilespmem:$0x1F800] =	vst v63  }
0x22: {  	_ =	swait.ge [sflag:s23], $0x190  }
0x23: {  	[sflag:s23] =	ssyncset.done $0x0  }
0x24: {  	[sflag:s23] =	ssyncadd.s32 $0xFFFFFE70  }
0x25: {  	[tilespmem:s25], [sflag:$0x1] =	stream.indirect.gather [hbm4b:s1+s24], $0x80, s5, s24, $0xb8;
	[tilespmem:$0x1F800] =	vst v63  }
0x26: {  	s21 =	simm.s32 $0x3800  }
0x27: {  	[tilespmem:s21], [sflag:$0x1] =	stream.indirect.gather [hbm4b:s1+s26], $0x80, s24, s26, $0xb8;
	[tilespmem:$0x1F800] =	vst v63  }
0x28: {  	s28 =	simm.s32 $0xC8  }
0x29: {  	[tilespmem:s30], [sflag:$0x1] =	stream.indirect.gather [hbm4b:s1+s24], $0x80, s28, s24, $0xb8;
	[tilespmem:$0x1F800] =	vst v63  }
0x2a: {  	_ = 	snop  }
0x2b: {  	[tilespmem:s2], [sflag:$0x1] =	stream.indirect.gather [hbm4b:s1+s26], $0x80, s31, s26, $0xb8;
	[tilespmem:$0x1F800] =	vst v63  }
0x2c: {  	_ =	swait.ge [sflag:s0], $0x190  }
0x2d: {  	[sflag:s0] =	ssyncset.done $0x0  }
0x2e: {  	[sflag:s0] =	ssyncadd.s32 $0xFFFFFE70  }
0x2f: {  	[tilespmem:s3], [sflag:$0x1] =	stream.indirect.gather [hbm4b:s1+s24], $0x80, s22, s24, $0xb8;
	[tilespmem:$0x1F800] =	vst v63  }
0x30: {  	_ = 	snop  }
0x31: {  	[tilespmem:s10], [sflag:$0x1] =	stream.indirect.gather [hbm4b:s1+s26], $0x80, s20, s26, $0xb8;
	[tilespmem:$0x1F800] =	vst v63  }
0x32: {  	_ = 	snop  }
0x33: {  	[tilespmem:s12], [sflag:$0x1] =	stream.indirect.gather [hbm4b:s1+s24], $0x80, s11, s24, $0xb8;
	[tilespmem:$0x1F800] =	vst v63  }
0x34: {  	_ = 	snop  }
0x35: {  	[tilespmem:s15], [sflag:$0x1] =	stream.indirect.gather [hbm4b:s1+s26], $0x80, s13, s26, $0xb8;
	[tilespmem:$0x1F800] =	vst v63  }
0x36: {  	_ =	swait.ge [sflag:s16], $0x3400  }
0x37: {  	[sflag:s16] =	ssyncset.done $0x0  }
0x38: {  	[sflag:s16] =	ssyncadd.s32 $0xFFFFCC00  }
0x39: {  	_ =	swait.ge [sflag:s16], $0x3000  }
0x3a: {  	[sflag:s16] =	ssyncset.done $0x0  }
0x3b: {  	[sflag:s16] =	ssyncadd.s32 $0xFFFFD000  }
0x3c: {  	_ =	swait.ge [sflag:s16], $0x3400  }
0x3d: {  	[sflag:s16] =	ssyncset.done $0x0  }
0x3e: {  	[sflag:s16] =	ssyncadd.s32 $0xFFFFCC00  }
0x3f: {  	_ =	swait.ge [sflag:s16], $0x3000  }
0x40: {  	s19 =	simm.s32 $0x0;
	[sflag:s16] =	ssyncset.done $0x0  }
0x41: {  	s21 =	simm.s32 $0x800;
	s29 =	rddreg [dreg:$0x7];
	[sflag:s16] =	ssyncadd.s32 $0xFFFFD000  }
0x42: {  	[tilespmem:s5], [sflag:$0x2] =	stream.linear.gather [hbm4b:s29+s5], $0x190, $0x38;
	[tilespmem:$0x1F800] =	vst v63  }
.LBB2_2:
0x43: {  	p0 =	sne.s32 s21, $0x18800;
	v0 =	vld [tilespmem:s19+$0x195F0]  }
0x44: {  	v1 =	vld [tilespmem:s19+$0x19400]  }
0x45: {  	v2 =	vld [tilespmem:s19+$0x19410]  }
0x46: {  	v3 =	vld [tilespmem:s19+$0x19420]  }
0x47: {  	v4 =	vld [tilespmem:s19+$0x19430]  }
0x48: {  	[tilespmem:s19+$0x69F0] =	vst.add.f32.msk $0xffff, v0  }
0x49: {  	v5 =	vld [tilespmem:s19+$0x19440]  }
0x4a: {  	v6 =	vld [tilespmem:s19+$0x19450]  }
0x4b: {  	v7 =	vld [tilespmem:s19+$0x19460]  }
0x4c: {  	v8 =	vld [tilespmem:s19+$0x19470]  }
0x4d: {  	v9 =	vld [tilespmem:s19+$0x19480]  }
0x4e: {  	v10 =	vld [tilespmem:s19+$0x19490]  }
0x4f: {  	v11 =	vld [tilespmem:s19+$0x194A0]  }
0x50: {  	v12 =	vld [tilespmem:s19+$0x194B0]  }
0x51: {  	v13 =	vld [tilespmem:s19+$0x194C0]  }
0x52: {  	v14 =	vld [tilespmem:s19+$0x194D0]  }
0x53: {  	v15 =	vld [tilespmem:s19+$0x194E0]  }
0x54: {  	v16 =	vld [tilespmem:s19+$0x194F0]  }
0x55: {  	v17 =	vld [tilespmem:s19+$0x19500]  }
0x56: {  	v18 =	vld [tilespmem:s19+$0x19510]  }
0x57: {  	v19 =	vld [tilespmem:s19+$0x19520]  }
0x58: {  	v20 =	vld [tilespmem:s19+$0x19530]  }
0x59: {  	v21 =	vld [tilespmem:s19+$0x19540]  }
0x5a: {  	v22 =	vld [tilespmem:s19+$0x19550]  }
0x5b: {  	v23 =	vld [tilespmem:s19+$0x19560]  }
0x5c: {  	v24 =	vld [tilespmem:s19+$0x19570]  }
0x5d: {  	v25 =	vld [tilespmem:s19+$0x19580]  }
0x5e: {  	v26 =	vld [tilespmem:s19+$0x19590]  }
0x5f: {  	v27 =	vld [tilespmem:s19+$0x195A0]  }
0x60: {  	v28 =	vld [tilespmem:s19+$0x195B0]  }
0x61: {  	v29 =	vld [tilespmem:s19+$0x195C0]  }
0x62: {  	v30 =	vld [tilespmem:s19+$0x195D0]  }
0x63: {  	v31 =	vld [tilespmem:s19+$0x195E0]  }
0x64: {  	[tilespmem:s19+$0x400] =	vst.add.f32.msk $0xffff, v1  }
0x65: {  	[tilespmem:s19+$0x6800] =	vst.add.f32.msk $0xffff, v1  }
0x66: {  	[tilespmem:s19+$0x410] =	vst.add.f32.msk $0xffff, v2  }
0x67: {  	[tilespmem:s19+$0x6810] =	vst.add.f32.msk $0xffff, v2  }
0x68: {  	[tilespmem:s19+$0x420] =	vst.add.f32.msk $0xffff, v3  }
0x69: {  	[tilespmem:s19+$0x6820] =	vst.add.f32.msk $0xffff, v3  }
0x6a: {  	[tilespmem:s19+$0x430] =	vst.add.f32.msk $0xffff, v4  }
0x6b: {  	[tilespmem:s19+$0x6830] =	vst.add.f32.msk $0xffff, v4  }
0x6c: {  	[tilespmem:s19+$0x440] =	vst.add.f32.msk $0xffff, v5  }
0x6d: {  	[tilespmem:s19+$0x6840] =	vst.add.f32.msk $0xffff, v5  }
0x6e: {  	[tilespmem:s19+$0x450] =	vst.add.f32.msk $0xffff, v6  }
0x6f: {  	[tilespmem:s19+$0x6850] =	vst.add.f32.msk $0xffff, v6  }
0x70: {  	[tilespmem:s19+$0x460] =	vst.add.f32.msk $0xffff, v7  }
0x71: {  	[tilespmem:s19+$0x6860] =	vst.add.f32.msk $0xffff, v7  }
0x72: {  	[tilespmem:s19+$0x470] =	vst.add.f32.msk $0xffff, v8  }
0x73: {  	[tilespmem:s19+$0x6870] =	vst.add.f32.msk $0xffff, v8  }
0x74: {  	[tilespmem:s19+$0x480] =	vst.add.f32.msk $0xffff, v9  }
0x75: {  	[tilespmem:s19+$0x6880] =	vst.add.f32.msk $0xffff, v9  }
0x76: {  	[tilespmem:s19+$0x490] =	vst.add.f32.msk $0xffff, v10  }
0x77: {  	[tilespmem:s19+$0x6890] =	vst.add.f32.msk $0xffff, v10  }
0x78: {  	[tilespmem:s19+$0x4A0] =	vst.add.f32.msk $0xffff, v11  }
0x79: {  	[tilespmem:s19+$0x68A0] =	vst.add.f32.msk $0xffff, v11  }
0x7a: {  	[tilespmem:s19+$0x4B0] =	vst.add.f32.msk $0xffff, v12  }
0x7b: {  	[tilespmem:s19+$0x68B0] =	vst.add.f32.msk $0xffff, v12  }
0x7c: {  	[tilespmem:s19+$0x4C0] =	vst.add.f32.msk $0xffff, v13  }
0x7d: {  	[tilespmem:s19+$0x68C0] =	vst.add.f32.msk $0xffff, v13  }
0x7e: {  	[tilespmem:s19+$0x4D0] =	vst.add.f32.msk $0xffff, v14  }
0x7f: {  	[tilespmem:s19+$0x68D0] =	vst.add.f32.msk $0xffff, v14  }
0x80: {  	[tilespmem:s19+$0x4E0] =	vst.add.f32.msk $0xffff, v15  }
0x81: {  	[tilespmem:s19+$0x68E0] =	vst.add.f32.msk $0xffff, v15  }
0x82: {  	[tilespmem:s19+$0x4F0] =	vst.add.f32.msk $0xffff, v16  }
0x83: {  	[tilespmem:s19+$0x68F0] =	vst.add.f32.msk $0xffff, v16  }
0x84: {  	[tilespmem:s19+$0x500] =	vst.add.f32.msk $0xffff, v17  }
0x85: {  	[tilespmem:s19+$0x6900] =	vst.add.f32.msk $0xffff, v17  }
0x86: {  	[tilespmem:s19+$0x510] =	vst.add.f32.msk $0xffff, v18  }
0x87: {  	[tilespmem:s19+$0x6910] =	vst.add.f32.msk $0xffff, v18  }
0x88: {  	[tilespmem:s19+$0x520] =	vst.add.f32.msk $0xffff, v19  }
0x89: {  	[tilespmem:s19+$0x6920] =	vst.add.f32.msk $0xffff, v19  }
0x8a: {  	[tilespmem:s19+$0x530] =	vst.add.f32.msk $0xffff, v20  }
0x8b: {  	[tilespmem:s19+$0x6930] =	vst.add.f32.msk $0xffff, v20  }
0x8c: {  	[tilespmem:s19+$0x540] =	vst.add.f32.msk $0xffff, v21  }
0x8d: {  	[tilespmem:s19+$0x6940] =	vst.add.f32.msk $0xffff, v21  }
0x8e: {  	[tilespmem:s19+$0x550] =	vst.add.f32.msk $0xffff, v22  }
0x8f: {  	[tilespmem:s19+$0x6950] =	vst.add.f32.msk $0xffff, v22  }
0x90: {  	[tilespmem:s19+$0x560] =	vst.add.f32.msk $0xffff, v23  }
0x91: {  	[tilespmem:s19+$0x6960] =	vst.add.f32.msk $0xffff, v23  }
0x92: {  	[tilespmem:s19+$0x570] =	vst.add.f32.msk $0xffff, v24  }
0x93: {  	[tilespmem:s19+$0x6970] =	vst.add.f32.msk $0xffff, v24  }
0x94: {  	[tilespmem:s19+$0x580] =	vst.add.f32.msk $0xffff, v25  }
0x95: {  	[tilespmem:s19+$0x6980] =	vst.add.f32.msk $0xffff, v25  }
0x96: {  	[tilespmem:s19+$0x590] =	vst.add.f32.msk $0xffff, v26  }
0x97: {  	[tilespmem:s19+$0x6990] =	vst.add.f32.msk $0xffff, v26  }
0x98: {  	[tilespmem:s19+$0x5A0] =	vst.add.f32.msk $0xffff, v27  }
0x99: {  	[tilespmem:s19+$0x69A0] =	vst.add.f32.msk $0xffff, v27  }
0x9a: {  	[tilespmem:s19+$0x5B0] =	vst.add.f32.msk $0xffff, v28  }
0x9b: {  	[tilespmem:s19+$0x69B0] =	vst.add.f32.msk $0xffff, v28  }
0x9c: {  	[tilespmem:s19+$0x5C0] =	vst.add.f32.msk $0xffff, v29  }
0x9d: {  	[tilespmem:s19+$0x69C0] =	vst.add.f32.msk $0xffff, v29  }
.Ltmp0:
0x9e: {  	[tilespmem:s19+$0x5D0] =	vst.add.f32.msk $0xffff, v30;
	(pc) =	sbr.rel @p0 .LBB2_2-.Ltmp0, $4  }
0x9f: {  	[tilespmem:s19+$0x69D0] =	vst.add.f32.msk $0xffff, v30  }
0xa0: {  	[tilespmem:s19+$0x5E0] =	vst.add.f32.msk $0xffff, v31  }
0xa1: {  	[tilespmem:s19+$0x69E0] =	vst.add.f32.msk $0xffff, v31  }
0xa2: {  	[tilespmem:s19+$0x5F0] =	vst.add.f32.msk $0xffff, v0;
	s19 =	sshra.s32 s21, $0x2;
	s21 =	sadd.s32 $0x800, s21  }
0xa3: {  	v0 =	vld [tilespmem:s19+$0x195F0]  }
0xa4: {  	v1 =	vld [tilespmem:s19+$0x19400]  }
0xa5: {  	v2 =	vld [tilespmem:s19+$0x19410]  }
0xa6: {  	v3 =	vld [tilespmem:s19+$0x19420]  }
0xa7: {  	v4 =	vld [tilespmem:s19+$0x19430]  }
0xa8: {  	v5 =	vld [tilespmem:s19+$0x19440]  }
0xa9: {  	v6 =	vld [tilespmem:s19+$0x19450]  }
0xaa: {  	v7 =	vld [tilespmem:s19+$0x19460]  }
0xab: {  	v8 =	vld [tilespmem:s19+$0x19470]  }
0xac: {  	v9 =	vld [tilespmem:s19+$0x19480]  }
0xad: {  	v10 =	vld [tilespmem:s19+$0x19490]  }
0xae: {  	v11 =	vld [tilespmem:s19+$0x194A0]  }
0xaf: {  	v12 =	vld [tilespmem:s19+$0x194B0]  }
0xb0: {  	v13 =	vld [tilespmem:s19+$0x194C0]  }
0xb1: {  	v14 =	vld [tilespmem:s19+$0x194D0]  }
0xb2: {  	v15 =	vld [tilespmem:s19+$0x194E0]  }
0xb3: {  	v16 =	vld [tilespmem:s19+$0x194F0]  }
0xb4: {  	v17 =	vld [tilespmem:s19+$0x19500]  }
0xb5: {  	v18 =	vld [tilespmem:s19+$0x19510]  }
0xb6: {  	v19 =	vld [tilespmem:s19+$0x19520]  }
0xb7: {  	v20 =	vld [tilespmem:s19+$0x19530]  }
0xb8: {  	v21 =	vld [tilespmem:s19+$0x19540]  }
0xb9: {  	v22 =	vld [tilespmem:s19+$0x19550]  }
0xba: {  	v23 =	vld [tilespmem:s19+$0x19560]  }
0xbb: {  	v24 =	vld [tilespmem:s19+$0x19570]  }
0xbc: {  	v25 =	vld [tilespmem:s19+$0x19580]  }
0xbd: {  	v26 =	vld [tilespmem:s19+$0x19590]  }
0xbe: {  	v27 =	vld [tilespmem:s19+$0x195A0]  }
0xbf: {  	v28 =	vld [tilespmem:s19+$0x195B0]  }
0xc0: {  	v29 =	vld [tilespmem:s19+$0x195C0]  }
0xc1: {  	v30 =	vld [tilespmem:s19+$0x195D0]  }
0xc2: {  	v31 =	vld [tilespmem:s19+$0x195E0]  }
0xc3: {  	[tilespmem:s19+$0x69F0] =	vst.add.f32.msk $0xffff, v0  }
0xc4: {  	[tilespmem:s19+$0x400] =	vst.add.f32.msk $0xffff, v1  }
0xc5: {  	[tilespmem:s19+$0x6800] =	vst.add.f32.msk $0xffff, v1  }
0xc6: {  	[tilespmem:s19+$0x410] =	vst.add.f32.msk $0xffff, v2  }
0xc7: {  	[tilespmem:s19+$0x6810] =	vst.add.f32.msk $0xffff, v2  }
0xc8: {  	[tilespmem:s19+$0x420] =	vst.add.f32.msk $0xffff, v3  }
0xc9: {  	[tilespmem:s19+$0x6820] =	vst.add.f32.msk $0xffff, v3  }
0xca: {  	[tilespmem:s19+$0x430] =	vst.add.f32.msk $0xffff, v4  }
0xcb: {  	[tilespmem:s19+$0x6830] =	vst.add.f32.msk $0xffff, v4  }
0xcc: {  	[tilespmem:s19+$0x440] =	vst.add.f32.msk $0xffff, v5  }
0xcd: {  	[tilespmem:s19+$0x6840] =	vst.add.f32.msk $0xffff, v5  }
0xce: {  	[tilespmem:s19+$0x450] =	vst.add.f32.msk $0xffff, v6  }
0xcf: {  	[tilespmem:s19+$0x6850] =	vst.add.f32.msk $0xffff, v6  }
0xd0: {  	[tilespmem:s19+$0x460] =	vst.add.f32.msk $0xffff, v7  }
0xd1: {  	[tilespmem:s19+$0x6860] =	vst.add.f32.msk $0xffff, v7  }
0xd2: {  	[tilespmem:s19+$0x470] =	vst.add.f32.msk $0xffff, v8  }
0xd3: {  	[tilespmem:s19+$0x6870] =	vst.add.f32.msk $0xffff, v8  }
0xd4: {  	[tilespmem:s19+$0x480] =	vst.add.f32.msk $0xffff, v9  }
0xd5: {  	[tilespmem:s19+$0x6880] =	vst.add.f32.msk $0xffff, v9  }
0xd6: {  	[tilespmem:s19+$0x490] =	vst.add.f32.msk $0xffff, v10  }
0xd7: {  	[tilespmem:s19+$0x6890] =	vst.add.f32.msk $0xffff, v10  }
0xd8: {  	[tilespmem:s19+$0x4A0] =	vst.add.f32.msk $0xffff, v11  }
0xd9: {  	[tilespmem:s19+$0x68A0] =	vst.add.f32.msk $0xffff, v11  }
0xda: {  	[tilespmem:s19+$0x4B0] =	vst.add.f32.msk $0xffff, v12  }
0xdb: {  	[tilespmem:s19+$0x68B0] =	vst.add.f32.msk $0xffff, v12  }
0xdc: {  	[tilespmem:s19+$0x4C0] =	vst.add.f32.msk $0xffff, v13  }
0xdd: {  	[tilespmem:s19+$0x68C0] =	vst.add.f32.msk $0xffff, v13  }
0xde: {  	[tilespmem:s19+$0x4D0] =	vst.add.f32.msk $0xffff, v14  }
0xdf: {  	[tilespmem:s19+$0x68D0] =	vst.add.f32.msk $0xffff, v14  }
0xe0: {  	[tilespmem:s19+$0x4E0] =	vst.add.f32.msk $0xffff, v15  }
0xe1: {  	[tilespmem:s19+$0x68E0] =	vst.add.f32.msk $0xffff, v15  }
0xe2: {  	[tilespmem:s19+$0x4F0] =	vst.add.f32.msk $0xffff, v16  }
0xe3: {  	[tilespmem:s19+$0x68F0] =	vst.add.f32.msk $0xffff, v16  }
0xe4: {  	[tilespmem:s19+$0x500] =	vst.add.f32.msk $0xffff, v17  }
0xe5: {  	[tilespmem:s19+$0x6900] =	vst.add.f32.msk $0xffff, v17  }
0xe6: {  	[tilespmem:s19+$0x510] =	vst.add.f32.msk $0xffff, v18  }
0xe7: {  	[tilespmem:s19+$0x6910] =	vst.add.f32.msk $0xffff, v18  }
0xe8: {  	[tilespmem:s19+$0x520] =	vst.add.f32.msk $0xffff, v19  }
0xe9: {  	[tilespmem:s19+$0x6920] =	vst.add.f32.msk $0xffff, v19  }
0xea: {  	[tilespmem:s19+$0x530] =	vst.add.f32.msk $0xffff, v20  }
0xeb: {  	[tilespmem:s19+$0x6930] =	vst.add.f32.msk $0xffff, v20  }
0xec: {  	[tilespmem:s19+$0x540] =	vst.add.f32.msk $0xffff, v21  }
0xed: {  	[tilespmem:s19+$0x6940] =	vst.add.f32.msk $0xffff, v21  }
0xee: {  	[tilespmem:s19+$0x550] =	vst.add.f32.msk $0xffff, v22  }
0xef: {  	[tilespmem:s19+$0x6950] =	vst.add.f32.msk $0xffff, v22  }
0xf0: {  	[tilespmem:s19+$0x560] =	vst.add.f32.msk $0xffff, v23  }
0xf1: {  	[tilespmem:s19+$0x6960] =	vst.add.f32.msk $0xffff, v23  }
0xf2: {  	[tilespmem:s19+$0x570] =	vst.add.f32.msk $0xffff, v24  }
0xf3: {  	[tilespmem:s19+$0x6970] =	vst.add.f32.msk $0xffff, v24  }
0xf4: {  	[tilespmem:s19+$0x580] =	vst.add.f32.msk $0xffff, v25  }
0xf5: {  	[tilespmem:s19+$0x6980] =	vst.add.f32.msk $0xffff, v25  }
0xf6: {  	[tilespmem:s19+$0x590] =	vst.add.f32.msk $0xffff, v26  }
0xf7: {  	[tilespmem:s19+$0x6990] =	vst.add.f32.msk $0xffff, v26  }
0xf8: {  	[tilespmem:s19+$0x5A0] =	vst.add.f32.msk $0xffff, v27  }
0xf9: {  	[tilespmem:s19+$0x69A0] =	vst.add.f32.msk $0xffff, v27  }
0xfa: {  	[tilespmem:s19+$0x5B0] =	vst.add.f32.msk $0xffff, v28  }
0xfb: {  	[tilespmem:s19+$0x69B0] =	vst.add.f32.msk $0xffff, v28  }
0xfc: {  	[tilespmem:s19+$0x5C0] =	vst.add.f32.msk $0xffff, v29  }
0xfd: {  	[tilespmem:s19+$0x69C0] =	vst.add.f32.msk $0xffff, v29  }
0xfe: {  	[tilespmem:s19+$0x5D0] =	vst.add.f32.msk $0xffff, v30  }
0xff: {  	[tilespmem:s19+$0x69D0] =	vst.add.f32.msk $0xffff, v30  }
0x100: {  	[tilespmem:s19+$0x5E0] =	vst.add.f32.msk $0xffff, v31  }
0x101: {  	[tilespmem:s19+$0x69E0] =	vst.add.f32.msk $0xffff, v31  }
0x102: {  	s29 =	rddreg [dreg:$0x8];
	s21 =	simm.s32 $0x1;
	[tilespmem:s19+$0x5F0] =	vst.add.f32.msk $0xffff, v0  }
0x103: {  	[hbm4b:s29+s5] =	stream.linear.scatter [tilespmem:s25], [sflag:$0x4], $0xC800, $0x38;
	[tilespmem:$0x1F800] =	vst v63  }
.LBB2_4:
0x104: {  	_ =	swait.ge [sflag:s23], $0x190  }
0x105: {  	[sflag:s23] =	ssyncset.done $0x0  }
0x106: {  	[sflag:s23] =	ssyncadd.s32 $0xFFFFFE70  }
0x107: {  	_ =	swait.ge [sflag:s17], $0xC800  }
0x108: {  	[sflag:s17] =	ssyncset.done $0x0  }
0x109: {  	s28 =	simm.s32 $0x0;
	[sflag:s17] =	ssyncadd.s32 $0xFFFF3800  }
0x10a: {  	[tilespmem:s25], [sflag:$0x1] =	stream.indirect.gather [hbm4b:s1+s24], $0x80, s28, s24, $0xb8;
	[tilespmem:$0x1F800] =	vst v63  }
0x10b: {  	s19 =	simm.s32 $0x3800  }
0x10c: {  	[tilespmem:s19], [sflag:$0x1] =	stream.indirect.gather [hbm4b:s1+s26], $0x80, s24, s26, $0xb8;
	[tilespmem:$0x1F800] =	vst v63  }
0x10d: {  	s19 =	simm.s32 $0xC8  }
0x10e: {  	[tilespmem:s30], [sflag:$0x1] =	stream.indirect.gather [hbm4b:s1+s24], $0x80, s19, s24, $0xb8;
	[tilespmem:$0x1F800] =	vst v63  }
0x10f: {  	_ = 	snop  }
0x110: {  	[tilespmem:s2], [sflag:$0x1] =	stream.indirect.gather [hbm4b:s1+s26], $0x80, s31, s26, $0xb8;
	[tilespmem:$0x1F800] =	vst v63  }
0x111: {  	_ =	swait.ge [sflag:s16], $0x3400  }
0x112: {  	[sflag:s16] =	ssyncset.done $0x0  }
0x113: {  	[sflag:s16] =	ssyncadd.s32 $0xFFFFCC00  }
0x114: {  	_ =	swait.ge [sflag:s16], $0x3000  }
0x115: {  	[sflag:s16] =	ssyncset.done $0x0  }
0x116: {  	[sflag:s16] =	ssyncadd.s32 $0xFFFFD000  }
0x117: {  	_ =	swait.ge [sflag:s16], $0x3400  }
0x118: {  	s19 =	smul.u32 $0x320, s21;
	[sflag:s16] =	ssyncset.done $0x0  }
0x119: {  	[sflag:s16] =	ssyncadd.s32 $0xFFFFCC00  }
0x11a: {  	s29 =	sadd.s32 s19, s8;
	_ =	swait.ge [sflag:s16], $0x3000  }
0x11b: {  	s29 =	sshrl.u32 s29, $0x3;
	[sflag:s16] =	ssyncset.done $0x0  }
0x11c: {  	s29 =	sadd.s32 s7, s29;
	[sflag:s16] =	ssyncadd.s32 $0xFFFFD000  }
0x11d: {  	[tilespmem:s22], [sflag:$0x3] =	stream.linear.gather [hbm4b:s29+s28], $0x190, $0x38;
	[tilespmem:$0x1F800] =	vst v63  }
0x11e: {  	s28 =	simm.s32 $0x0;
	s29 =	simm.s32 $0x800  }
.LBB2_5:
0x11f: {  	p0 =	sne.s32 s29, $0x18800;
	v0 =	vld [tilespmem:s28+$0x195F0]  }
0x120: {  	v1 =	vld [tilespmem:s28+$0x19400]  }
0x121: {  	v2 =	vld [tilespmem:s28+$0x19410]  }
0x122: {  	v3 =	vld [tilespmem:s28+$0x19420]  }
0x123: {  	v4 =	vld [tilespmem:s28+$0x19430]  }
0x124: {  	[tilespmem:s28+$0x131F0] =	vst.add.f32.msk $0xffff, v0  }
0x125: {  	v5 =	vld [tilespmem:s28+$0x19440]  }
0x126: {  	v6 =	vld [tilespmem:s28+$0x19450]  }
0x127: {  	v7 =	vld [tilespmem:s28+$0x19460]  }
0x128: {  	v8 =	vld [tilespmem:s28+$0x19470]  }
0x129: {  	v9 =	vld [tilespmem:s28+$0x19480]  }
0x12a: {  	v10 =	vld [tilespmem:s28+$0x19490]  }
0x12b: {  	v11 =	vld [tilespmem:s28+$0x194A0]  }
0x12c: {  	v12 =	vld [tilespmem:s28+$0x194B0]  }
0x12d: {  	v13 =	vld [tilespmem:s28+$0x194C0]  }
0x12e: {  	v14 =	vld [tilespmem:s28+$0x194D0]  }
0x12f: {  	v15 =	vld [tilespmem:s28+$0x194E0]  }
0x130: {  	v16 =	vld [tilespmem:s28+$0x194F0]  }
0x131: {  	v17 =	vld [tilespmem:s28+$0x19500]  }
0x132: {  	v18 =	vld [tilespmem:s28+$0x19510]  }
0x133: {  	v19 =	vld [tilespmem:s28+$0x19520]  }
0x134: {  	v20 =	vld [tilespmem:s28+$0x19530]  }
0x135: {  	v21 =	vld [tilespmem:s28+$0x19540]  }
0x136: {  	v22 =	vld [tilespmem:s28+$0x19550]  }
0x137: {  	v23 =	vld [tilespmem:s28+$0x19560]  }
0x138: {  	v24 =	vld [tilespmem:s28+$0x19570]  }
0x139: {  	v25 =	vld [tilespmem:s28+$0x19580]  }
0x13a: {  	v26 =	vld [tilespmem:s28+$0x19590]  }
0x13b: {  	v27 =	vld [tilespmem:s28+$0x195A0]  }
0x13c: {  	v28 =	vld [tilespmem:s28+$0x195B0]  }
0x13d: {  	v29 =	vld [tilespmem:s28+$0x195C0]  }
0x13e: {  	v30 =	vld [tilespmem:s28+$0x195D0]  }
0x13f: {  	v31 =	vld [tilespmem:s28+$0x195E0]  }
0x140: {  	[tilespmem:s28+$0xCC00] =	vst.add.f32.msk $0xffff, v1  }
0x141: {  	[tilespmem:s28+$0x13000] =	vst.add.f32.msk $0xffff, v1  }
0x142: {  	[tilespmem:s28+$0xCC10] =	vst.add.f32.msk $0xffff, v2  }
0x143: {  	[tilespmem:s28+$0x13010] =	vst.add.f32.msk $0xffff, v2  }
0x144: {  	[tilespmem:s28+$0xCC20] =	vst.add.f32.msk $0xffff, v3  }
0x145: {  	[tilespmem:s28+$0x13020] =	vst.add.f32.msk $0xffff, v3  }
0x146: {  	[tilespmem:s28+$0xCC30] =	vst.add.f32.msk $0xffff, v4  }
0x147: {  	[tilespmem:s28+$0x13030] =	vst.add.f32.msk $0xffff, v4  }
0x148: {  	[tilespmem:s28+$0xCC40] =	vst.add.f32.msk $0xffff, v5  }
0x149: {  	[tilespmem:s28+$0x13040] =	vst.add.f32.msk $0xffff, v5  }
0x14a: {  	[tilespmem:s28+$0xCC50] =	vst.add.f32.msk $0xffff, v6  }
0x14b: {  	[tilespmem:s28+$0x13050] =	vst.add.f32.msk $0xffff, v6  }
0x14c: {  	[tilespmem:s28+$0xCC60] =	vst.add.f32.msk $0xffff, v7  }
0x14d: {  	[tilespmem:s28+$0x13060] =	vst.add.f32.msk $0xffff, v7  }
0x14e: {  	[tilespmem:s28+$0xCC70] =	vst.add.f32.msk $0xffff, v8  }
0x14f: {  	[tilespmem:s28+$0x13070] =	vst.add.f32.msk $0xffff, v8  }
0x150: {  	[tilespmem:s28+$0xCC80] =	vst.add.f32.msk $0xffff, v9  }
0x151: {  	[tilespmem:s28+$0x13080] =	vst.add.f32.msk $0xffff, v9  }
0x152: {  	[tilespmem:s28+$0xCC90] =	vst.add.f32.msk $0xffff, v10  }
0x153: {  	[tilespmem:s28+$0x13090] =	vst.add.f32.msk $0xffff, v10  }
0x154: {  	[tilespmem:s28+$0xCCA0] =	vst.add.f32.msk $0xffff, v11  }
0x155: {  	[tilespmem:s28+$0x130A0] =	vst.add.f32.msk $0xffff, v11  }
0x156: {  	[tilespmem:s28+$0xCCB0] =	vst.add.f32.msk $0xffff, v12  }
0x157: {  	[tilespmem:s28+$0x130B0] =	vst.add.f32.msk $0xffff, v12  }
0x158: {  	[tilespmem:s28+$0xCCC0] =	vst.add.f32.msk $0xffff, v13  }
0x159: {  	[tilespmem:s28+$0x130C0] =	vst.add.f32.msk $0xffff, v13  }
0x15a: {  	[tilespmem:s28+$0xCCD0] =	vst.add.f32.msk $0xffff, v14  }
0x15b: {  	[tilespmem:s28+$0x130D0] =	vst.add.f32.msk $0xffff, v14  }
0x15c: {  	[tilespmem:s28+$0xCCE0] =	vst.add.f32.msk $0xffff, v15  }
0x15d: {  	[tilespmem:s28+$0x130E0] =	vst.add.f32.msk $0xffff, v15  }
0x15e: {  	[tilespmem:s28+$0xCCF0] =	vst.add.f32.msk $0xffff, v16  }
0x15f: {  	[tilespmem:s28+$0x130F0] =	vst.add.f32.msk $0xffff, v16  }
0x160: {  	[tilespmem:s28+$0xCD00] =	vst.add.f32.msk $0xffff, v17  }
0x161: {  	[tilespmem:s28+$0x13100] =	vst.add.f32.msk $0xffff, v17  }
0x162: {  	[tilespmem:s28+$0xCD10] =	vst.add.f32.msk $0xffff, v18  }
0x163: {  	[tilespmem:s28+$0x13110] =	vst.add.f32.msk $0xffff, v18  }
0x164: {  	[tilespmem:s28+$0xCD20] =	vst.add.f32.msk $0xffff, v19  }
0x165: {  	[tilespmem:s28+$0x13120] =	vst.add.f32.msk $0xffff, v19  }
0x166: {  	[tilespmem:s28+$0xCD30] =	vst.add.f32.msk $0xffff, v20  }
0x167: {  	[tilespmem:s28+$0x13130] =	vst.add.f32.msk $0xffff, v20  }
0x168: {  	[tilespmem:s28+$0xCD40] =	vst.add.f32.msk $0xffff, v21  }
0x169: {  	[tilespmem:s28+$0x13140] =	vst.add.f32.msk $0xffff, v21  }
0x16a: {  	[tilespmem:s28+$0xCD50] =	vst.add.f32.msk $0xffff, v22  }
0x16b: {  	[tilespmem:s28+$0x13150] =	vst.add.f32.msk $0xffff, v22  }
0x16c: {  	[tilespmem:s28+$0xCD60] =	vst.add.f32.msk $0xffff, v23  }
0x16d: {  	[tilespmem:s28+$0x13160] =	vst.add.f32.msk $0xffff, v23  }
0x16e: {  	[tilespmem:s28+$0xCD70] =	vst.add.f32.msk $0xffff, v24  }
0x16f: {  	[tilespmem:s28+$0x13170] =	vst.add.f32.msk $0xffff, v24  }
0x170: {  	[tilespmem:s28+$0xCD80] =	vst.add.f32.msk $0xffff, v25  }
0x171: {  	[tilespmem:s28+$0x13180] =	vst.add.f32.msk $0xffff, v25  }
0x172: {  	[tilespmem:s28+$0xCD90] =	vst.add.f32.msk $0xffff, v26  }
0x173: {  	[tilespmem:s28+$0x13190] =	vst.add.f32.msk $0xffff, v26  }
0x174: {  	[tilespmem:s28+$0xCDA0] =	vst.add.f32.msk $0xffff, v27  }
0x175: {  	[tilespmem:s28+$0x131A0] =	vst.add.f32.msk $0xffff, v27  }
0x176: {  	[tilespmem:s28+$0xCDB0] =	vst.add.f32.msk $0xffff, v28  }
0x177: {  	[tilespmem:s28+$0x131B0] =	vst.add.f32.msk $0xffff, v28  }
0x178: {  	[tilespmem:s28+$0xCDC0] =	vst.add.f32.msk $0xffff, v29  }
0x179: {  	[tilespmem:s28+$0x131C0] =	vst.add.f32.msk $0xffff, v29  }
.Ltmp1:
0x17a: {  	[tilespmem:s28+$0xCDD0] =	vst.add.f32.msk $0xffff, v30;
	(pc) =	sbr.rel @p0 .LBB2_5-.Ltmp1, $4  }
0x17b: {  	[tilespmem:s28+$0x131D0] =	vst.add.f32.msk $0xffff, v30  }
0x17c: {  	[tilespmem:s28+$0xCDE0] =	vst.add.f32.msk $0xffff, v31  }
0x17d: {  	[tilespmem:s28+$0x131E0] =	vst.add.f32.msk $0xffff, v31  }
0x17e: {  	[tilespmem:s28+$0xCDF0] =	vst.add.f32.msk $0xffff, v0;
	s28 =	sshra.s32 s29, $0x2;
	s29 =	sadd.s32 $0x800, s29  }
0x17f: {  	v0 =	vld [tilespmem:s28+$0x195F0]  }
0x180: {  	v1 =	vld [tilespmem:s28+$0x19400]  }
0x181: {  	v2 =	vld [tilespmem:s28+$0x19410]  }
0x182: {  	v3 =	vld [tilespmem:s28+$0x19420]  }
0x183: {  	v4 =	vld [tilespmem:s28+$0x19430]  }
0x184: {  	v5 =	vld [tilespmem:s28+$0x19440]  }
0x185: {  	v6 =	vld [tilespmem:s28+$0x19450]  }
0x186: {  	v7 =	vld [tilespmem:s28+$0x19460]  }
0x187: {  	v8 =	vld [tilespmem:s28+$0x19470]  }
0x188: {  	v9 =	vld [tilespmem:s28+$0x19480]  }
0x189: {  	v10 =	vld [tilespmem:s28+$0x19490]  }
0x18a: {  	v11 =	vld [tilespmem:s28+$0x194A0]  }
0x18b: {  	v12 =	vld [tilespmem:s28+$0x194B0]  }
0x18c: {  	v13 =	vld [tilespmem:s28+$0x194C0]  }
0x18d: {  	v14 =	vld [tilespmem:s28+$0x194D0]  }
0x18e: {  	v15 =	vld [tilespmem:s28+$0x194E0]  }
0x18f: {  	v16 =	vld [tilespmem:s28+$0x194F0]  }
0x190: {  	v17 =	vld [tilespmem:s28+$0x19500]  }
0x191: {  	v18 =	vld [tilespmem:s28+$0x19510]  }
0x192: {  	v19 =	vld [tilespmem:s28+$0x19520]  }
0x193: {  	v20 =	vld [tilespmem:s28+$0x19530]  }
0x194: {  	v21 =	vld [tilespmem:s28+$0x19540]  }
0x195: {  	v22 =	vld [tilespmem:s28+$0x19550]  }
0x196: {  	v23 =	vld [tilespmem:s28+$0x19560]  }
0x197: {  	v24 =	vld [tilespmem:s28+$0x19570]  }
0x198: {  	v25 =	vld [tilespmem:s28+$0x19580]  }
0x199: {  	v26 =	vld [tilespmem:s28+$0x19590]  }
0x19a: {  	v27 =	vld [tilespmem:s28+$0x195A0]  }
0x19b: {  	v28 =	vld [tilespmem:s28+$0x195B0]  }
0x19c: {  	v29 =	vld [tilespmem:s28+$0x195C0]  }
0x19d: {  	v30 =	vld [tilespmem:s28+$0x195D0]  }
0x19e: {  	v31 =	vld [tilespmem:s28+$0x195E0]  }
0x19f: {  	[tilespmem:s28+$0x131F0] =	vst.add.f32.msk $0xffff, v0  }
0x1a0: {  	[tilespmem:s28+$0xCC00] =	vst.add.f32.msk $0xffff, v1  }
0x1a1: {  	[tilespmem:s28+$0x13000] =	vst.add.f32.msk $0xffff, v1  }
0x1a2: {  	[tilespmem:s28+$0xCC10] =	vst.add.f32.msk $0xffff, v2  }
0x1a3: {  	[tilespmem:s28+$0x13010] =	vst.add.f32.msk $0xffff, v2  }
0x1a4: {  	[tilespmem:s28+$0xCC20] =	vst.add.f32.msk $0xffff, v3  }
0x1a5: {  	[tilespmem:s28+$0x13020] =	vst.add.f32.msk $0xffff, v3  }
0x1a6: {  	[tilespmem:s28+$0xCC30] =	vst.add.f32.msk $0xffff, v4  }
0x1a7: {  	[tilespmem:s28+$0x13030] =	vst.add.f32.msk $0xffff, v4  }
0x1a8: {  	[tilespmem:s28+$0xCC40] =	vst.add.f32.msk $0xffff, v5  }
0x1a9: {  	[tilespmem:s28+$0x13040] =	vst.add.f32.msk $0xffff, v5  }
0x1aa: {  	[tilespmem:s28+$0xCC50] =	vst.add.f32.msk $0xffff, v6  }
0x1ab: {  	[tilespmem:s28+$0x13050] =	vst.add.f32.msk $0xffff, v6  }
0x1ac: {  	[tilespmem:s28+$0xCC60] =	vst.add.f32.msk $0xffff, v7  }
0x1ad: {  	[tilespmem:s28+$0x13060] =	vst.add.f32.msk $0xffff, v7  }
0x1ae: {  	[tilespmem:s28+$0xCC70] =	vst.add.f32.msk $0xffff, v8  }
0x1af: {  	[tilespmem:s28+$0x13070] =	vst.add.f32.msk $0xffff, v8  }
0x1b0: {  	[tilespmem:s28+$0xCC80] =	vst.add.f32.msk $0xffff, v9  }
0x1b1: {  	[tilespmem:s28+$0x13080] =	vst.add.f32.msk $0xffff, v9  }
0x1b2: {  	[tilespmem:s28+$0xCC90] =	vst.add.f32.msk $0xffff, v10  }
0x1b3: {  	[tilespmem:s28+$0x13090] =	vst.add.f32.msk $0xffff, v10  }
0x1b4: {  	[tilespmem:s28+$0xCCA0] =	vst.add.f32.msk $0xffff, v11  }
0x1b5: {  	[tilespmem:s28+$0x130A0] =	vst.add.f32.msk $0xffff, v11  }
0x1b6: {  	[tilespmem:s28+$0xCCB0] =	vst.add.f32.msk $0xffff, v12  }
0x1b7: {  	[tilespmem:s28+$0x130B0] =	vst.add.f32.msk $0xffff, v12  }
0x1b8: {  	[tilespmem:s28+$0xCCC0] =	vst.add.f32.msk $0xffff, v13  }
0x1b9: {  	[tilespmem:s28+$0x130C0] =	vst.add.f32.msk $0xffff, v13  }
0x1ba: {  	[tilespmem:s28+$0xCCD0] =	vst.add.f32.msk $0xffff, v14  }
0x1bb: {  	[tilespmem:s28+$0x130D0] =	vst.add.f32.msk $0xffff, v14  }
0x1bc: {  	[tilespmem:s28+$0xCCE0] =	vst.add.f32.msk $0xffff, v15  }
0x1bd: {  	[tilespmem:s28+$0x130E0] =	vst.add.f32.msk $0xffff, v15  }
0x1be: {  	[tilespmem:s28+$0xCCF0] =	vst.add.f32.msk $0xffff, v16  }
0x1bf: {  	[tilespmem:s28+$0x130F0] =	vst.add.f32.msk $0xffff, v16  }
0x1c0: {  	[tilespmem:s28+$0xCD00] =	vst.add.f32.msk $0xffff, v17  }
0x1c1: {  	[tilespmem:s28+$0x13100] =	vst.add.f32.msk $0xffff, v17  }
0x1c2: {  	[tilespmem:s28+$0xCD10] =	vst.add.f32.msk $0xffff, v18  }
0x1c3: {  	[tilespmem:s28+$0x13110] =	vst.add.f32.msk $0xffff, v18  }
0x1c4: {  	[tilespmem:s28+$0xCD20] =	vst.add.f32.msk $0xffff, v19  }
0x1c5: {  	[tilespmem:s28+$0x13120] =	vst.add.f32.msk $0xffff, v19  }
0x1c6: {  	[tilespmem:s28+$0xCD30] =	vst.add.f32.msk $0xffff, v20  }
0x1c7: {  	[tilespmem:s28+$0x13130] =	vst.add.f32.msk $0xffff, v20  }
0x1c8: {  	[tilespmem:s28+$0xCD40] =	vst.add.f32.msk $0xffff, v21  }
0x1c9: {  	[tilespmem:s28+$0x13140] =	vst.add.f32.msk $0xffff, v21  }
0x1ca: {  	[tilespmem:s28+$0xCD50] =	vst.add.f32.msk $0xffff, v22  }
0x1cb: {  	[tilespmem:s28+$0x13150] =	vst.add.f32.msk $0xffff, v22  }
0x1cc: {  	[tilespmem:s28+$0xCD60] =	vst.add.f32.msk $0xffff, v23  }
0x1cd: {  	[tilespmem:s28+$0x13160] =	vst.add.f32.msk $0xffff, v23  }
0x1ce: {  	[tilespmem:s28+$0xCD70] =	vst.add.f32.msk $0xffff, v24  }
0x1cf: {  	[tilespmem:s28+$0x13170] =	vst.add.f32.msk $0xffff, v24  }
0x1d0: {  	[tilespmem:s28+$0xCD80] =	vst.add.f32.msk $0xffff, v25  }
0x1d1: {  	[tilespmem:s28+$0x13180] =	vst.add.f32.msk $0xffff, v25  }
0x1d2: {  	[tilespmem:s28+$0xCD90] =	vst.add.f32.msk $0xffff, v26  }
0x1d3: {  	[tilespmem:s28+$0x13190] =	vst.add.f32.msk $0xffff, v26  }
0x1d4: {  	[tilespmem:s28+$0xCDA0] =	vst.add.f32.msk $0xffff, v27  }
0x1d5: {  	[tilespmem:s28+$0x131A0] =	vst.add.f32.msk $0xffff, v27  }
0x1d6: {  	[tilespmem:s28+$0xCDB0] =	vst.add.f32.msk $0xffff, v28  }
0x1d7: {  	[tilespmem:s28+$0x131B0] =	vst.add.f32.msk $0xffff, v28  }
0x1d8: {  	[tilespmem:s28+$0xCDC0] =	vst.add.f32.msk $0xffff, v29  }
0x1d9: {  	[tilespmem:s28+$0x131C0] =	vst.add.f32.msk $0xffff, v29  }
0x1da: {  	[tilespmem:s28+$0xCDD0] =	vst.add.f32.msk $0xffff, v30  }
0x1db: {  	[tilespmem:s28+$0x131D0] =	vst.add.f32.msk $0xffff, v30  }
0x1dc: {  	s29 =	sadd.s32 s19, s14;
	[tilespmem:s28+$0xCDE0] =	vst.add.f32.msk $0xffff, v31  }
0x1dd: {  	s29 =	sshll.u32 s29, $0x4;
	[tilespmem:s28+$0x131E0] =	vst.add.f32.msk $0xffff, v31  }
0x1de: {  	[tilespmem:s28+$0xCDF0] =	vst.add.f32.msk $0xffff, v0;
	s28 =	sadd.s32 s4, s29;
	s29 =	simm.s32 $0x0  }
0x1df: {  	[hbm4b:s28+s29] =	stream.linear.scatter [tilespmem:s3], [sflag:$0x5], $0xC800, $0x38;
	[tilespmem:$0x1F800] =	vst v63  }
0x1e0: {  	_ =	swait.ge [sflag:s0], $0x190  }
0x1e1: {  	[sflag:s0] =	ssyncset.done $0x0  }
0x1e2: {  	[sflag:s0] =	ssyncadd.s32 $0xFFFFFE70  }
0x1e3: {  	_ =	swait.ge [sflag:s18], $0xC800  }
0x1e4: {  	[sflag:s18] =	ssyncset.done $0x0  }
0x1e5: {  	[sflag:s18] =	ssyncadd.s32 $0xFFFF3800  }
0x1e6: {  	[tilespmem:s3], [sflag:$0x1] =	stream.indirect.gather [hbm4b:s1+s24], $0x80, s22, s24, $0xb8;
	[tilespmem:$0x1F800] =	vst v63  }
0x1e7: {  	_ = 	snop  }
0x1e8: {  	[tilespmem:s10], [sflag:$0x1] =	stream.indirect.gather [hbm4b:s1+s26], $0x80, s20, s26, $0xb8;
	[tilespmem:$0x1F800] =	vst v63  }
0x1e9: {  	_ = 	snop  }
0x1ea: {  	[tilespmem:s12], [sflag:$0x1] =	stream.indirect.gather [hbm4b:s1+s24], $0x80, s11, s24, $0xb8;
	[tilespmem:$0x1F800] =	vst v63  }
0x1eb: {  	_ = 	snop  }
0x1ec: {  	[tilespmem:s15], [sflag:$0x1] =	stream.indirect.gather [hbm4b:s1+s26], $0x80, s13, s26, $0xb8;
	[tilespmem:$0x1F800] =	vst v63  }
0x1ed: {  	_ =	swait.ge [sflag:s16], $0x3400  }
0x1ee: {  	[sflag:s16] =	ssyncset.done $0x0  }
0x1ef: {  	[sflag:s16] =	ssyncadd.s32 $0xFFFFCC00  }
0x1f0: {  	_ =	swait.ge [sflag:s16], $0x3000  }
0x1f1: {  	[sflag:s16] =	ssyncset.done $0x0  }
0x1f2: {  	[sflag:s16] =	ssyncadd.s32 $0xFFFFD000  }
0x1f3: {  	_ =	swait.ge [sflag:s16], $0x3400  }
0x1f4: {  	[sflag:s16] =	ssyncset.done $0x0  }
0x1f5: {  	[sflag:s16] =	ssyncadd.s32 $0xFFFFCC00  }
0x1f6: {  	s28 =	sadd.s32 s19, s9;
	_ =	swait.ge [sflag:s16], $0x3000  }
0x1f7: {  	s28 =	sshrl.u32 s28, $0x3;
	[sflag:s16] =	ssyncset.done $0x0  }
0x1f8: {  	s28 =	sadd.s32 s7, s28;
	[sflag:s16] =	ssyncadd.s32 $0xFFFFD000  }
0x1f9: {  	[tilespmem:s29], [sflag:$0x2] =	stream.linear.gather [hbm4b:s28+s29], $0x190, $0x38;
	[tilespmem:$0x1F800] =	vst v63  }
0x1fa: {  	s28 =	simm.s32 $0x0;
	s29 =	simm.s32 $0x800  }
.LBB2_7:
0x1fb: {  	p0 =	sne.s32 s29, $0x18800;
	v0 =	vld [tilespmem:s28+$0x195F0]  }
0x1fc: {  	v1 =	vld [tilespmem:s28+$0x19400]  }
0x1fd: {  	v2 =	vld [tilespmem:s28+$0x19410]  }
0x1fe: {  	v3 =	vld [tilespmem:s28+$0x19420]  }
0x1ff: {  	v4 =	vld [tilespmem:s28+$0x19430]  }
0x200: {  	[tilespmem:s28+$0x69F0] =	vst.add.f32.msk $0xffff, v0  }
0x201: {  	v5 =	vld [tilespmem:s28+$0x19440]  }
0x202: {  	v6 =	vld [tilespmem:s28+$0x19450]  }
0x203: {  	v7 =	vld [tilespmem:s28+$0x19460]  }
0x204: {  	v8 =	vld [tilespmem:s28+$0x19470]  }
0x205: {  	v9 =	vld [tilespmem:s28+$0x19480]  }
0x206: {  	v10 =	vld [tilespmem:s28+$0x19490]  }
0x207: {  	v11 =	vld [tilespmem:s28+$0x194A0]  }
0x208: {  	v12 =	vld [tilespmem:s28+$0x194B0]  }
0x209: {  	v13 =	vld [tilespmem:s28+$0x194C0]  }
0x20a: {  	v14 =	vld [tilespmem:s28+$0x194D0]  }
0x20b: {  	v15 =	vld [tilespmem:s28+$0x194E0]  }
0x20c: {  	v16 =	vld [tilespmem:s28+$0x194F0]  }
0x20d: {  	v17 =	vld [tilespmem:s28+$0x19500]  }
0x20e: {  	v18 =	vld [tilespmem:s28+$0x19510]  }
0x20f: {  	v19 =	vld [tilespmem:s28+$0x19520]  }
0x210: {  	v20 =	vld [tilespmem:s28+$0x19530]  }
0x211: {  	v21 =	vld [tilespmem:s28+$0x19540]  }
0x212: {  	v22 =	vld [tilespmem:s28+$0x19550]  }
0x213: {  	v23 =	vld [tilespmem:s28+$0x19560]  }
0x214: {  	v24 =	vld [tilespmem:s28+$0x19570]  }
0x215: {  	v25 =	vld [tilespmem:s28+$0x19580]  }
0x216: {  	v26 =	vld [tilespmem:s28+$0x19590]  }
0x217: {  	v27 =	vld [tilespmem:s28+$0x195A0]  }
0x218: {  	v28 =	vld [tilespmem:s28+$0x195B0]  }
0x219: {  	v29 =	vld [tilespmem:s28+$0x195C0]  }
0x21a: {  	v30 =	vld [tilespmem:s28+$0x195D0]  }
0x21b: {  	v31 =	vld [tilespmem:s28+$0x195E0]  }
0x21c: {  	[tilespmem:s28+$0x400] =	vst.add.f32.msk $0xffff, v1  }
0x21d: {  	[tilespmem:s28+$0x6800] =	vst.add.f32.msk $0xffff, v1  }
0x21e: {  	[tilespmem:s28+$0x410] =	vst.add.f32.msk $0xffff, v2  }
0x21f: {  	[tilespmem:s28+$0x6810] =	vst.add.f32.msk $0xffff, v2  }
0x220: {  	[tilespmem:s28+$0x420] =	vst.add.f32.msk $0xffff, v3  }
0x221: {  	[tilespmem:s28+$0x6820] =	vst.add.f32.msk $0xffff, v3  }
0x222: {  	[tilespmem:s28+$0x430] =	vst.add.f32.msk $0xffff, v4  }
0x223: {  	[tilespmem:s28+$0x6830] =	vst.add.f32.msk $0xffff, v4  }
0x224: {  	[tilespmem:s28+$0x440] =	vst.add.f32.msk $0xffff, v5  }
0x225: {  	[tilespmem:s28+$0x6840] =	vst.add.f32.msk $0xffff, v5  }
0x226: {  	[tilespmem:s28+$0x450] =	vst.add.f32.msk $0xffff, v6  }
0x227: {  	[tilespmem:s28+$0x6850] =	vst.add.f32.msk $0xffff, v6  }
0x228: {  	[tilespmem:s28+$0x460] =	vst.add.f32.msk $0xffff, v7  }
0x229: {  	[tilespmem:s28+$0x6860] =	vst.add.f32.msk $0xffff, v7  }
0x22a: {  	[tilespmem:s28+$0x470] =	vst.add.f32.msk $0xffff, v8  }
0x22b: {  	[tilespmem:s28+$0x6870] =	vst.add.f32.msk $0xffff, v8  }
0x22c: {  	[tilespmem:s28+$0x480] =	vst.add.f32.msk $0xffff, v9  }
0x22d: {  	[tilespmem:s28+$0x6880] =	vst.add.f32.msk $0xffff, v9  }
0x22e: {  	[tilespmem:s28+$0x490] =	vst.add.f32.msk $0xffff, v10  }
0x22f: {  	[tilespmem:s28+$0x6890] =	vst.add.f32.msk $0xffff, v10  }
0x230: {  	[tilespmem:s28+$0x4A0] =	vst.add.f32.msk $0xffff, v11  }
0x231: {  	[tilespmem:s28+$0x68A0] =	vst.add.f32.msk $0xffff, v11  }
0x232: {  	[tilespmem:s28+$0x4B0] =	vst.add.f32.msk $0xffff, v12  }
0x233: {  	[tilespmem:s28+$0x68B0] =	vst.add.f32.msk $0xffff, v12  }
0x234: {  	[tilespmem:s28+$0x4C0] =	vst.add.f32.msk $0xffff, v13  }
0x235: {  	[tilespmem:s28+$0x68C0] =	vst.add.f32.msk $0xffff, v13  }
0x236: {  	[tilespmem:s28+$0x4D0] =	vst.add.f32.msk $0xffff, v14  }
0x237: {  	[tilespmem:s28+$0x68D0] =	vst.add.f32.msk $0xffff, v14  }
0x238: {  	[tilespmem:s28+$0x4E0] =	vst.add.f32.msk $0xffff, v15  }
0x239: {  	[tilespmem:s28+$0x68E0] =	vst.add.f32.msk $0xffff, v15  }
0x23a: {  	[tilespmem:s28+$0x4F0] =	vst.add.f32.msk $0xffff, v16  }
0x23b: {  	[tilespmem:s28+$0x68F0] =	vst.add.f32.msk $0xffff, v16  }
0x23c: {  	[tilespmem:s28+$0x500] =	vst.add.f32.msk $0xffff, v17  }
0x23d: {  	[tilespmem:s28+$0x6900] =	vst.add.f32.msk $0xffff, v17  }
0x23e: {  	[tilespmem:s28+$0x510] =	vst.add.f32.msk $0xffff, v18  }
0x23f: {  	[tilespmem:s28+$0x6910] =	vst.add.f32.msk $0xffff, v18  }
0x240: {  	[tilespmem:s28+$0x520] =	vst.add.f32.msk $0xffff, v19  }
0x241: {  	[tilespmem:s28+$0x6920] =	vst.add.f32.msk $0xffff, v19  }
0x242: {  	[tilespmem:s28+$0x530] =	vst.add.f32.msk $0xffff, v20  }
0x243: {  	[tilespmem:s28+$0x6930] =	vst.add.f32.msk $0xffff, v20  }
0x244: {  	[tilespmem:s28+$0x540] =	vst.add.f32.msk $0xffff, v21  }
0x245: {  	[tilespmem:s28+$0x6940] =	vst.add.f32.msk $0xffff, v21  }
0x246: {  	[tilespmem:s28+$0x550] =	vst.add.f32.msk $0xffff, v22  }
0x247: {  	[tilespmem:s28+$0x6950] =	vst.add.f32.msk $0xffff, v22  }
0x248: {  	[tilespmem:s28+$0x560] =	vst.add.f32.msk $0xffff, v23  }
0x249: {  	[tilespmem:s28+$0x6960] =	vst.add.f32.msk $0xffff, v23  }
0x24a: {  	[tilespmem:s28+$0x570] =	vst.add.f32.msk $0xffff, v24  }
0x24b: {  	[tilespmem:s28+$0x6970] =	vst.add.f32.msk $0xffff, v24  }
0x24c: {  	[tilespmem:s28+$0x580] =	vst.add.f32.msk $0xffff, v25  }
0x24d: {  	[tilespmem:s28+$0x6980] =	vst.add.f32.msk $0xffff, v25  }
0x24e: {  	[tilespmem:s28+$0x590] =	vst.add.f32.msk $0xffff, v26  }
0x24f: {  	[tilespmem:s28+$0x6990] =	vst.add.f32.msk $0xffff, v26  }
0x250: {  	[tilespmem:s28+$0x5A0] =	vst.add.f32.msk $0xffff, v27  }
0x251: {  	[tilespmem:s28+$0x69A0] =	vst.add.f32.msk $0xffff, v27  }
0x252: {  	[tilespmem:s28+$0x5B0] =	vst.add.f32.msk $0xffff, v28  }
0x253: {  	[tilespmem:s28+$0x69B0] =	vst.add.f32.msk $0xffff, v28  }
0x254: {  	[tilespmem:s28+$0x5C0] =	vst.add.f32.msk $0xffff, v29  }
0x255: {  	[tilespmem:s28+$0x69C0] =	vst.add.f32.msk $0xffff, v29  }
.Ltmp2:
0x256: {  	[tilespmem:s28+$0x5D0] =	vst.add.f32.msk $0xffff, v30;
	(pc) =	sbr.rel @p0 .LBB2_7-.Ltmp2, $4  }
0x257: {  	[tilespmem:s28+$0x69D0] =	vst.add.f32.msk $0xffff, v30  }
0x258: {  	[tilespmem:s28+$0x5E0] =	vst.add.f32.msk $0xffff, v31  }
0x259: {  	[tilespmem:s28+$0x69E0] =	vst.add.f32.msk $0xffff, v31  }
0x25a: {  	[tilespmem:s28+$0x5F0] =	vst.add.f32.msk $0xffff, v0;
	s28 =	sshra.s32 s29, $0x2;
	s29 =	sadd.s32 $0x800, s29  }
0x25b: {  	v0 =	vld [tilespmem:s28+$0x195F0]  }
0x25c: {  	v1 =	vld [tilespmem:s28+$0x19400]  }
0x25d: {  	v2 =	vld [tilespmem:s28+$0x19410]  }
0x25e: {  	v3 =	vld [tilespmem:s28+$0x19420]  }
0x25f: {  	v4 =	vld [tilespmem:s28+$0x19430]  }
0x260: {  	v5 =	vld [tilespmem:s28+$0x19440]  }
0x261: {  	v6 =	vld [tilespmem:s28+$0x19450]  }
0x262: {  	v7 =	vld [tilespmem:s28+$0x19460]  }
0x263: {  	v8 =	vld [tilespmem:s28+$0x19470]  }
0x264: {  	v9 =	vld [tilespmem:s28+$0x19480]  }
0x265: {  	v10 =	vld [tilespmem:s28+$0x19490]  }
0x266: {  	v11 =	vld [tilespmem:s28+$0x194A0]  }
0x267: {  	v12 =	vld [tilespmem:s28+$0x194B0]  }
0x268: {  	v13 =	vld [tilespmem:s28+$0x194C0]  }
0x269: {  	v14 =	vld [tilespmem:s28+$0x194D0]  }
0x26a: {  	v15 =	vld [tilespmem:s28+$0x194E0]  }
0x26b: {  	v16 =	vld [tilespmem:s28+$0x194F0]  }
0x26c: {  	v17 =	vld [tilespmem:s28+$0x19500]  }
0x26d: {  	v18 =	vld [tilespmem:s28+$0x19510]  }
0x26e: {  	v19 =	vld [tilespmem:s28+$0x19520]  }
0x26f: {  	v20 =	vld [tilespmem:s28+$0x19530]  }
0x270: {  	v21 =	vld [tilespmem:s28+$0x19540]  }
0x271: {  	v22 =	vld [tilespmem:s28+$0x19550]  }
0x272: {  	v23 =	vld [tilespmem:s28+$0x19560]  }
0x273: {  	v24 =	vld [tilespmem:s28+$0x19570]  }
0x274: {  	v25 =	vld [tilespmem:s28+$0x19580]  }
0x275: {  	v26 =	vld [tilespmem:s28+$0x19590]  }
0x276: {  	v27 =	vld [tilespmem:s28+$0x195A0]  }
0x277: {  	v28 =	vld [tilespmem:s28+$0x195B0]  }
0x278: {  	v29 =	vld [tilespmem:s28+$0x195C0]  }
0x279: {  	v30 =	vld [tilespmem:s28+$0x195D0]  }
0x27a: {  	v31 =	vld [tilespmem:s28+$0x195E0]  }
0x27b: {  	[tilespmem:s28+$0x69F0] =	vst.add.f32.msk $0xffff, v0  }
0x27c: {  	[tilespmem:s28+$0x400] =	vst.add.f32.msk $0xffff, v1  }
0x27d: {  	[tilespmem:s28+$0x6800] =	vst.add.f32.msk $0xffff, v1  }
0x27e: {  	[tilespmem:s28+$0x410] =	vst.add.f32.msk $0xffff, v2  }
0x27f: {  	[tilespmem:s28+$0x6810] =	vst.add.f32.msk $0xffff, v2  }
0x280: {  	[tilespmem:s28+$0x420] =	vst.add.f32.msk $0xffff, v3  }
0x281: {  	[tilespmem:s28+$0x6820] =	vst.add.f32.msk $0xffff, v3  }
0x282: {  	[tilespmem:s28+$0x430] =	vst.add.f32.msk $0xffff, v4  }
0x283: {  	[tilespmem:s28+$0x6830] =	vst.add.f32.msk $0xffff, v4  }
0x284: {  	[tilespmem:s28+$0x440] =	vst.add.f32.msk $0xffff, v5  }
0x285: {  	[tilespmem:s28+$0x6840] =	vst.add.f32.msk $0xffff, v5  }
0x286: {  	[tilespmem:s28+$0x450] =	vst.add.f32.msk $0xffff, v6  }
0x287: {  	[tilespmem:s28+$0x6850] =	vst.add.f32.msk $0xffff, v6  }
0x288: {  	[tilespmem:s28+$0x460] =	vst.add.f32.msk $0xffff, v7  }
0x289: {  	[tilespmem:s28+$0x6860] =	vst.add.f32.msk $0xffff, v7  }
0x28a: {  	[tilespmem:s28+$0x470] =	vst.add.f32.msk $0xffff, v8  }
0x28b: {  	[tilespmem:s28+$0x6870] =	vst.add.f32.msk $0xffff, v8  }
0x28c: {  	[tilespmem:s28+$0x480] =	vst.add.f32.msk $0xffff, v9  }
0x28d: {  	[tilespmem:s28+$0x6880] =	vst.add.f32.msk $0xffff, v9  }
0x28e: {  	[tilespmem:s28+$0x490] =	vst.add.f32.msk $0xffff, v10  }
0x28f: {  	[tilespmem:s28+$0x6890] =	vst.add.f32.msk $0xffff, v10  }
0x290: {  	[tilespmem:s28+$0x4A0] =	vst.add.f32.msk $0xffff, v11  }
0x291: {  	[tilespmem:s28+$0x68A0] =	vst.add.f32.msk $0xffff, v11  }
0x292: {  	[tilespmem:s28+$0x4B0] =	vst.add.f32.msk $0xffff, v12  }
0x293: {  	[tilespmem:s28+$0x68B0] =	vst.add.f32.msk $0xffff, v12  }
0x294: {  	[tilespmem:s28+$0x4C0] =	vst.add.f32.msk $0xffff, v13  }
0x295: {  	[tilespmem:s28+$0x68C0] =	vst.add.f32.msk $0xffff, v13  }
0x296: {  	[tilespmem:s28+$0x4D0] =	vst.add.f32.msk $0xffff, v14  }
0x297: {  	[tilespmem:s28+$0x68D0] =	vst.add.f32.msk $0xffff, v14  }
0x298: {  	[tilespmem:s28+$0x4E0] =	vst.add.f32.msk $0xffff, v15  }
0x299: {  	[tilespmem:s28+$0x68E0] =	vst.add.f32.msk $0xffff, v15  }
0x29a: {  	[tilespmem:s28+$0x4F0] =	vst.add.f32.msk $0xffff, v16  }
0x29b: {  	[tilespmem:s28+$0x68F0] =	vst.add.f32.msk $0xffff, v16  }
0x29c: {  	[tilespmem:s28+$0x500] =	vst.add.f32.msk $0xffff, v17  }
0x29d: {  	[tilespmem:s28+$0x6900] =	vst.add.f32.msk $0xffff, v17  }
0x29e: {  	[tilespmem:s28+$0x510] =	vst.add.f32.msk $0xffff, v18  }
0x29f: {  	[tilespmem:s28+$0x6910] =	vst.add.f32.msk $0xffff, v18  }
0x2a0: {  	[tilespmem:s28+$0x520] =	vst.add.f32.msk $0xffff, v19  }
0x2a1: {  	[tilespmem:s28+$0x6920] =	vst.add.f32.msk $0xffff, v19  }
0x2a2: {  	[tilespmem:s28+$0x530] =	vst.add.f32.msk $0xffff, v20  }
0x2a3: {  	[tilespmem:s28+$0x6930] =	vst.add.f32.msk $0xffff, v20  }
0x2a4: {  	[tilespmem:s28+$0x540] =	vst.add.f32.msk $0xffff, v21  }
0x2a5: {  	[tilespmem:s28+$0x6940] =	vst.add.f32.msk $0xffff, v21  }
0x2a6: {  	[tilespmem:s28+$0x550] =	vst.add.f32.msk $0xffff, v22  }
0x2a7: {  	[tilespmem:s28+$0x6950] =	vst.add.f32.msk $0xffff, v22  }
0x2a8: {  	[tilespmem:s28+$0x560] =	vst.add.f32.msk $0xffff, v23  }
0x2a9: {  	[tilespmem:s28+$0x6960] =	vst.add.f32.msk $0xffff, v23  }
0x2aa: {  	[tilespmem:s28+$0x570] =	vst.add.f32.msk $0xffff, v24  }
0x2ab: {  	[tilespmem:s28+$0x6970] =	vst.add.f32.msk $0xffff, v24  }
0x2ac: {  	[tilespmem:s28+$0x580] =	vst.add.f32.msk $0xffff, v25  }
0x2ad: {  	[tilespmem:s28+$0x6980] =	vst.add.f32.msk $0xffff, v25  }
0x2ae: {  	[tilespmem:s28+$0x590] =	vst.add.f32.msk $0xffff, v26  }
0x2af: {  	[tilespmem:s28+$0x6990] =	vst.add.f32.msk $0xffff, v26  }
0x2b0: {  	[tilespmem:s28+$0x5A0] =	vst.add.f32.msk $0xffff, v27  }
0x2b1: {  	[tilespmem:s28+$0x69A0] =	vst.add.f32.msk $0xffff, v27  }
0x2b2: {  	[tilespmem:s28+$0x5B0] =	vst.add.f32.msk $0xffff, v28  }
0x2b3: {  	[tilespmem:s28+$0x69B0] =	vst.add.f32.msk $0xffff, v28  }
0x2b4: {  	[tilespmem:s28+$0x5C0] =	vst.add.f32.msk $0xffff, v29  }
0x2b5: {  	s21 =	sadd.s32 $0x1, s21;
	[tilespmem:s28+$0x69C0] =	vst.add.f32.msk $0xffff, v29  }
0x2b6: {  	p0 =	sne.s32 s21, $0x7;
	[tilespmem:s28+$0x5D0] =	vst.add.f32.msk $0xffff, v30  }
.Ltmp3:
0x2b7: {  	[tilespmem:s28+$0x69D0] =	vst.add.f32.msk $0xffff, v30;
	(pc) =	sbr.rel @p0 .LBB2_4-.Ltmp3, $4  }
0x2b8: {  	s19 =	sadd.s32 s6, s19;
	[tilespmem:s28+$0x5E0] =	vst.add.f32.msk $0xffff, v31  }
0x2b9: {  	s19 =	sshll.u32 s19, $0x4;
	[tilespmem:s28+$0x69E0] =	vst.add.f32.msk $0xffff, v31  }
0x2ba: {  	s19 =	sadd.s32 s4, s19;
	[tilespmem:s28+$0x5F0] =	vst.add.f32.msk $0xffff, v0  }
0x2bb: {  	[hbm4b:s19+s5] =	stream.linear.scatter [tilespmem:s25], [sflag:$0x4], $0xC800, $0x38;
	[tilespmem:$0x1F800] =	vst v63  }
0x2bc: {  	_ =	swait.ge [sflag:s23], $0x190  }
0x2bd: {  	[sflag:s23] =	ssyncset.done $0x0  }
0x2be: {  	[sflag:s23] =	ssyncadd.s32 $0xFFFFFE70  }
0x2bf: {  	_ =	swait.ge [sflag:s17], $0xC800  }
0x2c0: {  	[sflag:s17] =	ssyncset.done $0x0  }
0x2c1: {  	s19 =	simm.s32 $0x0;
	[sflag:s17] =	ssyncadd.s32 $0xFFFF3800  }
0x2c2: {  	[tilespmem:s25], [sflag:$0x1] =	stream.indirect.gather [hbm4b:s1+s24], $0x80, s19, s24, $0xb8;
	[tilespmem:$0x1F800] =	vst v63  }
0x2c3: {  	s21 =	simm.s32 $0x3800  }
0x2c4: {  	[tilespmem:s21], [sflag:$0x1] =	stream.indirect.gather [hbm4b:s1+s26], $0x80, s24, s26, $0xb8;
	[tilespmem:$0x1F800] =	vst v63  }
0x2c5: {  	s28 =	simm.s32 $0xC8  }
0x2c6: {  	[tilespmem:s30], [sflag:$0x1] =	stream.indirect.gather [hbm4b:s1+s24], $0x80, s28, s24, $0xb8;
	[tilespmem:$0x1F800] =	vst v63  }
0x2c7: {  	_ = 	snop  }
0x2c8: {  	[tilespmem:s2], [sflag:$0x1] =	stream.indirect.gather [hbm4b:s1+s26], $0x80, s31, s26, $0xb8;
	[tilespmem:$0x1F800] =	vst v63  }
0x2c9: {  	_ =	swait.ge [sflag:s16], $0x3400  }
0x2ca: {  	[sflag:s16] =	ssyncset.done $0x0  }
0x2cb: {  	[sflag:s16] =	ssyncadd.s32 $0xFFFFCC00  }
0x2cc: {  	_ =	swait.ge [sflag:s16], $0x3000  }
0x2cd: {  	[sflag:s16] =	ssyncset.done $0x0  }
0x2ce: {  	[sflag:s16] =	ssyncadd.s32 $0xFFFFD000  }
0x2cf: {  	_ =	swait.ge [sflag:s16], $0x3400  }
0x2d0: {  	[sflag:s16] =	ssyncset.done $0x0  }
0x2d1: {  	[sflag:s16] =	ssyncadd.s32 $0xFFFFCC00  }
0x2d2: {  	_ =	swait.ge [sflag:s16], $0x3000  }
0x2d3: {  	[sflag:s16] =	ssyncset.done $0x0  }
0x2d4: {  	s29 =	rddreg [dreg:$0x9];
	[sflag:s16] =	ssyncadd.s32 $0xFFFFD000  }
0x2d5: {  	[tilespmem:s22], [sflag:$0x3] =	stream.linear.gather [hbm4b:s29+s19], $0x190, $0x38;
	[tilespmem:$0x1F800] =	vst v63  }
0x2d6: {  	s21 =	simm.s32 $0x800;
	s19 =	simm.s32 $0x0  }
.LBB2_10:
0x2d7: {  	p0 =	sne.s32 s21, $0x18800;
	v0 =	vld [tilespmem:s19+$0x195F0]  }
0x2d8: {  	v1 =	vld [tilespmem:s19+$0x19400]  }
0x2d9: {  	v2 =	vld [tilespmem:s19+$0x19410]  }
0x2da: {  	v3 =	vld [tilespmem:s19+$0x19420]  }
0x2db: {  	v4 =	vld [tilespmem:s19+$0x19430]  }
0x2dc: {  	[tilespmem:s19+$0x131F0] =	vst.add.f32.msk $0xffff, v0  }
0x2dd: {  	v5 =	vld [tilespmem:s19+$0x19440]  }
0x2de: {  	v6 =	vld [tilespmem:s19+$0x19450]  }
0x2df: {  	v7 =	vld [tilespmem:s19+$0x19460]  }
0x2e0: {  	v8 =	vld [tilespmem:s19+$0x19470]  }
0x2e1: {  	v9 =	vld [tilespmem:s19+$0x19480]  }
0x2e2: {  	v10 =	vld [tilespmem:s19+$0x19490]  }
0x2e3: {  	v11 =	vld [tilespmem:s19+$0x194A0]  }
0x2e4: {  	v12 =	vld [tilespmem:s19+$0x194B0]  }
0x2e5: {  	v13 =	vld [tilespmem:s19+$0x194C0]  }
0x2e6: {  	v14 =	vld [tilespmem:s19+$0x194D0]  }
0x2e7: {  	v15 =	vld [tilespmem:s19+$0x194E0]  }
0x2e8: {  	v16 =	vld [tilespmem:s19+$0x194F0]  }
0x2e9: {  	v17 =	vld [tilespmem:s19+$0x19500]  }
0x2ea: {  	v18 =	vld [tilespmem:s19+$0x19510]  }
0x2eb: {  	v19 =	vld [tilespmem:s19+$0x19520]  }
0x2ec: {  	v20 =	vld [tilespmem:s19+$0x19530]  }
0x2ed: {  	v21 =	vld [tilespmem:s19+$0x19540]  }
0x2ee: {  	v22 =	vld [tilespmem:s19+$0x19550]  }
0x2ef: {  	v23 =	vld [tilespmem:s19+$0x19560]  }
0x2f0: {  	v24 =	vld [tilespmem:s19+$0x19570]  }
0x2f1: {  	v25 =	vld [tilespmem:s19+$0x19580]  }
0x2f2: {  	v26 =	vld [tilespmem:s19+$0x19590]  }
0x2f3: {  	v27 =	vld [tilespmem:s19+$0x195A0]  }
0x2f4: {  	v28 =	vld [tilespmem:s19+$0x195B0]  }
0x2f5: {  	v29 =	vld [tilespmem:s19+$0x195C0]  }
0x2f6: {  	v30 =	vld [tilespmem:s19+$0x195D0]  }
0x2f7: {  	v31 =	vld [tilespmem:s19+$0x195E0]  }
0x2f8: {  	[tilespmem:s19+$0xCC00] =	vst.add.f32.msk $0xffff, v1  }
0x2f9: {  	[tilespmem:s19+$0x13000] =	vst.add.f32.msk $0xffff, v1  }
0x2fa: {  	[tilespmem:s19+$0xCC10] =	vst.add.f32.msk $0xffff, v2  }
0x2fb: {  	[tilespmem:s19+$0x13010] =	vst.add.f32.msk $0xffff, v2  }
0x2fc: {  	[tilespmem:s19+$0xCC20] =	vst.add.f32.msk $0xffff, v3  }
0x2fd: {  	[tilespmem:s19+$0x13020] =	vst.add.f32.msk $0xffff, v3  }
0x2fe: {  	[tilespmem:s19+$0xCC30] =	vst.add.f32.msk $0xffff, v4  }
0x2ff: {  	[tilespmem:s19+$0x13030] =	vst.add.f32.msk $0xffff, v4  }
0x300: {  	[tilespmem:s19+$0xCC40] =	vst.add.f32.msk $0xffff, v5  }
0x301: {  	[tilespmem:s19+$0x13040] =	vst.add.f32.msk $0xffff, v5  }
0x302: {  	[tilespmem:s19+$0xCC50] =	vst.add.f32.msk $0xffff, v6  }
0x303: {  	[tilespmem:s19+$0x13050] =	vst.add.f32.msk $0xffff, v6  }
0x304: {  	[tilespmem:s19+$0xCC60] =	vst.add.f32.msk $0xffff, v7  }
0x305: {  	[tilespmem:s19+$0x13060] =	vst.add.f32.msk $0xffff, v7  }
0x306: {  	[tilespmem:s19+$0xCC70] =	vst.add.f32.msk $0xffff, v8  }
0x307: {  	[tilespmem:s19+$0x13070] =	vst.add.f32.msk $0xffff, v8  }
0x308: {  	[tilespmem:s19+$0xCC80] =	vst.add.f32.msk $0xffff, v9  }
0x309: {  	[tilespmem:s19+$0x13080] =	vst.add.f32.msk $0xffff, v9  }
0x30a: {  	[tilespmem:s19+$0xCC90] =	vst.add.f32.msk $0xffff, v10  }
0x30b: {  	[tilespmem:s19+$0x13090] =	vst.add.f32.msk $0xffff, v10  }
0x30c: {  	[tilespmem:s19+$0xCCA0] =	vst.add.f32.msk $0xffff, v11  }
0x30d: {  	[tilespmem:s19+$0x130A0] =	vst.add.f32.msk $0xffff, v11  }
0x30e: {  	[tilespmem:s19+$0xCCB0] =	vst.add.f32.msk $0xffff, v12  }
0x30f: {  	[tilespmem:s19+$0x130B0] =	vst.add.f32.msk $0xffff, v12  }
0x310: {  	[tilespmem:s19+$0xCCC0] =	vst.add.f32.msk $0xffff, v13  }
0x311: {  	[tilespmem:s19+$0x130C0] =	vst.add.f32.msk $0xffff, v13  }
0x312: {  	[tilespmem:s19+$0xCCD0] =	vst.add.f32.msk $0xffff, v14  }
0x313: {  	[tilespmem:s19+$0x130D0] =	vst.add.f32.msk $0xffff, v14  }
0x314: {  	[tilespmem:s19+$0xCCE0] =	vst.add.f32.msk $0xffff, v15  }
0x315: {  	[tilespmem:s19+$0x130E0] =	vst.add.f32.msk $0xffff, v15  }
0x316: {  	[tilespmem:s19+$0xCCF0] =	vst.add.f32.msk $0xffff, v16  }
0x317: {  	[tilespmem:s19+$0x130F0] =	vst.add.f32.msk $0xffff, v16  }
0x318: {  	[tilespmem:s19+$0xCD00] =	vst.add.f32.msk $0xffff, v17  }
0x319: {  	[tilespmem:s19+$0x13100] =	vst.add.f32.msk $0xffff, v17  }
0x31a: {  	[tilespmem:s19+$0xCD10] =	vst.add.f32.msk $0xffff, v18  }
0x31b: {  	[tilespmem:s19+$0x13110] =	vst.add.f32.msk $0xffff, v18  }
0x31c: {  	[tilespmem:s19+$0xCD20] =	vst.add.f32.msk $0xffff, v19  }
0x31d: {  	[tilespmem:s19+$0x13120] =	vst.add.f32.msk $0xffff, v19  }
0x31e: {  	[tilespmem:s19+$0xCD30] =	vst.add.f32.msk $0xffff, v20  }
0x31f: {  	[tilespmem:s19+$0x13130] =	vst.add.f32.msk $0xffff, v20  }
0x320: {  	[tilespmem:s19+$0xCD40] =	vst.add.f32.msk $0xffff, v21  }
0x321: {  	[tilespmem:s19+$0x13140] =	vst.add.f32.msk $0xffff, v21  }
0x322: {  	[tilespmem:s19+$0xCD50] =	vst.add.f32.msk $0xffff, v22  }
0x323: {  	[tilespmem:s19+$0x13150] =	vst.add.f32.msk $0xffff, v22  }
0x324: {  	[tilespmem:s19+$0xCD60] =	vst.add.f32.msk $0xffff, v23  }
0x325: {  	[tilespmem:s19+$0x13160] =	vst.add.f32.msk $0xffff, v23  }
0x326: {  	[tilespmem:s19+$0xCD70] =	vst.add.f32.msk $0xffff, v24  }
0x327: {  	[tilespmem:s19+$0x13170] =	vst.add.f32.msk $0xffff, v24  }
0x328: {  	[tilespmem:s19+$0xCD80] =	vst.add.f32.msk $0xffff, v25  }
0x329: {  	[tilespmem:s19+$0x13180] =	vst.add.f32.msk $0xffff, v25  }
0x32a: {  	[tilespmem:s19+$0xCD90] =	vst.add.f32.msk $0xffff, v26  }
0x32b: {  	[tilespmem:s19+$0x13190] =	vst.add.f32.msk $0xffff, v26  }
0x32c: {  	[tilespmem:s19+$0xCDA0] =	vst.add.f32.msk $0xffff, v27  }
0x32d: {  	[tilespmem:s19+$0x131A0] =	vst.add.f32.msk $0xffff, v27  }
0x32e: {  	[tilespmem:s19+$0xCDB0] =	vst.add.f32.msk $0xffff, v28  }
0x32f: {  	[tilespmem:s19+$0x131B0] =	vst.add.f32.msk $0xffff, v28  }
0x330: {  	[tilespmem:s19+$0xCDC0] =	vst.add.f32.msk $0xffff, v29  }
0x331: {  	[tilespmem:s19+$0x131C0] =	vst.add.f32.msk $0xffff, v29  }
.Ltmp4:
0x332: {  	[tilespmem:s19+$0xCDD0] =	vst.add.f32.msk $0xffff, v30;
	(pc) =	sbr.rel @p0 .LBB2_10-.Ltmp4, $4  }
0x333: {  	[tilespmem:s19+$0x131D0] =	vst.add.f32.msk $0xffff, v30  }
0x334: {  	[tilespmem:s19+$0xCDE0] =	vst.add.f32.msk $0xffff, v31  }
0x335: {  	[tilespmem:s19+$0x131E0] =	vst.add.f32.msk $0xffff, v31  }
0x336: {  	[tilespmem:s19+$0xCDF0] =	vst.add.f32.msk $0xffff, v0;
	s19 =	sshra.s32 s21, $0x2;
	s21 =	sadd.s32 $0x800, s21  }
0x337: {  	v0 =	vld [tilespmem:s19+$0x195F0]  }
0x338: {  	v1 =	vld [tilespmem:s19+$0x19400]  }
0x339: {  	v2 =	vld [tilespmem:s19+$0x19410]  }
0x33a: {  	v3 =	vld [tilespmem:s19+$0x19420]  }
0x33b: {  	v4 =	vld [tilespmem:s19+$0x19430]  }
0x33c: {  	v5 =	vld [tilespmem:s19+$0x19440]  }
0x33d: {  	v6 =	vld [tilespmem:s19+$0x19450]  }
0x33e: {  	v7 =	vld [tilespmem:s19+$0x19460]  }
0x33f: {  	v8 =	vld [tilespmem:s19+$0x19470]  }
0x340: {  	v9 =	vld [tilespmem:s19+$0x19480]  }
0x341: {  	v10 =	vld [tilespmem:s19+$0x19490]  }
0x342: {  	v11 =	vld [tilespmem:s19+$0x194A0]  }
0x343: {  	v12 =	vld [tilespmem:s19+$0x194B0]  }
0x344: {  	v13 =	vld [tilespmem:s19+$0x194C0]  }
0x345: {  	v14 =	vld [tilespmem:s19+$0x194D0]  }
0x346: {  	v15 =	vld [tilespmem:s19+$0x194E0]  }
0x347: {  	v16 =	vld [tilespmem:s19+$0x194F0]  }
0x348: {  	v17 =	vld [tilespmem:s19+$0x19500]  }
0x349: {  	v18 =	vld [tilespmem:s19+$0x19510]  }
0x34a: {  	v19 =	vld [tilespmem:s19+$0x19520]  }
0x34b: {  	v20 =	vld [tilespmem:s19+$0x19530]  }
0x34c: {  	v21 =	vld [tilespmem:s19+$0x19540]  }
0x34d: {  	v22 =	vld [tilespmem:s19+$0x19550]  }
0x34e: {  	v23 =	vld [tilespmem:s19+$0x19560]  }
0x34f: {  	v24 =	vld [tilespmem:s19+$0x19570]  }
0x350: {  	v25 =	vld [tilespmem:s19+$0x19580]  }
0x351: {  	v26 =	vld [tilespmem:s19+$0x19590]  }
0x352: {  	v27 =	vld [tilespmem:s19+$0x195A0]  }
0x353: {  	v28 =	vld [tilespmem:s19+$0x195B0]  }
0x354: {  	v29 =	vld [tilespmem:s19+$0x195C0]  }
0x355: {  	v30 =	vld [tilespmem:s19+$0x195D0]  }
0x356: {  	v31 =	vld [tilespmem:s19+$0x195E0]  }
0x357: {  	[tilespmem:s19+$0x131F0] =	vst.add.f32.msk $0xffff, v0  }
0x358: {  	[tilespmem:s19+$0xCC00] =	vst.add.f32.msk $0xffff, v1  }
0x359: {  	[tilespmem:s19+$0x13000] =	vst.add.f32.msk $0xffff, v1  }
0x35a: {  	[tilespmem:s19+$0xCC10] =	vst.add.f32.msk $0xffff, v2  }
0x35b: {  	[tilespmem:s19+$0x13010] =	vst.add.f32.msk $0xffff, v2  }
0x35c: {  	[tilespmem:s19+$0xCC20] =	vst.add.f32.msk $0xffff, v3  }
0x35d: {  	[tilespmem:s19+$0x13020] =	vst.add.f32.msk $0xffff, v3  }
0x35e: {  	[tilespmem:s19+$0xCC30] =	vst.add.f32.msk $0xffff, v4  }
0x35f: {  	[tilespmem:s19+$0x13030] =	vst.add.f32.msk $0xffff, v4  }
0x360: {  	[tilespmem:s19+$0xCC40] =	vst.add.f32.msk $0xffff, v5  }
0x361: {  	[tilespmem:s19+$0x13040] =	vst.add.f32.msk $0xffff, v5  }
0x362: {  	[tilespmem:s19+$0xCC50] =	vst.add.f32.msk $0xffff, v6  }
0x363: {  	[tilespmem:s19+$0x13050] =	vst.add.f32.msk $0xffff, v6  }
0x364: {  	[tilespmem:s19+$0xCC60] =	vst.add.f32.msk $0xffff, v7  }
0x365: {  	[tilespmem:s19+$0x13060] =	vst.add.f32.msk $0xffff, v7  }
0x366: {  	[tilespmem:s19+$0xCC70] =	vst.add.f32.msk $0xffff, v8  }
0x367: {  	[tilespmem:s19+$0x13070] =	vst.add.f32.msk $0xffff, v8  }
0x368: {  	[tilespmem:s19+$0xCC80] =	vst.add.f32.msk $0xffff, v9  }
0x369: {  	[tilespmem:s19+$0x13080] =	vst.add.f32.msk $0xffff, v9  }
0x36a: {  	[tilespmem:s19+$0xCC90] =	vst.add.f32.msk $0xffff, v10  }
0x36b: {  	[tilespmem:s19+$0x13090] =	vst.add.f32.msk $0xffff, v10  }
0x36c: {  	[tilespmem:s19+$0xCCA0] =	vst.add.f32.msk $0xffff, v11  }
0x36d: {  	[tilespmem:s19+$0x130A0] =	vst.add.f32.msk $0xffff, v11  }
0x36e: {  	[tilespmem:s19+$0xCCB0] =	vst.add.f32.msk $0xffff, v12  }
0x36f: {  	[tilespmem:s19+$0x130B0] =	vst.add.f32.msk $0xffff, v12  }
0x370: {  	[tilespmem:s19+$0xCCC0] =	vst.add.f32.msk $0xffff, v13  }
0x371: {  	[tilespmem:s19+$0x130C0] =	vst.add.f32.msk $0xffff, v13  }
0x372: {  	[tilespmem:s19+$0xCCD0] =	vst.add.f32.msk $0xffff, v14  }
0x373: {  	[tilespmem:s19+$0x130D0] =	vst.add.f32.msk $0xffff, v14  }
0x374: {  	[tilespmem:s19+$0xCCE0] =	vst.add.f32.msk $0xffff, v15  }
0x375: {  	[tilespmem:s19+$0x130E0] =	vst.add.f32.msk $0xffff, v15  }
0x376: {  	[tilespmem:s19+$0xCCF0] =	vst.add.f32.msk $0xffff, v16  }
0x377: {  	[tilespmem:s19+$0x130F0] =	vst.add.f32.msk $0xffff, v16  }
0x378: {  	[tilespmem:s19+$0xCD00] =	vst.add.f32.msk $0xffff, v17  }
0x379: {  	[tilespmem:s19+$0x13100] =	vst.add.f32.msk $0xffff, v17  }
0x37a: {  	[tilespmem:s19+$0xCD10] =	vst.add.f32.msk $0xffff, v18  }
0x37b: {  	[tilespmem:s19+$0x13110] =	vst.add.f32.msk $0xffff, v18  }
0x37c: {  	[tilespmem:s19+$0xCD20] =	vst.add.f32.msk $0xffff, v19  }
0x37d: {  	[tilespmem:s19+$0x13120] =	vst.add.f32.msk $0xffff, v19  }
0x37e: {  	[tilespmem:s19+$0xCD30] =	vst.add.f32.msk $0xffff, v20  }
0x37f: {  	[tilespmem:s19+$0x13130] =	vst.add.f32.msk $0xffff, v20  }
0x380: {  	[tilespmem:s19+$0xCD40] =	vst.add.f32.msk $0xffff, v21  }
0x381: {  	[tilespmem:s19+$0x13140] =	vst.add.f32.msk $0xffff, v21  }
0x382: {  	[tilespmem:s19+$0xCD50] =	vst.add.f32.msk $0xffff, v22  }
0x383: {  	[tilespmem:s19+$0x13150] =	vst.add.f32.msk $0xffff, v22  }
0x384: {  	[tilespmem:s19+$0xCD60] =	vst.add.f32.msk $0xffff, v23  }
0x385: {  	[tilespmem:s19+$0x13160] =	vst.add.f32.msk $0xffff, v23  }
0x386: {  	[tilespmem:s19+$0xCD70] =	vst.add.f32.msk $0xffff, v24  }
0x387: {  	[tilespmem:s19+$0x13170] =	vst.add.f32.msk $0xffff, v24  }
0x388: {  	[tilespmem:s19+$0xCD80] =	vst.add.f32.msk $0xffff, v25  }
0x389: {  	[tilespmem:s19+$0x13180] =	vst.add.f32.msk $0xffff, v25  }
0x38a: {  	[tilespmem:s19+$0xCD90] =	vst.add.f32.msk $0xffff, v26  }
0x38b: {  	[tilespmem:s19+$0x13190] =	vst.add.f32.msk $0xffff, v26  }
0x38c: {  	[tilespmem:s19+$0xCDA0] =	vst.add.f32.msk $0xffff, v27  }
0x38d: {  	[tilespmem:s19+$0x131A0] =	vst.add.f32.msk $0xffff, v27  }
0x38e: {  	[tilespmem:s19+$0xCDB0] =	vst.add.f32.msk $0xffff, v28  }
0x38f: {  	[tilespmem:s19+$0x131B0] =	vst.add.f32.msk $0xffff, v28  }
0x390: {  	[tilespmem:s19+$0xCDC0] =	vst.add.f32.msk $0xffff, v29  }
0x391: {  	[tilespmem:s19+$0x131C0] =	vst.add.f32.msk $0xffff, v29  }
0x392: {  	[tilespmem:s19+$0xCDD0] =	vst.add.f32.msk $0xffff, v30  }
0x393: {  	[tilespmem:s19+$0x131D0] =	vst.add.f32.msk $0xffff, v30  }
0x394: {  	[tilespmem:s19+$0xCDE0] =	vst.add.f32.msk $0xffff, v31  }
0x395: {  	[tilespmem:s19+$0x131E0] =	vst.add.f32.msk $0xffff, v31  }
0x396: {  	s29 =	simm.s32 $0x0;
	s21 =	rddreg [dreg:$0xa];
	[tilespmem:s19+$0xCDF0] =	vst.add.f32.msk $0xffff, v0  }
0x397: {  	[hbm4b:s21+s29] =	stream.linear.scatter [tilespmem:s3], [sflag:$0x5], $0xC800, $0x38;
	[tilespmem:$0x1F800] =	vst v63  }
0x398: {  	_ =	swait.ge [sflag:s0], $0x190  }
0x399: {  	[sflag:s0] =	ssyncset.done $0x0  }
0x39a: {  	[sflag:s0] =	ssyncadd.s32 $0xFFFFFE70  }
0x39b: {  	_ =	swait.ge [sflag:s18], $0xC800  }
0x39c: {  	[sflag:s18] =	ssyncset.done $0x0  }
0x39d: {  	[sflag:s18] =	ssyncadd.s32 $0xFFFF3800  }
0x39e: {  	[tilespmem:s3], [sflag:$0x1] =	stream.indirect.gather [hbm4b:s1+s24], $0x80, s22, s24, $0xb8;
	[tilespmem:$0x1F800] =	vst v63  }
0x39f: {  	_ = 	snop  }
0x3a0: {  	[tilespmem:s10], [sflag:$0x1] =	stream.indirect.gather [hbm4b:s1+s26], $0x80, s20, s26, $0xb8;
	[tilespmem:$0x1F800] =	vst v63  }
0x3a1: {  	_ = 	snop  }
0x3a2: {  	[tilespmem:s12], [sflag:$0x1] =	stream.indirect.gather [hbm4b:s1+s24], $0x80, s11, s24, $0xb8;
	[tilespmem:$0x1F800] =	vst v63  }
0x3a3: {  	_ = 	snop  }
0x3a4: {  	[tilespmem:s15], [sflag:$0x1] =	stream.indirect.gather [hbm4b:s1+s26], $0x80, s13, s26, $0xb8;
	[tilespmem:$0x1F800] =	vst v63  }
0x3a5: {  	_ =	swait.ge [sflag:s16], $0x3400  }
0x3a6: {  	[sflag:s16] =	ssyncset.done $0x0  }
0x3a7: {  	[sflag:s16] =	ssyncadd.s32 $0xFFFFCC00  }
0x3a8: {  	_ =	swait.ge [sflag:s16], $0x3000  }
0x3a9: {  	[sflag:s16] =	ssyncset.done $0x0  }
0x3aa: {  	[sflag:s16] =	ssyncadd.s32 $0xFFFFD000  }
0x3ab: {  	_ =	swait.ge [sflag:s16], $0x3400  }
0x3ac: {  	[sflag:s16] =	ssyncset.done $0x0  }
0x3ad: {  	[sflag:s16] =	ssyncadd.s32 $0xFFFFCC00  }
0x3ae: {  	_ =	swait.ge [sflag:s16], $0x3000  }
0x3af: {  	[sflag:s16] =	ssyncset.done $0x0  }
0x3b0: {  	s19 =	simm.s32 $0x0;
	s21 =	simm.s32 $0x800;
	[sflag:s16] =	ssyncadd.s32 $0xFFFFD000  }
.LBB2_12:
0x3b1: {  	p0 =	sne.s32 s21, $0x18800;
	v0 =	vld [tilespmem:s19+$0x195F0]  }
0x3b2: {  	v1 =	vld [tilespmem:s19+$0x19400]  }
0x3b3: {  	v2 =	vld [tilespmem:s19+$0x19410]  }
0x3b4: {  	v3 =	vld [tilespmem:s19+$0x19420]  }
0x3b5: {  	v4 =	vld [tilespmem:s19+$0x19430]  }
0x3b6: {  	[tilespmem:s19+$0x69F0] =	vst.add.f32.msk $0xffff, v0  }
0x3b7: {  	v5 =	vld [tilespmem:s19+$0x19440]  }
0x3b8: {  	v6 =	vld [tilespmem:s19+$0x19450]  }
0x3b9: {  	v7 =	vld [tilespmem:s19+$0x19460]  }
0x3ba: {  	v8 =	vld [tilespmem:s19+$0x19470]  }
0x3bb: {  	v9 =	vld [tilespmem:s19+$0x19480]  }
0x3bc: {  	v10 =	vld [tilespmem:s19+$0x19490]  }
0x3bd: {  	v11 =	vld [tilespmem:s19+$0x194A0]  }
0x3be: {  	v12 =	vld [tilespmem:s19+$0x194B0]  }
0x3bf: {  	v13 =	vld [tilespmem:s19+$0x194C0]  }
0x3c0: {  	v14 =	vld [tilespmem:s19+$0x194D0]  }
0x3c1: {  	v15 =	vld [tilespmem:s19+$0x194E0]  }
0x3c2: {  	v16 =	vld [tilespmem:s19+$0x194F0]  }
0x3c3: {  	v17 =	vld [tilespmem:s19+$0x19500]  }
0x3c4: {  	v18 =	vld [tilespmem:s19+$0x19510]  }
0x3c5: {  	v19 =	vld [tilespmem:s19+$0x19520]  }
0x3c6: {  	v20 =	vld [tilespmem:s19+$0x19530]  }
0x3c7: {  	v21 =	vld [tilespmem:s19+$0x19540]  }
0x3c8: {  	v22 =	vld [tilespmem:s19+$0x19550]  }
0x3c9: {  	v23 =	vld [tilespmem:s19+$0x19560]  }
0x3ca: {  	v24 =	vld [tilespmem:s19+$0x19570]  }
0x3cb: {  	v25 =	vld [tilespmem:s19+$0x19580]  }
0x3cc: {  	v26 =	vld [tilespmem:s19+$0x19590]  }
0x3cd: {  	v27 =	vld [tilespmem:s19+$0x195A0]  }
0x3ce: {  	v28 =	vld [tilespmem:s19+$0x195B0]  }
0x3cf: {  	v29 =	vld [tilespmem:s19+$0x195C0]  }
0x3d0: {  	v30 =	vld [tilespmem:s19+$0x195D0]  }
0x3d1: {  	v31 =	vld [tilespmem:s19+$0x195E0]  }
0x3d2: {  	[tilespmem:s19+$0x400] =	vst.add.f32.msk $0xffff, v1  }
0x3d3: {  	[tilespmem:s19+$0x6800] =	vst.add.f32.msk $0xffff, v1  }
0x3d4: {  	[tilespmem:s19+$0x410] =	vst.add.f32.msk $0xffff, v2  }
0x3d5: {  	[tilespmem:s19+$0x6810] =	vst.add.f32.msk $0xffff, v2  }
0x3d6: {  	[tilespmem:s19+$0x420] =	vst.add.f32.msk $0xffff, v3  }
0x3d7: {  	[tilespmem:s19+$0x6820] =	vst.add.f32.msk $0xffff, v3  }
0x3d8: {  	[tilespmem:s19+$0x430] =	vst.add.f32.msk $0xffff, v4  }
0x3d9: {  	[tilespmem:s19+$0x6830] =	vst.add.f32.msk $0xffff, v4  }
0x3da: {  	[tilespmem:s19+$0x440] =	vst.add.f32.msk $0xffff, v5  }
0x3db: {  	[tilespmem:s19+$0x6840] =	vst.add.f32.msk $0xffff, v5  }
0x3dc: {  	[tilespmem:s19+$0x450] =	vst.add.f32.msk $0xffff, v6  }
0x3dd: {  	[tilespmem:s19+$0x6850] =	vst.add.f32.msk $0xffff, v6  }
0x3de: {  	[tilespmem:s19+$0x460] =	vst.add.f32.msk $0xffff, v7  }
0x3df: {  	[tilespmem:s19+$0x6860] =	vst.add.f32.msk $0xffff, v7  }
0x3e0: {  	[tilespmem:s19+$0x470] =	vst.add.f32.msk $0xffff, v8  }
0x3e1: {  	[tilespmem:s19+$0x6870] =	vst.add.f32.msk $0xffff, v8  }
0x3e2: {  	[tilespmem:s19+$0x480] =	vst.add.f32.msk $0xffff, v9  }
0x3e3: {  	[tilespmem:s19+$0x6880] =	vst.add.f32.msk $0xffff, v9  }
0x3e4: {  	[tilespmem:s19+$0x490] =	vst.add.f32.msk $0xffff, v10  }
0x3e5: {  	[tilespmem:s19+$0x6890] =	vst.add.f32.msk $0xffff, v10  }
0x3e6: {  	[tilespmem:s19+$0x4A0] =	vst.add.f32.msk $0xffff, v11  }
0x3e7: {  	[tilespmem:s19+$0x68A0] =	vst.add.f32.msk $0xffff, v11  }
0x3e8: {  	[tilespmem:s19+$0x4B0] =	vst.add.f32.msk $0xffff, v12  }
0x3e9: {  	[tilespmem:s19+$0x68B0] =	vst.add.f32.msk $0xffff, v12  }
0x3ea: {  	[tilespmem:s19+$0x4C0] =	vst.add.f32.msk $0xffff, v13  }
0x3eb: {  	[tilespmem:s19+$0x68C0] =	vst.add.f32.msk $0xffff, v13  }
0x3ec: {  	[tilespmem:s19+$0x4D0] =	vst.add.f32.msk $0xffff, v14  }
0x3ed: {  	[tilespmem:s19+$0x68D0] =	vst.add.f32.msk $0xffff, v14  }
0x3ee: {  	[tilespmem:s19+$0x4E0] =	vst.add.f32.msk $0xffff, v15  }
0x3ef: {  	[tilespmem:s19+$0x68E0] =	vst.add.f32.msk $0xffff, v15  }
0x3f0: {  	[tilespmem:s19+$0x4F0] =	vst.add.f32.msk $0xffff, v16  }
0x3f1: {  	[tilespmem:s19+$0x68F0] =	vst.add.f32.msk $0xffff, v16  }
0x3f2: {  	[tilespmem:s19+$0x500] =	vst.add.f32.msk $0xffff, v17  }
0x3f3: {  	[tilespmem:s19+$0x6900] =	vst.add.f32.msk $0xffff, v17  }
0x3f4: {  	[tilespmem:s19+$0x510] =	vst.add.f32.msk $0xffff, v18  }
0x3f5: {  	[tilespmem:s19+$0x6910] =	vst.add.f32.msk $0xffff, v18  }
0x3f6: {  	[tilespmem:s19+$0x520] =	vst.add.f32.msk $0xffff, v19  }
0x3f7: {  	[tilespmem:s19+$0x6920] =	vst.add.f32.msk $0xffff, v19  }
0x3f8: {  	[tilespmem:s19+$0x530] =	vst.add.f32.msk $0xffff, v20  }
0x3f9: {  	[tilespmem:s19+$0x6930] =	vst.add.f32.msk $0xffff, v20  }
0x3fa: {  	[tilespmem:s19+$0x540] =	vst.add.f32.msk $0xffff, v21  }
0x3fb: {  	[tilespmem:s19+$0x6940] =	vst.add.f32.msk $0xffff, v21  }
0x3fc: {  	[tilespmem:s19+$0x550] =	vst.add.f32.msk $0xffff, v22  }
0x3fd: {  	[tilespmem:s19+$0x6950] =	vst.add.f32.msk $0xffff, v22  }
0x3fe: {  	[tilespmem:s19+$0x560] =	vst.add.f32.msk $0xffff, v23  }
0x3ff: {  	[tilespmem:s19+$0x6960] =	vst.add.f32.msk $0xffff, v23  }
0x400: {  	[tilespmem:s19+$0x570] =	vst.add.f32.msk $0xffff, v24  }
0x401: {  	[tilespmem:s19+$0x6970] =	vst.add.f32.msk $0xffff, v24  }
0x402: {  	[tilespmem:s19+$0x580] =	vst.add.f32.msk $0xffff, v25  }
0x403: {  	[tilespmem:s19+$0x6980] =	vst.add.f32.msk $0xffff, v25  }
0x404: {  	[tilespmem:s19+$0x590] =	vst.add.f32.msk $0xffff, v26  }
0x405: {  	[tilespmem:s19+$0x6990] =	vst.add.f32.msk $0xffff, v26  }
0x406: {  	[tilespmem:s19+$0x5A0] =	vst.add.f32.msk $0xffff, v27  }
0x407: {  	[tilespmem:s19+$0x69A0] =	vst.add.f32.msk $0xffff, v27  }
0x408: {  	[tilespmem:s19+$0x5B0] =	vst.add.f32.msk $0xffff, v28  }
0x409: {  	[tilespmem:s19+$0x69B0] =	vst.add.f32.msk $0xffff, v28  }
0x40a: {  	[tilespmem:s19+$0x5C0] =	vst.add.f32.msk $0xffff, v29  }
0x40b: {  	[tilespmem:s19+$0x69C0] =	vst.add.f32.msk $0xffff, v29  }
.Ltmp5:
0x40c: {  	[tilespmem:s19+$0x5D0] =	vst.add.f32.msk $0xffff, v30;
	(pc) =	sbr.rel @p0 .LBB2_12-.Ltmp5, $4  }
0x40d: {  	[tilespmem:s19+$0x69D0] =	vst.add.f32.msk $0xffff, v30  }
0x40e: {  	[tilespmem:s19+$0x5E0] =	vst.add.f32.msk $0xffff, v31  }
0x40f: {  	[tilespmem:s19+$0x69E0] =	vst.add.f32.msk $0xffff, v31  }
0x410: {  	[tilespmem:s19+$0x5F0] =	vst.add.f32.msk $0xffff, v0;
	s19 =	sshra.s32 s21, $0x2;
	s21 =	sadd.s32 $0x800, s21  }
0x411: {  	v0 =	vld [tilespmem:s19+$0x195F0]  }
0x412: {  	v1 =	vld [tilespmem:s19+$0x19400]  }
0x413: {  	v2 =	vld [tilespmem:s19+$0x19410]  }
0x414: {  	v3 =	vld [tilespmem:s19+$0x19420]  }
0x415: {  	v4 =	vld [tilespmem:s19+$0x19430]  }
0x416: {  	v5 =	vld [tilespmem:s19+$0x19440]  }
0x417: {  	v6 =	vld [tilespmem:s19+$0x19450]  }
0x418: {  	v7 =	vld [tilespmem:s19+$0x19460]  }
0x419: {  	v8 =	vld [tilespmem:s19+$0x19470]  }
0x41a: {  	v9 =	vld [tilespmem:s19+$0x19480]  }
0x41b: {  	v10 =	vld [tilespmem:s19+$0x19490]  }
0x41c: {  	v11 =	vld [tilespmem:s19+$0x194A0]  }
0x41d: {  	v12 =	vld [tilespmem:s19+$0x194B0]  }
0x41e: {  	v13 =	vld [tilespmem:s19+$0x194C0]  }
0x41f: {  	v14 =	vld [tilespmem:s19+$0x194D0]  }
0x420: {  	v15 =	vld [tilespmem:s19+$0x194E0]  }
0x421: {  	v16 =	vld [tilespmem:s19+$0x194F0]  }
0x422: {  	v17 =	vld [tilespmem:s19+$0x19500]  }
0x423: {  	v18 =	vld [tilespmem:s19+$0x19510]  }
0x424: {  	v19 =	vld [tilespmem:s19+$0x19520]  }
0x425: {  	v20 =	vld [tilespmem:s19+$0x19530]  }
0x426: {  	v21 =	vld [tilespmem:s19+$0x19540]  }
0x427: {  	v22 =	vld [tilespmem:s19+$0x19550]  }
0x428: {  	v23 =	vld [tilespmem:s19+$0x19560]  }
0x429: {  	v24 =	vld [tilespmem:s19+$0x19570]  }
0x42a: {  	v25 =	vld [tilespmem:s19+$0x19580]  }
0x42b: {  	v26 =	vld [tilespmem:s19+$0x19590]  }
0x42c: {  	v27 =	vld [tilespmem:s19+$0x195A0]  }
0x42d: {  	v28 =	vld [tilespmem:s19+$0x195B0]  }
0x42e: {  	v29 =	vld [tilespmem:s19+$0x195C0]  }
0x42f: {  	v30 =	vld [tilespmem:s19+$0x195D0]  }
0x430: {  	v31 =	vld [tilespmem:s19+$0x195E0]  }
0x431: {  	[tilespmem:s19+$0x69F0] =	vst.add.f32.msk $0xffff, v0  }
0x432: {  	[tilespmem:s19+$0x400] =	vst.add.f32.msk $0xffff, v1  }
0x433: {  	[tilespmem:s19+$0x6800] =	vst.add.f32.msk $0xffff, v1  }
0x434: {  	[tilespmem:s19+$0x410] =	vst.add.f32.msk $0xffff, v2  }
0x435: {  	[tilespmem:s19+$0x6810] =	vst.add.f32.msk $0xffff, v2  }
0x436: {  	[tilespmem:s19+$0x420] =	vst.add.f32.msk $0xffff, v3  }
0x437: {  	[tilespmem:s19+$0x6820] =	vst.add.f32.msk $0xffff, v3  }
0x438: {  	[tilespmem:s19+$0x430] =	vst.add.f32.msk $0xffff, v4  }
0x439: {  	[tilespmem:s19+$0x6830] =	vst.add.f32.msk $0xffff, v4  }
0x43a: {  	[tilespmem:s19+$0x440] =	vst.add.f32.msk $0xffff, v5  }
0x43b: {  	[tilespmem:s19+$0x6840] =	vst.add.f32.msk $0xffff, v5  }
0x43c: {  	[tilespmem:s19+$0x450] =	vst.add.f32.msk $0xffff, v6  }
0x43d: {  	[tilespmem:s19+$0x6850] =	vst.add.f32.msk $0xffff, v6  }
0x43e: {  	[tilespmem:s19+$0x460] =	vst.add.f32.msk $0xffff, v7  }
0x43f: {  	[tilespmem:s19+$0x6860] =	vst.add.f32.msk $0xffff, v7  }
0x440: {  	[tilespmem:s19+$0x470] =	vst.add.f32.msk $0xffff, v8  }
0x441: {  	[tilespmem:s19+$0x6870] =	vst.add.f32.msk $0xffff, v8  }
0x442: {  	[tilespmem:s19+$0x480] =	vst.add.f32.msk $0xffff, v9  }
0x443: {  	[tilespmem:s19+$0x6880] =	vst.add.f32.msk $0xffff, v9  }
0x444: {  	[tilespmem:s19+$0x490] =	vst.add.f32.msk $0xffff, v10  }
0x445: {  	[tilespmem:s19+$0x6890] =	vst.add.f32.msk $0xffff, v10  }
0x446: {  	[tilespmem:s19+$0x4A0] =	vst.add.f32.msk $0xffff, v11  }
0x447: {  	[tilespmem:s19+$0x68A0] =	vst.add.f32.msk $0xffff, v11  }
0x448: {  	[tilespmem:s19+$0x4B0] =	vst.add.f32.msk $0xffff, v12  }
0x449: {  	[tilespmem:s19+$0x68B0] =	vst.add.f32.msk $0xffff, v12  }
0x44a: {  	[tilespmem:s19+$0x4C0] =	vst.add.f32.msk $0xffff, v13  }
0x44b: {  	[tilespmem:s19+$0x68C0] =	vst.add.f32.msk $0xffff, v13  }
0x44c: {  	[tilespmem:s19+$0x4D0] =	vst.add.f32.msk $0xffff, v14  }
0x44d: {  	[tilespmem:s19+$0x68D0] =	vst.add.f32.msk $0xffff, v14  }
0x44e: {  	[tilespmem:s19+$0x4E0] =	vst.add.f32.msk $0xffff, v15  }
0x44f: {  	[tilespmem:s19+$0x68E0] =	vst.add.f32.msk $0xffff, v15  }
0x450: {  	[tilespmem:s19+$0x4F0] =	vst.add.f32.msk $0xffff, v16  }
0x451: {  	[tilespmem:s19+$0x68F0] =	vst.add.f32.msk $0xffff, v16  }
0x452: {  	[tilespmem:s19+$0x500] =	vst.add.f32.msk $0xffff, v17  }
0x453: {  	[tilespmem:s19+$0x6900] =	vst.add.f32.msk $0xffff, v17  }
0x454: {  	[tilespmem:s19+$0x510] =	vst.add.f32.msk $0xffff, v18  }
0x455: {  	[tilespmem:s19+$0x6910] =	vst.add.f32.msk $0xffff, v18  }
0x456: {  	[tilespmem:s19+$0x520] =	vst.add.f32.msk $0xffff, v19  }
0x457: {  	[tilespmem:s19+$0x6920] =	vst.add.f32.msk $0xffff, v19  }
0x458: {  	[tilespmem:s19+$0x530] =	vst.add.f32.msk $0xffff, v20  }
0x459: {  	[tilespmem:s19+$0x6930] =	vst.add.f32.msk $0xffff, v20  }
0x45a: {  	[tilespmem:s19+$0x540] =	vst.add.f32.msk $0xffff, v21  }
0x45b: {  	[tilespmem:s19+$0x6940] =	vst.add.f32.msk $0xffff, v21  }
0x45c: {  	[tilespmem:s19+$0x550] =	vst.add.f32.msk $0xffff, v22  }
0x45d: {  	[tilespmem:s19+$0x6950] =	vst.add.f32.msk $0xffff, v22  }
0x45e: {  	[tilespmem:s19+$0x560] =	vst.add.f32.msk $0xffff, v23  }
0x45f: {  	[tilespmem:s19+$0x6960] =	vst.add.f32.msk $0xffff, v23  }
0x460: {  	[tilespmem:s19+$0x570] =	vst.add.f32.msk $0xffff, v24  }
0x461: {  	[tilespmem:s19+$0x6970] =	vst.add.f32.msk $0xffff, v24  }
0x462: {  	[tilespmem:s19+$0x580] =	vst.add.f32.msk $0xffff, v25  }
0x463: {  	[tilespmem:s19+$0x6980] =	vst.add.f32.msk $0xffff, v25  }
0x464: {  	[tilespmem:s19+$0x590] =	vst.add.f32.msk $0xffff, v26  }
0x465: {  	[tilespmem:s19+$0x6990] =	vst.add.f32.msk $0xffff, v26  }
0x466: {  	[tilespmem:s19+$0x5A0] =	vst.add.f32.msk $0xffff, v27  }
0x467: {  	[tilespmem:s19+$0x69A0] =	vst.add.f32.msk $0xffff, v27  }
0x468: {  	[tilespmem:s19+$0x5B0] =	vst.add.f32.msk $0xffff, v28  }
0x469: {  	[tilespmem:s19+$0x69B0] =	vst.add.f32.msk $0xffff, v28  }
0x46a: {  	[tilespmem:s19+$0x5C0] =	vst.add.f32.msk $0xffff, v29  }
0x46b: {  	[tilespmem:s19+$0x69C0] =	vst.add.f32.msk $0xffff, v29  }
0x46c: {  	[tilespmem:s19+$0x5D0] =	vst.add.f32.msk $0xffff, v30  }
0x46d: {  	[tilespmem:s19+$0x69D0] =	vst.add.f32.msk $0xffff, v30  }
0x46e: {  	[tilespmem:s19+$0x5E0] =	vst.add.f32.msk $0xffff, v31  }
0x46f: {  	[tilespmem:s19+$0x69E0] =	vst.add.f32.msk $0xffff, v31  }
0x470: {  	s29 =	simm.s32 $0x0;
	s21 =	rddreg [dreg:$0xb];
	[tilespmem:s19+$0x5F0] =	vst.add.f32.msk $0xffff, v0  }
0x471: {  	[hbm4b:s21+s29] =	stream.linear.scatter [tilespmem:s25], [sflag:$0x4], $0xC800, $0x38;
	[tilespmem:$0x1F800] =	vst v63  }
0x472: {  	_ =	swait.ge [sflag:s16], $0x3400  }
0x473: {  	[sflag:s16] =	ssyncset.done $0x0  }
0x474: {  	[sflag:s16] =	ssyncadd.s32 $0xFFFFCC00  }
0x475: {  	_ =	swait.ge [sflag:s16], $0x3000  }
0x476: {  	[sflag:s16] =	ssyncset.done $0x0  }
0x477: {  	[sflag:s16] =	ssyncadd.s32 $0xFFFFD000  }
0x478: {  	_ =	swait.ge [sflag:s16], $0x3400  }
0x479: {  	[sflag:s16] =	ssyncset.done $0x0  }
0x47a: {  	[sflag:s16] =	ssyncadd.s32 $0xFFFFCC00  }
0x47b: {  	_ =	swait.ge [sflag:s16], $0x3000  }
0x47c: {  	[sflag:s16] =	ssyncset.done $0x0  }
0x47d: {  	s19 =	simm.s32 $0x0;
	s21 =	simm.s32 $0x800;
	[sflag:s16] =	ssyncadd.s32 $0xFFFFD000  }
.LBB2_14:
0x47e: {  	p0 =	sne.s32 s21, $0x18800;
	v0 =	vld [tilespmem:s19+$0x195F0]  }
0x47f: {  	v1 =	vld [tilespmem:s19+$0x19400]  }
0x480: {  	v2 =	vld [tilespmem:s19+$0x19410]  }
0x481: {  	v3 =	vld [tilespmem:s19+$0x19420]  }
0x482: {  	v4 =	vld [tilespmem:s19+$0x19430]  }
0x483: {  	[tilespmem:s19+$0x131F0] =	vst.add.f32.msk $0xffff, v0  }
0x484: {  	v5 =	vld [tilespmem:s19+$0x19440]  }
0x485: {  	v6 =	vld [tilespmem:s19+$0x19450]  }
0x486: {  	v7 =	vld [tilespmem:s19+$0x19460]  }
0x487: {  	v8 =	vld [tilespmem:s19+$0x19470]  }
0x488: {  	v9 =	vld [tilespmem:s19+$0x19480]  }
0x489: {  	v10 =	vld [tilespmem:s19+$0x19490]  }
0x48a: {  	v11 =	vld [tilespmem:s19+$0x194A0]  }
0x48b: {  	v12 =	vld [tilespmem:s19+$0x194B0]  }
0x48c: {  	v13 =	vld [tilespmem:s19+$0x194C0]  }
0x48d: {  	v14 =	vld [tilespmem:s19+$0x194D0]  }
0x48e: {  	v15 =	vld [tilespmem:s19+$0x194E0]  }
0x48f: {  	v16 =	vld [tilespmem:s19+$0x194F0]  }
0x490: {  	v17 =	vld [tilespmem:s19+$0x19500]  }
0x491: {  	v18 =	vld [tilespmem:s19+$0x19510]  }
0x492: {  	v19 =	vld [tilespmem:s19+$0x19520]  }
0x493: {  	v20 =	vld [tilespmem:s19+$0x19530]  }
0x494: {  	v21 =	vld [tilespmem:s19+$0x19540]  }
0x495: {  	v22 =	vld [tilespmem:s19+$0x19550]  }
0x496: {  	v23 =	vld [tilespmem:s19+$0x19560]  }
0x497: {  	v24 =	vld [tilespmem:s19+$0x19570]  }
0x498: {  	v25 =	vld [tilespmem:s19+$0x19580]  }
0x499: {  	v26 =	vld [tilespmem:s19+$0x19590]  }
0x49a: {  	v27 =	vld [tilespmem:s19+$0x195A0]  }
0x49b: {  	v28 =	vld [tilespmem:s19+$0x195B0]  }
0x49c: {  	v29 =	vld [tilespmem:s19+$0x195C0]  }
0x49d: {  	v30 =	vld [tilespmem:s19+$0x195D0]  }
0x49e: {  	v31 =	vld [tilespmem:s19+$0x195E0]  }
0x49f: {  	[tilespmem:s19+$0xCC00] =	vst.add.f32.msk $0xffff, v1  }
0x4a0: {  	[tilespmem:s19+$0x13000] =	vst.add.f32.msk $0xffff, v1  }
0x4a1: {  	[tilespmem:s19+$0xCC10] =	vst.add.f32.msk $0xffff, v2  }
0x4a2: {  	[tilespmem:s19+$0x13010] =	vst.add.f32.msk $0xffff, v2  }
0x4a3: {  	[tilespmem:s19+$0xCC20] =	vst.add.f32.msk $0xffff, v3  }
0x4a4: {  	[tilespmem:s19+$0x13020] =	vst.add.f32.msk $0xffff, v3  }
0x4a5: {  	[tilespmem:s19+$0xCC30] =	vst.add.f32.msk $0xffff, v4  }
0x4a6: {  	[tilespmem:s19+$0x13030] =	vst.add.f32.msk $0xffff, v4  }
0x4a7: {  	[tilespmem:s19+$0xCC40] =	vst.add.f32.msk $0xffff, v5  }
0x4a8: {  	[tilespmem:s19+$0x13040] =	vst.add.f32.msk $0xffff, v5  }
0x4a9: {  	[tilespmem:s19+$0xCC50] =	vst.add.f32.msk $0xffff, v6  }
0x4aa: {  	[tilespmem:s19+$0x13050] =	vst.add.f32.msk $0xffff, v6  }
0x4ab: {  	[tilespmem:s19+$0xCC60] =	vst.add.f32.msk $0xffff, v7  }
0x4ac: {  	[tilespmem:s19+$0x13060] =	vst.add.f32.msk $0xffff, v7  }
0x4ad: {  	[tilespmem:s19+$0xCC70] =	vst.add.f32.msk $0xffff, v8  }
0x4ae: {  	[tilespmem:s19+$0x13070] =	vst.add.f32.msk $0xffff, v8  }
0x4af: {  	[tilespmem:s19+$0xCC80] =	vst.add.f32.msk $0xffff, v9  }
0x4b0: {  	[tilespmem:s19+$0x13080] =	vst.add.f32.msk $0xffff, v9  }
0x4b1: {  	[tilespmem:s19+$0xCC90] =	vst.add.f32.msk $0xffff, v10  }
0x4b2: {  	[tilespmem:s19+$0x13090] =	vst.add.f32.msk $0xffff, v10  }
0x4b3: {  	[tilespmem:s19+$0xCCA0] =	vst.add.f32.msk $0xffff, v11  }
0x4b4: {  	[tilespmem:s19+$0x130A0] =	vst.add.f32.msk $0xffff, v11  }
0x4b5: {  	[tilespmem:s19+$0xCCB0] =	vst.add.f32.msk $0xffff, v12  }
0x4b6: {  	[tilespmem:s19+$0x130B0] =	vst.add.f32.msk $0xffff, v12  }
0x4b7: {  	[tilespmem:s19+$0xCCC0] =	vst.add.f32.msk $0xffff, v13  }
0x4b8: {  	[tilespmem:s19+$0x130C0] =	vst.add.f32.msk $0xffff, v13  }
0x4b9: {  	[tilespmem:s19+$0xCCD0] =	vst.add.f32.msk $0xffff, v14  }
0x4ba: {  	[tilespmem:s19+$0x130D0] =	vst.add.f32.msk $0xffff, v14  }
0x4bb: {  	[tilespmem:s19+$0xCCE0] =	vst.add.f32.msk $0xffff, v15  }
0x4bc: {  	[tilespmem:s19+$0x130E0] =	vst.add.f32.msk $0xffff, v15  }
0x4bd: {  	[tilespmem:s19+$0xCCF0] =	vst.add.f32.msk $0xffff, v16  }
0x4be: {  	[tilespmem:s19+$0x130F0] =	vst.add.f32.msk $0xffff, v16  }
0x4bf: {  	[tilespmem:s19+$0xCD00] =	vst.add.f32.msk $0xffff, v17  }
0x4c0: {  	[tilespmem:s19+$0x13100] =	vst.add.f32.msk $0xffff, v17  }
0x4c1: {  	[tilespmem:s19+$0xCD10] =	vst.add.f32.msk $0xffff, v18  }
0x4c2: {  	[tilespmem:s19+$0x13110] =	vst.add.f32.msk $0xffff, v18  }
0x4c3: {  	[tilespmem:s19+$0xCD20] =	vst.add.f32.msk $0xffff, v19  }
0x4c4: {  	[tilespmem:s19+$0x13120] =	vst.add.f32.msk $0xffff, v19  }
0x4c5: {  	[tilespmem:s19+$0xCD30] =	vst.add.f32.msk $0xffff, v20  }
0x4c6: {  	[tilespmem:s19+$0x13130] =	vst.add.f32.msk $0xffff, v20  }
0x4c7: {  	[tilespmem:s19+$0xCD40] =	vst.add.f32.msk $0xffff, v21  }
0x4c8: {  	[tilespmem:s19+$0x13140] =	vst.add.f32.msk $0xffff, v21  }
0x4c9: {  	[tilespmem:s19+$0xCD50] =	vst.add.f32.msk $0xffff, v22  }
0x4ca: {  	[tilespmem:s19+$0x13150] =	vst.add.f32.msk $0xffff, v22  }
0x4cb: {  	[tilespmem:s19+$0xCD60] =	vst.add.f32.msk $0xffff, v23  }
0x4cc: {  	[tilespmem:s19+$0x13160] =	vst.add.f32.msk $0xffff, v23  }
0x4cd: {  	[tilespmem:s19+$0xCD70] =	vst.add.f32.msk $0xffff, v24  }
0x4ce: {  	[tilespmem:s19+$0x13170] =	vst.add.f32.msk $0xffff, v24  }
0x4cf: {  	[tilespmem:s19+$0xCD80] =	vst.add.f32.msk $0xffff, v25  }
0x4d0: {  	[tilespmem:s19+$0x13180] =	vst.add.f32.msk $0xffff, v25  }
0x4d1: {  	[tilespmem:s19+$0xCD90] =	vst.add.f32.msk $0xffff, v26  }
0x4d2: {  	[tilespmem:s19+$0x13190] =	vst.add.f32.msk $0xffff, v26  }
0x4d3: {  	[tilespmem:s19+$0xCDA0] =	vst.add.f32.msk $0xffff, v27  }
0x4d4: {  	[tilespmem:s19+$0x131A0] =	vst.add.f32.msk $0xffff, v27  }
0x4d5: {  	[tilespmem:s19+$0xCDB0] =	vst.add.f32.msk $0xffff, v28  }
0x4d6: {  	[tilespmem:s19+$0x131B0] =	vst.add.f32.msk $0xffff, v28  }
0x4d7: {  	[tilespmem:s19+$0xCDC0] =	vst.add.f32.msk $0xffff, v29  }
0x4d8: {  	[tilespmem:s19+$0x131C0] =	vst.add.f32.msk $0xffff, v29  }
.Ltmp6:
0x4d9: {  	[tilespmem:s19+$0xCDD0] =	vst.add.f32.msk $0xffff, v30;
	(pc) =	sbr.rel @p0 .LBB2_14-.Ltmp6, $4  }
0x4da: {  	[tilespmem:s19+$0x131D0] =	vst.add.f32.msk $0xffff, v30  }
0x4db: {  	[tilespmem:s19+$0xCDE0] =	vst.add.f32.msk $0xffff, v31  }
0x4dc: {  	[tilespmem:s19+$0x131E0] =	vst.add.f32.msk $0xffff, v31  }
0x4dd: {  	[tilespmem:s19+$0xCDF0] =	vst.add.f32.msk $0xffff, v0;
	s19 =	sshra.s32 s21, $0x2;
	s21 =	sadd.s32 $0x800, s21  }
0x4de: {  	v0 =	vld [tilespmem:s19+$0x195F0]  }
0x4df: {  	v1 =	vld [tilespmem:s19+$0x19400]  }
0x4e0: {  	v2 =	vld [tilespmem:s19+$0x19410]  }
0x4e1: {  	v3 =	vld [tilespmem:s19+$0x19420]  }
0x4e2: {  	v4 =	vld [tilespmem:s19+$0x19430]  }
0x4e3: {  	v5 =	vld [tilespmem:s19+$0x19440]  }
0x4e4: {  	v6 =	vld [tilespmem:s19+$0x19450]  }
0x4e5: {  	v7 =	vld [tilespmem:s19+$0x19460]  }
0x4e6: {  	v8 =	vld [tilespmem:s19+$0x19470]  }
0x4e7: {  	v9 =	vld [tilespmem:s19+$0x19480]  }
0x4e8: {  	v10 =	vld [tilespmem:s19+$0x19490]  }
0x4e9: {  	v11 =	vld [tilespmem:s19+$0x194A0]  }
0x4ea: {  	v12 =	vld [tilespmem:s19+$0x194B0]  }
0x4eb: {  	v13 =	vld [tilespmem:s19+$0x194C0]  }
0x4ec: {  	v14 =	vld [tilespmem:s19+$0x194D0]  }
0x4ed: {  	v15 =	vld [tilespmem:s19+$0x194E0]  }
0x4ee: {  	v16 =	vld [tilespmem:s19+$0x194F0]  }
0x4ef: {  	v17 =	vld [tilespmem:s19+$0x19500]  }
0x4f0: {  	v18 =	vld [tilespmem:s19+$0x19510]  }
0x4f1: {  	v19 =	vld [tilespmem:s19+$0x19520]  }
0x4f2: {  	v20 =	vld [tilespmem:s19+$0x19530]  }
0x4f3: {  	v21 =	vld [tilespmem:s19+$0x19540]  }
0x4f4: {  	v22 =	vld [tilespmem:s19+$0x19550]  }
0x4f5: {  	v23 =	vld [tilespmem:s19+$0x19560]  }
0x4f6: {  	v24 =	vld [tilespmem:s19+$0x19570]  }
0x4f7: {  	v25 =	vld [tilespmem:s19+$0x19580]  }
0x4f8: {  	v26 =	vld [tilespmem:s19+$0x19590]  }
0x4f9: {  	v27 =	vld [tilespmem:s19+$0x195A0]  }
0x4fa: {  	v28 =	vld [tilespmem:s19+$0x195B0]  }
0x4fb: {  	v29 =	vld [tilespmem:s19+$0x195C0]  }
0x4fc: {  	v30 =	vld [tilespmem:s19+$0x195D0]  }
0x4fd: {  	v31 =	vld [tilespmem:s19+$0x195E0]  }
0x4fe: {  	[tilespmem:s19+$0x131F0] =	vst.add.f32.msk $0xffff, v0  }
0x4ff: {  	[tilespmem:s19+$0xCC00] =	vst.add.f32.msk $0xffff, v1  }
0x500: {  	[tilespmem:s19+$0x13000] =	vst.add.f32.msk $0xffff, v1  }
0x501: {  	[tilespmem:s19+$0xCC10] =	vst.add.f32.msk $0xffff, v2  }
0x502: {  	[tilespmem:s19+$0x13010] =	vst.add.f32.msk $0xffff, v2  }
0x503: {  	[tilespmem:s19+$0xCC20] =	vst.add.f32.msk $0xffff, v3  }
0x504: {  	[tilespmem:s19+$0x13020] =	vst.add.f32.msk $0xffff, v3  }
0x505: {  	[tilespmem:s19+$0xCC30] =	vst.add.f32.msk $0xffff, v4  }
0x506: {  	[tilespmem:s19+$0x13030] =	vst.add.f32.msk $0xffff, v4  }
0x507: {  	[tilespmem:s19+$0xCC40] =	vst.add.f32.msk $0xffff, v5  }
0x508: {  	[tilespmem:s19+$0x13040] =	vst.add.f32.msk $0xffff, v5  }
0x509: {  	[tilespmem:s19+$0xCC50] =	vst.add.f32.msk $0xffff, v6  }
0x50a: {  	[tilespmem:s19+$0x13050] =	vst.add.f32.msk $0xffff, v6  }
0x50b: {  	[tilespmem:s19+$0xCC60] =	vst.add.f32.msk $0xffff, v7  }
0x50c: {  	[tilespmem:s19+$0x13060] =	vst.add.f32.msk $0xffff, v7  }
0x50d: {  	[tilespmem:s19+$0xCC70] =	vst.add.f32.msk $0xffff, v8  }
0x50e: {  	[tilespmem:s19+$0x13070] =	vst.add.f32.msk $0xffff, v8  }
0x50f: {  	[tilespmem:s19+$0xCC80] =	vst.add.f32.msk $0xffff, v9  }
0x510: {  	[tilespmem:s19+$0x13080] =	vst.add.f32.msk $0xffff, v9  }
0x511: {  	[tilespmem:s19+$0xCC90] =	vst.add.f32.msk $0xffff, v10  }
0x512: {  	[tilespmem:s19+$0x13090] =	vst.add.f32.msk $0xffff, v10  }
0x513: {  	[tilespmem:s19+$0xCCA0] =	vst.add.f32.msk $0xffff, v11  }
0x514: {  	[tilespmem:s19+$0x130A0] =	vst.add.f32.msk $0xffff, v11  }
0x515: {  	[tilespmem:s19+$0xCCB0] =	vst.add.f32.msk $0xffff, v12  }
0x516: {  	[tilespmem:s19+$0x130B0] =	vst.add.f32.msk $0xffff, v12  }
0x517: {  	[tilespmem:s19+$0xCCC0] =	vst.add.f32.msk $0xffff, v13  }
0x518: {  	[tilespmem:s19+$0x130C0] =	vst.add.f32.msk $0xffff, v13  }
0x519: {  	[tilespmem:s19+$0xCCD0] =	vst.add.f32.msk $0xffff, v14  }
0x51a: {  	[tilespmem:s19+$0x130D0] =	vst.add.f32.msk $0xffff, v14  }
0x51b: {  	[tilespmem:s19+$0xCCE0] =	vst.add.f32.msk $0xffff, v15  }
0x51c: {  	[tilespmem:s19+$0x130E0] =	vst.add.f32.msk $0xffff, v15  }
0x51d: {  	[tilespmem:s19+$0xCCF0] =	vst.add.f32.msk $0xffff, v16  }
0x51e: {  	[tilespmem:s19+$0x130F0] =	vst.add.f32.msk $0xffff, v16  }
0x51f: {  	[tilespmem:s19+$0xCD00] =	vst.add.f32.msk $0xffff, v17  }
0x520: {  	[tilespmem:s19+$0x13100] =	vst.add.f32.msk $0xffff, v17  }
0x521: {  	[tilespmem:s19+$0xCD10] =	vst.add.f32.msk $0xffff, v18  }
0x522: {  	[tilespmem:s19+$0x13110] =	vst.add.f32.msk $0xffff, v18  }
0x523: {  	[tilespmem:s19+$0xCD20] =	vst.add.f32.msk $0xffff, v19  }
0x524: {  	[tilespmem:s19+$0x13120] =	vst.add.f32.msk $0xffff, v19  }
0x525: {  	[tilespmem:s19+$0xCD30] =	vst.add.f32.msk $0xffff, v20  }
0x526: {  	[tilespmem:s19+$0x13130] =	vst.add.f32.msk $0xffff, v20  }
0x527: {  	[tilespmem:s19+$0xCD40] =	vst.add.f32.msk $0xffff, v21  }
0x528: {  	[tilespmem:s19+$0x13140] =	vst.add.f32.msk $0xffff, v21  }
0x529: {  	[tilespmem:s19+$0xCD50] =	vst.add.f32.msk $0xffff, v22  }
0x52a: {  	[tilespmem:s19+$0x13150] =	vst.add.f32.msk $0xffff, v22  }
0x52b: {  	[tilespmem:s19+$0xCD60] =	vst.add.f32.msk $0xffff, v23  }
0x52c: {  	[tilespmem:s19+$0x13160] =	vst.add.f32.msk $0xffff, v23  }
0x52d: {  	[tilespmem:s19+$0xCD70] =	vst.add.f32.msk $0xffff, v24  }
0x52e: {  	[tilespmem:s19+$0x13170] =	vst.add.f32.msk $0xffff, v24  }
0x52f: {  	[tilespmem:s19+$0xCD80] =	vst.add.f32.msk $0xffff, v25  }
0x530: {  	[tilespmem:s19+$0x13180] =	vst.add.f32.msk $0xffff, v25  }
0x531: {  	[tilespmem:s19+$0xCD90] =	vst.add.f32.msk $0xffff, v26  }
0x532: {  	[tilespmem:s19+$0x13190] =	vst.add.f32.msk $0xffff, v26  }
0x533: {  	[tilespmem:s19+$0xCDA0] =	vst.add.f32.msk $0xffff, v27  }
0x534: {  	[tilespmem:s19+$0x131A0] =	vst.add.f32.msk $0xffff, v27  }
0x535: {  	[tilespmem:s19+$0xCDB0] =	vst.add.f32.msk $0xffff, v28  }
0x536: {  	[tilespmem:s19+$0x131B0] =	vst.add.f32.msk $0xffff, v28  }
0x537: {  	[tilespmem:s19+$0xCDC0] =	vst.add.f32.msk $0xffff, v29  }
0x538: {  	[tilespmem:s19+$0x131C0] =	vst.add.f32.msk $0xffff, v29  }
0x539: {  	[tilespmem:s19+$0xCDD0] =	vst.add.f32.msk $0xffff, v30  }
0x53a: {  	[tilespmem:s19+$0x131D0] =	vst.add.f32.msk $0xffff, v30  }
0x53b: {  	[tilespmem:s19+$0xCDE0] =	vst.add.f32.msk $0xffff, v31  }
0x53c: {  	[tilespmem:s19+$0x131E0] =	vst.add.f32.msk $0xffff, v31  }
0x53d: {  	s28 =	rddreg [dreg:$0xc];
	[tilespmem:s19+$0xCDF0] =	vst.add.f32.msk $0xffff, v0  }
0x53e: {  	[hbm4b:s28+s5] =	stream.linear.scatter [tilespmem:s3], [sflag:$0x5], $0xC800, $0x38;
	[tilespmem:$0x1F800] =	vst v63  }
0x53f: {  	_ =	swait.ge [sflag:s17], $0xC800  }
0x540: {  	[sflag:s17] =	ssyncset.done $0x0  }
0x541: {  	[sflag:s17] =	ssyncadd.s32 $0xFFFF3800  }
0x542: {  	_ =	swait.ge [sflag:s18], $0xC800  }
0x543: {  	s21 =	rddreg [dreg:$0xe]  }
0x544: {  	s29 =	rddreg [dreg:$0xd];
	s21 =	sadd.s32 $0x1, s21  }
0x545: {  	p0 =	sne.s32 s21, s29  }
.Ltmp7:
0x546: {  	_ = 	snop;
	(pc) =	sbr.rel @p0 .LBB2_1-.Ltmp7, $3  }
0x547: {  	_ =	sdelay $0x1  }
0x548: {  	[sflag:s18] =	ssyncset.done $0x0  }
0x549: {  	[sflag:s18] =	ssyncadd.s32 $0xFFFF3800  }
0x54a: {  	_ =	sfence.sel $0x180000  }
0x54b: {  	[bflag:$0x0] =	sbarrier.arrive $0xFFFF  }
0x54c: {  	_ =	strace $0x90000047  }
0x54d: {  	s0 =	stileid.u32;
	[bflag:$0x2] =	sbarrier.arrive $0xFFFF  }
0x54e: {  	p0 =	sne.s32 s0, $0x0;
	s0 =	rddreg [dreg:$0x4]  }
0x54f: {  	s0 =	sadd.s32 @!p0 $0x100000, s0  }
0x550: {  	[sflag:s0] =	ssyncadd.tile.s32 @!p0 $0x1;
	_ =	shalt  }
.Lfunc_end2:
_tile_overlayer_lowered:
.L_overlay_start_2:
0x551: {  	(tag) =	ssettag $0x2  }
0x552: {  	s0 =	rddreg [dreg:$0x0];
	s2 =	stileid.u32  }
0x553: {  	s1 =	rddreg [dreg:$0x1];
	p0 =	sne.s32 s2, $0x0  }
0x554: {  	s3 =	rddreg [dreg:$0x2];
	[bflag:$0x3] =	sbarrier.arrive $0xFFFF;
	s2 =	simm.s32 @!p0 $0x1C06  }
0x555: {  	[timem:s3], [sflag:s2] =	dma.local @!p0 [hbm:s0], s1  }
0x556: {  	s0 =	simm.s32 @!p0 $0x6  }
0x557: {  	_ =	swait.ge @!p0 [sflag:s0], s1  }
0x558: {  	s1 =	ssub.s32 @!p0 $0x0, s1;
	[sflag:s0] =	ssyncset.done @!p0 $0x0  }
0x559: {  	[sflag:s0] =	ssyncadd.s32 @!p0 s1  }
0x55a: {  	[bflag:$0x3] =	sbarrier.arrive $0xFFFF  }
0x55b: {  	_ =	shalt  }

</sc_bundles>
